<compile_context>
chip_gen: v7x
topology: tpu7x:2x2x1
jax: 0.10.2.dev20260603
libtpu: 0.0.44.dev20260713+nightly
codegen_flags: <defaults>
</compile_context>

<pallas_src>
import functools

import jax
import jax.numpy as jnp
from jax import lax
from jax.experimental import pallas as pl
from jax.experimental.pallas import tpu as pltpu
from jax.experimental.pallas import tpu_sc as plsc

N_ = 10000
D_ = 128
H_ = 4
C_ = 32
G_ = 64
E_ = 320000
ETOT = E_ + N_

NCORES = 2
NSUB = 16
NW = NCORES * NSUB

NPAD = 10240
ROWS_PER_TILE = NPAD // NSUB

K_ = 128
KJ = K_ // 128
CPW = -(-ETOT // (NW * K_))
PW = CPW * K_
EPAD = NW * PW

NEG = -1e30


def _att_mat(att):
  a = jnp.zeros((H_ * C_, 16), jnp.float32)
  idx = jnp.arange(H_ * C_)
  return a.at[idx, idx // C_].set(att.reshape(-1).astype(jnp.float32))


def _expand_mat():
  r = jnp.zeros((16, H_ * C_), jnp.float32)
  idx = jnp.arange(H_ * C_)
  return r.at[idx // C_, idx].set(1.0)



def _dot(a, b):
  return jax.lax.dot_general(
      a, b, (((1,), (0,)), ((), ())),
      precision=lax.Precision.HIGHEST, preferred_element_type=jnp.float32)


def _logit_tables(h, asw, adw, oas, oad):
  rr = lax.broadcasted_iota(jnp.int32, (NPAD, 16), 0)
  cc = lax.broadcasted_iota(jnp.int32, (NPAD, 16), 1)
  valid = (rr < N_) & (cc < H_)
  oas[...] = jnp.where(valid, _dot(h, asw), NEG)
  oad[...] = jnp.where(valid, _dot(h, adw), NEG)


def _prep_body(x_ref, w_ref, asw_ref, adw_ref, oh, oas, oad):
  h = _dot(x_ref[...], w_ref[...])
  oh[...] = h
  _logit_tables(h, asw_ref[...], adw_ref[...], oas, oad)


def _combine_x(o_ref, s_ref, b_ref, r_ref):
  o = o_ref[0] + o_ref[1]
  s = s_ref[0] + s_ref[1]
  denom = _dot(s, r_ref[...]) + 1e-16
  x = jnp.maximum(o / denom + b_ref[...], 0.0)
  rows = lax.broadcasted_iota(jnp.int32, (NPAD, H_ * C_), 0)
  return jnp.where(rows < N_, x, 0.0)


def _combine_body(o_ref, s_ref, b_ref, r_ref, w_ref, asw_ref, adw_ref,
                  oh, oas, oad):
  x = _combine_x(o_ref, s_ref, b_ref, r_ref)
  h = _dot(x, w_ref[...])
  oh[...] = h
  _logit_tables(h, asw_ref[...], adw_ref[...], oas, oad)


def _final_body(o_ref, s_ref, b_ref, r_ref, batch_ref, fcw_ref, fcb_ref,
                oo, op):
  x = _combine_x(o_ref, s_ref, b_ref, r_ref)
  cols = lax.broadcasted_iota(jnp.int32, (NPAD, G_), 1)
  oh = (batch_ref[...] == cols).astype(jnp.float32)
  sums = jax.lax.dot_general(
      oh, x, (((0,), (0,)), ((), ())),
      precision=lax.Precision.HIGHEST, preferred_element_type=jnp.float32)
  cnt = jax.lax.dot_general(
      oh, jnp.ones((NPAD, H_ * C_), jnp.float32), (((0,), (0,)), ((), ())),
      precision=lax.Precision.HIGHEST, preferred_element_type=jnp.float32)
  pooled = sums / jnp.clip(cnt, 1.0, None)
  op[...] = pooled
  oo[...] = _dot(pooled, fcw_ref[...]) + fcb_ref[...]



def _edge_body(src_hbm, dst_hbm, asrc_hbm, adst_hbm, h_hbm,
               out_hbm, s_hbm,
               idx_s, idx_d, a_s, a_d, ee, rows, out_sh, s_sh):
  cid = lax.axis_index("c")
  sid = lax.axis_index("s")
  wid = sid * NCORES + cid

  z16 = jnp.zeros((16,), jnp.float32)
  for i in range(16):
    ee[i, :] = z16
    for j in range(8):
      rows[i, pl.ds(j * 16, 16)] = z16
  row0 = sid * ROWS_PER_TILE

  def zinit(i, _):
    pltpu.sync_copy(rows.at[pl.ds(0, 16)], out_sh.at[pl.ds(row0 + i * 16, 16)])
    pltpu.sync_copy(ee.at[pl.ds(0, 16)], s_sh.at[pl.ds(row0 + i * 16, 16)])
    return 0
  lax.fori_loop(0, ROWS_PER_TILE // 16, zinit, 0)
  plsc.subcore_barrier()

  base_rows = wid * (PW // 128)

  def chunk(ci, _):
    r0 = base_rows + ci * KJ
    pltpu.sync_copy(src_hbm.at[pl.ds(r0, KJ)], idx_s)
    pltpu.sync_copy(dst_hbm.at[pl.ds(r0, KJ)], idx_d)
    for j in range(KJ):
      sl = pl.ds(j * 128, 128)
      pltpu.sync_copy(asrc_hbm.at[idx_s.at[j]], a_s.at[sl])
      pltpu.sync_copy(adst_hbm.at[idx_d.at[j]], a_d.at[sl])
      pltpu.sync_copy(h_hbm.at[idx_s.at[j]], rows.at[sl])

    def edge(e, _):
      av = a_s[e, :] + a_d[e, :]
      al = jnp.where(av >= 0.0, av, 0.2 * av)
      ev = jnp.exp(al)
      ee[e, :] = ev
      for j in range(8):
        c = ev[j // 2]
        sj = pl.ds(j * 16, 16)
        rows[e, sj] = rows[e, sj] * c
      return 0
    lax.fori_loop(0, K_, edge, 0)

    for j in range(KJ):
      sl = pl.ds(j * 128, 128)
      pltpu.sync_copy(ee.at[sl], s_sh.at[idx_d.at[j]], add=True)
      pltpu.sync_copy(rows.at[sl], out_sh.at[idx_d.at[j]], add=True)
    return 0
  lax.fori_loop(0, CPW, chunk, 0)

  plsc.subcore_barrier()
  sl = pl.ds(row0, ROWS_PER_TILE)
  pltpu.sync_copy(out_sh.at[sl], out_hbm.at[cid].at[sl])
  pltpu.sync_copy(s_sh.at[sl], s_hbm.at[cid].at[sl])


@functools.lru_cache(maxsize=1)
def _build_calls():
  f32 = jnp.float32
  sds = jax.ShapeDtypeStruct

  tc_params = pltpu.CompilerParams(vmem_limit_bytes=100 * 2**20)
  prep = pl.pallas_call(
      _prep_body,
      compiler_params=tc_params,
      out_shape=(sds((NPAD, D_), f32), sds((NPAD, 16), f32),
                 sds((NPAD, 16), f32)))

  combine = pl.pallas_call(
      _combine_body,
      compiler_params=tc_params,
      out_shape=(sds((NPAD, D_), f32), sds((NPAD, 16), f32),
                 sds((NPAD, 16), f32)))

  final = pl.pallas_call(
      _final_body,
      compiler_params=tc_params,
      out_shape=(sds((G_, H_ * C_), f32), sds((G_, H_ * C_), f32)))

  mesh = plsc.VectorSubcoreMesh(core_axis_name="c", subcore_axis_name="s")
  edge = pl.kernel(
      _edge_body,
      out_type=(sds((NCORES, NPAD, D_), f32), sds((NCORES, NPAD, 16), f32)),
      mesh=mesh,
      compiler_params=pltpu.CompilerParams(use_tc_tiling_on_sc=False),
      scratch_types=[
          pltpu.VMEM((KJ, 128), jnp.int32),
          pltpu.VMEM((KJ, 128), jnp.int32),
          pltpu.VMEM((K_, 16), f32),
          pltpu.VMEM((K_, 16), f32),
          pltpu.VMEM((K_, 16), f32),
          pltpu.VMEM((K_, D_), f32),
          pltpu.VMEM_SHARED((NPAD, D_), f32),
          pltpu.VMEM_SHARED((NPAD, 16), f32),
      ])
  return prep, combine, final, edge


def kernel(x, edge_index, edge_weight, batch, W1, att_src1, att_dst1, b1,
           W2, att_src2, att_dst2, b2, fc_W, fc_b):
  del edge_weight
  prep, combine, final, edge = _build_calls()
  f32 = jnp.float32

  xp = jnp.zeros((NPAD, D_), f32).at[:N_].set(x.astype(f32))
  loops = jnp.arange(N_, dtype=jnp.int32)
  padv = jnp.full((EPAD - ETOT,), N_, jnp.int32)
  src = jnp.concatenate([edge_index[0].astype(jnp.int32), loops, padv])
  dst = jnp.concatenate([edge_index[1].astype(jnp.int32), loops, padv])
  src2d = src.reshape(EPAD // 128, 128)
  dst2d = dst.reshape(EPAD // 128, 128)
  batch_pad = jnp.full((NPAD, 1), G_, jnp.int32).at[:N_, 0].set(
      batch.astype(jnp.int32))

  asw1, adw1 = _att_mat(att_src1), _att_mat(att_dst1)
  asw2, adw2 = _att_mat(att_src2), _att_mat(att_dst2)
  rmat = _expand_mat()
  b1r = b1.reshape(1, H_ * C_).astype(f32)
  b2r = b2.reshape(1, H_ * C_).astype(f32)
  fcw = jnp.zeros((H_ * C_, H_ * C_), f32).at[:, :fc_W.shape[1]].set(
      fc_W.astype(f32))
  fcb = jnp.zeros((1, H_ * C_), f32).at[0, :fc_b.shape[0]].set(
      fc_b.astype(f32))

  h1, a1s, a1d = prep(xp, W1.astype(f32), asw1, adw1)
  o1, s1 = edge(src2d, dst2d, a1s, a1d, h1)
  h2, a2s, a2d = combine(o1, s1, b1r, rmat, W2.astype(f32), asw2, adw2)
  o2, s2 = edge(src2d, dst2d, a2s, a2d, h2)
  outf, pooled = final(o2, s2, b2r, rmat, batch_pad, fcw, fcb)
  return (outf[:, :fc_W.shape[1]], pooled)

# --- scband reference (transcript-rebuilt; emitter-appended) ---
"""Pipeline reference for scband-gatclassifier-764504179504 (READ-ONLY COPY).

The authoritative reference and input builder live on the scoring server;
editing this copy changes nothing except your own understanding.
"""

import jax, jax.numpy as jnp
import numpy as np

N = 10000
E = 320000
D = 128
H = 4
C = 32
G = 64
OUT = 10


def setup_inputs(seed: int = 0) -> dict:
    key = jax.random.key(seed)
    ks = jax.random.split(key, 14)
    x = jax.random.normal(ks[0], (N, D), dtype=jnp.float32)
    edge_index = jax.random.randint(ks[1], (2, E), 0, N, dtype=jnp.int32)
    edge_weight = jax.random.uniform(ks[2], (E,), dtype=jnp.float32)
    batch = jnp.sort(jax.random.randint(ks[3], (N,), 0, G, dtype=jnp.int32))
    W1 = jax.random.normal(ks[4], (D, H * C), dtype=jnp.float32) * 0.1
    att_src1 = jax.random.normal(ks[5], (H, C), dtype=jnp.float32) * 0.1
    att_dst1 = jax.random.normal(ks[6], (H, C), dtype=jnp.float32) * 0.1
    b1 = jnp.zeros((H * C,), dtype=jnp.float32)
    W2 = jax.random.normal(ks[7], (H * C, H * C), dtype=jnp.float32) * 0.1
    att_src2 = jax.random.normal(ks[8], (H, C), dtype=jnp.float32) * 0.1
    att_dst2 = jax.random.normal(ks[9], (H, C), dtype=jnp.float32) * 0.1
    b2 = jnp.zeros((H * C,), dtype=jnp.float32)
    fc_W = jax.random.normal(ks[10], (H * C, OUT), dtype=jnp.float32) * 0.1
    fc_b = jnp.zeros((OUT,), dtype=jnp.float32)
    return {"x": x, "edge_index": edge_index, "edge_weight": edge_weight, "batch": batch,
            "W1": W1, "att_src1": att_src1, "att_dst1": att_dst1, "b1": b1,
            "W2": W2, "att_src2": att_src2, "att_dst2": att_dst2, "b2": b2,
            "fc_W": fc_W, "fc_b": fc_b}


def _gat_layer(x, src, dst, W, a_src, a_dst, b):
    n = x.shape[0]
    h = (x @ W).reshape(n, H, C)
    alpha_src = jnp.sum(h * a_src[None, :, :], axis=-1)
    alpha_dst = jnp.sum(h * a_dst[None, :, :], axis=-1)
    alpha = jax.nn.leaky_relu(alpha_src[src] + alpha_dst[dst], negative_slope=0.2)
    m = jax.lax.stop_gradient(jax.ops.segment_max(alpha, dst, num_segments=n))
    m = jnp.where(jnp.isfinite(m), m, 0.0)
    e = jnp.exp(alpha - m[dst])
    s = jax.ops.segment_sum(e, dst, num_segments=n)
    coef = e / (s[dst] + 1e-16)
    out = jax.ops.segment_sum(h[src] * coef[:, :, None], dst, num_segments=n)
    return out.reshape(n, H * C) + b


def reference(x, edge_index, edge_weight, batch, W1, att_src1, att_dst1, b1,
              W2, att_src2, att_dst2, b2, fc_W, fc_b):
    n = x.shape[0]
    loops = jnp.arange(n, dtype=edge_index.dtype)
    src = jnp.concatenate([edge_index[0], loops])
    dst = jnp.concatenate([edge_index[1], loops])
    x1 = jax.nn.relu(_gat_layer(x, src, dst, W1, att_src1, att_dst1, b1))
    x2 = jax.nn.relu(_gat_layer(x1, src, dst, W2, att_src2, att_dst2, b2))
    sums = jax.ops.segment_sum(x2, batch, num_segments=G)
    cnt = jax.ops.segment_sum(jnp.ones((n,), dtype=x2.dtype), batch, num_segments=G)
    pooled = sums / jnp.clip(cnt, 1.0, None)[:, None]
    out = pooled @ fc_W + fc_b
    return (out, pooled)

if __name__ == "__main__":
    import jax
    _d = setup_inputs()
    print(jax.jit(kernel)(*tuple(_d.values())))

</pallas_src>

<mosaic_0001>
#map = affine_map<(d0, d1) -> (0, 0)>
#map1 = affine_map<(d0, d1) -> (0, 0, 0)>
module attributes {stable_mosaic.version = 14 : i64} {
  func.func @_edge_body(%arg0: i32, %arg1: i32, %arg2: memref<2592x128xi32, #tpu.memory_space<hbm>>, %arg3: memref<2592x128xi32, #tpu.memory_space<hbm>>, %arg4: memref<10240x16xf32, #tpu.memory_space<hbm>>, %arg5: memref<10240x16xf32, #tpu.memory_space<hbm>>, %arg6: memref<10240x128xf32, #tpu.memory_space<hbm>>, %arg7: memref<2x10240x128xf32, #tpu.memory_space<hbm>>, %arg8: memref<2x10240x16xf32, #tpu.memory_space<hbm>>, %arg9: memref<1x128xi32, #tpu.memory_space<vmem>>, %arg10: memref<1x128xi32, #tpu.memory_space<vmem>>, %arg11: memref<128x16xf32, #tpu.memory_space<vmem>>, %arg12: memref<128x16xf32, #tpu.memory_space<vmem>>, %arg13: memref<128x16xf32, #tpu.memory_space<vmem>>, %arg14: memref<128x128xf32, #tpu.memory_space<vmem>>, %arg15: memref<10240x128xf32, #tpu.memory_space<vmem_shared>>, %arg16: memref<10240x16xf32, #tpu.memory_space<vmem_shared>>) attributes {dimension_semantics = [#tpu.dimension_semantics<core_parallel>, #tpu.dimension_semantics<subcore_parallel>], iteration_bounds = array<i64: 2, 16>, scalar_prefetch = 0 : i64, scratch_operands = 8 : i64, tpu.core_type = #tpu.core_type<sc_vector_subcore>, window_params = [{transform_indices = #map}, {transform_indices = #map}, {transform_indices = #map}, {transform_indices = #map}, {transform_indices = #map}, {transform_indices = #map1}, {transform_indices = #map1}]} {
    %mul3A = arith.constant 2 : i32
    %mul3A_0 = arith.muli %arg1, %mul3A : i32
    %add3A = arith.addi %mul3A_0, %arg0 : i32
    %broadcast_in_dim3A = arith.constant 0.000000e+00 : f32
    %broadcast_in_dim3A_1 = vector.broadcast %broadcast_in_dim3A : f32 to vector<16xf32>
    %swap3A = arith.constant 0 : i32
    %swap3A_2 = arith.index_cast %swap3A : i32 to index
    %swap3A_3 = arith.constant 0 : index
    %swap3A_4 = tpu.vector_load %arg13[%swap3A_2, %swap3A_3] {strides = array<i32>} : memref<128x16xf32, #tpu.memory_space<vmem>>, vector<1x16xf32>,
    %swap3A_5 = vector.shape_cast %swap3A_4 : vector<1x16xf32> to vector<16xf32>
    %swap3A_6 = vector.shape_cast %broadcast_in_dim3A_1 : vector<16xf32> to vector<1x16xf32>
    tpu.vector_store %arg13[%swap3A_2, %swap3A_3], %swap3A_6 {strides = array<i32>} : memref<128x16xf32, #tpu.memory_space<vmem>>, vector<1x16xf32>,
    %swap3A_7 = arith.constant 0 : i32
    %swap3A_8 = arith.index_cast %swap3A_7 : i32 to index
    %swap3A_9 = arith.constant 0 : index
    %swap3A_10 = tpu.vector_load %arg14[%swap3A_8, %swap3A_9] {strides = array<i32>} : memref<128x128xf32, #tpu.memory_space<vmem>>, vector<1x16xf32>,
    %swap3A_11 = vector.shape_cast %swap3A_10 : vector<1x16xf32> to vector<16xf32>
    %swap3A_12 = vector.shape_cast %broadcast_in_dim3A_1 : vector<16xf32> to vector<1x16xf32>
    tpu.vector_store %arg14[%swap3A_8, %swap3A_9], %swap3A_12 {strides = array<i32>} : memref<128x128xf32, #tpu.memory_space<vmem>>, vector<1x16xf32>,
    %swap3A_13 = arith.constant 0 : i32
    %swap3A_14 = arith.index_cast %swap3A_13 : i32 to index
    %swap3A_15 = arith.constant 16 : index
    %swap3A_16 = tpu.vector_load %arg14[%swap3A_14, %swap3A_15] {strides = array<i32>} : memref<128x128xf32, #tpu.memory_space<vmem>>, vector<1x16xf32>,
    %swap3A_17 = vector.shape_cast %swap3A_16 : vector<1x16xf32> to vector<16xf32>
    %swap3A_18 = vector.shape_cast %broadcast_in_dim3A_1 : vector<16xf32> to vector<1x16xf32>
    tpu.vector_store %arg14[%swap3A_14, %swap3A_15], %swap3A_18 {strides = array<i32>} : memref<128x128xf32, #tpu.memory_space<vmem>>, vector<1x16xf32>,
    %swap3A_19 = arith.constant 0 : i32
    %swap3A_20 = arith.index_cast %swap3A_19 : i32 to index
    %swap3A_21 = arith.constant 32 : index
    %swap3A_22 = tpu.vector_load %arg14[%swap3A_20, %swap3A_21] {strides = array<i32>} : memref<128x128xf32, #tpu.memory_space<vmem>>, vector<1x16xf32>,
    %swap3A_23 = vector.shape_cast %swap3A_22 : vector<1x16xf32> to vector<16xf32>
    %swap3A_24 = vector.shape_cast %broadcast_in_dim3A_1 : vector<16xf32> to vector<1x16xf32>
    tpu.vector_store %arg14[%swap3A_20, %swap3A_21], %swap3A_24 {strides = array<i32>} : memref<128x128xf32, #tpu.memory_space<vmem>>, vector<1x16xf32>,
    %swap3A_25 = arith.constant 0 : i32
    %swap3A_26 = arith.index_cast %swap3A_25 : i32 to index
    %swap3A_27 = arith.constant 48 : index
    %swap3A_28 = tpu.vector_load %arg14[%swap3A_26, %swap3A_27] {strides = array<i32>} : memref<128x128xf32, #tpu.memory_space<vmem>>, vector<1x16xf32>,
    %swap3A_29 = vector.shape_cast %swap3A_28 : vector<1x16xf32> to vector<16xf32>
    %swap3A_30 = vector.shape_cast %broadcast_in_dim3A_1 : vector<16xf32> to vector<1x16xf32>
    tpu.vector_store %arg14[%swap3A_26, %swap3A_27], %swap3A_30 {strides = array<i32>} : memref<128x128xf32, #tpu.memory_space<vmem>>, vector<1x16xf32>,
    %swap3A_31 = arith.constant 0 : i32
    %swap3A_32 = arith.index_cast %swap3A_31 : i32 to index
    %swap3A_33 = arith.constant 64 : index
    %swap3A_34 = tpu.vector_load %arg14[%swap3A_32, %swap3A_33] {strides = array<i32>} : memref<128x128xf32, #tpu.memory_space<vmem>>, vector<1x16xf32>,
    %swap3A_35 = vector.shape_cast %swap3A_34 : vector<1x16xf32> to vector<16xf32>
    %swap3A_36 = vector.shape_cast %broadcast_in_dim3A_1 : vector<16xf32> to vector<1x16xf32>
    tpu.vector_store %arg14[%swap3A_32, %swap3A_33], %swap3A_36 {strides = array<i32>} : memref<128x128xf32, #tpu.memory_space<vmem>>, vector<1x16xf32>,
    %swap3A_37 = arith.constant 0 : i32
    %swap3A_38 = arith.index_cast %swap3A_37 : i32 to index
    %swap3A_39 = arith.constant 80 : index
    %swap3A_40 = tpu.vector_load %arg14[%swap3A_38, %swap3A_39] {strides = array<i32>} : memref<128x128xf32, #tpu.memory_space<vmem>>, vector<1x16xf32>,
    %swap3A_41 = vector.shape_cast %swap3A_40 : vector<1x16xf32> to vector<16xf32>
    %swap3A_42 = vector.shape_cast %broadcast_in_dim3A_1 : vector<16xf32> to vector<1x16xf32>
    tpu.vector_store %arg14[%swap3A_38, %swap3A_39], %swap3A_42 {strides = array<i32>} : memref<128x128xf32, #tpu.memory_space<vmem>>, vector<1x16xf32>,
    %swap3A_43 = arith.constant 0 : i32
    %swap3A_44 = arith.index_cast %swap3A_43 : i32 to index
    %swap3A_45 = arith.constant 96 : index
    %swap3A_46 = tpu.vector_load %arg14[%swap3A_44, %swap3A_45] {strides = array<i32>} : memref<128x128xf32, #tpu.memory_space<vmem>>, vector<1x16xf32>,
    %swap3A_47 = vector.shape_cast %swap3A_46 : vector<1x16xf32> to vector<16xf32>
    %swap3A_48 = vector.shape_cast %broadcast_in_dim3A_1 : vector<16xf32> to vector<1x16xf32>
    tpu.vector_store %arg14[%swap3A_44, %swap3A_45], %swap3A_48 {strides = array<i32>} : memref<128x128xf32, #tpu.memory_space<vmem>>, vector<1x16xf32>,
    %swap3A_49 = arith.constant 0 : i32
    %swap3A_50 = arith.index_cast %swap3A_49 : i32 to index
    %swap3A_51 = arith.constant 112 : index
    %swap3A_52 = tpu.vector_load %arg14[%swap3A_50, %swap3A_51] {strides = array<i32>} : memref<128x128xf32, #tpu.memory_space<vmem>>, vector<1x16xf32>,
    %swap3A_53 = vector.shape_cast %swap3A_52 : vector<1x16xf32> to vector<16xf32>
    %swap3A_54 = vector.shape_cast %broadcast_in_dim3A_1 : vector<16xf32> to vector<1x16xf32>
    tpu.vector_store %arg14[%swap3A_50, %swap3A_51], %swap3A_54 {strides = array<i32>} : memref<128x128xf32, #tpu.memory_space<vmem>>, vector<1x16xf32>,
    %swap3A_55 = arith.constant 1 : i32
    %swap3A_56 = arith.index_cast %swap3A_55 : i32 to index
    %swap3A_57 = arith.constant 0 : index
    %swap3A_58 = tpu.vector_load %arg13[%swap3A_56, %swap3A_57] {strides = array<i32>} : memref<128x16xf32, #tpu.memory_space<vmem>>, vector<1x16xf32>,
    %swap3A_59 = vector.shape_cast %swap3A_58 : vector<1x16xf32> to vector<16xf32>
    %swap3A_60 = vector.shape_cast %broadcast_in_dim3A_1 : vector<16xf32> to vector<1x16xf32>
    tpu.vector_store %arg13[%swap3A_56, %swap3A_57], %swap3A_60 {strides = array<i32>} : memref<128x16xf32, #tpu.memory_space<vmem>>, vector<1x16xf32>,
    %swap3A_61 = arith.constant 1 : i32
    %swap3A_62 = arith.index_cast %swap3A_61 : i32 to index
    %swap3A_63 = arith.constant 0 : index
    %swap3A_64 = tpu.vector_load %arg14[%swap3A_62, %swap3A_63] {strides = array<i32>} : memref<128x128xf32, #tpu.memory_space<vmem>>, vector<1x16xf32>,
    %swap3A_65 = vector.shape_cast %swap3A_64 : vector<1x16xf32> to vector<16xf32>
    %swap3A_66 = vector.shape_cast %broadcast_in_dim3A_1 : vector<16xf32> to vector<1x16xf32>
    tpu.vector_store %arg14[%swap3A_62, %swap3A_63], %swap3A_66 {strides = array<i32>} : memref<128x128xf32, #tpu.memory_space<vmem>>, vector<1x16xf32>,
    %swap3A_67 = arith.constant 1 : i32
    %swap3A_68 = arith.index_cast %swap3A_67 : i32 to index
    %swap3A_69 = arith.constant 16 : index
    %swap3A_70 = tpu.vector_load %arg14[%swap3A_68, %swap3A_69] {strides = array<i32>} : memref<128x128xf32, #tpu.memory_space<vmem>>, vector<1x16xf32>,
    %swap3A_71 = vector.shape_cast %swap3A_70 : vector<1x16xf32> to vector<16xf32>
    %swap3A_72 = vector.shape_cast %broadcast_in_dim3A_1 : vector<16xf32> to vector<1x16xf32>
    tpu.vector_store %arg14[%swap3A_68, %swap3A_69], %swap3A_72 {strides = array<i32>} : memref<128x128xf32, #tpu.memory_space<vmem>>, vector<1x16xf32>,
    %swap3A_73 = arith.constant 1 : i32
    %swap3A_74 = arith.index_cast %swap3A_73 : i32 to index
    %swap3A_75 = arith.constant 32 : index
    %swap3A_76 = tpu.vector_load %arg14[%swap3A_74, %swap3A_75] {strides = array<i32>} : memref<128x128xf32, #tpu.memory_space<vmem>>, vector<1x16xf32>,
    %swap3A_77 = vector.shape_cast %swap3A_76 : vector<1x16xf32> to vector<16xf32>
    %swap3A_78 = vector.shape_cast %broadcast_in_dim3A_1 : vector<16xf32> to vector<1x16xf32>
    tpu.vector_store %arg14[%swap3A_74, %swap3A_75], %swap3A_78 {strides = array<i32>} : memref<128x128xf32, #tpu.memory_space<vmem>>, vector<1x16xf32>,
    %swap3A_79 = arith.constant 1 : i32
    %swap3A_80 = arith.index_cast %swap3A_79 : i32 to index
    %swap3A_81 = arith.constant 48 : index
    %swap3A_82 = tpu.vector_load %arg14[%swap3A_80, %swap3A_81] {strides = array<i32>} : memref<128x128xf32, #tpu.memory_space<vmem>>, vector<1x16xf32>,
    %swap3A_83 = vector.shape_cast %swap3A_82 : vector<1x16xf32> to vector<16xf32>
    %swap3A_84 = vector.shape_cast %broadcast_in_dim3A_1 : vector<16xf32> to vector<1x16xf32>
    tpu.vector_store %arg14[%swap3A_80, %swap3A_81], %swap3A_84 {strides = array<i32>} : memref<128x128xf32, #tpu.memory_space<vmem>>, vector<1x16xf32>,
    %swap3A_85 = arith.constant 1 : i32
    %swap3A_86 = arith.index_cast %swap3A_85 : i32 to index
    %swap3A_87 = arith.constant 64 : index
    %swap3A_88 = tpu.vector_load %arg14[%swap3A_86, %swap3A_87] {strides = array<i32>} : memref<128x128xf32, #tpu.memory_space<vmem>>, vector<1x16xf32>,
    %swap3A_89 = vector.shape_cast %swap3A_88 : vector<1x16xf32> to vector<16xf32>
    %swap3A_90 = vector.shape_cast %broadcast_in_dim3A_1 : vector<16xf32> to vector<1x16xf32>
    tpu.vector_store %arg14[%swap3A_86, %swap3A_87], %swap3A_90 {strides = array<i32>} : memref<128x128xf32, #tpu.memory_space<vmem>>, vector<1x16xf32>,
    %swap3A_91 = arith.constant 1 : i32
    %swap3A_92 = arith.index_cast %swap3A_91 : i32 to index
    %swap3A_93 = arith.constant 80 : index
    %swap3A_94 = tpu.vector_load %arg14[%swap3A_92, %swap3A_93] {strides = array<i32>} : memref<128x128xf32, #tpu.memory_space<vmem>>, vector<1x16xf32>,
    %swap3A_95 = vector.shape_cast %swap3A_94 : vector<1x16xf32> to vector<16xf32>
    %swap3A_96 = vector.shape_cast %broadcast_in_dim3A_1 : vector<16xf32> to vector<1x16xf32>
    tpu.vector_store %arg14[%swap3A_92, %swap3A_93], %swap3A_96 {strides = array<i32>} : memref<128x128xf32, #tpu.memory_space<vmem>>, vector<1x16xf32>,
    %swap3A_97 = arith.constant 1 : i32
    %swap3A_98 = arith.index_cast %swap3A_97 : i32 to index
    %swap3A_99 = arith.constant 96 : index
    %swap3A_100 = tpu.vector_load %arg14[%swap3A_98, %swap3A_99] {strides = array<i32>} : memref<128x128xf32, #tpu.memory_space<vmem>>, vector<1x16xf32>,
    %swap3A_101 = vector.shape_cast %swap3A_100 : vector<1x16xf32> to vector<16xf32>
    %swap3A_102 = vector.shape_cast %broadcast_in_dim3A_1 : vector<16xf32> to vector<1x16xf32>
    tpu.vector_store %arg14[%swap3A_98, %swap3A_99], %swap3A_102 {strides = array<i32>} : memref<128x128xf32, #tpu.memory_space<vmem>>, vector<1x16xf32>,
    %swap3A_103 = arith.constant 1 : i32
    %swap3A_104 = arith.index_cast %swap3A_103 : i32 to index
    %swap3A_105 = arith.constant 112 : index
    %swap3A_106 = tpu.vector_load %arg14[%swap3A_104, %swap3A_105] {strides = array<i32>} : memref<128x128xf32, #tpu.memory_space<vmem>>, vector<1x16xf32>,
    %swap3A_107 = vector.shape_cast %swap3A_106 : vector<1x16xf32> to vector<16xf32>
    %swap3A_108 = vector.shape_cast %broadcast_in_dim3A_1 : vector<16xf32> to vector<1x16xf32>
    tpu.vector_store %arg14[%swap3A_104, %swap3A_105], %swap3A_108 {strides = array<i32>} : memref<128x128xf32, #tpu.memory_space<vmem>>, vector<1x16xf32>,
    %swap3A_109 = arith.constant 2 : i32
    %swap3A_110 = arith.index_cast %swap3A_109 : i32 to index
    %swap3A_111 = arith.constant 0 : index
    %swap3A_112 = tpu.vector_load %arg13[%swap3A_110, %swap3A_111] {strides = array<i32>} : memref<128x16xf32, #tpu.memory_space<vmem>>, vector<1x16xf32>,
    %swap3A_113 = vector.shape_cast %swap3A_112 : vector<1x16xf32> to vector<16xf32>
    %swap3A_114 = vector.shape_cast %broadcast_in_dim3A_1 : vector<16xf32> to vector<1x16xf32>
    tpu.vector_store %arg13[%swap3A_110, %swap3A_111], %swap3A_114 {strides = array<i32>} : memref<128x16xf32, #tpu.memory_space<vmem>>, vector<1x16xf32>,
    %swap3A_115 = arith.constant 2 : i32
    %swap3A_116 = arith.index_cast %swap3A_115 : i32 to index
    %swap3A_117 = arith.constant 0 : index
    %swap3A_118 = tpu.vector_load %arg14[%swap3A_116, %swap3A_117] {strides = array<i32>} : memref<128x128xf32, #tpu.memory_space<vmem>>, vector<1x16xf32>,
    %swap3A_119 = vector.shape_cast %swap3A_118 : vector<1x16xf32> to vector<16xf32>
    %swap3A_120 = vector.shape_cast %broadcast_in_dim3A_1 : vector<16xf32> to vector<1x16xf32>
    tpu.vector_store %arg14[%swap3A_116, %swap3A_117], %swap3A_120 {strides = array<i32>} : memref<128x128xf32, #tpu.memory_space<vmem>>, vector<1x16xf32>,
    %swap3A_121 = arith.constant 2 : i32
    %swap3A_122 = arith.index_cast %swap3A_121 : i32 to index
    %swap3A_123 = arith.constant 16 : index
    %swap3A_124 = tpu.vector_load %arg14[%swap3A_122, %swap3A_123] {strides = array<i32>} : memref<128x128xf32, #tpu.memory_space<vmem>>, vector<1x16xf32>,
    %swap3A_125 = vector.shape_cast %swap3A_124 : vector<1x16xf32> to vector<16xf32>
    %swap3A_126 = vector.shape_cast %broadcast_in_dim3A_1 : vector<16xf32> to vector<1x16xf32>
    tpu.vector_store %arg14[%swap3A_122, %swap3A_123], %swap3A_126 {strides = array<i32>} : memref<128x128xf32, #tpu.memory_space<vmem>>, vector<1x16xf32>,
    %swap3A_127 = arith.constant 2 : i32
    %swap3A_128 = arith.index_cast %swap3A_127 : i32 to index
    %swap3A_129 = arith.constant 32 : index
    %swap3A_130 = tpu.vector_load %arg14[%swap3A_128, %swap3A_129] {strides = array<i32>} : memref<128x128xf32, #tpu.memory_space<vmem>>, vector<1x16xf32>,
    %swap3A_131 = vector.shape_cast %swap3A_130 : vector<1x16xf32> to vector<16xf32>
    %swap3A_132 = vector.shape_cast %broadcast_in_dim3A_1 : vector<16xf32> to vector<1x16xf32>
    tpu.vector_store %arg14[%swap3A_128, %swap3A_129], %swap3A_132 {strides = array<i32>} : memref<128x128xf32, #tpu.memory_space<vmem>>, vector<1x16xf32>,
    %swap3A_133 = arith.constant 2 : i32
    %swap3A_134 = arith.index_cast %swap3A_133 : i32 to index
    %swap3A_135 = arith.constant 48 : index
    %swap3A_136 = tpu.vector_load %arg14[%swap3A_134, %swap3A_135] {strides = array<i32>} : memref<128x128xf32, #tpu.memory_space<vmem>>, vector<1x16xf32>,
    %swap3A_137 = vector.shape_cast %swap3A_136 : vector<1x16xf32> to vector<16xf32>
    %swap3A_138 = vector.shape_cast %broadcast_in_dim3A_1 : vector<16xf32> to vector<1x16xf32>
    tpu.vector_store %arg14[%swap3A_134, %swap3A_135], %swap3A_138 {strides = array<i32>} : memref<128x128xf32, #tpu.memory_space<vmem>>, vector<1x16xf32>,
    %swap3A_139 = arith.constant 2 : i32
    %swap3A_140 = arith.index_cast %swap3A_139 : i32 to index
    %swap3A_141 = arith.constant 64 : index
    %swap3A_142 = tpu.vector_load %arg14[%swap3A_140, %swap3A_141] {strides = array<i32>} : memref<128x128xf32, #tpu.memory_space<vmem>>, vector<1x16xf32>,
    %swap3A_143 = vector.shape_cast %swap3A_142 : vector<1x16xf32> to vector<16xf32>
    %swap3A_144 = vector.shape_cast %broadcast_in_dim3A_1 : vector<16xf32> to vector<1x16xf32>
    tpu.vector_store %arg14[%swap3A_140, %swap3A_141], %swap3A_144 {strides = array<i32>} : memref<128x128xf32, #tpu.memory_space<vmem>>, vector<1x16xf32>,
    %swap3A_145 = arith.constant 2 : i32
    %swap3A_146 = arith.index_cast %swap3A_145 : i32 to index
    %swap3A_147 = arith.constant 80 : index
    %swap3A_148 = tpu.vector_load %arg14[%swap3A_146, %swap3A_147] {strides = array<i32>} : memref<128x128xf32, #tpu.memory_space<vmem>>, vector<1x16xf32>,
    %swap3A_149 = vector.shape_cast %swap3A_148 : vector<1x16xf32> to vector<16xf32>
    %swap3A_150 = vector.shape_cast %broadcast_in_dim3A_1 : vector<16xf32> to vector<1x16xf32>
    tpu.vector_store %arg14[%swap3A_146, %swap3A_147], %swap3A_150 {strides = array<i32>} : memref<128x128xf32, #tpu.memory_space<vmem>>, vector<1x16xf32>,
    %swap3A_151 = arith.constant 2 : i32
    %swap3A_152 = arith.index_cast %swap3A_151 : i32 to index
    %swap3A_153 = arith.constant 96 : index
    %swap3A_154 = tpu.vector_load %arg14[%swap3A_152, %swap3A_153] {strides = array<i32>} : memref<128x128xf32, #tpu.memory_space<vmem>>, vector<1x16xf32>,
    %swap3A_155 = vector.shape_cast %swap3A_154 : vector<1x16xf32> to vector<16xf32>
    %swap3A_156 = vector.shape_cast %broadcast_in_dim3A_1 : vector<16xf32> to vector<1x16xf32>
    tpu.vector_store %arg14[%swap3A_152, %swap3A_153], %swap3A_156 {strides = array<i32>} : memref<128x128xf32, #tpu.memory_space<vmem>>, vector<1x16xf32>,
    %swap3A_157 = arith.constant 2 : i32
    %swap3A_158 = arith.index_cast %swap3A_157 : i32 to index
    %swap3A_159 = arith.constant 112 : index
    %swap3A_160 = tpu.vector_load %arg14[%swap3A_158, %swap3A_159] {strides = array<i32>} : memref<128x128xf32, #tpu.memory_space<vmem>>, vector<1x16xf32>,
    %swap3A_161 = vector.shape_cast %swap3A_160 : vector<1x16xf32> to vector<16xf32>
    %swap3A_162 = vector.shape_cast %broadcast_in_dim3A_1 : vector<16xf32> to vector<1x16xf32>
    tpu.vector_store %arg14[%swap3A_158, %swap3A_159], %swap3A_162 {strides = array<i32>} : memref<128x128xf32, #tpu.memory_space<vmem>>, vector<1x16xf32>,
    %swap3A_163 = arith.constant 3 : i32
    %swap3A_164 = arith.index_cast %swap3A_163 : i32 to index
    %swap3A_165 = arith.constant 0 : index
    %swap3A_166 = tpu.vector_load %arg13[%swap3A_164, %swap3A_165] {strides = array<i32>} : memref<128x16xf32, #tpu.memory_space<vmem>>, vector<1x16xf32>,
    %swap3A_167 = vector.shape_cast %swap3A_166 : vector<1x16xf32> to vector<16xf32>
    %swap3A_168 = vector.shape_cast %broadcast_in_dim3A_1 : vector<16xf32> to vector<1x16xf32>
    tpu.vector_store %arg13[%swap3A_164, %swap3A_165], %swap3A_168 {strides = array<i32>} : memref<128x16xf32, #tpu.memory_space<vmem>>, vector<1x16xf32>,
    %swap3A_169 = arith.constant 3 : i32
    %swap3A_170 = arith.index_cast %swap3A_169 : i32 to index
    %swap3A_171 = arith.constant 0 : index
    %swap3A_172 = tpu.vector_load %arg14[%swap3A_170, %swap3A_171] {strides = array<i32>} : memref<128x128xf32, #tpu.memory_space<vmem>>, vector<1x16xf32>,
    %swap3A_173 = vector.shape_cast %swap3A_172 : vector<1x16xf32> to vector<16xf32>
    %swap3A_174 = vector.shape_cast %broadcast_in_dim3A_1 : vector<16xf32> to vector<1x16xf32>
    tpu.vector_store %arg14[%swap3A_170, %swap3A_171], %swap3A_174 {strides = array<i32>} : memref<128x128xf32, #tpu.memory_space<vmem>>, vector<1x16xf32>,
    %swap3A_175 = arith.constant 3 : i32
    %swap3A_176 = arith.index_cast %swap3A_175 : i32 to index
    %swap3A_177 = arith.constant 16 : index
    %swap3A_178 = tpu.vector_load %arg14[%swap3A_176, %swap3A_177] {strides = array<i32>} : memref<128x128xf32, #tpu.memory_space<vmem>>, vector<1x16xf32>,
    %swap3A_179 = vector.shape_cast %swap3A_178 : vector<1x16xf32> to vector<16xf32>
    %swap3A_180 = vector.shape_cast %broadcast_in_dim3A_1 : vector<16xf32> to vector<1x16xf32>
    tpu.vector_store %arg14[%swap3A_176, %swap3A_177], %swap3A_180 {strides = array<i32>} : memref<128x128xf32, #tpu.memory_space<vmem>>, vector<1x16xf32>,
    %swap3A_181 = arith.constant 3 : i32
    %swap3A_182 = arith.index_cast %swap3A_181 : i32 to index
    %swap3A_183 = arith.constant 32 : index
    %swap3A_184 = tpu.vector_load %arg14[%swap3A_182, %swap3A_183] {strides = array<i32>} : memref<128x128xf32, #tpu.memory_space<vmem>>, vector<1x16xf32>,
    %swap3A_185 = vector.shape_cast %swap3A_184 : vector<1x16xf32> to vector<16xf32>
    %swap3A_186 = vector.shape_cast %broadcast_in_dim3A_1 : vector<16xf32> to vector<1x16xf32>
    tpu.vector_store %arg14[%swap3A_182, %swap3A_183], %swap3A_186 {strides = array<i32>} : memref<128x128xf32, #tpu.memory_space<vmem>>, vector<1x16xf32>,
    %swap3A_187 = arith.constant 3 : i32
    %swap3A_188 = arith.index_cast %swap3A_187 : i32 to index
    %swap3A_189 = arith.constant 48 : index
    %swap3A_190 = tpu.vector_load %arg14[%swap3A_188, %swap3A_189] {strides = array<i32>} : memref<128x128xf32, #tpu.memory_space<vmem>>, vector<1x16xf32>,
    %swap3A_191 = vector.shape_cast %swap3A_190 : vector<1x16xf32> to vector<16xf32>
    %swap3A_192 = vector.shape_cast %broadcast_in_dim3A_1 : vector<16xf32> to vector<1x16xf32>
    tpu.vector_store %arg14[%swap3A_188, %swap3A_189], %swap3A_192 {strides = array<i32>} : memref<128x128xf32, #tpu.memory_space<vmem>>, vector<1x16xf32>,
    %swap3A_193 = arith.constant 3 : i32
    %swap3A_194 = arith.index_cast %swap3A_193 : i32 to index
    %swap3A_195 = arith.constant 64 : index
    %swap3A_196 = tpu.vector_load %arg14[%swap3A_194, %swap3A_195] {strides = array<i32>} : memref<128x128xf32, #tpu.memory_space<vmem>>, vector<1x16xf32>,
    %swap3A_197 = vector.shape_cast %swap3A_196 : vector<1x16xf32> to vector<16xf32>
    %swap3A_198 = vector.shape_cast %broadcast_in_dim3A_1 : vector<16xf32> to vector<1x16xf32>
    tpu.vector_store %arg14[%swap3A_194, %swap3A_195], %swap3A_198 {strides = array<i32>} : memref<128x128xf32, #tpu.memory_space<vmem>>, vector<1x16xf32>,
    %swap3A_199 = arith.constant 3 : i32
    %swap3A_200 = arith.index_cast %swap3A_199 : i32 to index
    %swap3A_201 = arith.constant 80 : index
    %swap3A_202 = tpu.vector_load %arg14[%swap3A_200, %swap3A_201] {strides = array<i32>} : memref<128x128xf32, #tpu.memory_space<vmem>>, vector<1x16xf32>,
    %swap3A_203 = vector.shape_cast %swap3A_202 : vector<1x16xf32> to vector<16xf32>
    %swap3A_204 = vector.shape_cast %broadcast_in_dim3A_1 : vector<16xf32> to vector<1x16xf32>
    tpu.vector_store %arg14[%swap3A_200, %swap3A_201], %swap3A_204 {strides = array<i32>} : memref<128x128xf32, #tpu.memory_space<vmem>>, vector<1x16xf32>,
    %swap3A_205 = arith.constant 3 : i32
    %swap3A_206 = arith.index_cast %swap3A_205 : i32 to index
    %swap3A_207 = arith.constant 96 : index
    %swap3A_208 = tpu.vector_load %arg14[%swap3A_206, %swap3A_207] {strides = array<i32>} : memref<128x128xf32, #tpu.memory_space<vmem>>, vector<1x16xf32>,
    %swap3A_209 = vector.shape_cast %swap3A_208 : vector<1x16xf32> to vector<16xf32>
    %swap3A_210 = vector.shape_cast %broadcast_in_dim3A_1 : vector<16xf32> to vector<1x16xf32>
    tpu.vector_store %arg14[%swap3A_206, %swap3A_207], %swap3A_210 {strides = array<i32>} : memref<128x128xf32, #tpu.memory_space<vmem>>, vector<1x16xf32>,
    %swap3A_211 = arith.constant 3 : i32
    %swap3A_212 = arith.index_cast %swap3A_211 : i32 to index
    %swap3A_213 = arith.constant 112 : index
    %swap3A_214 = tpu.vector_load %arg14[%swap3A_212, %swap3A_213] {strides = array<i32>} : memref<128x128xf32, #tpu.memory_space<vmem>>, vector<1x16xf32>,
    %swap3A_215 = vector.shape_cast %swap3A_214 : vector<1x16xf32> to vector<16xf32>
    %swap3A_216 = vector.shape_cast %broadcast_in_dim3A_1 : vector<16xf32> to vector<1x16xf32>
    tpu.vector_store %arg14[%swap3A_212, %swap3A_213], %swap3A_216 {strides = array<i32>} : memref<128x128xf32, #tpu.memory_space<vmem>>, vector<1x16xf32>,
    %swap3A_217 = arith.constant 4 : i32
    %swap3A_218 = arith.index_cast %swap3A_217 : i32 to index
    %swap3A_219 = arith.constant 0 : index
    %swap3A_220 = tpu.vector_load %arg13[%swap3A_218, %swap3A_219] {strides = array<i32>} : memref<128x16xf32, #tpu.memory_space<vmem>>, vector<1x16xf32>,
    %swap3A_221 = vector.shape_cast %swap3A_220 : vector<1x16xf32> to vector<16xf32>
    %swap3A_222 = vector.shape_cast %broadcast_in_dim3A_1 : vector<16xf32> to vector<1x16xf32>
    tpu.vector_store %arg13[%swap3A_218, %swap3A_219], %swap3A_222 {strides = array<i32>} : memref<128x16xf32, #tpu.memory_space<vmem>>, vector<1x16xf32>,
    %swap3A_223 = arith.constant 4 : i32
    %swap3A_224 = arith.index_cast %swap3A_223 : i32 to index
    %swap3A_225 = arith.constant 0 : index
    %swap3A_226 = tpu.vector_load %arg14[%swap3A_224, %swap3A_225] {strides = array<i32>} : memref<128x128xf32, #tpu.memory_space<vmem>>, vector<1x16xf32>,
    %swap3A_227 = vector.shape_cast %swap3A_226 : vector<1x16xf32> to vector<16xf32>
    %swap3A_228 = vector.shape_cast %broadcast_in_dim3A_1 : vector<16xf32> to vector<1x16xf32>
    tpu.vector_store %arg14[%swap3A_224, %swap3A_225], %swap3A_228 {strides = array<i32>} : memref<128x128xf32, #tpu.memory_space<vmem>>, vector<1x16xf32>,
    %swap3A_229 = arith.constant 4 : i32
    %swap3A_230 = arith.index_cast %swap3A_229 : i32 to index
    %swap3A_231 = arith.constant 16 : index
    %swap3A_232 = tpu.vector_load %arg14[%swap3A_230, %swap3A_231] {strides = array<i32>} : memref<128x128xf32, #tpu.memory_space<vmem>>, vector<1x16xf32>,
    %swap3A_233 = vector.shape_cast %swap3A_232 : vector<1x16xf32> to vector<16xf32>
    %swap3A_234 = vector.shape_cast %broadcast_in_dim3A_1 : vector<16xf32> to vector<1x16xf32>
    tpu.vector_store %arg14[%swap3A_230, %swap3A_231], %swap3A_234 {strides = array<i32>} : memref<128x128xf32, #tpu.memory_space<vmem>>, vector<1x16xf32>,
    %swap3A_235 = arith.constant 4 : i32
    %swap3A_236 = arith.index_cast %swap3A_235 : i32 to index
    %swap3A_237 = arith.constant 32 : index
    %swap3A_238 = tpu.vector_load %arg14[%swap3A_236, %swap3A_237] {strides = array<i32>} : memref<128x128xf32, #tpu.memory_space<vmem>>, vector<1x16xf32>,
    %swap3A_239 = vector.shape_cast %swap3A_238 : vector<1x16xf32> to vector<16xf32>
    %swap3A_240 = vector.shape_cast %broadcast_in_dim3A_1 : vector<16xf32> to vector<1x16xf32>
    tpu.vector_store %arg14[%swap3A_236, %swap3A_237], %swap3A_240 {strides = array<i32>} : memref<128x128xf32, #tpu.memory_space<vmem>>, vector<1x16xf32>,
    %swap3A_241 = arith.constant 4 : i32
    %swap3A_242 = arith.index_cast %swap3A_241 : i32 to index
    %swap3A_243 = arith.constant 48 : index
    %swap3A_244 = tpu.vector_load %arg14[%swap3A_242, %swap3A_243] {strides = array<i32>} : memref<128x128xf32, #tpu.memory_space<vmem>>, vector<1x16xf32>,
    %swap3A_245 = vector.shape_cast %swap3A_244 : vector<1x16xf32> to vector<16xf32>
    %swap3A_246 = vector.shape_cast %broadcast_in_dim3A_1 : vector<16xf32> to vector<1x16xf32>
    tpu.vector_store %arg14[%swap3A_242, %swap3A_243], %swap3A_246 {strides = array<i32>} : memref<128x128xf32, #tpu.memory_space<vmem>>, vector<1x16xf32>,
    %swap3A_247 = arith.constant 4 : i32
    %swap3A_248 = arith.index_cast %swap3A_247 : i32 to index
    %swap3A_249 = arith.constant 64 : index
    %swap3A_250 = tpu.vector_load %arg14[%swap3A_248, %swap3A_249] {strides = array<i32>} : memref<128x128xf32, #tpu.memory_space<vmem>>, vector<1x16xf32>,
    %swap3A_251 = vector.shape_cast %swap3A_250 : vector<1x16xf32> to vector<16xf32>
    %swap3A_252 = vector.shape_cast %broadcast_in_dim3A_1 : vector<16xf32> to vector<1x16xf32>
    tpu.vector_store %arg14[%swap3A_248, %swap3A_249], %swap3A_252 {strides = array<i32>} : memref<128x128xf32, #tpu.memory_space<vmem>>, vector<1x16xf32>,
    %swap3A_253 = arith.constant 4 : i32
    %swap3A_254 = arith.index_cast %swap3A_253 : i32 to index
    %swap3A_255 = arith.constant 80 : index
    %swap3A_256 = tpu.vector_load %arg14[%swap3A_254, %swap3A_255] {strides = array<i32>} : memref<128x128xf32, #tpu.memory_space<vmem>>, vector<1x16xf32>,
    %swap3A_257 = vector.shape_cast %swap3A_256 : vector<1x16xf32> to vector<16xf32>
    %swap3A_258 = vector.shape_cast %broadcast_in_dim3A_1 : vector<16xf32> to vector<1x16xf32>
    tpu.vector_store %arg14[%swap3A_254, %swap3A_255], %swap3A_258 {strides = array<i32>} : memref<128x128xf32, #tpu.memory_space<vmem>>, vector<1x16xf32>,
    %swap3A_259 = arith.constant 4 : i32
    %swap3A_260 = arith.index_cast %swap3A_259 : i32 to index
    %swap3A_261 = arith.constant 96 : index
    %swap3A_262 = tpu.vector_load %arg14[%swap3A_260, %swap3A_261] {strides = array<i32>} : memref<128x128xf32, #tpu.memory_space<vmem>>, vector<1x16xf32>,
    %swap3A_263 = vector.shape_cast %swap3A_262 : vector<1x16xf32> to vector<16xf32>
    %swap3A_264 = vector.shape_cast %broadcast_in_dim3A_1 : vector<16xf32> to vector<1x16xf32>
    tpu.vector_store %arg14[%swap3A_260, %swap3A_261], %swap3A_264 {strides = array<i32>} : memref<128x128xf32, #tpu.memory_space<vmem>>, vector<1x16xf32>,
    %swap3A_265 = arith.constant 4 : i32
    %swap3A_266 = arith.index_cast %swap3A_265 : i32 to index
    %swap3A_267 = arith.constant 112 : index
    %swap3A_268 = tpu.vector_load %arg14[%swap3A_266, %swap3A_267] {strides = array<i32>} : memref<128x128xf32, #tpu.memory_space<vmem>>, vector<1x16xf32>,
    %swap3A_269 = vector.shape_cast %swap3A_268 : vector<1x16xf32> to vector<16xf32>
    %swap3A_270 = vector.shape_cast %broadcast_in_dim3A_1 : vector<16xf32> to vector<1x16xf32>
    tpu.vector_store %arg14[%swap3A_266, %swap3A_267], %swap3A_270 {strides = array<i32>} : memref<128x128xf32, #tpu.memory_space<vmem>>, vector<1x16xf32>,
    %swap3A_271 = arith.constant 5 : i32
    %swap3A_272 = arith.index_cast %swap3A_271 : i32 to index
    %swap3A_273 = arith.constant 0 : index
    %swap3A_274 = tpu.vector_load %arg13[%swap3A_272, %swap3A_273] {strides = array<i32>} : memref<128x16xf32, #tpu.memory_space<vmem>>, vector<1x16xf32>,
    %swap3A_275 = vector.shape_cast %swap3A_274 : vector<1x16xf32> to vector<16xf32>
    %swap3A_276 = vector.shape_cast %broadcast_in_dim3A_1 : vector<16xf32> to vector<1x16xf32>
    tpu.vector_store %arg13[%swap3A_272, %swap3A_273], %swap3A_276 {strides = array<i32>} : memref<128x16xf32, #tpu.memory_space<vmem>>, vector<1x16xf32>,
    %swap3A_277 = arith.constant 5 : i32
    %swap3A_278 = arith.index_cast %swap3A_277 : i32 to index
    %swap3A_279 = arith.constant 0 : index
    %swap3A_280 = tpu.vector_load %arg14[%swap3A_278, %swap3A_279] {strides = array<i32>} : memref<128x128xf32, #tpu.memory_space<vmem>>, vector<1x16xf32>,
    %swap3A_281 = vector.shape_cast %swap3A_280 : vector<1x16xf32> to vector<16xf32>
    %swap3A_282 = vector.shape_cast %broadcast_in_dim3A_1 : vector<16xf32> to vector<1x16xf32>
    tpu.vector_store %arg14[%swap3A_278, %swap3A_279], %swap3A_282 {strides = array<i32>} : memref<128x128xf32, #tpu.memory_space<vmem>>, vector<1x16xf32>,
    %swap3A_283 = arith.constant 5 : i32
    %swap3A_284 = arith.index_cast %swap3A_283 : i32 to index
    %swap3A_285 = arith.constant 16 : index
    %swap3A_286 = tpu.vector_load %arg14[%swap3A_284, %swap3A_285] {strides = array<i32>} : memref<128x128xf32, #tpu.memory_space<vmem>>, vector<1x16xf32>,
    %swap3A_287 = vector.shape_cast %swap3A_286 : vector<1x16xf32> to vector<16xf32>
    %swap3A_288 = vector.shape_cast %broadcast_in_dim3A_1 : vector<16xf32> to vector<1x16xf32>
    tpu.vector_store %arg14[%swap3A_284, %swap3A_285], %swap3A_288 {strides = array<i32>} : memref<128x128xf32, #tpu.memory_space<vmem>>, vector<1x16xf32>,
    %swap3A_289 = arith.constant 5 : i32
    %swap3A_290 = arith.index_cast %swap3A_289 : i32 to index
    %swap3A_291 = arith.constant 32 : index
    %swap3A_292 = tpu.vector_load %arg14[%swap3A_290, %swap3A_291] {strides = array<i32>} : memref<128x128xf32, #tpu.memory_space<vmem>>, vector<1x16xf32>,
    %swap3A_293 = vector.shape_cast %swap3A_292 : vector<1x16xf32> to vector<16xf32>
    %swap3A_294 = vector.shape_cast %broadcast_in_dim3A_1 : vector<16xf32> to vector<1x16xf32>
    tpu.vector_store %arg14[%swap3A_290, %swap3A_291], %swap3A_294 {strides = array<i32>} : memref<128x128xf32, #tpu.memory_space<vmem>>, vector<1x16xf32>,
    %swap3A_295 = arith.constant 5 : i32
    %swap3A_296 = arith.index_cast %swap3A_295 : i32 to index
    %swap3A_297 = arith.constant 48 : index
    %swap3A_298 = tpu.vector_load %arg14[%swap3A_296, %swap3A_297] {strides = array<i32>} : memref<128x128xf32, #tpu.memory_space<vmem>>, vector<1x16xf32>,
    %swap3A_299 = vector.shape_cast %swap3A_298 : vector<1x16xf32> to vector<16xf32>
    %swap3A_300 = vector.shape_cast %broadcast_in_dim3A_1 : vector<16xf32> to vector<1x16xf32>
    tpu.vector_store %arg14[%swap3A_296, %swap3A_297], %swap3A_300 {strides = array<i32>} : memref<128x128xf32, #tpu.memory_space<vmem>>, vector<1x16xf32>,
    %swap3A_301 = arith.constant 5 : i32
    %swap3A_302 = arith.index_cast %swap3A_301 : i32 to index
    %swap3A_303 = arith.constant 64 : index
    %swap3A_304 = tpu.vector_load %arg14[%swap3A_302, %swap3A_303] {strides = array<i32>} : memref<128x128xf32, #tpu.memory_space<vmem>>, vector<1x16xf32>,
    %swap3A_305 = vector.shape_cast %swap3A_304 : vector<1x16xf32> to vector<16xf32>
    %swap3A_306 = vector.shape_cast %broadcast_in_dim3A_1 : vector<16xf32> to vector<1x16xf32>
    tpu.vector_store %arg14[%swap3A_302, %swap3A_303], %swap3A_306 {strides = array<i32>} : memref<128x128xf32, #tpu.memory_space<vmem>>, vector<1x16xf32>,
    %swap3A_307 = arith.constant 5 : i32
    %swap3A_308 = arith.index_cast %swap3A_307 : i32 to index
    %swap3A_309 = arith.constant 80 : index
    %swap3A_310 = tpu.vector_load %arg14[%swap3A_308, %swap3A_309] {strides = array<i32>} : memref<128x128xf32, #tpu.memory_space<vmem>>, vector<1x16xf32>,
    %swap3A_311 = vector.shape_cast %swap3A_310 : vector<1x16xf32> to vector<16xf32>
    %swap3A_312 = vector.shape_cast %broadcast_in_dim3A_1 : vector<16xf32> to vector<1x16xf32>
    tpu.vector_store %arg14[%swap3A_308, %swap3A_309], %swap3A_312 {strides = array<i32>} : memref<128x128xf32, #tpu.memory_space<vmem>>, vector<1x16xf32>,
    %swap3A_313 = arith.constant 5 : i32
    %swap3A_314 = arith.index_cast %swap3A_313 : i32 to index
    %swap3A_315 = arith.constant 96 : index
    %swap3A_316 = tpu.vector_load %arg14[%swap3A_314, %swap3A_315] {strides = array<i32>} : memref<128x128xf32, #tpu.memory_space<vmem>>, vector<1x16xf32>,
    %swap3A_317 = vector.shape_cast %swap3A_316 : vector<1x16xf32> to vector<16xf32>
    %swap3A_318 = vector.shape_cast %broadcast_in_dim3A_1 : vector<16xf32> to vector<1x16xf32>
    tpu.vector_store %arg14[%swap3A_314, %swap3A_315], %swap3A_318 {strides = array<i32>} : memref<128x128xf32, #tpu.memory_space<vmem>>, vector<1x16xf32>,
    %swap3A_319 = arith.constant 5 : i32
    %swap3A_320 = arith.index_cast %swap3A_319 : i32 to index
    %swap3A_321 = arith.constant 112 : index
    %swap3A_322 = tpu.vector_load %arg14[%swap3A_320, %swap3A_321] {strides = array<i32>} : memref<128x128xf32, #tpu.memory_space<vmem>>, vector<1x16xf32>,
    %swap3A_323 = vector.shape_cast %swap3A_322 : vector<1x16xf32> to vector<16xf32>
    %swap3A_324 = vector.shape_cast %broadcast_in_dim3A_1 : vector<16xf32> to vector<1x16xf32>
    tpu.vector_store %arg14[%swap3A_320, %swap3A_321], %swap3A_324 {strides = array<i32>} : memref<128x128xf32, #tpu.memory_space<vmem>>, vector<1x16xf32>,
    %swap3A_325 = arith.constant 6 : i32
    %swap3A_326 = arith.index_cast %swap3A_325 : i32 to index
    %swap3A_327 = arith.constant 0 : index
    %swap3A_328 = tpu.vector_load %arg13[%swap3A_326, %swap3A_327] {strides = array<i32>} : memref<128x16xf32, #tpu.memory_space<vmem>>, vector<1x16xf32>,
    %swap3A_329 = vector.shape_cast %swap3A_328 : vector<1x16xf32> to vector<16xf32>
    %swap3A_330 = vector.shape_cast %broadcast_in_dim3A_1 : vector<16xf32> to vector<1x16xf32>
    tpu.vector_store %arg13[%swap3A_326, %swap3A_327], %swap3A_330 {strides = array<i32>} : memref<128x16xf32, #tpu.memory_space<vmem>>, vector<1x16xf32>,
    %swap3A_331 = arith.constant 6 : i32
    %swap3A_332 = arith.index_cast %swap3A_331 : i32 to index
    %swap3A_333 = arith.constant 0 : index
    %swap3A_334 = tpu.vector_load %arg14[%swap3A_332, %swap3A_333] {strides = array<i32>} : memref<128x128xf32, #tpu.memory_space<vmem>>, vector<1x16xf32>,
    %swap3A_335 = vector.shape_cast %swap3A_334 : vector<1x16xf32> to vector<16xf32>
    %swap3A_336 = vector.shape_cast %broadcast_in_dim3A_1 : vector<16xf32> to vector<1x16xf32>
    tpu.vector_store %arg14[%swap3A_332, %swap3A_333], %swap3A_336 {strides = array<i32>} : memref<128x128xf32, #tpu.memory_space<vmem>>, vector<1x16xf32>,
    %swap3A_337 = arith.constant 6 : i32
    %swap3A_338 = arith.index_cast %swap3A_337 : i32 to index
    %swap3A_339 = arith.constant 16 : index
    %swap3A_340 = tpu.vector_load %arg14[%swap3A_338, %swap3A_339] {strides = array<i32>} : memref<128x128xf32, #tpu.memory_space<vmem>>, vector<1x16xf32>,
    %swap3A_341 = vector.shape_cast %swap3A_340 : vector<1x16xf32> to vector<16xf32>
    %swap3A_342 = vector.shape_cast %broadcast_in_dim3A_1 : vector<16xf32> to vector<1x16xf32>
    tpu.vector_store %arg14[%swap3A_338, %swap3A_339], %swap3A_342 {strides = array<i32>} : memref<128x128xf32, #tpu.memory_space<vmem>>, vector<1x16xf32>,
    %swap3A_343 = arith.constant 6 : i32
    %swap3A_344 = arith.index_cast %swap3A_343 : i32 to index
    %swap3A_345 = arith.constant 32 : index
    %swap3A_346 = tpu.vector_load %arg14[%swap3A_344, %swap3A_345] {strides = array<i32>} : memref<128x128xf32, #tpu.memory_space<vmem>>, vector<1x16xf32>,
    %swap3A_347 = vector.shape_cast %swap3A_346 : vector<1x16xf32> to vector<16xf32>
    %swap3A_348 = vector.shape_cast %broadcast_in_dim3A_1 : vector<16xf32> to vector<1x16xf32>
    tpu.vector_store %arg14[%swap3A_344, %swap3A_345], %swap3A_348 {strides = array<i32>} : memref<128x128xf32, #tpu.memory_space<vmem>>, vector<1x16xf32>,
    %swap3A_349 = arith.constant 6 : i32
    %swap3A_350 = arith.index_cast %swap3A_349 : i32 to index
    %swap3A_351 = arith.constant 48 : index
    %swap3A_352 = tpu.vector_load %arg14[%swap3A_350, %swap3A_351] {strides = array<i32>} : memref<128x128xf32, #tpu.memory_space<vmem>>, vector<1x16xf32>,
    %swap3A_353 = vector.shape_cast %swap3A_352 : vector<1x16xf32> to vector<16xf32>
    %swap3A_354 = vector.shape_cast %broadcast_in_dim3A_1 : vector<16xf32> to vector<1x16xf32>
    tpu.vector_store %arg14[%swap3A_350, %swap3A_351], %swap3A_354 {strides = array<i32>} : memref<128x128xf32, #tpu.memory_space<vmem>>, vector<1x16xf32>,
    %swap3A_355 = arith.constant 6 : i32
    %swap3A_356 = arith.index_cast %swap3A_355 : i32 to index
    %swap3A_357 = arith.constant 64 : index
    %swap3A_358 = tpu.vector_load %arg14[%swap3A_356, %swap3A_357] {strides = array<i32>} : memref<128x128xf32, #tpu.memory_space<vmem>>, vector<1x16xf32>,
    %swap3A_359 = vector.shape_cast %swap3A_358 : vector<1x16xf32> to vector<16xf32>
    %swap3A_360 = vector.shape_cast %broadcast_in_dim3A_1 : vector<16xf32> to vector<1x16xf32>
    tpu.vector_store %arg14[%swap3A_356, %swap3A_357], %swap3A_360 {strides = array<i32>} : memref<128x128xf32, #tpu.memory_space<vmem>>, vector<1x16xf32>,
    %swap3A_361 = arith.constant 6 : i32
    %swap3A_362 = arith.index_cast %swap3A_361 : i32 to index
    %swap3A_363 = arith.constant 80 : index
    %swap3A_364 = tpu.vector_load %arg14[%swap3A_362, %swap3A_363] {strides = array<i32>} : memref<128x128xf32, #tpu.memory_space<vmem>>, vector<1x16xf32>,
    %swap3A_365 = vector.shape_cast %swap3A_364 : vector<1x16xf32> to vector<16xf32>
    %swap3A_366 = vector.shape_cast %broadcast_in_dim3A_1 : vector<16xf32> to vector<1x16xf32>
    tpu.vector_store %arg14[%swap3A_362, %swap3A_363], %swap3A_366 {strides = array<i32>} : memref<128x128xf32, #tpu.memory_space<vmem>>, vector<1x16xf32>,
    %swap3A_367 = arith.constant 6 : i32
    %swap3A_368 = arith.index_cast %swap3A_367 : i32 to index
    %swap3A_369 = arith.constant 96 : index
    %swap3A_370 = tpu.vector_load %arg14[%swap3A_368, %swap3A_369] {strides = array<i32>} : memref<128x128xf32, #tpu.memory_space<vmem>>, vector<1x16xf32>,
    %swap3A_371 = vector.shape_cast %swap3A_370 : vector<1x16xf32> to vector<16xf32>
    %swap3A_372 = vector.shape_cast %broadcast_in_dim3A_1 : vector<16xf32> to vector<1x16xf32>
    tpu.vector_store %arg14[%swap3A_368, %swap3A_369], %swap3A_372 {strides = array<i32>} : memref<128x128xf32, #tpu.memory_space<vmem>>, vector<1x16xf32>,
    %swap3A_373 = arith.constant 6 : i32
    %swap3A_374 = arith.index_cast %swap3A_373 : i32 to index
    %swap3A_375 = arith.constant 112 : index
    %swap3A_376 = tpu.vector_load %arg14[%swap3A_374, %swap3A_375] {strides = array<i32>} : memref<128x128xf32, #tpu.memory_space<vmem>>, vector<1x16xf32>,
    %swap3A_377 = vector.shape_cast %swap3A_376 : vector<1x16xf32> to vector<16xf32>
    %swap3A_378 = vector.shape_cast %broadcast_in_dim3A_1 : vector<16xf32> to vector<1x16xf32>
    tpu.vector_store %arg14[%swap3A_374, %swap3A_375], %swap3A_378 {strides = array<i32>} : memref<128x128xf32, #tpu.memory_space<vmem>>, vector<1x16xf32>,
    %swap3A_379 = arith.constant 7 : i32
    %swap3A_380 = arith.index_cast %swap3A_379 : i32 to index
    %swap3A_381 = arith.constant 0 : index
    %swap3A_382 = tpu.vector_load %arg13[%swap3A_380, %swap3A_381] {strides = array<i32>} : memref<128x16xf32, #tpu.memory_space<vmem>>, vector<1x16xf32>,
    %swap3A_383 = vector.shape_cast %swap3A_382 : vector<1x16xf32> to vector<16xf32>
    %swap3A_384 = vector.shape_cast %broadcast_in_dim3A_1 : vector<16xf32> to vector<1x16xf32>
    tpu.vector_store %arg13[%swap3A_380, %swap3A_381], %swap3A_384 {strides = array<i32>} : memref<128x16xf32, #tpu.memory_space<vmem>>, vector<1x16xf32>,
    %swap3A_385 = arith.constant 7 : i32
    %swap3A_386 = arith.index_cast %swap3A_385 : i32 to index
    %swap3A_387 = arith.constant 0 : index
    %swap3A_388 = tpu.vector_load %arg14[%swap3A_386, %swap3A_387] {strides = array<i32>} : memref<128x128xf32, #tpu.memory_space<vmem>>, vector<1x16xf32>,
    %swap3A_389 = vector.shape_cast %swap3A_388 : vector<1x16xf32> to vector<16xf32>
    %swap3A_390 = vector.shape_cast %broadcast_in_dim3A_1 : vector<16xf32> to vector<1x16xf32>
    tpu.vector_store %arg14[%swap3A_386, %swap3A_387], %swap3A_390 {strides = array<i32>} : memref<128x128xf32, #tpu.memory_space<vmem>>, vector<1x16xf32>,
    %swap3A_391 = arith.constant 7 : i32
    %swap3A_392 = arith.index_cast %swap3A_391 : i32 to index
    %swap3A_393 = arith.constant 16 : index
    %swap3A_394 = tpu.vector_load %arg14[%swap3A_392, %swap3A_393] {strides = array<i32>} : memref<128x128xf32, #tpu.memory_space<vmem>>, vector<1x16xf32>,
    %swap3A_395 = vector.shape_cast %swap3A_394 : vector<1x16xf32> to vector<16xf32>
    %swap3A_396 = vector.shape_cast %broadcast_in_dim3A_1 : vector<16xf32> to vector<1x16xf32>
    tpu.vector_store %arg14[%swap3A_392, %swap3A_393], %swap3A_396 {strides = array<i32>} : memref<128x128xf32, #tpu.memory_space<vmem>>, vector<1x16xf32>,
    %swap3A_397 = arith.constant 7 : i32
    %swap3A_398 = arith.index_cast %swap3A_397 : i32 to index
    %swap3A_399 = arith.constant 32 : index
    %swap3A_400 = tpu.vector_load %arg14[%swap3A_398, %swap3A_399] {strides = array<i32>} : memref<128x128xf32, #tpu.memory_space<vmem>>, vector<1x16xf32>,
    %swap3A_401 = vector.shape_cast %swap3A_400 : vector<1x16xf32> to vector<16xf32>
    %swap3A_402 = vector.shape_cast %broadcast_in_dim3A_1 : vector<16xf32> to vector<1x16xf32>
    tpu.vector_store %arg14[%swap3A_398, %swap3A_399], %swap3A_402 {strides = array<i32>} : memref<128x128xf32, #tpu.memory_space<vmem>>, vector<1x16xf32>,
    %swap3A_403 = arith.constant 7 : i32
    %swap3A_404 = arith.index_cast %swap3A_403 : i32 to index
    %swap3A_405 = arith.constant 48 : index
    %swap3A_406 = tpu.vector_load %arg14[%swap3A_404, %swap3A_405] {strides = array<i32>} : memref<128x128xf32, #tpu.memory_space<vmem>>, vector<1x16xf32>,
    %swap3A_407 = vector.shape_cast %swap3A_406 : vector<1x16xf32> to vector<16xf32>
    %swap3A_408 = vector.shape_cast %broadcast_in_dim3A_1 : vector<16xf32> to vector<1x16xf32>
    tpu.vector_store %arg14[%swap3A_404, %swap3A_405], %swap3A_408 {strides = array<i32>} : memref<128x128xf32, #tpu.memory_space<vmem>>, vector<1x16xf32>,
    %swap3A_409 = arith.constant 7 : i32
    %swap3A_410 = arith.index_cast %swap3A_409 : i32 to index
    %swap3A_411 = arith.constant 64 : index
    %swap3A_412 = tpu.vector_load %arg14[%swap3A_410, %swap3A_411] {strides = array<i32>} : memref<128x128xf32, #tpu.memory_space<vmem>>, vector<1x16xf32>,
    %swap3A_413 = vector.shape_cast %swap3A_412 : vector<1x16xf32> to vector<16xf32>
    %swap3A_414 = vector.shape_cast %broadcast_in_dim3A_1 : vector<16xf32> to vector<1x16xf32>
    tpu.vector_store %arg14[%swap3A_410, %swap3A_411], %swap3A_414 {strides = array<i32>} : memref<128x128xf32, #tpu.memory_space<vmem>>, vector<1x16xf32>,
    %swap3A_415 = arith.constant 7 : i32
    %swap3A_416 = arith.index_cast %swap3A_415 : i32 to index
    %swap3A_417 = arith.constant 80 : index
    %swap3A_418 = tpu.vector_load %arg14[%swap3A_416, %swap3A_417] {strides = array<i32>} : memref<128x128xf32, #tpu.memory_space<vmem>>, vector<1x16xf32>,
    %swap3A_419 = vector.shape_cast %swap3A_418 : vector<1x16xf32> to vector<16xf32>
    %swap3A_420 = vector.shape_cast %broadcast_in_dim3A_1 : vector<16xf32> to vector<1x16xf32>
    tpu.vector_store %arg14[%swap3A_416, %swap3A_417], %swap3A_420 {strides = array<i32>} : memref<128x128xf32, #tpu.memory_space<vmem>>, vector<1x16xf32>,
    %swap3A_421 = arith.constant 7 : i32
    %swap3A_422 = arith.index_cast %swap3A_421 : i32 to index
    %swap3A_423 = arith.constant 96 : index
    %swap3A_424 = tpu.vector_load %arg14[%swap3A_422, %swap3A_423] {strides = array<i32>} : memref<128x128xf32, #tpu.memory_space<vmem>>, vector<1x16xf32>,
    %swap3A_425 = vector.shape_cast %swap3A_424 : vector<1x16xf32> to vector<16xf32>
    %swap3A_426 = vector.shape_cast %broadcast_in_dim3A_1 : vector<16xf32> to vector<1x16xf32>
    tpu.vector_store %arg14[%swap3A_422, %swap3A_423], %swap3A_426 {strides = array<i32>} : memref<128x128xf32, #tpu.memory_space<vmem>>, vector<1x16xf32>,
    %swap3A_427 = arith.constant 7 : i32
    %swap3A_428 = arith.index_cast %swap3A_427 : i32 to index
    %swap3A_429 = arith.constant 112 : index
    %swap3A_430 = tpu.vector_load %arg14[%swap3A_428, %swap3A_429] {strides = array<i32>} : memref<128x128xf32, #tpu.memory_space<vmem>>, vector<1x16xf32>,
    %swap3A_431 = vector.shape_cast %swap3A_430 : vector<1x16xf32> to vector<16xf32>
    %swap3A_432 = vector.shape_cast %broadcast_in_dim3A_1 : vector<16xf32> to vector<1x16xf32>
    tpu.vector_store %arg14[%swap3A_428, %swap3A_429], %swap3A_432 {strides = array<i32>} : memref<128x128xf32, #tpu.memory_space<vmem>>, vector<1x16xf32>,
    %swap3A_433 = arith.constant 8 : i32
    %swap3A_434 = arith.index_cast %swap3A_433 : i32 to index
    %swap3A_435 = arith.constant 0 : index
    %swap3A_436 = tpu.vector_load %arg13[%swap3A_434, %swap3A_435] {strides = array<i32>} : memref<128x16xf32, #tpu.memory_space<vmem>>, vector<1x16xf32>,
    %swap3A_437 = vector.shape_cast %swap3A_436 : vector<1x16xf32> to vector<16xf32>
    %swap3A_438 = vector.shape_cast %broadcast_in_dim3A_1 : vector<16xf32> to vector<1x16xf32>
    tpu.vector_store %arg13[%swap3A_434, %swap3A_435], %swap3A_438 {strides = array<i32>} : memref<128x16xf32, #tpu.memory_space<vmem>>, vector<1x16xf32>,
    %swap3A_439 = arith.constant 8 : i32
    %swap3A_440 = arith.index_cast %swap3A_439 : i32 to index
    %swap3A_441 = arith.constant 0 : index
    %swap3A_442 = tpu.vector_load %arg14[%swap3A_440, %swap3A_441] {strides = array<i32>} : memref<128x128xf32, #tpu.memory_space<vmem>>, vector<1x16xf32>,
    %swap3A_443 = vector.shape_cast %swap3A_442 : vector<1x16xf32> to vector<16xf32>
    %swap3A_444 = vector.shape_cast %broadcast_in_dim3A_1 : vector<16xf32> to vector<1x16xf32>
    tpu.vector_store %arg14[%swap3A_440, %swap3A_441], %swap3A_444 {strides = array<i32>} : memref<128x128xf32, #tpu.memory_space<vmem>>, vector<1x16xf32>,
    %swap3A_445 = arith.constant 8 : i32
    %swap3A_446 = arith.index_cast %swap3A_445 : i32 to index
    %swap3A_447 = arith.constant 16 : index
    %swap3A_448 = tpu.vector_load %arg14[%swap3A_446, %swap3A_447] {strides = array<i32>} : memref<128x128xf32, #tpu.memory_space<vmem>>, vector<1x16xf32>,
    %swap3A_449 = vector.shape_cast %swap3A_448 : vector<1x16xf32> to vector<16xf32>
    %swap3A_450 = vector.shape_cast %broadcast_in_dim3A_1 : vector<16xf32> to vector<1x16xf32>
    tpu.vector_store %arg14[%swap3A_446, %swap3A_447], %swap3A_450 {strides = array<i32>} : memref<128x128xf32, #tpu.memory_space<vmem>>, vector<1x16xf32>,
    %swap3A_451 = arith.constant 8 : i32
    %swap3A_452 = arith.index_cast %swap3A_451 : i32 to index
    %swap3A_453 = arith.constant 32 : index
    %swap3A_454 = tpu.vector_load %arg14[%swap3A_452, %swap3A_453] {strides = array<i32>} : memref<128x128xf32, #tpu.memory_space<vmem>>, vector<1x16xf32>,
    %swap3A_455 = vector.shape_cast %swap3A_454 : vector<1x16xf32> to vector<16xf32>
    %swap3A_456 = vector.shape_cast %broadcast_in_dim3A_1 : vector<16xf32> to vector<1x16xf32>
    tpu.vector_store %arg14[%swap3A_452, %swap3A_453], %swap3A_456 {strides = array<i32>} : memref<128x128xf32, #tpu.memory_space<vmem>>, vector<1x16xf32>,
    %swap3A_457 = arith.constant 8 : i32
    %swap3A_458 = arith.index_cast %swap3A_457 : i32 to index
    %swap3A_459 = arith.constant 48 : index
    %swap3A_460 = tpu.vector_load %arg14[%swap3A_458, %swap3A_459] {strides = array<i32>} : memref<128x128xf32, #tpu.memory_space<vmem>>, vector<1x16xf32>,
    %swap3A_461 = vector.shape_cast %swap3A_460 : vector<1x16xf32> to vector<16xf32>
    %swap3A_462 = vector.shape_cast %broadcast_in_dim3A_1 : vector<16xf32> to vector<1x16xf32>
    tpu.vector_store %arg14[%swap3A_458, %swap3A_459], %swap3A_462 {strides = array<i32>} : memref<128x128xf32, #tpu.memory_space<vmem>>, vector<1x16xf32>,
    %swap3A_463 = arith.constant 8 : i32
    %swap3A_464 = arith.index_cast %swap3A_463 : i32 to index
    %swap3A_465 = arith.constant 64 : index
    %swap3A_466 = tpu.vector_load %arg14[%swap3A_464, %swap3A_465] {strides = array<i32>} : memref<128x128xf32, #tpu.memory_space<vmem>>, vector<1x16xf32>,
    %swap3A_467 = vector.shape_cast %swap3A_466 : vector<1x16xf32> to vector<16xf32>
    %swap3A_468 = vector.shape_cast %broadcast_in_dim3A_1 : vector<16xf32> to vector<1x16xf32>
    tpu.vector_store %arg14[%swap3A_464, %swap3A_465], %swap3A_468 {strides = array<i32>} : memref<128x128xf32, #tpu.memory_space<vmem>>, vector<1x16xf32>,
    %swap3A_469 = arith.constant 8 : i32
    %swap3A_470 = arith.index_cast %swap3A_469 : i32 to index
    %swap3A_471 = arith.constant 80 : index
    %swap3A_472 = tpu.vector_load %arg14[%swap3A_470, %swap3A_471] {strides = array<i32>} : memref<128x128xf32, #tpu.memory_space<vmem>>, vector<1x16xf32>,
    %swap3A_473 = vector.shape_cast %swap3A_472 : vector<1x16xf32> to vector<16xf32>
    %swap3A_474 = vector.shape_cast %broadcast_in_dim3A_1 : vector<16xf32> to vector<1x16xf32>
    tpu.vector_store %arg14[%swap3A_470, %swap3A_471], %swap3A_474 {strides = array<i32>} : memref<128x128xf32, #tpu.memory_space<vmem>>, vector<1x16xf32>,
    %swap3A_475 = arith.constant 8 : i32
    %swap3A_476 = arith.index_cast %swap3A_475 : i32 to index
    %swap3A_477 = arith.constant 96 : index
    %swap3A_478 = tpu.vector_load %arg14[%swap3A_476, %swap3A_477] {strides = array<i32>} : memref<128x128xf32, #tpu.memory_space<vmem>>, vector<1x16xf32>,
    %swap3A_479 = vector.shape_cast %swap3A_478 : vector<1x16xf32> to vector<16xf32>
    %swap3A_480 = vector.shape_cast %broadcast_in_dim3A_1 : vector<16xf32> to vector<1x16xf32>
    tpu.vector_store %arg14[%swap3A_476, %swap3A_477], %swap3A_480 {strides = array<i32>} : memref<128x128xf32, #tpu.memory_space<vmem>>, vector<1x16xf32>,
    %swap3A_481 = arith.constant 8 : i32
    %swap3A_482 = arith.index_cast %swap3A_481 : i32 to index
    %swap3A_483 = arith.constant 112 : index
    %swap3A_484 = tpu.vector_load %arg14[%swap3A_482, %swap3A_483] {strides = array<i32>} : memref<128x128xf32, #tpu.memory_space<vmem>>, vector<1x16xf32>,
    %swap3A_485 = vector.shape_cast %swap3A_484 : vector<1x16xf32> to vector<16xf32>
    %swap3A_486 = vector.shape_cast %broadcast_in_dim3A_1 : vector<16xf32> to vector<1x16xf32>
    tpu.vector_store %arg14[%swap3A_482, %swap3A_483], %swap3A_486 {strides = array<i32>} : memref<128x128xf32, #tpu.memory_space<vmem>>, vector<1x16xf32>,
    %swap3A_487 = arith.constant 9 : i32
    %swap3A_488 = arith.index_cast %swap3A_487 : i32 to index
    %swap3A_489 = arith.constant 0 : index
    %swap3A_490 = tpu.vector_load %arg13[%swap3A_488, %swap3A_489] {strides = array<i32>} : memref<128x16xf32, #tpu.memory_space<vmem>>, vector<1x16xf32>,
    %swap3A_491 = vector.shape_cast %swap3A_490 : vector<1x16xf32> to vector<16xf32>
    %swap3A_492 = vector.shape_cast %broadcast_in_dim3A_1 : vector<16xf32> to vector<1x16xf32>
    tpu.vector_store %arg13[%swap3A_488, %swap3A_489], %swap3A_492 {strides = array<i32>} : memref<128x16xf32, #tpu.memory_space<vmem>>, vector<1x16xf32>,
    %swap3A_493 = arith.constant 9 : i32
    %swap3A_494 = arith.index_cast %swap3A_493 : i32 to index
    %swap3A_495 = arith.constant 0 : index
    %swap3A_496 = tpu.vector_load %arg14[%swap3A_494, %swap3A_495] {strides = array<i32>} : memref<128x128xf32, #tpu.memory_space<vmem>>, vector<1x16xf32>,
    %swap3A_497 = vector.shape_cast %swap3A_496 : vector<1x16xf32> to vector<16xf32>
    %swap3A_498 = vector.shape_cast %broadcast_in_dim3A_1 : vector<16xf32> to vector<1x16xf32>
    tpu.vector_store %arg14[%swap3A_494, %swap3A_495], %swap3A_498 {strides = array<i32>} : memref<128x128xf32, #tpu.memory_space<vmem>>, vector<1x16xf32>,
    %swap3A_499 = arith.constant 9 : i32
    %swap3A_500 = arith.index_cast %swap3A_499 : i32 to index
    %swap3A_501 = arith.constant 16 : index
    %swap3A_502 = tpu.vector_load %arg14[%swap3A_500, %swap3A_501] {strides = array<i32>} : memref<128x128xf32, #tpu.memory_space<vmem>>, vector<1x16xf32>,
    %swap3A_503 = vector.shape_cast %swap3A_502 : vector<1x16xf32> to vector<16xf32>
    %swap3A_504 = vector.shape_cast %broadcast_in_dim3A_1 : vector<16xf32> to vector<1x16xf32>
    tpu.vector_store %arg14[%swap3A_500, %swap3A_501], %swap3A_504 {strides = array<i32>} : memref<128x128xf32, #tpu.memory_space<vmem>>, vector<1x16xf32>,
    %swap3A_505 = arith.constant 9 : i32
    %swap3A_506 = arith.index_cast %swap3A_505 : i32 to index
    %swap3A_507 = arith.constant 32 : index
    %swap3A_508 = tpu.vector_load %arg14[%swap3A_506, %swap3A_507] {strides = array<i32>} : memref<128x128xf32, #tpu.memory_space<vmem>>, vector<1x16xf32>,
    %swap3A_509 = vector.shape_cast %swap3A_508 : vector<1x16xf32> to vector<16xf32>
    %swap3A_510 = vector.shape_cast %broadcast_in_dim3A_1 : vector<16xf32> to vector<1x16xf32>
    tpu.vector_store %arg14[%swap3A_506, %swap3A_507], %swap3A_510 {strides = array<i32>} : memref<128x128xf32, #tpu.memory_space<vmem>>, vector<1x16xf32>,
    %swap3A_511 = arith.constant 9 : i32
    %swap3A_512 = arith.index_cast %swap3A_511 : i32 to index
    %swap3A_513 = arith.constant 48 : index
    %swap3A_514 = tpu.vector_load %arg14[%swap3A_512, %swap3A_513] {strides = array<i32>} : memref<128x128xf32, #tpu.memory_space<vmem>>, vector<1x16xf32>,
    %swap3A_515 = vector.shape_cast %swap3A_514 : vector<1x16xf32> to vector<16xf32>
    %swap3A_516 = vector.shape_cast %broadcast_in_dim3A_1 : vector<16xf32> to vector<1x16xf32>
    tpu.vector_store %arg14[%swap3A_512, %swap3A_513], %swap3A_516 {strides = array<i32>} : memref<128x128xf32, #tpu.memory_space<vmem>>, vector<1x16xf32>,
    %swap3A_517 = arith.constant 9 : i32
    %swap3A_518 = arith.index_cast %swap3A_517 : i32 to index
    %swap3A_519 = arith.constant 64 : index
    %swap3A_520 = tpu.vector_load %arg14[%swap3A_518, %swap3A_519] {strides = array<i32>} : memref<128x128xf32, #tpu.memory_space<vmem>>, vector<1x16xf32>,
    %swap3A_521 = vector.shape_cast %swap3A_520 : vector<1x16xf32> to vector<16xf32>
    %swap3A_522 = vector.shape_cast %broadcast_in_dim3A_1 : vector<16xf32> to vector<1x16xf32>
    tpu.vector_store %arg14[%swap3A_518, %swap3A_519], %swap3A_522 {strides = array<i32>} : memref<128x128xf32, #tpu.memory_space<vmem>>, vector<1x16xf32>,
    %swap3A_523 = arith.constant 9 : i32
    %swap3A_524 = arith.index_cast %swap3A_523 : i32 to index
    %swap3A_525 = arith.constant 80 : index
    %swap3A_526 = tpu.vector_load %arg14[%swap3A_524, %swap3A_525] {strides = array<i32>} : memref<128x128xf32, #tpu.memory_space<vmem>>, vector<1x16xf32>,
    %swap3A_527 = vector.shape_cast %swap3A_526 : vector<1x16xf32> to vector<16xf32>
    %swap3A_528 = vector.shape_cast %broadcast_in_dim3A_1 : vector<16xf32> to vector<1x16xf32>
    tpu.vector_store %arg14[%swap3A_524, %swap3A_525], %swap3A_528 {strides = array<i32>} : memref<128x128xf32, #tpu.memory_space<vmem>>, vector<1x16xf32>,
    %swap3A_529 = arith.constant 9 : i32
    %swap3A_530 = arith.index_cast %swap3A_529 : i32 to index
    %swap3A_531 = arith.constant 96 : index
    %swap3A_532 = tpu.vector_load %arg14[%swap3A_530, %swap3A_531] {strides = array<i32>} : memref<128x128xf32, #tpu.memory_space<vmem>>, vector<1x16xf32>,
    %swap3A_533 = vector.shape_cast %swap3A_532 : vector<1x16xf32> to vector<16xf32>
    %swap3A_534 = vector.shape_cast %broadcast_in_dim3A_1 : vector<16xf32> to vector<1x16xf32>
    tpu.vector_store %arg14[%swap3A_530, %swap3A_531], %swap3A_534 {strides = array<i32>} : memref<128x128xf32, #tpu.memory_space<vmem>>, vector<1x16xf32>,
    %swap3A_535 = arith.constant 9 : i32
    %swap3A_536 = arith.index_cast %swap3A_535 : i32 to index
    %swap3A_537 = arith.constant 112 : index
    %swap3A_538 = tpu.vector_load %arg14[%swap3A_536, %swap3A_537] {strides = array<i32>} : memref<128x128xf32, #tpu.memory_space<vmem>>, vector<1x16xf32>,
    %swap3A_539 = vector.shape_cast %swap3A_538 : vector<1x16xf32> to vector<16xf32>
    %swap3A_540 = vector.shape_cast %broadcast_in_dim3A_1 : vector<16xf32> to vector<1x16xf32>
    tpu.vector_store %arg14[%swap3A_536, %swap3A_537], %swap3A_540 {strides = array<i32>} : memref<128x128xf32, #tpu.memory_space<vmem>>, vector<1x16xf32>,
    %swap3A_541 = arith.constant 10 : i32
    %swap3A_542 = arith.index_cast %swap3A_541 : i32 to index
    %swap3A_543 = arith.constant 0 : index
    %swap3A_544 = tpu.vector_load %arg13[%swap3A_542, %swap3A_543] {strides = array<i32>} : memref<128x16xf32, #tpu.memory_space<vmem>>, vector<1x16xf32>,
    %swap3A_545 = vector.shape_cast %swap3A_544 : vector<1x16xf32> to vector<16xf32>
    %swap3A_546 = vector.shape_cast %broadcast_in_dim3A_1 : vector<16xf32> to vector<1x16xf32>
    tpu.vector_store %arg13[%swap3A_542, %swap3A_543], %swap3A_546 {strides = array<i32>} : memref<128x16xf32, #tpu.memory_space<vmem>>, vector<1x16xf32>,
    %swap3A_547 = arith.constant 10 : i32
    %swap3A_548 = arith.index_cast %swap3A_547 : i32 to index
    %swap3A_549 = arith.constant 0 : index
    %swap3A_550 = tpu.vector_load %arg14[%swap3A_548, %swap3A_549] {strides = array<i32>} : memref<128x128xf32, #tpu.memory_space<vmem>>, vector<1x16xf32>,
    %swap3A_551 = vector.shape_cast %swap3A_550 : vector<1x16xf32> to vector<16xf32>
    %swap3A_552 = vector.shape_cast %broadcast_in_dim3A_1 : vector<16xf32> to vector<1x16xf32>
    tpu.vector_store %arg14[%swap3A_548, %swap3A_549], %swap3A_552 {strides = array<i32>} : memref<128x128xf32, #tpu.memory_space<vmem>>, vector<1x16xf32>,
    %swap3A_553 = arith.constant 10 : i32
    %swap3A_554 = arith.index_cast %swap3A_553 : i32 to index
    %swap3A_555 = arith.constant 16 : index
    %swap3A_556 = tpu.vector_load %arg14[%swap3A_554, %swap3A_555] {strides = array<i32>} : memref<128x128xf32, #tpu.memory_space<vmem>>, vector<1x16xf32>,
    %swap3A_557 = vector.shape_cast %swap3A_556 : vector<1x16xf32> to vector<16xf32>
    %swap3A_558 = vector.shape_cast %broadcast_in_dim3A_1 : vector<16xf32> to vector<1x16xf32>
    tpu.vector_store %arg14[%swap3A_554, %swap3A_555], %swap3A_558 {strides = array<i32>} : memref<128x128xf32, #tpu.memory_space<vmem>>, vector<1x16xf32>,
    %swap3A_559 = arith.constant 10 : i32
    %swap3A_560 = arith.index_cast %swap3A_559 : i32 to index
    %swap3A_561 = arith.constant 32 : index
    %swap3A_562 = tpu.vector_load %arg14[%swap3A_560, %swap3A_561] {strides = array<i32>} : memref<128x128xf32, #tpu.memory_space<vmem>>, vector<1x16xf32>,
    %swap3A_563 = vector.shape_cast %swap3A_562 : vector<1x16xf32> to vector<16xf32>
    %swap3A_564 = vector.shape_cast %broadcast_in_dim3A_1 : vector<16xf32> to vector<1x16xf32>
    tpu.vector_store %arg14[%swap3A_560, %swap3A_561], %swap3A_564 {strides = array<i32>} : memref<128x128xf32, #tpu.memory_space<vmem>>, vector<1x16xf32>,
    %swap3A_565 = arith.constant 10 : i32
    %swap3A_566 = arith.index_cast %swap3A_565 : i32 to index
    %swap3A_567 = arith.constant 48 : index
    %swap3A_568 = tpu.vector_load %arg14[%swap3A_566, %swap3A_567] {strides = array<i32>} : memref<128x128xf32, #tpu.memory_space<vmem>>, vector<1x16xf32>,
    %swap3A_569 = vector.shape_cast %swap3A_568 : vector<1x16xf32> to vector<16xf32>
    %swap3A_570 = vector.shape_cast %broadcast_in_dim3A_1 : vector<16xf32> to vector<1x16xf32>
    tpu.vector_store %arg14[%swap3A_566, %swap3A_567], %swap3A_570 {strides = array<i32>} : memref<128x128xf32, #tpu.memory_space<vmem>>, vector<1x16xf32>,
    %swap3A_571 = arith.constant 10 : i32
    %swap3A_572 = arith.index_cast %swap3A_571 : i32 to index
    %swap3A_573 = arith.constant 64 : index
    %swap3A_574 = tpu.vector_load %arg14[%swap3A_572, %swap3A_573] {strides = array<i32>} : memref<128x128xf32, #tpu.memory_space<vmem>>, vector<1x16xf32>,
    %swap3A_575 = vector.shape_cast %swap3A_574 : vector<1x16xf32> to vector<16xf32>
    %swap3A_576 = vector.shape_cast %broadcast_in_dim3A_1 : vector<16xf32> to vector<1x16xf32>
    tpu.vector_store %arg14[%swap3A_572, %swap3A_573], %swap3A_576 {strides = array<i32>} : memref<128x128xf32, #tpu.memory_space<vmem>>, vector<1x16xf32>,
    %swap3A_577 = arith.constant 10 : i32
    %swap3A_578 = arith.index_cast %swap3A_577 : i32 to index
    %swap3A_579 = arith.constant 80 : index
    %swap3A_580 = tpu.vector_load %arg14[%swap3A_578, %swap3A_579] {strides = array<i32>} : memref<128x128xf32, #tpu.memory_space<vmem>>, vector<1x16xf32>,
    %swap3A_581 = vector.shape_cast %swap3A_580 : vector<1x16xf32> to vector<16xf32>
    %swap3A_582 = vector.shape_cast %broadcast_in_dim3A_1 : vector<16xf32> to vector<1x16xf32>
    tpu.vector_store %arg14[%swap3A_578, %swap3A_579], %swap3A_582 {strides = array<i32>} : memref<128x128xf32, #tpu.memory_space<vmem>>, vector<1x16xf32>,
    %swap3A_583 = arith.constant 10 : i32
    %swap3A_584 = arith.index_cast %swap3A_583 : i32 to index
    %swap3A_585 = arith.constant 96 : index
    %swap3A_586 = tpu.vector_load %arg14[%swap3A_584, %swap3A_585] {strides = array<i32>} : memref<128x128xf32, #tpu.memory_space<vmem>>, vector<1x16xf32>,
    %swap3A_587 = vector.shape_cast %swap3A_586 : vector<1x16xf32> to vector<16xf32>
    %swap3A_588 = vector.shape_cast %broadcast_in_dim3A_1 : vector<16xf32> to vector<1x16xf32>
    tpu.vector_store %arg14[%swap3A_584, %swap3A_585], %swap3A_588 {strides = array<i32>} : memref<128x128xf32, #tpu.memory_space<vmem>>, vector<1x16xf32>,
    %swap3A_589 = arith.constant 10 : i32
    %swap3A_590 = arith.index_cast %swap3A_589 : i32 to index
    %swap3A_591 = arith.constant 112 : index
    %swap3A_592 = tpu.vector_load %arg14[%swap3A_590, %swap3A_591] {strides = array<i32>} : memref<128x128xf32, #tpu.memory_space<vmem>>, vector<1x16xf32>,
    %swap3A_593 = vector.shape_cast %swap3A_592 : vector<1x16xf32> to vector<16xf32>
    %swap3A_594 = vector.shape_cast %broadcast_in_dim3A_1 : vector<16xf32> to vector<1x16xf32>
    tpu.vector_store %arg14[%swap3A_590, %swap3A_591], %swap3A_594 {strides = array<i32>} : memref<128x128xf32, #tpu.memory_space<vmem>>, vector<1x16xf32>,
    %swap3A_595 = arith.constant 11 : i32
    %swap3A_596 = arith.index_cast %swap3A_595 : i32 to index
    %swap3A_597 = arith.constant 0 : index
    %swap3A_598 = tpu.vector_load %arg13[%swap3A_596, %swap3A_597] {strides = array<i32>} : memref<128x16xf32, #tpu.memory_space<vmem>>, vector<1x16xf32>,
    %swap3A_599 = vector.shape_cast %swap3A_598 : vector<1x16xf32> to vector<16xf32>
    %swap3A_600 = vector.shape_cast %broadcast_in_dim3A_1 : vector<16xf32> to vector<1x16xf32>
    tpu.vector_store %arg13[%swap3A_596, %swap3A_597], %swap3A_600 {strides = array<i32>} : memref<128x16xf32, #tpu.memory_space<vmem>>, vector<1x16xf32>,
    %swap3A_601 = arith.constant 11 : i32
    %swap3A_602 = arith.index_cast %swap3A_601 : i32 to index
    %swap3A_603 = arith.constant 0 : index
    %swap3A_604 = tpu.vector_load %arg14[%swap3A_602, %swap3A_603] {strides = array<i32>} : memref<128x128xf32, #tpu.memory_space<vmem>>, vector<1x16xf32>,
    %swap3A_605 = vector.shape_cast %swap3A_604 : vector<1x16xf32> to vector<16xf32>
    %swap3A_606 = vector.shape_cast %broadcast_in_dim3A_1 : vector<16xf32> to vector<1x16xf32>
    tpu.vector_store %arg14[%swap3A_602, %swap3A_603], %swap3A_606 {strides = array<i32>} : memref<128x128xf32, #tpu.memory_space<vmem>>, vector<1x16xf32>,
    %swap3A_607 = arith.constant 11 : i32
    %swap3A_608 = arith.index_cast %swap3A_607 : i32 to index
    %swap3A_609 = arith.constant 16 : index
    %swap3A_610 = tpu.vector_load %arg14[%swap3A_608, %swap3A_609] {strides = array<i32>} : memref<128x128xf32, #tpu.memory_space<vmem>>, vector<1x16xf32>,
    %swap3A_611 = vector.shape_cast %swap3A_610 : vector<1x16xf32> to vector<16xf32>
    %swap3A_612 = vector.shape_cast %broadcast_in_dim3A_1 : vector<16xf32> to vector<1x16xf32>
    tpu.vector_store %arg14[%swap3A_608, %swap3A_609], %swap3A_612 {strides = array<i32>} : memref<128x128xf32, #tpu.memory_space<vmem>>, vector<1x16xf32>,
    %swap3A_613 = arith.constant 11 : i32
    %swap3A_614 = arith.index_cast %swap3A_613 : i32 to index
    %swap3A_615 = arith.constant 32 : index
    %swap3A_616 = tpu.vector_load %arg14[%swap3A_614, %swap3A_615] {strides = array<i32>} : memref<128x128xf32, #tpu.memory_space<vmem>>, vector<1x16xf32>,
    %swap3A_617 = vector.shape_cast %swap3A_616 : vector<1x16xf32> to vector<16xf32>
    %swap3A_618 = vector.shape_cast %broadcast_in_dim3A_1 : vector<16xf32> to vector<1x16xf32>
    tpu.vector_store %arg14[%swap3A_614, %swap3A_615], %swap3A_618 {strides = array<i32>} : memref<128x128xf32, #tpu.memory_space<vmem>>, vector<1x16xf32>,
    %swap3A_619 = arith.constant 11 : i32
    %swap3A_620 = arith.index_cast %swap3A_619 : i32 to index
    %swap3A_621 = arith.constant 48 : index
    %swap3A_622 = tpu.vector_load %arg14[%swap3A_620, %swap3A_621] {strides = array<i32>} : memref<128x128xf32, #tpu.memory_space<vmem>>, vector<1x16xf32>,
    %swap3A_623 = vector.shape_cast %swap3A_622 : vector<1x16xf32> to vector<16xf32>
    %swap3A_624 = vector.shape_cast %broadcast_in_dim3A_1 : vector<16xf32> to vector<1x16xf32>
    tpu.vector_store %arg14[%swap3A_620, %swap3A_621], %swap3A_624 {strides = array<i32>} : memref<128x128xf32, #tpu.memory_space<vmem>>, vector<1x16xf32>,
    %swap3A_625 = arith.constant 11 : i32
    %swap3A_626 = arith.index_cast %swap3A_625 : i32 to index
    %swap3A_627 = arith.constant 64 : index
    %swap3A_628 = tpu.vector_load %arg14[%swap3A_626, %swap3A_627] {strides = array<i32>} : memref<128x128xf32, #tpu.memory_space<vmem>>, vector<1x16xf32>,
    %swap3A_629 = vector.shape_cast %swap3A_628 : vector<1x16xf32> to vector<16xf32>
    %swap3A_630 = vector.shape_cast %broadcast_in_dim3A_1 : vector<16xf32> to vector<1x16xf32>
    tpu.vector_store %arg14[%swap3A_626, %swap3A_627], %swap3A_630 {strides = array<i32>} : memref<128x128xf32, #tpu.memory_space<vmem>>, vector<1x16xf32>,
    %swap3A_631 = arith.constant 11 : i32
    %swap3A_632 = arith.index_cast %swap3A_631 : i32 to index
    %swap3A_633 = arith.constant 80 : index
    %swap3A_634 = tpu.vector_load %arg14[%swap3A_632, %swap3A_633] {strides = array<i32>} : memref<128x128xf32, #tpu.memory_space<vmem>>, vector<1x16xf32>,
    %swap3A_635 = vector.shape_cast %swap3A_634 : vector<1x16xf32> to vector<16xf32>
    %swap3A_636 = vector.shape_cast %broadcast_in_dim3A_1 : vector<16xf32> to vector<1x16xf32>
    tpu.vector_store %arg14[%swap3A_632, %swap3A_633], %swap3A_636 {strides = array<i32>} : memref<128x128xf32, #tpu.memory_space<vmem>>, vector<1x16xf32>,
    %swap3A_637 = arith.constant 11 : i32
    %swap3A_638 = arith.index_cast %swap3A_637 : i32 to index
    %swap3A_639 = arith.constant 96 : index
    %swap3A_640 = tpu.vector_load %arg14[%swap3A_638, %swap3A_639] {strides = array<i32>} : memref<128x128xf32, #tpu.memory_space<vmem>>, vector<1x16xf32>,
    %swap3A_641 = vector.shape_cast %swap3A_640 : vector<1x16xf32> to vector<16xf32>
    %swap3A_642 = vector.shape_cast %broadcast_in_dim3A_1 : vector<16xf32> to vector<1x16xf32>
    tpu.vector_store %arg14[%swap3A_638, %swap3A_639], %swap3A_642 {strides = array<i32>} : memref<128x128xf32, #tpu.memory_space<vmem>>, vector<1x16xf32>,
    %swap3A_643 = arith.constant 11 : i32
    %swap3A_644 = arith.index_cast %swap3A_643 : i32 to index
    %swap3A_645 = arith.constant 112 : index
    %swap3A_646 = tpu.vector_load %arg14[%swap3A_644, %swap3A_645] {strides = array<i32>} : memref<128x128xf32, #tpu.memory_space<vmem>>, vector<1x16xf32>,
    %swap3A_647 = vector.shape_cast %swap3A_646 : vector<1x16xf32> to vector<16xf32>
    %swap3A_648 = vector.shape_cast %broadcast_in_dim3A_1 : vector<16xf32> to vector<1x16xf32>
    tpu.vector_store %arg14[%swap3A_644, %swap3A_645], %swap3A_648 {strides = array<i32>} : memref<128x128xf32, #tpu.memory_space<vmem>>, vector<1x16xf32>,
    %swap3A_649 = arith.constant 12 : i32
    %swap3A_650 = arith.index_cast %swap3A_649 : i32 to index
    %swap3A_651 = arith.constant 0 : index
    %swap3A_652 = tpu.vector_load %arg13[%swap3A_650, %swap3A_651] {strides = array<i32>} : memref<128x16xf32, #tpu.memory_space<vmem>>, vector<1x16xf32>,
    %swap3A_653 = vector.shape_cast %swap3A_652 : vector<1x16xf32> to vector<16xf32>
    %swap3A_654 = vector.shape_cast %broadcast_in_dim3A_1 : vector<16xf32> to vector<1x16xf32>
    tpu.vector_store %arg13[%swap3A_650, %swap3A_651], %swap3A_654 {strides = array<i32>} : memref<128x16xf32, #tpu.memory_space<vmem>>, vector<1x16xf32>,
    %swap3A_655 = arith.constant 12 : i32
    %swap3A_656 = arith.index_cast %swap3A_655 : i32 to index
    %swap3A_657 = arith.constant 0 : index
    %swap3A_658 = tpu.vector_load %arg14[%swap3A_656, %swap3A_657] {strides = array<i32>} : memref<128x128xf32, #tpu.memory_space<vmem>>, vector<1x16xf32>,
    %swap3A_659 = vector.shape_cast %swap3A_658 : vector<1x16xf32> to vector<16xf32>
    %swap3A_660 = vector.shape_cast %broadcast_in_dim3A_1 : vector<16xf32> to vector<1x16xf32>
    tpu.vector_store %arg14[%swap3A_656, %swap3A_657], %swap3A_660 {strides = array<i32>} : memref<128x128xf32, #tpu.memory_space<vmem>>, vector<1x16xf32>,
    %swap3A_661 = arith.constant 12 : i32
    %swap3A_662 = arith.index_cast %swap3A_661 : i32 to index
    %swap3A_663 = arith.constant 16 : index
    %swap3A_664 = tpu.vector_load %arg14[%swap3A_662, %swap3A_663] {strides = array<i32>} : memref<128x128xf32, #tpu.memory_space<vmem>>, vector<1x16xf32>,
    %swap3A_665 = vector.shape_cast %swap3A_664 : vector<1x16xf32> to vector<16xf32>
    %swap3A_666 = vector.shape_cast %broadcast_in_dim3A_1 : vector<16xf32> to vector<1x16xf32>
    tpu.vector_store %arg14[%swap3A_662, %swap3A_663], %swap3A_666 {strides = array<i32>} : memref<128x128xf32, #tpu.memory_space<vmem>>, vector<1x16xf32>,
    %swap3A_667 = arith.constant 12 : i32
    %swap3A_668 = arith.index_cast %swap3A_667 : i32 to index
    %swap3A_669 = arith.constant 32 : index
    %swap3A_670 = tpu.vector_load %arg14[%swap3A_668, %swap3A_669] {strides = array<i32>} : memref<128x128xf32, #tpu.memory_space<vmem>>, vector<1x16xf32>,
    %swap3A_671 = vector.shape_cast %swap3A_670 : vector<1x16xf32> to vector<16xf32>
    %swap3A_672 = vector.shape_cast %broadcast_in_dim3A_1 : vector<16xf32> to vector<1x16xf32>
    tpu.vector_store %arg14[%swap3A_668, %swap3A_669], %swap3A_672 {strides = array<i32>} : memref<128x128xf32, #tpu.memory_space<vmem>>, vector<1x16xf32>,
    %swap3A_673 = arith.constant 12 : i32
    %swap3A_674 = arith.index_cast %swap3A_673 : i32 to index
    %swap3A_675 = arith.constant 48 : index
    %swap3A_676 = tpu.vector_load %arg14[%swap3A_674, %swap3A_675] {strides = array<i32>} : memref<128x128xf32, #tpu.memory_space<vmem>>, vector<1x16xf32>,
    %swap3A_677 = vector.shape_cast %swap3A_676 : vector<1x16xf32> to vector<16xf32>
    %swap3A_678 = vector.shape_cast %broadcast_in_dim3A_1 : vector<16xf32> to vector<1x16xf32>
    tpu.vector_store %arg14[%swap3A_674, %swap3A_675], %swap3A_678 {strides = array<i32>} : memref<128x128xf32, #tpu.memory_space<vmem>>, vector<1x16xf32>,
    %swap3A_679 = arith.constant 12 : i32
    %swap3A_680 = arith.index_cast %swap3A_679 : i32 to index
    %swap3A_681 = arith.constant 64 : index
    %swap3A_682 = tpu.vector_load %arg14[%swap3A_680, %swap3A_681] {strides = array<i32>} : memref<128x128xf32, #tpu.memory_space<vmem>>, vector<1x16xf32>,
    %swap3A_683 = vector.shape_cast %swap3A_682 : vector<1x16xf32> to vector<16xf32>
    %swap3A_684 = vector.shape_cast %broadcast_in_dim3A_1 : vector<16xf32> to vector<1x16xf32>
    tpu.vector_store %arg14[%swap3A_680, %swap3A_681], %swap3A_684 {strides = array<i32>} : memref<128x128xf32, #tpu.memory_space<vmem>>, vector<1x16xf32>,
    %swap3A_685 = arith.constant 12 : i32
    %swap3A_686 = arith.index_cast %swap3A_685 : i32 to index
    %swap3A_687 = arith.constant 80 : index
    %swap3A_688 = tpu.vector_load %arg14[%swap3A_686, %swap3A_687] {strides = array<i32>} : memref<128x128xf32, #tpu.memory_space<vmem>>, vector<1x16xf32>,
    %swap3A_689 = vector.shape_cast %swap3A_688 : vector<1x16xf32> to vector<16xf32>
    %swap3A_690 = vector.shape_cast %broadcast_in_dim3A_1 : vector<16xf32> to vector<1x16xf32>
    tpu.vector_store %arg14[%swap3A_686, %swap3A_687], %swap3A_690 {strides = array<i32>} : memref<128x128xf32, #tpu.memory_space<vmem>>, vector<1x16xf32>,
    %swap3A_691 = arith.constant 12 : i32
    %swap3A_692 = arith.index_cast %swap3A_691 : i32 to index
    %swap3A_693 = arith.constant 96 : index
    %swap3A_694 = tpu.vector_load %arg14[%swap3A_692, %swap3A_693] {strides = array<i32>} : memref<128x128xf32, #tpu.memory_space<vmem>>, vector<1x16xf32>,
    %swap3A_695 = vector.shape_cast %swap3A_694 : vector<1x16xf32> to vector<16xf32>
    %swap3A_696 = vector.shape_cast %broadcast_in_dim3A_1 : vector<16xf32> to vector<1x16xf32>
    tpu.vector_store %arg14[%swap3A_692, %swap3A_693], %swap3A_696 {strides = array<i32>} : memref<128x128xf32, #tpu.memory_space<vmem>>, vector<1x16xf32>,
    %swap3A_697 = arith.constant 12 : i32
    %swap3A_698 = arith.index_cast %swap3A_697 : i32 to index
    %swap3A_699 = arith.constant 112 : index
    %swap3A_700 = tpu.vector_load %arg14[%swap3A_698, %swap3A_699] {strides = array<i32>} : memref<128x128xf32, #tpu.memory_space<vmem>>, vector<1x16xf32>,
    %swap3A_701 = vector.shape_cast %swap3A_700 : vector<1x16xf32> to vector<16xf32>
    %swap3A_702 = vector.shape_cast %broadcast_in_dim3A_1 : vector<16xf32> to vector<1x16xf32>
    tpu.vector_store %arg14[%swap3A_698, %swap3A_699], %swap3A_702 {strides = array<i32>} : memref<128x128xf32, #tpu.memory_space<vmem>>, vector<1x16xf32>,
    %swap3A_703 = arith.constant 13 : i32
    %swap3A_704 = arith.index_cast %swap3A_703 : i32 to index
    %swap3A_705 = arith.constant 0 : index
    %swap3A_706 = tpu.vector_load %arg13[%swap3A_704, %swap3A_705] {strides = array<i32>} : memref<128x16xf32, #tpu.memory_space<vmem>>, vector<1x16xf32>,
    %swap3A_707 = vector.shape_cast %swap3A_706 : vector<1x16xf32> to vector<16xf32>
    %swap3A_708 = vector.shape_cast %broadcast_in_dim3A_1 : vector<16xf32> to vector<1x16xf32>
    tpu.vector_store %arg13[%swap3A_704, %swap3A_705], %swap3A_708 {strides = array<i32>} : memref<128x16xf32, #tpu.memory_space<vmem>>, vector<1x16xf32>,
    %swap3A_709 = arith.constant 13 : i32
    %swap3A_710 = arith.index_cast %swap3A_709 : i32 to index
    %swap3A_711 = arith.constant 0 : index
    %swap3A_712 = tpu.vector_load %arg14[%swap3A_710, %swap3A_711] {strides = array<i32>} : memref<128x128xf32, #tpu.memory_space<vmem>>, vector<1x16xf32>,
    %swap3A_713 = vector.shape_cast %swap3A_712 : vector<1x16xf32> to vector<16xf32>
    %swap3A_714 = vector.shape_cast %broadcast_in_dim3A_1 : vector<16xf32> to vector<1x16xf32>
    tpu.vector_store %arg14[%swap3A_710, %swap3A_711], %swap3A_714 {strides = array<i32>} : memref<128x128xf32, #tpu.memory_space<vmem>>, vector<1x16xf32>,
    %swap3A_715 = arith.constant 13 : i32
    %swap3A_716 = arith.index_cast %swap3A_715 : i32 to index
    %swap3A_717 = arith.constant 16 : index
    %swap3A_718 = tpu.vector_load %arg14[%swap3A_716, %swap3A_717] {strides = array<i32>} : memref<128x128xf32, #tpu.memory_space<vmem>>, vector<1x16xf32>,
    %swap3A_719 = vector.shape_cast %swap3A_718 : vector<1x16xf32> to vector<16xf32>
    %swap3A_720 = vector.shape_cast %broadcast_in_dim3A_1 : vector<16xf32> to vector<1x16xf32>
    tpu.vector_store %arg14[%swap3A_716, %swap3A_717], %swap3A_720 {strides = array<i32>} : memref<128x128xf32, #tpu.memory_space<vmem>>, vector<1x16xf32>,
    %swap3A_721 = arith.constant 13 : i32
    %swap3A_722 = arith.index_cast %swap3A_721 : i32 to index
    %swap3A_723 = arith.constant 32 : index
    %swap3A_724 = tpu.vector_load %arg14[%swap3A_722, %swap3A_723] {strides = array<i32>} : memref<128x128xf32, #tpu.memory_space<vmem>>, vector<1x16xf32>,
    %swap3A_725 = vector.shape_cast %swap3A_724 : vector<1x16xf32> to vector<16xf32>
    %swap3A_726 = vector.shape_cast %broadcast_in_dim3A_1 : vector<16xf32> to vector<1x16xf32>
    tpu.vector_store %arg14[%swap3A_722, %swap3A_723], %swap3A_726 {strides = array<i32>} : memref<128x128xf32, #tpu.memory_space<vmem>>, vector<1x16xf32>,
    %swap3A_727 = arith.constant 13 : i32
    %swap3A_728 = arith.index_cast %swap3A_727 : i32 to index
    %swap3A_729 = arith.constant 48 : index
    %swap3A_730 = tpu.vector_load %arg14[%swap3A_728, %swap3A_729] {strides = array<i32>} : memref<128x128xf32, #tpu.memory_space<vmem>>, vector<1x16xf32>,
    %swap3A_731 = vector.shape_cast %swap3A_730 : vector<1x16xf32> to vector<16xf32>
    %swap3A_732 = vector.shape_cast %broadcast_in_dim3A_1 : vector<16xf32> to vector<1x16xf32>
    tpu.vector_store %arg14[%swap3A_728, %swap3A_729], %swap3A_732 {strides = array<i32>} : memref<128x128xf32, #tpu.memory_space<vmem>>, vector<1x16xf32>,
    %swap3A_733 = arith.constant 13 : i32
    %swap3A_734 = arith.index_cast %swap3A_733 : i32 to index
    %swap3A_735 = arith.constant 64 : index
    %swap3A_736 = tpu.vector_load %arg14[%swap3A_734, %swap3A_735] {strides = array<i32>} : memref<128x128xf32, #tpu.memory_space<vmem>>, vector<1x16xf32>,
    %swap3A_737 = vector.shape_cast %swap3A_736 : vector<1x16xf32> to vector<16xf32>
    %swap3A_738 = vector.shape_cast %broadcast_in_dim3A_1 : vector<16xf32> to vector<1x16xf32>
    tpu.vector_store %arg14[%swap3A_734, %swap3A_735], %swap3A_738 {strides = array<i32>} : memref<128x128xf32, #tpu.memory_space<vmem>>, vector<1x16xf32>,
    %swap3A_739 = arith.constant 13 : i32
    %swap3A_740 = arith.index_cast %swap3A_739 : i32 to index
    %swap3A_741 = arith.constant 80 : index
    %swap3A_742 = tpu.vector_load %arg14[%swap3A_740, %swap3A_741] {strides = array<i32>} : memref<128x128xf32, #tpu.memory_space<vmem>>, vector<1x16xf32>,
    %swap3A_743 = vector.shape_cast %swap3A_742 : vector<1x16xf32> to vector<16xf32>
    %swap3A_744 = vector.shape_cast %broadcast_in_dim3A_1 : vector<16xf32> to vector<1x16xf32>
    tpu.vector_store %arg14[%swap3A_740, %swap3A_741], %swap3A_744 {strides = array<i32>} : memref<128x128xf32, #tpu.memory_space<vmem>>, vector<1x16xf32>,
    %swap3A_745 = arith.constant 13 : i32
    %swap3A_746 = arith.index_cast %swap3A_745 : i32 to index
    %swap3A_747 = arith.constant 96 : index
    %swap3A_748 = tpu.vector_load %arg14[%swap3A_746, %swap3A_747] {strides = array<i32>} : memref<128x128xf32, #tpu.memory_space<vmem>>, vector<1x16xf32>,
    %swap3A_749 = vector.shape_cast %swap3A_748 : vector<1x16xf32> to vector<16xf32>
    %swap3A_750 = vector.shape_cast %broadcast_in_dim3A_1 : vector<16xf32> to vector<1x16xf32>
    tpu.vector_store %arg14[%swap3A_746, %swap3A_747], %swap3A_750 {strides = array<i32>} : memref<128x128xf32, #tpu.memory_space<vmem>>, vector<1x16xf32>,
    %swap3A_751 = arith.constant 13 : i32
    %swap3A_752 = arith.index_cast %swap3A_751 : i32 to index
    %swap3A_753 = arith.constant 112 : index
    %swap3A_754 = tpu.vector_load %arg14[%swap3A_752, %swap3A_753] {strides = array<i32>} : memref<128x128xf32, #tpu.memory_space<vmem>>, vector<1x16xf32>,
    %swap3A_755 = vector.shape_cast %swap3A_754 : vector<1x16xf32> to vector<16xf32>
    %swap3A_756 = vector.shape_cast %broadcast_in_dim3A_1 : vector<16xf32> to vector<1x16xf32>
    tpu.vector_store %arg14[%swap3A_752, %swap3A_753], %swap3A_756 {strides = array<i32>} : memref<128x128xf32, #tpu.memory_space<vmem>>, vector<1x16xf32>,
    %swap3A_757 = arith.constant 14 : i32
    %swap3A_758 = arith.index_cast %swap3A_757 : i32 to index
    %swap3A_759 = arith.constant 0 : index
    %swap3A_760 = tpu.vector_load %arg13[%swap3A_758, %swap3A_759] {strides = array<i32>} : memref<128x16xf32, #tpu.memory_space<vmem>>, vector<1x16xf32>,
    %swap3A_761 = vector.shape_cast %swap3A_760 : vector<1x16xf32> to vector<16xf32>
    %swap3A_762 = vector.shape_cast %broadcast_in_dim3A_1 : vector<16xf32> to vector<1x16xf32>
    tpu.vector_store %arg13[%swap3A_758, %swap3A_759], %swap3A_762 {strides = array<i32>} : memref<128x16xf32, #tpu.memory_space<vmem>>, vector<1x16xf32>,
    %swap3A_763 = arith.constant 14 : i32
    %swap3A_764 = arith.index_cast %swap3A_763 : i32 to index
    %swap3A_765 = arith.constant 0 : index
    %swap3A_766 = tpu.vector_load %arg14[%swap3A_764, %swap3A_765] {strides = array<i32>} : memref<128x128xf32, #tpu.memory_space<vmem>>, vector<1x16xf32>,
    %swap3A_767 = vector.shape_cast %swap3A_766 : vector<1x16xf32> to vector<16xf32>
    %swap3A_768 = vector.shape_cast %broadcast_in_dim3A_1 : vector<16xf32> to vector<1x16xf32>
    tpu.vector_store %arg14[%swap3A_764, %swap3A_765], %swap3A_768 {strides = array<i32>} : memref<128x128xf32, #tpu.memory_space<vmem>>, vector<1x16xf32>,
    %swap3A_769 = arith.constant 14 : i32
    %swap3A_770 = arith.index_cast %swap3A_769 : i32 to index
    %swap3A_771 = arith.constant 16 : index
    %swap3A_772 = tpu.vector_load %arg14[%swap3A_770, %swap3A_771] {strides = array<i32>} : memref<128x128xf32, #tpu.memory_space<vmem>>, vector<1x16xf32>,
    %swap3A_773 = vector.shape_cast %swap3A_772 : vector<1x16xf32> to vector<16xf32>
    %swap3A_774 = vector.shape_cast %broadcast_in_dim3A_1 : vector<16xf32> to vector<1x16xf32>
    tpu.vector_store %arg14[%swap3A_770, %swap3A_771], %swap3A_774 {strides = array<i32>} : memref<128x128xf32, #tpu.memory_space<vmem>>, vector<1x16xf32>,
    %swap3A_775 = arith.constant 14 : i32
    %swap3A_776 = arith.index_cast %swap3A_775 : i32 to index
    %swap3A_777 = arith.constant 32 : index
    %swap3A_778 = tpu.vector_load %arg14[%swap3A_776, %swap3A_777] {strides = array<i32>} : memref<128x128xf32, #tpu.memory_space<vmem>>, vector<1x16xf32>,
    %swap3A_779 = vector.shape_cast %swap3A_778 : vector<1x16xf32> to vector<16xf32>
    %swap3A_780 = vector.shape_cast %broadcast_in_dim3A_1 : vector<16xf32> to vector<1x16xf32>
    tpu.vector_store %arg14[%swap3A_776, %swap3A_777], %swap3A_780 {strides = array<i32>} : memref<128x128xf32, #tpu.memory_space<vmem>>, vector<1x16xf32>,
    %swap3A_781 = arith.constant 14 : i32
    %swap3A_782 = arith.index_cast %swap3A_781 : i32 to index
    %swap3A_783 = arith.constant 48 : index
    %swap3A_784 = tpu.vector_load %arg14[%swap3A_782, %swap3A_783] {strides = array<i32>} : memref<128x128xf32, #tpu.memory_space<vmem>>, vector<1x16xf32>,
    %swap3A_785 = vector.shape_cast %swap3A_784 : vector<1x16xf32> to vector<16xf32>
    %swap3A_786 = vector.shape_cast %broadcast_in_dim3A_1 : vector<16xf32> to vector<1x16xf32>
    tpu.vector_store %arg14[%swap3A_782, %swap3A_783], %swap3A_786 {strides = array<i32>} : memref<128x128xf32, #tpu.memory_space<vmem>>, vector<1x16xf32>,
    %swap3A_787 = arith.constant 14 : i32
    %swap3A_788 = arith.index_cast %swap3A_787 : i32 to index
    %swap3A_789 = arith.constant 64 : index
    %swap3A_790 = tpu.vector_load %arg14[%swap3A_788, %swap3A_789] {strides = array<i32>} : memref<128x128xf32, #tpu.memory_space<vmem>>, vector<1x16xf32>,
    %swap3A_791 = vector.shape_cast %swap3A_790 : vector<1x16xf32> to vector<16xf32>
    %swap3A_792 = vector.shape_cast %broadcast_in_dim3A_1 : vector<16xf32> to vector<1x16xf32>
    tpu.vector_store %arg14[%swap3A_788, %swap3A_789], %swap3A_792 {strides = array<i32>} : memref<128x128xf32, #tpu.memory_space<vmem>>, vector<1x16xf32>,
    %swap3A_793 = arith.constant 14 : i32
    %swap3A_794 = arith.index_cast %swap3A_793 : i32 to index
    %swap3A_795 = arith.constant 80 : index
    %swap3A_796 = tpu.vector_load %arg14[%swap3A_794, %swap3A_795] {strides = array<i32>} : memref<128x128xf32, #tpu.memory_space<vmem>>, vector<1x16xf32>,
    %swap3A_797 = vector.shape_cast %swap3A_796 : vector<1x16xf32> to vector<16xf32>
    %swap3A_798 = vector.shape_cast %broadcast_in_dim3A_1 : vector<16xf32> to vector<1x16xf32>
    tpu.vector_store %arg14[%swap3A_794, %swap3A_795], %swap3A_798 {strides = array<i32>} : memref<128x128xf32, #tpu.memory_space<vmem>>, vector<1x16xf32>,
    %swap3A_799 = arith.constant 14 : i32
    %swap3A_800 = arith.index_cast %swap3A_799 : i32 to index
    %swap3A_801 = arith.constant 96 : index
    %swap3A_802 = tpu.vector_load %arg14[%swap3A_800, %swap3A_801] {strides = array<i32>} : memref<128x128xf32, #tpu.memory_space<vmem>>, vector<1x16xf32>,
    %swap3A_803 = vector.shape_cast %swap3A_802 : vector<1x16xf32> to vector<16xf32>
    %swap3A_804 = vector.shape_cast %broadcast_in_dim3A_1 : vector<16xf32> to vector<1x16xf32>
    tpu.vector_store %arg14[%swap3A_800, %swap3A_801], %swap3A_804 {strides = array<i32>} : memref<128x128xf32, #tpu.memory_space<vmem>>, vector<1x16xf32>,
    %swap3A_805 = arith.constant 14 : i32
    %swap3A_806 = arith.index_cast %swap3A_805 : i32 to index
    %swap3A_807 = arith.constant 112 : index
    %swap3A_808 = tpu.vector_load %arg14[%swap3A_806, %swap3A_807] {strides = array<i32>} : memref<128x128xf32, #tpu.memory_space<vmem>>, vector<1x16xf32>,
    %swap3A_809 = vector.shape_cast %swap3A_808 : vector<1x16xf32> to vector<16xf32>
    %swap3A_810 = vector.shape_cast %broadcast_in_dim3A_1 : vector<16xf32> to vector<1x16xf32>
    tpu.vector_store %arg14[%swap3A_806, %swap3A_807], %swap3A_810 {strides = array<i32>} : memref<128x128xf32, #tpu.memory_space<vmem>>, vector<1x16xf32>,
    %swap3A_811 = arith.constant 15 : i32
    %swap3A_812 = arith.index_cast %swap3A_811 : i32 to index
    %swap3A_813 = arith.constant 0 : index
    %swap3A_814 = tpu.vector_load %arg13[%swap3A_812, %swap3A_813] {strides = array<i32>} : memref<128x16xf32, #tpu.memory_space<vmem>>, vector<1x16xf32>,
    %swap3A_815 = vector.shape_cast %swap3A_814 : vector<1x16xf32> to vector<16xf32>
    %swap3A_816 = vector.shape_cast %broadcast_in_dim3A_1 : vector<16xf32> to vector<1x16xf32>
    tpu.vector_store %arg13[%swap3A_812, %swap3A_813], %swap3A_816 {strides = array<i32>} : memref<128x16xf32, #tpu.memory_space<vmem>>, vector<1x16xf32>,
    %swap3A_817 = arith.constant 15 : i32
    %swap3A_818 = arith.index_cast %swap3A_817 : i32 to index
    %swap3A_819 = arith.constant 0 : index
    %swap3A_820 = tpu.vector_load %arg14[%swap3A_818, %swap3A_819] {strides = array<i32>} : memref<128x128xf32, #tpu.memory_space<vmem>>, vector<1x16xf32>,
    %swap3A_821 = vector.shape_cast %swap3A_820 : vector<1x16xf32> to vector<16xf32>
    %swap3A_822 = vector.shape_cast %broadcast_in_dim3A_1 : vector<16xf32> to vector<1x16xf32>
    tpu.vector_store %arg14[%swap3A_818, %swap3A_819], %swap3A_822 {strides = array<i32>} : memref<128x128xf32, #tpu.memory_space<vmem>>, vector<1x16xf32>,
    %swap3A_823 = arith.constant 15 : i32
    %swap3A_824 = arith.index_cast %swap3A_823 : i32 to index
    %swap3A_825 = arith.constant 16 : index
    %swap3A_826 = tpu.vector_load %arg14[%swap3A_824, %swap3A_825] {strides = array<i32>} : memref<128x128xf32, #tpu.memory_space<vmem>>, vector<1x16xf32>,
    %swap3A_827 = vector.shape_cast %swap3A_826 : vector<1x16xf32> to vector<16xf32>
    %swap3A_828 = vector.shape_cast %broadcast_in_dim3A_1 : vector<16xf32> to vector<1x16xf32>
    tpu.vector_store %arg14[%swap3A_824, %swap3A_825], %swap3A_828 {strides = array<i32>} : memref<128x128xf32, #tpu.memory_space<vmem>>, vector<1x16xf32>,
    %swap3A_829 = arith.constant 15 : i32
    %swap3A_830 = arith.index_cast %swap3A_829 : i32 to index
    %swap3A_831 = arith.constant 32 : index
    %swap3A_832 = tpu.vector_load %arg14[%swap3A_830, %swap3A_831] {strides = array<i32>} : memref<128x128xf32, #tpu.memory_space<vmem>>, vector<1x16xf32>,
    %swap3A_833 = vector.shape_cast %swap3A_832 : vector<1x16xf32> to vector<16xf32>
    %swap3A_834 = vector.shape_cast %broadcast_in_dim3A_1 : vector<16xf32> to vector<1x16xf32>
    tpu.vector_store %arg14[%swap3A_830, %swap3A_831], %swap3A_834 {strides = array<i32>} : memref<128x128xf32, #tpu.memory_space<vmem>>, vector<1x16xf32>,
    %swap3A_835 = arith.constant 15 : i32
    %swap3A_836 = arith.index_cast %swap3A_835 : i32 to index
    %swap3A_837 = arith.constant 48 : index
    %swap3A_838 = tpu.vector_load %arg14[%swap3A_836, %swap3A_837] {strides = array<i32>} : memref<128x128xf32, #tpu.memory_space<vmem>>, vector<1x16xf32>,
    %swap3A_839 = vector.shape_cast %swap3A_838 : vector<1x16xf32> to vector<16xf32>
    %swap3A_840 = vector.shape_cast %broadcast_in_dim3A_1 : vector<16xf32> to vector<1x16xf32>
    tpu.vector_store %arg14[%swap3A_836, %swap3A_837], %swap3A_840 {strides = array<i32>} : memref<128x128xf32, #tpu.memory_space<vmem>>, vector<1x16xf32>,
    %swap3A_841 = arith.constant 15 : i32
    %swap3A_842 = arith.index_cast %swap3A_841 : i32 to index
    %swap3A_843 = arith.constant 64 : index
    %swap3A_844 = tpu.vector_load %arg14[%swap3A_842, %swap3A_843] {strides = array<i32>} : memref<128x128xf32, #tpu.memory_space<vmem>>, vector<1x16xf32>,
    %swap3A_845 = vector.shape_cast %swap3A_844 : vector<1x16xf32> to vector<16xf32>
    %swap3A_846 = vector.shape_cast %broadcast_in_dim3A_1 : vector<16xf32> to vector<1x16xf32>
    tpu.vector_store %arg14[%swap3A_842, %swap3A_843], %swap3A_846 {strides = array<i32>} : memref<128x128xf32, #tpu.memory_space<vmem>>, vector<1x16xf32>,
    %swap3A_847 = arith.constant 15 : i32
    %swap3A_848 = arith.index_cast %swap3A_847 : i32 to index
    %swap3A_849 = arith.constant 80 : index
    %swap3A_850 = tpu.vector_load %arg14[%swap3A_848, %swap3A_849] {strides = array<i32>} : memref<128x128xf32, #tpu.memory_space<vmem>>, vector<1x16xf32>,
    %swap3A_851 = vector.shape_cast %swap3A_850 : vector<1x16xf32> to vector<16xf32>
    %swap3A_852 = vector.shape_cast %broadcast_in_dim3A_1 : vector<16xf32> to vector<1x16xf32>
    tpu.vector_store %arg14[%swap3A_848, %swap3A_849], %swap3A_852 {strides = array<i32>} : memref<128x128xf32, #tpu.memory_space<vmem>>, vector<1x16xf32>,
    %swap3A_853 = arith.constant 15 : i32
    %swap3A_854 = arith.index_cast %swap3A_853 : i32 to index
    %swap3A_855 = arith.constant 96 : index
    %swap3A_856 = tpu.vector_load %arg14[%swap3A_854, %swap3A_855] {strides = array<i32>} : memref<128x128xf32, #tpu.memory_space<vmem>>, vector<1x16xf32>,
    %swap3A_857 = vector.shape_cast %swap3A_856 : vector<1x16xf32> to vector<16xf32>
    %swap3A_858 = vector.shape_cast %broadcast_in_dim3A_1 : vector<16xf32> to vector<1x16xf32>
    tpu.vector_store %arg14[%swap3A_854, %swap3A_855], %swap3A_858 {strides = array<i32>} : memref<128x128xf32, #tpu.memory_space<vmem>>, vector<1x16xf32>,
    %swap3A_859 = arith.constant 15 : i32
    %swap3A_860 = arith.index_cast %swap3A_859 : i32 to index
    %swap3A_861 = arith.constant 112 : index
    %swap3A_862 = tpu.vector_load %arg14[%swap3A_860, %swap3A_861] {strides = array<i32>} : memref<128x128xf32, #tpu.memory_space<vmem>>, vector<1x16xf32>,
    %swap3A_863 = vector.shape_cast %swap3A_862 : vector<1x16xf32> to vector<16xf32>
    %swap3A_864 = vector.shape_cast %broadcast_in_dim3A_1 : vector<16xf32> to vector<1x16xf32>
    tpu.vector_store %arg14[%swap3A_860, %swap3A_861], %swap3A_864 {strides = array<i32>} : memref<128x128xf32, #tpu.memory_space<vmem>>, vector<1x16xf32>,
    %mul3A_865 = arith.constant 640 : i32
    %mul3A_866 = arith.muli %arg1, %mul3A_865 : i32
    %scan3A = arith.constant 0 : i32
    %scan3A_867 = arith.constant 0 : i32
    %scan3A_868 = arith.constant 40 : i32
    %scan3A_869 = arith.addi %scan3A_867, %scan3A_868 : i32
    %scan3A_870 = arith.constant 1 : i32
    %scan3A_871 = scf.for %scan3A_883 = %scan3A_867 to %scan3A_869 step %scan3A_870 iter_args(%scan3A_884 = %scan3A) -> (i32)  : i32 {
      %mul3A_885 = arith.constant 16 : i32
      %mul3A_886 = arith.muli %scan3A_883, %mul3A_885 : i32
      %add3A_887 = arith.addi %mul3A_866, %mul3A_886 : i32
      "tpu.region"() ({
        %run_scoped3A = tpu.sem_alloc : memref<!tpu.dma_semaphore, #tpu.memory_space<semaphore_mem>>
        %dma_start3A = arith.constant 0 : i32
        %dma_start3A_892 = arith.constant 0 : i32
        %dma_start3A_893 = tpu.memref_slice %arg14[%dma_start3A, %dma_start3A_892] : memref<128x128xf32, #tpu.memory_space<vmem>> -> memref<16x128xf32, #tpu.memory_space<vmem>>
        %dma_start3A_894 = arith.constant 0 : i32
        %dma_start3A_895 = tpu.memref_slice %arg15[%add3A_887, %dma_start3A_894] : memref<10240x128xf32, #tpu.memory_space<vmem_shared>> -> memref<16x128xf32, #tpu.memory_space<vmem_shared>>
        %dma_start3A_896 = arith.constant 0 : i32
        %dma_start3A_897 = tpu.memref_slice %arg15[%add3A_887, %dma_start3A_896] : memref<10240x128xf32, #tpu.memory_space<vmem_shared>> -> memref<16x128xf32, #tpu.memory_space<vmem_shared>>
        %dma_start3A_898 = arith.constant 0 : i32
        %dma_start3A_899 = arith.constant 0 : i32
        %dma_start3A_900 = tpu.memref_slice %arg14[%dma_start3A_898, %dma_start3A_899] : memref<128x128xf32, #tpu.memory_space<vmem>> -> memref<16x128xf32, #tpu.memory_space<vmem>>
        tpu.enqueue_dma source(%dma_start3A_900 : memref<16x128xf32, #tpu.memory_space<vmem>>) target(%dma_start3A_897 : memref<16x128xf32, #tpu.memory_space<vmem_shared>>) target_semaphore(%run_scoped3A : memref<!tpu.dma_semaphore, #tpu.memory_space<semaphore_mem>>)
        %dma_wait3A = arith.constant 0 : i32
        %dma_wait3A_901 = arith.constant 0 : i32
        %dma_wait3A_902 = tpu.memref_slice %arg14[%dma_wait3A, %dma_wait3A_901] : memref<128x128xf32, #tpu.memory_space<vmem>> -> memref<16x128xf32, #tpu.memory_space<vmem>>
        %dma_wait3A_903 = arith.constant 0 : i32
        %dma_wait3A_904 = tpu.memref_slice %arg15[%add3A_887, %dma_wait3A_903] : memref<10240x128xf32, #tpu.memory_space<vmem_shared>> -> memref<16x128xf32, #tpu.memory_space<vmem_shared>>
        %dma_wait3A_905 = arith.constant 0 : i32
        %dma_wait3A_906 = tpu.memref_slice %arg15[%add3A_887, %dma_wait3A_905] : memref<10240x128xf32, #tpu.memory_space<vmem_shared>> -> memref<16x128xf32, #tpu.memory_space<vmem_shared>>
        %dma_wait3A_907 = arith.constant 0 : i32
        %dma_wait3A_908 = arith.constant 0 : i32
        %dma_wait3A_909 = tpu.memref_slice %arg14[%dma_wait3A_907, %dma_wait3A_908] : memref<128x128xf32, #tpu.memory_space<vmem>> -> memref<16x128xf32, #tpu.memory_space<vmem>>
        tpu.wait_dma2 semaphore(%run_scoped3A : memref<!tpu.dma_semaphore, #tpu.memory_space<semaphore_mem>>) src(%dma_wait3A_909 : memref<16x128xf32, #tpu.memory_space<vmem>>) dst(%dma_wait3A_906 : memref<16x128xf32, #tpu.memory_space<vmem_shared>>)
        tpu.yield
      }) : () -> ()
      %mul3A_888 = arith.constant 16 : i32
      %mul3A_889 = arith.muli %scan3A_883, %mul3A_888 : i32
      %add3A_890 = arith.addi %mul3A_866, %mul3A_889 : i32
      "tpu.region"() ({
        %run_scoped3A = tpu.sem_alloc : memref<!tpu.dma_semaphore, #tpu.memory_space<semaphore_mem>>
        %dma_start3A = arith.constant 0 : i32
        %dma_start3A_892 = arith.constant 0 : i32
        %dma_start3A_893 = tpu.memref_slice %arg13[%dma_start3A, %dma_start3A_892] : memref<128x16xf32, #tpu.memory_space<vmem>> -> memref<16x16xf32, #tpu.memory_space<vmem>>
        %dma_start3A_894 = arith.constant 0 : i32
        %dma_start3A_895 = tpu.memref_slice %arg16[%add3A_890, %dma_start3A_894] : memref<10240x16xf32, #tpu.memory_space<vmem_shared>> -> memref<16x16xf32, #tpu.memory_space<vmem_shared>>
        %dma_start3A_896 = arith.constant 0 : i32
        %dma_start3A_897 = tpu.memref_slice %arg16[%add3A_890, %dma_start3A_896] : memref<10240x16xf32, #tpu.memory_space<vmem_shared>> -> memref<16x16xf32, #tpu.memory_space<vmem_shared>>
        %dma_start3A_898 = arith.constant 0 : i32
        %dma_start3A_899 = arith.constant 0 : i32
        %dma_start3A_900 = tpu.memref_slice %arg13[%dma_start3A_898, %dma_start3A_899] : memref<128x16xf32, #tpu.memory_space<vmem>> -> memref<16x16xf32, #tpu.memory_space<vmem>>
        tpu.enqueue_dma source(%dma_start3A_900 : memref<16x16xf32, #tpu.memory_space<vmem>>) target(%dma_start3A_897 : memref<16x16xf32, #tpu.memory_space<vmem_shared>>) target_semaphore(%run_scoped3A : memref<!tpu.dma_semaphore, #tpu.memory_space<semaphore_mem>>)
        %dma_wait3A = arith.constant 0 : i32
        %dma_wait3A_901 = arith.constant 0 : i32
        %dma_wait3A_902 = tpu.memref_slice %arg13[%dma_wait3A, %dma_wait3A_901] : memref<128x16xf32, #tpu.memory_space<vmem>> -> memref<16x16xf32, #tpu.memory_space<vmem>>
        %dma_wait3A_903 = arith.constant 0 : i32
        %dma_wait3A_904 = tpu.memref_slice %arg16[%add3A_890, %dma_wait3A_903] : memref<10240x16xf32, #tpu.memory_space<vmem_shared>> -> memref<16x16xf32, #tpu.memory_space<vmem_shared>>
        %dma_wait3A_905 = arith.constant 0 : i32
        %dma_wait3A_906 = tpu.memref_slice %arg16[%add3A_890, %dma_wait3A_905] : memref<10240x16xf32, #tpu.memory_space<vmem_shared>> -> memref<16x16xf32, #tpu.memory_space<vmem_shared>>
        %dma_wait3A_907 = arith.constant 0 : i32
        %dma_wait3A_908 = arith.constant 0 : i32
        %dma_wait3A_909 = tpu.memref_slice %arg13[%dma_wait3A_907, %dma_wait3A_908] : memref<128x16xf32, #tpu.memory_space<vmem>> -> memref<16x16xf32, #tpu.memory_space<vmem>>
        tpu.wait_dma2 semaphore(%run_scoped3A : memref<!tpu.dma_semaphore, #tpu.memory_space<semaphore_mem>>) src(%dma_wait3A_909 : memref<16x16xf32, #tpu.memory_space<vmem>>) dst(%dma_wait3A_906 : memref<16x16xf32, #tpu.memory_space<vmem_shared>>)
        tpu.yield
      }) : () -> ()
      %scan3A_891 = arith.constant 0 : i32
      scf.yield %scan3A_891 : i32
    }
    %scan3A_872 = arith.constant 40 : i32
    %barrier3A = arith.constant 0 : index
    tpu.barrier barrier_id(%barrier3A)
    %mul3A_873 = arith.constant 81 : i32
    %mul3A_874 = arith.muli %add3A, %mul3A_873 : i32
    %scan3A_875 = arith.constant 0 : i32
    %scan3A_876 = arith.constant 0 : i32
    %scan3A_877 = arith.constant 81 : i32
    %scan3A_878 = arith.addi %scan3A_876, %scan3A_877 : i32
    %scan3A_879 = arith.constant 1 : i32
    %scan3A_880 = scf.for %scan3A_883 = %scan3A_876 to %scan3A_878 step %scan3A_879 iter_args(%scan3A_884 = %scan3A_875) -> (i32)  : i32 {
      %mul3A_885 = arith.constant 1 : i32
      %mul3A_886 = arith.muli %scan3A_883, %mul3A_885 : i32
      %add3A_887 = arith.addi %mul3A_874, %mul3A_886 : i32
      "tpu.region"() ({
        %run_scoped3A_900 = tpu.sem_alloc : memref<!tpu.dma_semaphore, #tpu.memory_space<semaphore_mem>>
        %dma_start3A = arith.constant 0 : i32
        %dma_start3A_901 = tpu.memref_slice %arg2[%add3A_887, %dma_start3A] : memref<2592x128xi32, #tpu.memory_space<hbm>> -> memref<1x128xi32, #tpu.memory_space<hbm>>
        %dma_start3A_902 = arith.constant 0 : i32
        %dma_start3A_903 = tpu.memref_slice %arg2[%add3A_887, %dma_start3A_902] : memref<2592x128xi32, #tpu.memory_space<hbm>> -> memref<1x128xi32, #tpu.memory_space<hbm>>
        tpu.enqueue_dma source(%dma_start3A_903 : memref<1x128xi32, #tpu.memory_space<hbm>>) target(%arg9 : memref<1x128xi32, #tpu.memory_space<vmem>>) target_semaphore(%run_scoped3A_900 : memref<!tpu.dma_semaphore, #tpu.memory_space<semaphore_mem>>)
        %dma_wait3A = arith.constant 0 : i32
        %dma_wait3A_904 = tpu.memref_slice %arg2[%add3A_887, %dma_wait3A] : memref<2592x128xi32, #tpu.memory_space<hbm>> -> memref<1x128xi32, #tpu.memory_space<hbm>>
        %dma_wait3A_905 = arith.constant 0 : i32
        %dma_wait3A_906 = tpu.memref_slice %arg2[%add3A_887, %dma_wait3A_905] : memref<2592x128xi32, #tpu.memory_space<hbm>> -> memref<1x128xi32, #tpu.memory_space<hbm>>
        tpu.wait_dma2 semaphore(%run_scoped3A_900 : memref<!tpu.dma_semaphore, #tpu.memory_space<semaphore_mem>>) src(%dma_wait3A_906 : memref<1x128xi32, #tpu.memory_space<hbm>>) dst(%arg9 : memref<1x128xi32, #tpu.memory_space<vmem>>)
        tpu.yield
      }) : () -> ()
      "tpu.region"() ({
        %run_scoped3A_900 = tpu.sem_alloc : memref<!tpu.dma_semaphore, #tpu.memory_space<semaphore_mem>>
        %dma_start3A = arith.constant 0 : i32
        %dma_start3A_901 = tpu.memref_slice %arg3[%add3A_887, %dma_start3A] : memref<2592x128xi32, #tpu.memory_space<hbm>> -> memref<1x128xi32, #tpu.memory_space<hbm>>
        %dma_start3A_902 = arith.constant 0 : i32
        %dma_start3A_903 = tpu.memref_slice %arg3[%add3A_887, %dma_start3A_902] : memref<2592x128xi32, #tpu.memory_space<hbm>> -> memref<1x128xi32, #tpu.memory_space<hbm>>
        tpu.enqueue_dma source(%dma_start3A_903 : memref<1x128xi32, #tpu.memory_space<hbm>>) target(%arg10 : memref<1x128xi32, #tpu.memory_space<vmem>>) target_semaphore(%run_scoped3A_900 : memref<!tpu.dma_semaphore, #tpu.memory_space<semaphore_mem>>)
        %dma_wait3A = arith.constant 0 : i32
        %dma_wait3A_904 = tpu.memref_slice %arg3[%add3A_887, %dma_wait3A] : memref<2592x128xi32, #tpu.memory_space<hbm>> -> memref<1x128xi32, #tpu.memory_space<hbm>>
        %dma_wait3A_905 = arith.constant 0 : i32
        %dma_wait3A_906 = tpu.memref_slice %arg3[%add3A_887, %dma_wait3A_905] : memref<2592x128xi32, #tpu.memory_space<hbm>> -> memref<1x128xi32, #tpu.memory_space<hbm>>
        tpu.wait_dma2 semaphore(%run_scoped3A_900 : memref<!tpu.dma_semaphore, #tpu.memory_space<semaphore_mem>>) src(%dma_wait3A_906 : memref<1x128xi32, #tpu.memory_space<hbm>>) dst(%arg10 : memref<1x128xi32, #tpu.memory_space<vmem>>)
        tpu.yield
      }) : () -> ()
      %run_scoped3A = arith.constant 0 : i32
      "tpu.region"() ({
        %run_scoped3A_900 = tpu.sem_alloc : memref<!tpu.dma_semaphore, #tpu.memory_space<semaphore_mem>>
        %dma_start3A = arith.constant 0 : i32
        %dma_start3A_901 = arith.constant 0 : i32
        %dma_start3A_902 = tpu.memref_slice %arg11[%dma_start3A, %dma_start3A_901] : memref<128x16xf32, #tpu.memory_space<vmem>> -> memref<128x16xf32, #tpu.memory_space<vmem>>
        %dma_start3A_903 = arith.constant 0 : i32
        %dma_start3A_904 = tpu.memref_slice %arg9[%run_scoped3A, %dma_start3A_903] : memref<1x128xi32, #tpu.memory_space<vmem>> -> memref<1x128xi32, #tpu.memory_space<vmem>>
        %dma_start3A_905 = tpu.memref_squeeze %dma_start3A_904 : memref<1x128xi32, #tpu.memory_space<vmem>> -> memref<128xi32, #tpu.memory_space<vmem>>
        %dma_start3A_906 = arith.constant 0 : i32
        %dma_start3A_907 = arith.constant 0 : i32
        %dma_start3A_908 = tpu.memref_slice %arg4[%dma_start3A_906, %dma_start3A_907] : memref<10240x16xf32, #tpu.memory_space<hbm>> -> memref<10240x16xf32, #tpu.memory_space<hbm>>
        tpu.enqueue_indirect_dma source(%dma_start3A_908 : memref<10240x16xf32, #tpu.memory_space<hbm>>) target(%dma_start3A_902 : memref<128x16xf32, #tpu.memory_space<vmem>>) offsets(%dma_start3A_905 : memref<128xi32, #tpu.memory_space<vmem>>) semaphore(%run_scoped3A_900 : memref<!tpu.dma_semaphore, #tpu.memory_space<semaphore_mem>>)
        %dma_wait3A = arith.constant 0 : i32
        %dma_wait3A_909 = arith.constant 0 : i32
        %dma_wait3A_910 = tpu.memref_slice %arg11[%dma_wait3A, %dma_wait3A_909] : memref<128x16xf32, #tpu.memory_space<vmem>> -> memref<128x16xf32, #tpu.memory_space<vmem>>
        %dma_wait3A_911 = arith.constant 0 : i32
        %dma_wait3A_912 = tpu.memref_slice %arg9[%run_scoped3A, %dma_wait3A_911] : memref<1x128xi32, #tpu.memory_space<vmem>> -> memref<1x128xi32, #tpu.memory_space<vmem>>
        %dma_wait3A_913 = tpu.memref_squeeze %dma_wait3A_912 : memref<1x128xi32, #tpu.memory_space<vmem>> -> memref<128xi32, #tpu.memory_space<vmem>>
        %dma_wait3A_914 = arith.constant 0 : i32
        %dma_wait3A_915 = arith.constant 0 : i32
        %dma_wait3A_916 = tpu.memref_slice %arg4[%dma_wait3A_914, %dma_wait3A_915] : memref<10240x16xf32, #tpu.memory_space<hbm>> -> memref<10240x16xf32, #tpu.memory_space<hbm>>
        tpu.wait_indirect_dma semaphore(%run_scoped3A_900 : memref<!tpu.dma_semaphore, #tpu.memory_space<semaphore_mem>>) src(%dma_wait3A_916 : memref<10240x16xf32, #tpu.memory_space<hbm>>) dst(%dma_wait3A_910 : memref<128x16xf32, #tpu.memory_space<vmem>>)
        tpu.yield
      }) : () -> ()
      %run_scoped3A_888 = arith.constant 0 : i32
      "tpu.region"() ({
        %run_scoped3A_900 = tpu.sem_alloc : memref<!tpu.dma_semaphore, #tpu.memory_space<semaphore_mem>>
        %dma_start3A = arith.constant 0 : i32
        %dma_start3A_901 = arith.constant 0 : i32
        %dma_start3A_902 = tpu.memref_slice %arg12[%dma_start3A, %dma_start3A_901] : memref<128x16xf32, #tpu.memory_space<vmem>> -> memref<128x16xf32, #tpu.memory_space<vmem>>
        %dma_start3A_903 = arith.constant 0 : i32
        %dma_start3A_904 = tpu.memref_slice %arg10[%run_scoped3A_888, %dma_start3A_903] : memref<1x128xi32, #tpu.memory_space<vmem>> -> memref<1x128xi32, #tpu.memory_space<vmem>>
        %dma_start3A_905 = tpu.memref_squeeze %dma_start3A_904 : memref<1x128xi32, #tpu.memory_space<vmem>> -> memref<128xi32, #tpu.memory_space<vmem>>
        %dma_start3A_906 = arith.constant 0 : i32
        %dma_start3A_907 = arith.constant 0 : i32
        %dma_start3A_908 = tpu.memref_slice %arg5[%dma_start3A_906, %dma_start3A_907] : memref<10240x16xf32, #tpu.memory_space<hbm>> -> memref<10240x16xf32, #tpu.memory_space<hbm>>
        tpu.enqueue_indirect_dma source(%dma_start3A_908 : memref<10240x16xf32, #tpu.memory_space<hbm>>) target(%dma_start3A_902 : memref<128x16xf32, #tpu.memory_space<vmem>>) offsets(%dma_start3A_905 : memref<128xi32, #tpu.memory_space<vmem>>) semaphore(%run_scoped3A_900 : memref<!tpu.dma_semaphore, #tpu.memory_space<semaphore_mem>>)
        %dma_wait3A = arith.constant 0 : i32
        %dma_wait3A_909 = arith.constant 0 : i32
        %dma_wait3A_910 = tpu.memref_slice %arg12[%dma_wait3A, %dma_wait3A_909] : memref<128x16xf32, #tpu.memory_space<vmem>> -> memref<128x16xf32, #tpu.memory_space<vmem>>
        %dma_wait3A_911 = arith.constant 0 : i32
        %dma_wait3A_912 = tpu.memref_slice %arg10[%run_scoped3A_888, %dma_wait3A_911] : memref<1x128xi32, #tpu.memory_space<vmem>> -> memref<1x128xi32, #tpu.memory_space<vmem>>
        %dma_wait3A_913 = tpu.memref_squeeze %dma_wait3A_912 : memref<1x128xi32, #tpu.memory_space<vmem>> -> memref<128xi32, #tpu.memory_space<vmem>>
        %dma_wait3A_914 = arith.constant 0 : i32
        %dma_wait3A_915 = arith.constant 0 : i32
        %dma_wait3A_916 = tpu.memref_slice %arg5[%dma_wait3A_914, %dma_wait3A_915] : memref<10240x16xf32, #tpu.memory_space<hbm>> -> memref<10240x16xf32, #tpu.memory_space<hbm>>
        tpu.wait_indirect_dma semaphore(%run_scoped3A_900 : memref<!tpu.dma_semaphore, #tpu.memory_space<semaphore_mem>>) src(%dma_wait3A_916 : memref<10240x16xf32, #tpu.memory_space<hbm>>) dst(%dma_wait3A_910 : memref<128x16xf32, #tpu.memory_space<vmem>>)
        tpu.yield
      }) : () -> ()
      %run_scoped3A_889 = arith.constant 0 : i32
      "tpu.region"() ({
        %run_scoped3A_900 = tpu.sem_alloc : memref<!tpu.dma_semaphore, #tpu.memory_space<semaphore_mem>>
        %dma_start3A = arith.constant 0 : i32
        %dma_start3A_901 = arith.constant 0 : i32
        %dma_start3A_902 = tpu.memref_slice %arg14[%dma_start3A, %dma_start3A_901] : memref<128x128xf32, #tpu.memory_space<vmem>> -> memref<128x128xf32, #tpu.memory_space<vmem>>
        %dma_start3A_903 = arith.constant 0 : i32
        %dma_start3A_904 = tpu.memref_slice %arg9[%run_scoped3A_889, %dma_start3A_903] : memref<1x128xi32, #tpu.memory_space<vmem>> -> memref<1x128xi32, #tpu.memory_space<vmem>>
        %dma_start3A_905 = tpu.memref_squeeze %dma_start3A_904 : memref<1x128xi32, #tpu.memory_space<vmem>> -> memref<128xi32, #tpu.memory_space<vmem>>
        %dma_start3A_906 = arith.constant 0 : i32
        %dma_start3A_907 = arith.constant 0 : i32
        %dma_start3A_908 = tpu.memref_slice %arg6[%dma_start3A_906, %dma_start3A_907] : memref<10240x128xf32, #tpu.memory_space<hbm>> -> memref<10240x128xf32, #tpu.memory_space<hbm>>
        tpu.enqueue_indirect_dma source(%dma_start3A_908 : memref<10240x128xf32, #tpu.memory_space<hbm>>) target(%dma_start3A_902 : memref<128x128xf32, #tpu.memory_space<vmem>>) offsets(%dma_start3A_905 : memref<128xi32, #tpu.memory_space<vmem>>) semaphore(%run_scoped3A_900 : memref<!tpu.dma_semaphore, #tpu.memory_space<semaphore_mem>>)
        %dma_wait3A = arith.constant 0 : i32
        %dma_wait3A_909 = arith.constant 0 : i32
        %dma_wait3A_910 = tpu.memref_slice %arg14[%dma_wait3A, %dma_wait3A_909] : memref<128x128xf32, #tpu.memory_space<vmem>> -> memref<128x128xf32, #tpu.memory_space<vmem>>
        %dma_wait3A_911 = arith.constant 0 : i32
        %dma_wait3A_912 = tpu.memref_slice %arg9[%run_scoped3A_889, %dma_wait3A_911] : memref<1x128xi32, #tpu.memory_space<vmem>> -> memref<1x128xi32, #tpu.memory_space<vmem>>
        %dma_wait3A_913 = tpu.memref_squeeze %dma_wait3A_912 : memref<1x128xi32, #tpu.memory_space<vmem>> -> memref<128xi32, #tpu.memory_space<vmem>>
        %dma_wait3A_914 = arith.constant 0 : i32
        %dma_wait3A_915 = arith.constant 0 : i32
        %dma_wait3A_916 = tpu.memref_slice %arg6[%dma_wait3A_914, %dma_wait3A_915] : memref<10240x128xf32, #tpu.memory_space<hbm>> -> memref<10240x128xf32, #tpu.memory_space<hbm>>
        tpu.wait_indirect_dma semaphore(%run_scoped3A_900 : memref<!tpu.dma_semaphore, #tpu.memory_space<semaphore_mem>>) src(%dma_wait3A_916 : memref<10240x128xf32, #tpu.memory_space<hbm>>) dst(%dma_wait3A_910 : memref<128x128xf32, #tpu.memory_space<vmem>>)
        tpu.yield
      }) : () -> ()
      %scan3A_890 = arith.constant 0 : i32
      %scan3A_891 = arith.constant 0 : i32
      %scan3A_892 = arith.constant 128 : i32
      %scan3A_893 = arith.addi %scan3A_891, %scan3A_892 : i32
      %scan3A_894 = arith.constant 1 : i32
      %scan3A_895 = scf.for %scan3A_900 = %scan3A_891 to %scan3A_893 step %scan3A_894 iter_args(%scan3A_901 = %scan3A_890) -> (i32)  : i32 {
        %get3A = arith.index_cast %scan3A_900 : i32 to index
        %get3A_902 = arith.constant 0 : index
        %get3A_903 = tpu.vector_load %arg11[%get3A, %get3A_902] {strides = array<i32>} : memref<128x16xf32, #tpu.memory_space<vmem>>, vector<1x16xf32>,
        %get3A_904 = vector.shape_cast %get3A_903 : vector<1x16xf32> to vector<16xf32>
        %get3A_905 = arith.index_cast %scan3A_900 : i32 to index
        %get3A_906 = arith.constant 0 : index
        %get3A_907 = tpu.vector_load %arg12[%get3A_905, %get3A_906] {strides = array<i32>} : memref<128x16xf32, #tpu.memory_space<vmem>>, vector<1x16xf32>,
        %get3A_908 = vector.shape_cast %get3A_907 : vector<1x16xf32> to vector<16xf32>
        %add3A_909 = arith.addf %get3A_904, %get3A_908 : vector<16xf32>
        %ge3A = arith.constant 0.000000e+00 : f32
        %ge3A_910 = vector.broadcast %ge3A : f32 to vector<16xf32>
        %ge3A_911 = arith.cmpf oge, %add3A_909, %ge3A_910 : vector<16xf32>
        %mul3A_912 = arith.constant 2.000000e-01 : f32
        %mul3A_913 = vector.broadcast %mul3A_912 : f32 to vector<16xf32>
        %mul3A_914 = arith.mulf %mul3A_913, %add3A_909 : vector<16xf32>
        %select_n3A = arith.select %ge3A_911, %add3A_909, %mul3A_914 : vector<16xi1>, vector<16xf32>
        %exp3A = math.exp %select_n3A : vector<16xf32>
        %swap3A_915 = arith.index_cast %scan3A_900 : i32 to index
        %swap3A_916 = arith.constant 0 : index
        %swap3A_917 = tpu.vector_load %arg13[%swap3A_915, %swap3A_916] {strides = array<i32>} : memref<128x16xf32, #tpu.memory_space<vmem>>, vector<1x16xf32>,
        %swap3A_918 = vector.shape_cast %swap3A_917 : vector<1x16xf32> to vector<16xf32>
        %swap3A_919 = vector.shape_cast %exp3A : vector<16xf32> to vector<1x16xf32>
        tpu.vector_store %arg13[%swap3A_915, %swap3A_916], %swap3A_919 {strides = array<i32>} : memref<128x16xf32, #tpu.memory_space<vmem>>, vector<1x16xf32>,
        %slice3A = vector.extract_strided_slice %exp3A {offsets = [0], sizes = [1], strides = [1]} : vector<16xf32> to vector<1xf32>
        %squeeze3A = vector.extract %slice3A[0] : f32 from vector<1xf32>
        %get3A_920 = arith.index_cast %scan3A_900 : i32 to index
        %get3A_921 = arith.constant 0 : index
        %get3A_922 = tpu.vector_load %arg14[%get3A_920, %get3A_921] {strides = array<i32>} : memref<128x128xf32, #tpu.memory_space<vmem>>, vector<1x16xf32>,
        %get3A_923 = vector.shape_cast %get3A_922 : vector<1x16xf32> to vector<16xf32>
        %mul3A_924 = vector.broadcast %squeeze3A : f32 to vector<16xf32>
        %mul3A_925 = arith.mulf %get3A_923, %mul3A_924 : vector<16xf32>
        %swap3A_926 = arith.index_cast %scan3A_900 : i32 to index
        %swap3A_927 = arith.constant 0 : index
        %swap3A_928 = tpu.vector_load %arg14[%swap3A_926, %swap3A_927] {strides = array<i32>} : memref<128x128xf32, #tpu.memory_space<vmem>>, vector<1x16xf32>,
        %swap3A_929 = vector.shape_cast %swap3A_928 : vector<1x16xf32> to vector<16xf32>
        %swap3A_930 = vector.shape_cast %mul3A_925 : vector<16xf32> to vector<1x16xf32>
        tpu.vector_store %arg14[%swap3A_926, %swap3A_927], %swap3A_930 {strides = array<i32>} : memref<128x128xf32, #tpu.memory_space<vmem>>, vector<1x16xf32>,
        %slice3A_931 = vector.extract_strided_slice %exp3A {offsets = [0], sizes = [1], strides = [1]} : vector<16xf32> to vector<1xf32>
        %squeeze3A_932 = vector.extract %slice3A_931[0] : f32 from vector<1xf32>
        %get3A_933 = arith.index_cast %scan3A_900 : i32 to index
        %get3A_934 = arith.constant 16 : index
        %get3A_935 = tpu.vector_load %arg14[%get3A_933, %get3A_934] {strides = array<i32>} : memref<128x128xf32, #tpu.memory_space<vmem>>, vector<1x16xf32>,
        %get3A_936 = vector.shape_cast %get3A_935 : vector<1x16xf32> to vector<16xf32>
        %mul3A_937 = vector.broadcast %squeeze3A_932 : f32 to vector<16xf32>
        %mul3A_938 = arith.mulf %get3A_936, %mul3A_937 : vector<16xf32>
        %swap3A_939 = arith.index_cast %scan3A_900 : i32 to index
        %swap3A_940 = arith.constant 16 : index
        %swap3A_941 = tpu.vector_load %arg14[%swap3A_939, %swap3A_940] {strides = array<i32>} : memref<128x128xf32, #tpu.memory_space<vmem>>, vector<1x16xf32>,
        %swap3A_942 = vector.shape_cast %swap3A_941 : vector<1x16xf32> to vector<16xf32>
        %swap3A_943 = vector.shape_cast %mul3A_938 : vector<16xf32> to vector<1x16xf32>
        tpu.vector_store %arg14[%swap3A_939, %swap3A_940], %swap3A_943 {strides = array<i32>} : memref<128x128xf32, #tpu.memory_space<vmem>>, vector<1x16xf32>,
        %slice3A_944 = vector.extract_strided_slice %exp3A {offsets = [1], sizes = [1], strides = [1]} : vector<16xf32> to vector<1xf32>
        %squeeze3A_945 = vector.extract %slice3A_944[0] : f32 from vector<1xf32>
        %get3A_946 = arith.index_cast %scan3A_900 : i32 to index
        %get3A_947 = arith.constant 32 : index
        %get3A_948 = tpu.vector_load %arg14[%get3A_946, %get3A_947] {strides = array<i32>} : memref<128x128xf32, #tpu.memory_space<vmem>>, vector<1x16xf32>,
        %get3A_949 = vector.shape_cast %get3A_948 : vector<1x16xf32> to vector<16xf32>
        %mul3A_950 = vector.broadcast %squeeze3A_945 : f32 to vector<16xf32>
        %mul3A_951 = arith.mulf %get3A_949, %mul3A_950 : vector<16xf32>
        %swap3A_952 = arith.index_cast %scan3A_900 : i32 to index
        %swap3A_953 = arith.constant 32 : index
        %swap3A_954 = tpu.vector_load %arg14[%swap3A_952, %swap3A_953] {strides = array<i32>} : memref<128x128xf32, #tpu.memory_space<vmem>>, vector<1x16xf32>,
        %swap3A_955 = vector.shape_cast %swap3A_954 : vector<1x16xf32> to vector<16xf32>
        %swap3A_956 = vector.shape_cast %mul3A_951 : vector<16xf32> to vector<1x16xf32>
        tpu.vector_store %arg14[%swap3A_952, %swap3A_953], %swap3A_956 {strides = array<i32>} : memref<128x128xf32, #tpu.memory_space<vmem>>, vector<1x16xf32>,
        %slice3A_957 = vector.extract_strided_slice %exp3A {offsets = [1], sizes = [1], strides = [1]} : vector<16xf32> to vector<1xf32>
        %squeeze3A_958 = vector.extract %slice3A_957[0] : f32 from vector<1xf32>
        %get3A_959 = arith.index_cast %scan3A_900 : i32 to index
        %get3A_960 = arith.constant 48 : index
        %get3A_961 = tpu.vector_load %arg14[%get3A_959, %get3A_960] {strides = array<i32>} : memref<128x128xf32, #tpu.memory_space<vmem>>, vector<1x16xf32>,
        %get3A_962 = vector.shape_cast %get3A_961 : vector<1x16xf32> to vector<16xf32>
        %mul3A_963 = vector.broadcast %squeeze3A_958 : f32 to vector<16xf32>
        %mul3A_964 = arith.mulf %get3A_962, %mul3A_963 : vector<16xf32>
        %swap3A_965 = arith.index_cast %scan3A_900 : i32 to index
        %swap3A_966 = arith.constant 48 : index
        %swap3A_967 = tpu.vector_load %arg14[%swap3A_965, %swap3A_966] {strides = array<i32>} : memref<128x128xf32, #tpu.memory_space<vmem>>, vector<1x16xf32>,
        %swap3A_968 = vector.shape_cast %swap3A_967 : vector<1x16xf32> to vector<16xf32>
        %swap3A_969 = vector.shape_cast %mul3A_964 : vector<16xf32> to vector<1x16xf32>
        tpu.vector_store %arg14[%swap3A_965, %swap3A_966], %swap3A_969 {strides = array<i32>} : memref<128x128xf32, #tpu.memory_space<vmem>>, vector<1x16xf32>,
        %slice3A_970 = vector.extract_strided_slice %exp3A {offsets = [2], sizes = [1], strides = [1]} : vector<16xf32> to vector<1xf32>
        %squeeze3A_971 = vector.extract %slice3A_970[0] : f32 from vector<1xf32>
        %get3A_972 = arith.index_cast %scan3A_900 : i32 to index
        %get3A_973 = arith.constant 64 : index
        %get3A_974 = tpu.vector_load %arg14[%get3A_972, %get3A_973] {strides = array<i32>} : memref<128x128xf32, #tpu.memory_space<vmem>>, vector<1x16xf32>,
        %get3A_975 = vector.shape_cast %get3A_974 : vector<1x16xf32> to vector<16xf32>
        %mul3A_976 = vector.broadcast %squeeze3A_971 : f32 to vector<16xf32>
        %mul3A_977 = arith.mulf %get3A_975, %mul3A_976 : vector<16xf32>
        %swap3A_978 = arith.index_cast %scan3A_900 : i32 to index
        %swap3A_979 = arith.constant 64 : index
        %swap3A_980 = tpu.vector_load %arg14[%swap3A_978, %swap3A_979] {strides = array<i32>} : memref<128x128xf32, #tpu.memory_space<vmem>>, vector<1x16xf32>,
        %swap3A_981 = vector.shape_cast %swap3A_980 : vector<1x16xf32> to vector<16xf32>
        %swap3A_982 = vector.shape_cast %mul3A_977 : vector<16xf32> to vector<1x16xf32>
        tpu.vector_store %arg14[%swap3A_978, %swap3A_979], %swap3A_982 {strides = array<i32>} : memref<128x128xf32, #tpu.memory_space<vmem>>, vector<1x16xf32>,
        %slice3A_983 = vector.extract_strided_slice %exp3A {offsets = [2], sizes = [1], strides = [1]} : vector<16xf32> to vector<1xf32>
        %squeeze3A_984 = vector.extract %slice3A_983[0] : f32 from vector<1xf32>
        %get3A_985 = arith.index_cast %scan3A_900 : i32 to index
        %get3A_986 = arith.constant 80 : index
        %get3A_987 = tpu.vector_load %arg14[%get3A_985, %get3A_986] {strides = array<i32>} : memref<128x128xf32, #tpu.memory_space<vmem>>, vector<1x16xf32>,
        %get3A_988 = vector.shape_cast %get3A_987 : vector<1x16xf32> to vector<16xf32>
        %mul3A_989 = vector.broadcast %squeeze3A_984 : f32 to vector<16xf32>
        %mul3A_990 = arith.mulf %get3A_988, %mul3A_989 : vector<16xf32>
        %swap3A_991 = arith.index_cast %scan3A_900 : i32 to index
        %swap3A_992 = arith.constant 80 : index
        %swap3A_993 = tpu.vector_load %arg14[%swap3A_991, %swap3A_992] {strides = array<i32>} : memref<128x128xf32, #tpu.memory_space<vmem>>, vector<1x16xf32>,
        %swap3A_994 = vector.shape_cast %swap3A_993 : vector<1x16xf32> to vector<16xf32>
        %swap3A_995 = vector.shape_cast %mul3A_990 : vector<16xf32> to vector<1x16xf32>
        tpu.vector_store %arg14[%swap3A_991, %swap3A_992], %swap3A_995 {strides = array<i32>} : memref<128x128xf32, #tpu.memory_space<vmem>>, vector<1x16xf32>,
        %slice3A_996 = vector.extract_strided_slice %exp3A {offsets = [3], sizes = [1], strides = [1]} : vector<16xf32> to vector<1xf32>
        %squeeze3A_997 = vector.extract %slice3A_996[0] : f32 from vector<1xf32>
        %get3A_998 = arith.index_cast %scan3A_900 : i32 to index
        %get3A_999 = arith.constant 96 : index
        %get3A_1000 = tpu.vector_load %arg14[%get3A_998, %get3A_999] {strides = array<i32>} : memref<128x128xf32, #tpu.memory_space<vmem>>, vector<1x16xf32>,
        %get3A_1001 = vector.shape_cast %get3A_1000 : vector<1x16xf32> to vector<16xf32>
        %mul3A_1002 = vector.broadcast %squeeze3A_997 : f32 to vector<16xf32>
        %mul3A_1003 = arith.mulf %get3A_1001, %mul3A_1002 : vector<16xf32>
        %swap3A_1004 = arith.index_cast %scan3A_900 : i32 to index
        %swap3A_1005 = arith.constant 96 : index
        %swap3A_1006 = tpu.vector_load %arg14[%swap3A_1004, %swap3A_1005] {strides = array<i32>} : memref<128x128xf32, #tpu.memory_space<vmem>>, vector<1x16xf32>,
        %swap3A_1007 = vector.shape_cast %swap3A_1006 : vector<1x16xf32> to vector<16xf32>
        %swap3A_1008 = vector.shape_cast %mul3A_1003 : vector<16xf32> to vector<1x16xf32>
        tpu.vector_store %arg14[%swap3A_1004, %swap3A_1005], %swap3A_1008 {strides = array<i32>} : memref<128x128xf32, #tpu.memory_space<vmem>>, vector<1x16xf32>,
        %slice3A_1009 = vector.extract_strided_slice %exp3A {offsets = [3], sizes = [1], strides = [1]} : vector<16xf32> to vector<1xf32>
        %squeeze3A_1010 = vector.extract %slice3A_1009[0] : f32 from vector<1xf32>
        %get3A_1011 = arith.index_cast %scan3A_900 : i32 to index
        %get3A_1012 = arith.constant 112 : index
        %get3A_1013 = tpu.vector_load %arg14[%get3A_1011, %get3A_1012] {strides = array<i32>} : memref<128x128xf32, #tpu.memory_space<vmem>>, vector<1x16xf32>,
        %get3A_1014 = vector.shape_cast %get3A_1013 : vector<1x16xf32> to vector<16xf32>
        %mul3A_1015 = vector.broadcast %squeeze3A_1010 : f32 to vector<16xf32>
        %mul3A_1016 = arith.mulf %get3A_1014, %mul3A_1015 : vector<16xf32>
        %swap3A_1017 = arith.index_cast %scan3A_900 : i32 to index
        %swap3A_1018 = arith.constant 112 : index
        %swap3A_1019 = tpu.vector_load %arg14[%swap3A_1017, %swap3A_1018] {strides = array<i32>} : memref<128x128xf32, #tpu.memory_space<vmem>>, vector<1x16xf32>,
        %swap3A_1020 = vector.shape_cast %swap3A_1019 : vector<1x16xf32> to vector<16xf32>
        %swap3A_1021 = vector.shape_cast %mul3A_1016 : vector<16xf32> to vector<1x16xf32>
        tpu.vector_store %arg14[%swap3A_1017, %swap3A_1018], %swap3A_1021 {strides = array<i32>} : memref<128x128xf32, #tpu.memory_space<vmem>>, vector<1x16xf32>,
        %scan3A_1022 = arith.constant 0 : i32
        scf.yield %scan3A_1022 : i32
      }
      %scan3A_896 = arith.constant 128 : i32
      %run_scoped3A_897 = arith.constant 0 : i32
      "tpu.region"() ({
        %run_scoped3A_900 = tpu.sem_alloc : memref<!tpu.dma_semaphore, #tpu.memory_space<semaphore_mem>>
        %dma_start3A = arith.constant 0 : i32
        %dma_start3A_901 = arith.constant 0 : i32
        %dma_start3A_902 = tpu.memref_slice %arg13[%dma_start3A, %dma_start3A_901] : memref<128x16xf32, #tpu.memory_space<vmem>> -> memref<128x16xf32, #tpu.memory_space<vmem>>
        %dma_start3A_903 = arith.constant 0 : i32
        %dma_start3A_904 = tpu.memref_slice %arg10[%run_scoped3A_897, %dma_start3A_903] : memref<1x128xi32, #tpu.memory_space<vmem>> -> memref<1x128xi32, #tpu.memory_space<vmem>>
        %dma_start3A_905 = tpu.memref_squeeze %dma_start3A_904 : memref<1x128xi32, #tpu.memory_space<vmem>> -> memref<128xi32, #tpu.memory_space<vmem>>
        %dma_start3A_906 = arith.constant 0 : i32
        %dma_start3A_907 = arith.constant 0 : i32
        %dma_start3A_908 = tpu.memref_slice %arg16[%dma_start3A_906, %dma_start3A_907] : memref<10240x16xf32, #tpu.memory_space<vmem_shared>> -> memref<10240x16xf32, #tpu.memory_space<vmem_shared>>
        tpu.enqueue_indirect_dma source(%dma_start3A_902 : memref<128x16xf32, #tpu.memory_space<vmem>>) target(%dma_start3A_908 : memref<10240x16xf32, #tpu.memory_space<vmem_shared>>) offsets(%dma_start3A_905 : memref<128xi32, #tpu.memory_space<vmem>>) semaphore(%run_scoped3A_900 : memref<!tpu.dma_semaphore, #tpu.memory_space<semaphore_mem>>) {add = true}
        %dma_wait3A = arith.constant 0 : i32
        %dma_wait3A_909 = arith.constant 0 : i32
        %dma_wait3A_910 = tpu.memref_slice %arg13[%dma_wait3A, %dma_wait3A_909] : memref<128x16xf32, #tpu.memory_space<vmem>> -> memref<128x16xf32, #tpu.memory_space<vmem>>
        %dma_wait3A_911 = arith.constant 0 : i32
        %dma_wait3A_912 = tpu.memref_slice %arg10[%run_scoped3A_897, %dma_wait3A_911] : memref<1x128xi32, #tpu.memory_space<vmem>> -> memref<1x128xi32, #tpu.memory_space<vmem>>
        %dma_wait3A_913 = tpu.memref_squeeze %dma_wait3A_912 : memref<1x128xi32, #tpu.memory_space<vmem>> -> memref<128xi32, #tpu.memory_space<vmem>>
        %dma_wait3A_914 = arith.constant 0 : i32
        %dma_wait3A_915 = arith.constant 0 : i32
        %dma_wait3A_916 = tpu.memref_slice %arg16[%dma_wait3A_914, %dma_wait3A_915] : memref<10240x16xf32, #tpu.memory_space<vmem_shared>> -> memref<10240x16xf32, #tpu.memory_space<vmem_shared>>
        tpu.wait_indirect_dma semaphore(%run_scoped3A_900 : memref<!tpu.dma_semaphore, #tpu.memory_space<semaphore_mem>>) src(%dma_wait3A_910 : memref<128x16xf32, #tpu.memory_space<vmem>>) dst(%dma_wait3A_916 : memref<10240x16xf32, #tpu.memory_space<vmem_shared>>)
        tpu.yield
      }) : () -> ()
      %run_scoped3A_898 = arith.constant 0 : i32
      "tpu.region"() ({
        %run_scoped3A_900 = tpu.sem_alloc : memref<!tpu.dma_semaphore, #tpu.memory_space<semaphore_mem>>
        %dma_start3A = arith.constant 0 : i32
        %dma_start3A_901 = arith.constant 0 : i32
        %dma_start3A_902 = tpu.memref_slice %arg14[%dma_start3A, %dma_start3A_901] : memref<128x128xf32, #tpu.memory_space<vmem>> -> memref<128x128xf32, #tpu.memory_space<vmem>>
        %dma_start3A_903 = arith.constant 0 : i32
        %dma_start3A_904 = tpu.memref_slice %arg10[%run_scoped3A_898, %dma_start3A_903] : memref<1x128xi32, #tpu.memory_space<vmem>> -> memref<1x128xi32, #tpu.memory_space<vmem>>
        %dma_start3A_905 = tpu.memref_squeeze %dma_start3A_904 : memref<1x128xi32, #tpu.memory_space<vmem>> -> memref<128xi32, #tpu.memory_space<vmem>>
        %dma_start3A_906 = arith.constant 0 : i32
        %dma_start3A_907 = arith.constant 0 : i32
        %dma_start3A_908 = tpu.memref_slice %arg15[%dma_start3A_906, %dma_start3A_907] : memref<10240x128xf32, #tpu.memory_space<vmem_shared>> -> memref<10240x128xf32, #tpu.memory_space<vmem_shared>>
        tpu.enqueue_indirect_dma source(%dma_start3A_902 : memref<128x128xf32, #tpu.memory_space<vmem>>) target(%dma_start3A_908 : memref<10240x128xf32, #tpu.memory_space<vmem_shared>>) offsets(%dma_start3A_905 : memref<128xi32, #tpu.memory_space<vmem>>) semaphore(%run_scoped3A_900 : memref<!tpu.dma_semaphore, #tpu.memory_space<semaphore_mem>>) {add = true}
        %dma_wait3A = arith.constant 0 : i32
        %dma_wait3A_909 = arith.constant 0 : i32
        %dma_wait3A_910 = tpu.memref_slice %arg14[%dma_wait3A, %dma_wait3A_909] : memref<128x128xf32, #tpu.memory_space<vmem>> -> memref<128x128xf32, #tpu.memory_space<vmem>>
        %dma_wait3A_911 = arith.constant 0 : i32
        %dma_wait3A_912 = tpu.memref_slice %arg10[%run_scoped3A_898, %dma_wait3A_911] : memref<1x128xi32, #tpu.memory_space<vmem>> -> memref<1x128xi32, #tpu.memory_space<vmem>>
        %dma_wait3A_913 = tpu.memref_squeeze %dma_wait3A_912 : memref<1x128xi32, #tpu.memory_space<vmem>> -> memref<128xi32, #tpu.memory_space<vmem>>
        %dma_wait3A_914 = arith.constant 0 : i32
        %dma_wait3A_915 = arith.constant 0 : i32
        %dma_wait3A_916 = tpu.memref_slice %arg15[%dma_wait3A_914, %dma_wait3A_915] : memref<10240x128xf32, #tpu.memory_space<vmem_shared>> -> memref<10240x128xf32, #tpu.memory_space<vmem_shared>>
        tpu.wait_indirect_dma semaphore(%run_scoped3A_900 : memref<!tpu.dma_semaphore, #tpu.memory_space<semaphore_mem>>) src(%dma_wait3A_910 : memref<128x128xf32, #tpu.memory_space<vmem>>) dst(%dma_wait3A_916 : memref<10240x128xf32, #tpu.memory_space<vmem_shared>>)
        tpu.yield
      }) : () -> ()
      %scan3A_899 = arith.constant 0 : i32
      scf.yield %scan3A_899 : i32
    }
    %scan3A_881 = arith.constant 81 : i32
    %barrier3A_882 = arith.constant 0 : index
    tpu.barrier barrier_id(%barrier3A_882)
    "tpu.region"() ({
      %run_scoped3A = tpu.sem_alloc : memref<!tpu.dma_semaphore, #tpu.memory_space<semaphore_mem>>
      %dma_start3A = arith.constant 0 : i32
      %dma_start3A_883 = arith.constant 0 : i32
      %dma_start3A_884 = tpu.memref_slice %arg7[%arg0, %dma_start3A, %dma_start3A_883] : memref<2x10240x128xf32, #tpu.memory_space<hbm>> -> memref<1x10240x128xf32, #tpu.memory_space<hbm>>
      %dma_start3A_885 = tpu.memref_squeeze %dma_start3A_884 : memref<1x10240x128xf32, #tpu.memory_space<hbm>> -> memref<10240x128xf32, #tpu.memory_space<hbm>>
      %dma_start3A_886 = arith.constant 0 : i32
      %dma_start3A_887 = tpu.memref_slice %dma_start3A_885[%mul3A_866, %dma_start3A_886] : memref<10240x128xf32, #tpu.memory_space<hbm>> -> memref<640x128xf32, #tpu.memory_space<hbm>>
      %dma_start3A_888 = arith.constant 0 : i32
      %dma_start3A_889 = tpu.memref_slice %arg15[%mul3A_866, %dma_start3A_888] : memref<10240x128xf32, #tpu.memory_space<vmem_shared>> -> memref<640x128xf32, #tpu.memory_space<vmem_shared>>
      tpu.enqueue_dma source(%dma_start3A_889 : memref<640x128xf32, #tpu.memory_space<vmem_shared>>) target(%dma_start3A_887 : memref<640x128xf32, #tpu.memory_space<hbm>>) target_semaphore(%run_scoped3A : memref<!tpu.dma_semaphore, #tpu.memory_space<semaphore_mem>>)
      %dma_wait3A = arith.constant 0 : i32
      %dma_wait3A_890 = arith.constant 0 : i32
      %dma_wait3A_891 = tpu.memref_slice %arg7[%arg0, %dma_wait3A, %dma_wait3A_890] : memref<2x10240x128xf32, #tpu.memory_space<hbm>> -> memref<1x10240x128xf32, #tpu.memory_space<hbm>>
      %dma_wait3A_892 = tpu.memref_squeeze %dma_wait3A_891 : memref<1x10240x128xf32, #tpu.memory_space<hbm>> -> memref<10240x128xf32, #tpu.memory_space<hbm>>
      %dma_wait3A_893 = arith.constant 0 : i32
      %dma_wait3A_894 = tpu.memref_slice %dma_wait3A_892[%mul3A_866, %dma_wait3A_893] : memref<10240x128xf32, #tpu.memory_space<hbm>> -> memref<640x128xf32, #tpu.memory_space<hbm>>
      %dma_wait3A_895 = arith.constant 0 : i32
      %dma_wait3A_896 = tpu.memref_slice %arg15[%mul3A_866, %dma_wait3A_895] : memref<10240x128xf32, #tpu.memory_space<vmem_shared>> -> memref<640x128xf32, #tpu.memory_space<vmem_shared>>
      tpu.wait_dma2 semaphore(%run_scoped3A : memref<!tpu.dma_semaphore, #tpu.memory_space<semaphore_mem>>) src(%dma_wait3A_896 : memref<640x128xf32, #tpu.memory_space<vmem_shared>>) dst(%dma_wait3A_894 : memref<640x128xf32, #tpu.memory_space<hbm>>)
      tpu.yield
    }) : () -> ()
    "tpu.region"() ({
      %run_scoped3A = tpu.sem_alloc : memref<!tpu.dma_semaphore, #tpu.memory_space<semaphore_mem>>
      %dma_start3A = arith.constant 0 : i32
      %dma_start3A_883 = arith.constant 0 : i32
      %dma_start3A_884 = tpu.memref_slice %arg8[%arg0, %dma_start3A, %dma_start3A_883] : memref<2x10240x16xf32, #tpu.memory_space<hbm>> -> memref<1x10240x16xf32, #tpu.memory_space<hbm>>
      %dma_start3A_885 = tpu.memref_squeeze %dma_start3A_884 : memref<1x10240x16xf32, #tpu.memory_space<hbm>> -> memref<10240x16xf32, #tpu.memory_space<hbm>>
      %dma_start3A_886 = arith.constant 0 : i32
      %dma_start3A_887 = tpu.memref_slice %dma_start3A_885[%mul3A_866, %dma_start3A_886] : memref<10240x16xf32, #tpu.memory_space<hbm>> -> memref<640x16xf32, #tpu.memory_space<hbm>>
      %dma_start3A_888 = arith.constant 0 : i32
      %dma_start3A_889 = tpu.memref_slice %arg16[%mul3A_866, %dma_start3A_888] : memref<10240x16xf32, #tpu.memory_space<vmem_shared>> -> memref<640x16xf32, #tpu.memory_space<vmem_shared>>
      tpu.enqueue_dma source(%dma_start3A_889 : memref<640x16xf32, #tpu.memory_space<vmem_shared>>) target(%dma_start3A_887 : memref<640x16xf32, #tpu.memory_space<hbm>>) target_semaphore(%run_scoped3A : memref<!tpu.dma_semaphore, #tpu.memory_space<semaphore_mem>>)
      %dma_wait3A = arith.constant 0 : i32
      %dma_wait3A_890 = arith.constant 0 : i32
      %dma_wait3A_891 = tpu.memref_slice %arg8[%arg0, %dma_wait3A, %dma_wait3A_890] : memref<2x10240x16xf32, #tpu.memory_space<hbm>> -> memref<1x10240x16xf32, #tpu.memory_space<hbm>>
      %dma_wait3A_892 = tpu.memref_squeeze %dma_wait3A_891 : memref<1x10240x16xf32, #tpu.memory_space<hbm>> -> memref<10240x16xf32, #tpu.memory_space<hbm>>
      %dma_wait3A_893 = arith.constant 0 : i32
      %dma_wait3A_894 = tpu.memref_slice %dma_wait3A_892[%mul3A_866, %dma_wait3A_893] : memref<10240x16xf32, #tpu.memory_space<hbm>> -> memref<640x16xf32, #tpu.memory_space<hbm>>
      %dma_wait3A_895 = arith.constant 0 : i32
      %dma_wait3A_896 = tpu.memref_slice %arg16[%mul3A_866, %dma_wait3A_895] : memref<10240x16xf32, #tpu.memory_space<vmem_shared>> -> memref<640x16xf32, #tpu.memory_space<vmem_shared>>
      tpu.wait_dma2 semaphore(%run_scoped3A : memref<!tpu.dma_semaphore, #tpu.memory_space<semaphore_mem>>) src(%dma_wait3A_896 : memref<640x16xf32, #tpu.memory_space<vmem_shared>>) dst(%dma_wait3A_894 : memref<640x16xf32, #tpu.memory_space<hbm>>)
      tpu.yield
    }) : () -> ()
    return
  }
}

#map = affine_map<(d0, d1) -> (0, 0)>
#map1 = affine_map<(d0, d1) -> (0, 0, 0)>
module attributes {stable_mosaic.version = 14 : i64} {
  func.func @_edge_body(%arg0: i32, %arg1: i32, %arg2: memref<2592x128xi32, #tpu.memory_space<hbm>>, %arg3: memref<2592x128xi32, #tpu.memory_space<hbm>>, %arg4: memref<10240x16xf32, #tpu.memory_space<hbm>>, %arg5: memref<10240x16xf32, #tpu.memory_space<hbm>>, %arg6: memref<10240x128xf32, #tpu.memory_space<hbm>>, %arg7: memref<2x10240x128xf32, #tpu.memory_space<hbm>>, %arg8: memref<2x10240x16xf32, #tpu.memory_space<hbm>>, %arg9: memref<1x128xi32, #tpu.memory_space<vmem>>, %arg10: memref<1x128xi32, #tpu.memory_space<vmem>>, %arg11: memref<128x16xf32, #tpu.memory_space<vmem>>, %arg12: memref<128x16xf32, #tpu.memory_space<vmem>>, %arg13: memref<128x16xf32, #tpu.memory_space<vmem>>, %arg14: memref<128x128xf32, #tpu.memory_space<vmem>>, %arg15: memref<10240x128xf32, #tpu.memory_space<vmem_shared>>, %arg16: memref<10240x16xf32, #tpu.memory_space<vmem_shared>>) attributes {dimension_semantics = [#tpu.dimension_semantics<core_parallel>, #tpu.dimension_semantics<subcore_parallel>], iteration_bounds = array<i64: 2, 16>, scalar_prefetch = 0 : i64, scratch_operands = 8 : i64, tpu.core_type = #tpu.core_type<sc_vector_subcore>, window_params = [{transform_indices = #map}, {transform_indices = #map}, {transform_indices = #map}, {transform_indices = #map}, {transform_indices = #map}, {transform_indices = #map1}, {transform_indices = #map1}]} {
    %mul3A = arith.constant 2 : i32
    %mul3A_0 = arith.muli %arg1, %mul3A : i32
    %add3A = arith.addi %mul3A_0, %arg0 : i32
    %broadcast_in_dim3A = arith.constant 0.000000e+00 : f32
    %broadcast_in_dim3A_1 = vector.broadcast %broadcast_in_dim3A : f32 to vector<16xf32>
    %swap3A = arith.constant 0 : i32
    %swap3A_2 = arith.index_cast %swap3A : i32 to index
    %swap3A_3 = arith.constant 0 : index
    %swap3A_4 = tpu.vector_load %arg13[%swap3A_2, %swap3A_3] {strides = array<i32>} : memref<128x16xf32, #tpu.memory_space<vmem>>, vector<1x16xf32>,
    %swap3A_5 = vector.shape_cast %swap3A_4 : vector<1x16xf32> to vector<16xf32>
    %swap3A_6 = vector.shape_cast %broadcast_in_dim3A_1 : vector<16xf32> to vector<1x16xf32>
    tpu.vector_store %arg13[%swap3A_2, %swap3A_3], %swap3A_6 {strides = array<i32>} : memref<128x16xf32, #tpu.memory_space<vmem>>, vector<1x16xf32>,
    %swap3A_7 = arith.constant 0 : i32
    %swap3A_8 = arith.index_cast %swap3A_7 : i32 to index
    %swap3A_9 = arith.constant 0 : index
    %swap3A_10 = tpu.vector_load %arg14[%swap3A_8, %swap3A_9] {strides = array<i32>} : memref<128x128xf32, #tpu.memory_space<vmem>>, vector<1x16xf32>,
    %swap3A_11 = vector.shape_cast %swap3A_10 : vector<1x16xf32> to vector<16xf32>
    %swap3A_12 = vector.shape_cast %broadcast_in_dim3A_1 : vector<16xf32> to vector<1x16xf32>
    tpu.vector_store %arg14[%swap3A_8, %swap3A_9], %swap3A_12 {strides = array<i32>} : memref<128x128xf32, #tpu.memory_space<vmem>>, vector<1x16xf32>,
    %swap3A_13 = arith.constant 0 : i32
    %swap3A_14 = arith.index_cast %swap3A_13 : i32 to index
    %swap3A_15 = arith.constant 16 : index
    %swap3A_16 = tpu.vector_load %arg14[%swap3A_14, %swap3A_15] {strides = array<i32>} : memref<128x128xf32, #tpu.memory_space<vmem>>, vector<1x16xf32>,
    %swap3A_17 = vector.shape_cast %swap3A_16 : vector<1x16xf32> to vector<16xf32>
    %swap3A_18 = vector.shape_cast %broadcast_in_dim3A_1 : vector<16xf32> to vector<1x16xf32>
    tpu.vector_store %arg14[%swap3A_14, %swap3A_15], %swap3A_18 {strides = array<i32>} : memref<128x128xf32, #tpu.memory_space<vmem>>, vector<1x16xf32>,
    %swap3A_19 = arith.constant 0 : i32
    %swap3A_20 = arith.index_cast %swap3A_19 : i32 to index
    %swap3A_21 = arith.constant 32 : index
    %swap3A_22 = tpu.vector_load %arg14[%swap3A_20, %swap3A_21] {strides = array<i32>} : memref<128x128xf32, #tpu.memory_space<vmem>>, vector<1x16xf32>,
    %swap3A_23 = vector.shape_cast %swap3A_22 : vector<1x16xf32> to vector<16xf32>
    %swap3A_24 = vector.shape_cast %broadcast_in_dim3A_1 : vector<16xf32> to vector<1x16xf32>
    tpu.vector_store %arg14[%swap3A_20, %swap3A_21], %swap3A_24 {strides = array<i32>} : memref<128x128xf32, #tpu.memory_space<vmem>>, vector<1x16xf32>,
    %swap3A_25 = arith.constant 0 : i32
    %swap3A_26 = arith.index_cast %swap3A_25 : i32 to index
    %swap3A_27 = arith.constant 48 : index
    %swap3A_28 = tpu.vector_load %arg14[%swap3A_26, %swap3A_27] {strides = array<i32>} : memref<128x128xf32, #tpu.memory_space<vmem>>, vector<1x16xf32>,
    %swap3A_29 = vector.shape_cast %swap3A_28 : vector<1x16xf32> to vector<16xf32>
    %swap3A_30 = vector.shape_cast %broadcast_in_dim3A_1 : vector<16xf32> to vector<1x16xf32>
    tpu.vector_store %arg14[%swap3A_26, %swap3A_27], %swap3A_30 {strides = array<i32>} : memref<128x128xf32, #tpu.memory_space<vmem>>, vector<1x16xf32>,
    %swap3A_31 = arith.constant 0 : i32
    %swap3A_32 = arith.index_cast %swap3A_31 : i32 to index
    %swap3A_33 = arith.constant 64 : index
    %swap3A_34 = tpu.vector_load %arg14[%swap3A_32, %swap3A_33] {strides = array<i32>} : memref<128x128xf32, #tpu.memory_space<vmem>>, vector<1x16xf32>,
    %swap3A_35 = vector.shape_cast %swap3A_34 : vector<1x16xf32> to vector<16xf32>
    %swap3A_36 = vector.shape_cast %broadcast_in_dim3A_1 : vector<16xf32> to vector<1x16xf32>
    tpu.vector_store %arg14[%swap3A_32, %swap3A_33], %swap3A_36 {strides = array<i32>} : memref<128x128xf32, #tpu.memory_space<vmem>>, vector<1x16xf32>,
    %swap3A_37 = arith.constant 0 : i32
    %swap3A_38 = arith.index_cast %swap3A_37 : i32 to index
    %swap3A_39 = arith.constant 80 : index
    %swap3A_40 = tpu.vector_load %arg14[%swap3A_38, %swap3A_39] {strides = array<i32>} : memref<128x128xf32, #tpu.memory_space<vmem>>, vector<1x16xf32>,
    %swap3A_41 = vector.shape_cast %swap3A_40 : vector<1x16xf32> to vector<16xf32>
    %swap3A_42 = vector.shape_cast %broadcast_in_dim3A_1 : vector<16xf32> to vector<1x16xf32>
    tpu.vector_store %arg14[%swap3A_38, %swap3A_39], %swap3A_42 {strides = array<i32>} : memref<128x128xf32, #tpu.memory_space<vmem>>, vector<1x16xf32>,
    %swap3A_43 = arith.constant 0 : i32
    %swap3A_44 = arith.index_cast %swap3A_43 : i32 to index
    %swap3A_45 = arith.constant 96 : index
    %swap3A_46 = tpu.vector_load %arg14[%swap3A_44, %swap3A_45] {strides = array<i32>} : memref<128x128xf32, #tpu.memory_space<vmem>>, vector<1x16xf32>,
    %swap3A_47 = vector.shape_cast %swap3A_46 : vector<1x16xf32> to vector<16xf32>
    %swap3A_48 = vector.shape_cast %broadcast_in_dim3A_1 : vector<16xf32> to vector<1x16xf32>
    tpu.vector_store %arg14[%swap3A_44, %swap3A_45], %swap3A_48 {strides = array<i32>} : memref<128x128xf32, #tpu.memory_space<vmem>>, vector<1x16xf32>,
    %swap3A_49 = arith.constant 0 : i32
    %swap3A_50 = arith.index_cast %swap3A_49 : i32 to index
    %swap3A_51 = arith.constant 112 : index
    %swap3A_52 = tpu.vector_load %arg14[%swap3A_50, %swap3A_51] {strides = array<i32>} : memref<128x128xf32, #tpu.memory_space<vmem>>, vector<1x16xf32>,
    %swap3A_53 = vector.shape_cast %swap3A_52 : vector<1x16xf32> to vector<16xf32>
    %swap3A_54 = vector.shape_cast %broadcast_in_dim3A_1 : vector<16xf32> to vector<1x16xf32>
    tpu.vector_store %arg14[%swap3A_50, %swap3A_51], %swap3A_54 {strides = array<i32>} : memref<128x128xf32, #tpu.memory_space<vmem>>, vector<1x16xf32>,
    %swap3A_55 = arith.constant 1 : i32
    %swap3A_56 = arith.index_cast %swap3A_55 : i32 to index
    %swap3A_57 = arith.constant 0 : index
    %swap3A_58 = tpu.vector_load %arg13[%swap3A_56, %swap3A_57] {strides = array<i32>} : memref<128x16xf32, #tpu.memory_space<vmem>>, vector<1x16xf32>,
    %swap3A_59 = vector.shape_cast %swap3A_58 : vector<1x16xf32> to vector<16xf32>
    %swap3A_60 = vector.shape_cast %broadcast_in_dim3A_1 : vector<16xf32> to vector<1x16xf32>
    tpu.vector_store %arg13[%swap3A_56, %swap3A_57], %swap3A_60 {strides = array<i32>} : memref<128x16xf32, #tpu.memory_space<vmem>>, vector<1x16xf32>,
    %swap3A_61 = arith.constant 1 : i32
    %swap3A_62 = arith.index_cast %swap3A_61 : i32 to index
    %swap3A_63 = arith.constant 0 : index
    %swap3A_64 = tpu.vector_load %arg14[%swap3A_62, %swap3A_63] {strides = array<i32>} : memref<128x128xf32, #tpu.memory_space<vmem>>, vector<1x16xf32>,
    %swap3A_65 = vector.shape_cast %swap3A_64 : vector<1x16xf32> to vector<16xf32>
    %swap3A_66 = vector.shape_cast %broadcast_in_dim3A_1 : vector<16xf32> to vector<1x16xf32>
    tpu.vector_store %arg14[%swap3A_62, %swap3A_63], %swap3A_66 {strides = array<i32>} : memref<128x128xf32, #tpu.memory_space<vmem>>, vector<1x16xf32>,
    %swap3A_67 = arith.constant 1 : i32
    %swap3A_68 = arith.index_cast %swap3A_67 : i32 to index
    %swap3A_69 = arith.constant 16 : index
    %swap3A_70 = tpu.vector_load %arg14[%swap3A_68, %swap3A_69] {strides = array<i32>} : memref<128x128xf32, #tpu.memory_space<vmem>>, vector<1x16xf32>,
    %swap3A_71 = vector.shape_cast %swap3A_70 : vector<1x16xf32> to vector<16xf32>
    %swap3A_72 = vector.shape_cast %broadcast_in_dim3A_1 : vector<16xf32> to vector<1x16xf32>
    tpu.vector_store %arg14[%swap3A_68, %swap3A_69], %swap3A_72 {strides = array<i32>} : memref<128x128xf32, #tpu.memory_space<vmem>>, vector<1x16xf32>,
    %swap3A_73 = arith.constant 1 : i32
    %swap3A_74 = arith.index_cast %swap3A_73 : i32 to index
    %swap3A_75 = arith.constant 32 : index
    %swap3A_76 = tpu.vector_load %arg14[%swap3A_74, %swap3A_75] {strides = array<i32>} : memref<128x128xf32, #tpu.memory_space<vmem>>, vector<1x16xf32>,
    %swap3A_77 = vector.shape_cast %swap3A_76 : vector<1x16xf32> to vector<16xf32>
    %swap3A_78 = vector.shape_cast %broadcast_in_dim3A_1 : vector<16xf32> to vector<1x16xf32>
    tpu.vector_store %arg14[%swap3A_74, %swap3A_75], %swap3A_78 {strides = array<i32>} : memref<128x128xf32, #tpu.memory_space<vmem>>, vector<1x16xf32>,
    %swap3A_79 = arith.constant 1 : i32
    %swap3A_80 = arith.index_cast %swap3A_79 : i32 to index
    %swap3A_81 = arith.constant 48 : index
    %swap3A_82 = tpu.vector_load %arg14[%swap3A_80, %swap3A_81] {strides = array<i32>} : memref<128x128xf32, #tpu.memory_space<vmem>>, vector<1x16xf32>,
    %swap3A_83 = vector.shape_cast %swap3A_82 : vector<1x16xf32> to vector<16xf32>
    %swap3A_84 = vector.shape_cast %broadcast_in_dim3A_1 : vector<16xf32> to vector<1x16xf32>
    tpu.vector_store %arg14[%swap3A_80, %swap3A_81], %swap3A_84 {strides = array<i32>} : memref<128x128xf32, #tpu.memory_space<vmem>>, vector<1x16xf32>,
    %swap3A_85 = arith.constant 1 : i32
    %swap3A_86 = arith.index_cast %swap3A_85 : i32 to index
    %swap3A_87 = arith.constant 64 : index
    %swap3A_88 = tpu.vector_load %arg14[%swap3A_86, %swap3A_87] {strides = array<i32>} : memref<128x128xf32, #tpu.memory_space<vmem>>, vector<1x16xf32>,
    %swap3A_89 = vector.shape_cast %swap3A_88 : vector<1x16xf32> to vector<16xf32>
    %swap3A_90 = vector.shape_cast %broadcast_in_dim3A_1 : vector<16xf32> to vector<1x16xf32>
    tpu.vector_store %arg14[%swap3A_86, %swap3A_87], %swap3A_90 {strides = array<i32>} : memref<128x128xf32, #tpu.memory_space<vmem>>, vector<1x16xf32>,
    %swap3A_91 = arith.constant 1 : i32
    %swap3A_92 = arith.index_cast %swap3A_91 : i32 to index
    %swap3A_93 = arith.constant 80 : index
    %swap3A_94 = tpu.vector_load %arg14[%swap3A_92, %swap3A_93] {strides = array<i32>} : memref<128x128xf32, #tpu.memory_space<vmem>>, vector<1x16xf32>,
    %swap3A_95 = vector.shape_cast %swap3A_94 : vector<1x16xf32> to vector<16xf32>
    %swap3A_96 = vector.shape_cast %broadcast_in_dim3A_1 : vector<16xf32> to vector<1x16xf32>
    tpu.vector_store %arg14[%swap3A_92, %swap3A_93], %swap3A_96 {strides = array<i32>} : memref<128x128xf32, #tpu.memory_space<vmem>>, vector<1x16xf32>,
    %swap3A_97 = arith.constant 1 : i32
    %swap3A_98 = arith.index_cast %swap3A_97 : i32 to index
    %swap3A_99 = arith.constant 96 : index
    %swap3A_100 = tpu.vector_load %arg14[%swap3A_98, %swap3A_99] {strides = array<i32>} : memref<128x128xf32, #tpu.memory_space<vmem>>, vector<1x16xf32>,
    %swap3A_101 = vector.shape_cast %swap3A_100 : vector<1x16xf32> to vector<16xf32>
    %swap3A_102 = vector.shape_cast %broadcast_in_dim3A_1 : vector<16xf32> to vector<1x16xf32>
    tpu.vector_store %arg14[%swap3A_98, %swap3A_99], %swap3A_102 {strides = array<i32>} : memref<128x128xf32, #tpu.memory_space<vmem>>, vector<1x16xf32>,
    %swap3A_103 = arith.constant 1 : i32
    %swap3A_104 = arith.index_cast %swap3A_103 : i32 to index
    %swap3A_105 = arith.constant 112 : index
    %swap3A_106 = tpu.vector_load %arg14[%swap3A_104, %swap3A_105] {strides = array<i32>} : memref<128x128xf32, #tpu.memory_space<vmem>>, vector<1x16xf32>,
    %swap3A_107 = vector.shape_cast %swap3A_106 : vector<1x16xf32> to vector<16xf32>
    %swap3A_108 = vector.shape_cast %broadcast_in_dim3A_1 : vector<16xf32> to vector<1x16xf32>
    tpu.vector_store %arg14[%swap3A_104, %swap3A_105], %swap3A_108 {strides = array<i32>} : memref<128x128xf32, #tpu.memory_space<vmem>>, vector<1x16xf32>,
    %swap3A_109 = arith.constant 2 : i32
    %swap3A_110 = arith.index_cast %swap3A_109 : i32 to index
    %swap3A_111 = arith.constant 0 : index
    %swap3A_112 = tpu.vector_load %arg13[%swap3A_110, %swap3A_111] {strides = array<i32>} : memref<128x16xf32, #tpu.memory_space<vmem>>, vector<1x16xf32>,
    %swap3A_113 = vector.shape_cast %swap3A_112 : vector<1x16xf32> to vector<16xf32>
    %swap3A_114 = vector.shape_cast %broadcast_in_dim3A_1 : vector<16xf32> to vector<1x16xf32>
    tpu.vector_store %arg13[%swap3A_110, %swap3A_111], %swap3A_114 {strides = array<i32>} : memref<128x16xf32, #tpu.memory_space<vmem>>, vector<1x16xf32>,
    %swap3A_115 = arith.constant 2 : i32
    %swap3A_116 = arith.index_cast %swap3A_115 : i32 to index
    %swap3A_117 = arith.constant 0 : index
    %swap3A_118 = tpu.vector_load %arg14[%swap3A_116, %swap3A_117] {strides = array<i32>} : memref<128x128xf32, #tpu.memory_space<vmem>>, vector<1x16xf32>,
    %swap3A_119 = vector.shape_cast %swap3A_118 : vector<1x16xf32> to vector<16xf32>
    %swap3A_120 = vector.shape_cast %broadcast_in_dim3A_1 : vector<16xf32> to vector<1x16xf32>
    tpu.vector_store %arg14[%swap3A_116, %swap3A_117], %swap3A_120 {strides = array<i32>} : memref<128x128xf32, #tpu.memory_space<vmem>>, vector<1x16xf32>,
    %swap3A_121 = arith.constant 2 : i32
    %swap3A_122 = arith.index_cast %swap3A_121 : i32 to index
    %swap3A_123 = arith.constant 16 : index
    %swap3A_124 = tpu.vector_load %arg14[%swap3A_122, %swap3A_123] {strides = array<i32>} : memref<128x128xf32, #tpu.memory_space<vmem>>, vector<1x16xf32>,
    %swap3A_125 = vector.shape_cast %swap3A_124 : vector<1x16xf32> to vector<16xf32>
    %swap3A_126 = vector.shape_cast %broadcast_in_dim3A_1 : vector<16xf32> to vector<1x16xf32>
    tpu.vector_store %arg14[%swap3A_122, %swap3A_123], %swap3A_126 {strides = array<i32>} : memref<128x128xf32, #tpu.memory_space<vmem>>, vector<1x16xf32>,
    %swap3A_127 = arith.constant 2 : i32
    %swap3A_128 = arith.index_cast %swap3A_127 : i32 to index
    %swap3A_129 = arith.constant 32 : index
    %swap3A_130 = tpu.vector_load %arg14[%swap3A_128, %swap3A_129] {strides = array<i32>} : memref<128x128xf32, #tpu.memory_space<vmem>>, vector<1x16xf32>,
    %swap3A_131 = vector.shape_cast %swap3A_130 : vector<1x16xf32> to vector<16xf32>
    %swap3A_132 = vector.shape_cast %broadcast_in_dim3A_1 : vector<16xf32> to vector<1x16xf32>
    tpu.vector_store %arg14[%swap3A_128, %swap3A_129], %swap3A_132 {strides = array<i32>} : memref<128x128xf32, #tpu.memory_space<vmem>>, vector<1x16xf32>,
    %swap3A_133 = arith.constant 2 : i32
    %swap3A_134 = arith.index_cast %swap3A_133 : i32 to index
    %swap3A_135 = arith.constant 48 : index
    %swap3A_136 = tpu.vector_load %arg14[%swap3A_134, %swap3A_135] {strides = array<i32>} : memref<128x128xf32, #tpu.memory_space<vmem>>, vector<1x16xf32>,
    %swap3A_137 = vector.shape_cast %swap3A_136 : vector<1x16xf32> to vector<16xf32>
    %swap3A_138 = vector.shape_cast %broadcast_in_dim3A_1 : vector<16xf32> to vector<1x16xf32>
    tpu.vector_store %arg14[%swap3A_134, %swap3A_135], %swap3A_138 {strides = array<i32>} : memref<128x128xf32, #tpu.memory_space<vmem>>, vector<1x16xf32>,
    %swap3A_139 = arith.constant 2 : i32
    %swap3A_140 = arith.index_cast %swap3A_139 : i32 to index
    %swap3A_141 = arith.constant 64 : index
    %swap3A_142 = tpu.vector_load %arg14[%swap3A_140, %swap3A_141] {strides = array<i32>} : memref<128x128xf32, #tpu.memory_space<vmem>>, vector<1x16xf32>,
    %swap3A_143 = vector.shape_cast %swap3A_142 : vector<1x16xf32> to vector<16xf32>
    %swap3A_144 = vector.shape_cast %broadcast_in_dim3A_1 : vector<16xf32> to vector<1x16xf32>
    tpu.vector_store %arg14[%swap3A_140, %swap3A_141], %swap3A_144 {strides = array<i32>} : memref<128x128xf32, #tpu.memory_space<vmem>>, vector<1x16xf32>,
    %swap3A_145 = arith.constant 2 : i32
    %swap3A_146 = arith.index_cast %swap3A_145 : i32 to index
    %swap3A_147 = arith.constant 80 : index
    %swap3A_148 = tpu.vector_load %arg14[%swap3A_146, %swap3A_147] {strides = array<i32>} : memref<128x128xf32, #tpu.memory_space<vmem>>, vector<1x16xf32>,
    %swap3A_149 = vector.shape_cast %swap3A_148 : vector<1x16xf32> to vector<16xf32>
    %swap3A_150 = vector.shape_cast %broadcast_in_dim3A_1 : vector<16xf32> to vector<1x16xf32>
    tpu.vector_store %arg14[%swap3A_146, %swap3A_147], %swap3A_150 {strides = array<i32>} : memref<128x128xf32, #tpu.memory_space<vmem>>, vector<1x16xf32>,
    %swap3A_151 = arith.constant 2 : i32
    %swap3A_152 = arith.index_cast %swap3A_151 : i32 to index
    %swap3A_153 = arith.constant 96 : index
    %swap3A_154 = tpu.vector_load %arg14[%swap3A_152, %swap3A_153] {strides = array<i32>} : memref<128x128xf32, #tpu.memory_space<vmem>>, vector<1x16xf32>,
    %swap3A_155 = vector.shape_cast %swap3A_154 : vector<1x16xf32> to vector<16xf32>
    %swap3A_156 = vector.shape_cast %broadcast_in_dim3A_1 : vector<16xf32> to vector<1x16xf32>
    tpu.vector_store %arg14[%swap3A_152, %swap3A_153], %swap3A_156 {strides = array<i32>} : memref<128x128xf32, #tpu.memory_space<vmem>>, vector<1x16xf32>,
    %swap3A_157 = arith.constant 2 : i32
    %swap3A_158 = arith.index_cast %swap3A_157 : i32 to index
    %swap3A_159 = arith.constant 112 : index
    %swap3A_160 = tpu.vector_load %arg14[%swap3A_158, %swap3A_159] {strides = array<i32>} : memref<128x128xf32, #tpu.memory_space<vmem>>, vector<1x16xf32>,
    %swap3A_161 = vector.shape_cast %swap3A_160 : vector<1x16xf32> to vector<16xf32>
    %swap3A_162 = vector.shape_cast %broadcast_in_dim3A_1 : vector<16xf32> to vector<1x16xf32>
    tpu.vector_store %arg14[%swap3A_158, %swap3A_159], %swap3A_162 {strides = array<i32>} : memref<128x128xf32, #tpu.memory_space<vmem>>, vector<1x16xf32>,
    %swap3A_163 = arith.constant 3 : i32
    %swap3A_164 = arith.index_cast %swap3A_163 : i32 to index
    %swap3A_165 = arith.constant 0 : index
    %swap3A_166 = tpu.vector_load %arg13[%swap3A_164, %swap3A_165] {strides = array<i32>} : memref<128x16xf32, #tpu.memory_space<vmem>>, vector<1x16xf32>,
    %swap3A_167 = vector.shape_cast %swap3A_166 : vector<1x16xf32> to vector<16xf32>
    %swap3A_168 = vector.shape_cast %broadcast_in_dim3A_1 : vector<16xf32> to vector<1x16xf32>
    tpu.vector_store %arg13[%swap3A_164, %swap3A_165], %swap3A_168 {strides = array<i32>} : memref<128x16xf32, #tpu.memory_space<vmem>>, vector<1x16xf32>,
    %swap3A_169 = arith.constant 3 : i32
    %swap3A_170 = arith.index_cast %swap3A_169 : i32 to index
    %swap3A_171 = arith.constant 0 : index
    %swap3A_172 = tpu.vector_load %arg14[%swap3A_170, %swap3A_171] {strides = array<i32>} : memref<128x128xf32, #tpu.memory_space<vmem>>, vector<1x16xf32>,
    %swap3A_173 = vector.shape_cast %swap3A_172 : vector<1x16xf32> to vector<16xf32>
    %swap3A_174 = vector.shape_cast %broadcast_in_dim3A_1 : vector<16xf32> to vector<1x16xf32>
    tpu.vector_store %arg14[%swap3A_170, %swap3A_171], %swap3A_174 {strides = array<i32>} : memref<128x128xf32, #tpu.memory_space<vmem>>, vector<1x16xf32>,
    %swap3A_175 = arith.constant 3 : i32
    %swap3A_176 = arith.index_cast %swap3A_175 : i32 to index
    %swap3A_177 = arith.constant 16 : index
    %swap3A_178 = tpu.vector_load %arg14[%swap3A_176, %swap3A_177] {strides = array<i32>} : memref<128x128xf32, #tpu.memory_space<vmem>>, vector<1x16xf32>,
    %swap3A_179 = vector.shape_cast %swap3A_178 : vector<1x16xf32> to vector<16xf32>
    %swap3A_180 = vector.shape_cast %broadcast_in_dim3A_1 : vector<16xf32> to vector<1x16xf32>
    tpu.vector_store %arg14[%swap3A_176, %swap3A_177], %swap3A_180 {strides = array<i32>} : memref<128x128xf32, #tpu.memory_space<vmem>>, vector<1x16xf32>,
    %swap3A_181 = arith.constant 3 : i32
    %swap3A_182 = arith.index_cast %swap3A_181 : i32 to index
    %swap3A_183 = arith.constant 32 : index
    %swap3A_184 = tpu.vector_load %arg14[%swap3A_182, %swap3A_183] {strides = array<i32>} : memref<128x128xf32, #tpu.memory_space<vmem>>, vector<1x16xf32>,
    %swap3A_185 = vector.shape_cast %swap3A_184 : vector<1x16xf32> to vector<16xf32>
    %swap3A_186 = vector.shape_cast %broadcast_in_dim3A_1 : vector<16xf32> to vector<1x16xf32>
    tpu.vector_store %arg14[%swap3A_182, %swap3A_183], %swap3A_186 {strides = array<i32>} : memref<128x128xf32, #tpu.memory_space<vmem>>, vector<1x16xf32>,
    %swap3A_187 = arith.constant 3 : i32
    %swap3A_188 = arith.index_cast %swap3A_187 : i32 to index
    %swap3A_189 = arith.constant 48 : index
    %swap3A_190 = tpu.vector_load %arg14[%swap3A_188, %swap3A_189] {strides = array<i32>} : memref<128x128xf32, #tpu.memory_space<vmem>>, vector<1x16xf32>,
    %swap3A_191 = vector.shape_cast %swap3A_190 : vector<1x16xf32> to vector<16xf32>
    %swap3A_192 = vector.shape_cast %broadcast_in_dim3A_1 : vector<16xf32> to vector<1x16xf32>
    tpu.vector_store %arg14[%swap3A_188, %swap3A_189], %swap3A_192 {strides = array<i32>} : memref<128x128xf32, #tpu.memory_space<vmem>>, vector<1x16xf32>,
    %swap3A_193 = arith.constant 3 : i32
    %swap3A_194 = arith.index_cast %swap3A_193 : i32 to index
    %swap3A_195 = arith.constant 64 : index
    %swap3A_196 = tpu.vector_load %arg14[%swap3A_194, %swap3A_195] {strides = array<i32>} : memref<128x128xf32, #tpu.memory_space<vmem>>, vector<1x16xf32>,
    %swap3A_197 = vector.shape_cast %swap3A_196 : vector<1x16xf32> to vector<16xf32>
    %swap3A_198 = vector.shape_cast %broadcast_in_dim3A_1 : vector<16xf32> to vector<1x16xf32>
    tpu.vector_store %arg14[%swap3A_194, %swap3A_195], %swap3A_198 {strides = array<i32>} : memref<128x128xf32, #tpu.memory_space<vmem>>, vector<1x16xf32>,
    %swap3A_199 = arith.constant 3 : i32
    %swap3A_200 = arith.index_cast %swap3A_199 : i32 to index
    %swap3A_201 = arith.constant 80 : index
    %swap3A_202 = tpu.vector_load %arg14[%swap3A_200, %swap3A_201] {strides = array<i32>} : memref<128x128xf32, #tpu.memory_space<vmem>>, vector<1x16xf32>,
    %swap3A_203 = vector.shape_cast %swap3A_202 : vector<1x16xf32> to vector<16xf32>
    %swap3A_204 = vector.shape_cast %broadcast_in_dim3A_1 : vector<16xf32> to vector<1x16xf32>
    tpu.vector_store %arg14[%swap3A_200, %swap3A_201], %swap3A_204 {strides = array<i32>} : memref<128x128xf32, #tpu.memory_space<vmem>>, vector<1x16xf32>,
    %swap3A_205 = arith.constant 3 : i32
    %swap3A_206 = arith.index_cast %swap3A_205 : i32 to index
    %swap3A_207 = arith.constant 96 : index
    %swap3A_208 = tpu.vector_load %arg14[%swap3A_206, %swap3A_207] {strides = array<i32>} : memref<128x128xf32, #tpu.memory_space<vmem>>, vector<1x16xf32>,
    %swap3A_209 = vector.shape_cast %swap3A_208 : vector<1x16xf32> to vector<16xf32>
    %swap3A_210 = vector.shape_cast %broadcast_in_dim3A_1 : vector<16xf32> to vector<1x16xf32>
    tpu.vector_store %arg14[%swap3A_206, %swap3A_207], %swap3A_210 {strides = array<i32>} : memref<128x128xf32, #tpu.memory_space<vmem>>, vector<1x16xf32>,
    %swap3A_211 = arith.constant 3 : i32
    %swap3A_212 = arith.index_cast %swap3A_211 : i32 to index
    %swap3A_213 = arith.constant 112 : index
    %swap3A_214 = tpu.vector_load %arg14[%swap3A_212, %swap3A_213] {strides = array<i32>} : memref<128x128xf32, #tpu.memory_space<vmem>>, vector<1x16xf32>,
    %swap3A_215 = vector.shape_cast %swap3A_214 : vector<1x16xf32> to vector<16xf32>
    %swap3A_216 = vector.shape_cast %broadcast_in_dim3A_1 : vector<16xf32> to vector<1x16xf32>
    tpu.vector_store %arg14[%swap3A_212, %swap3A_213], %swap3A_216 {strides = array<i32>} : memref<128x128xf32, #tpu.memory_space<vmem>>, vector<1x16xf32>,
    %swap3A_217 = arith.constant 4 : i32
    %swap3A_218 = arith.index_cast %swap3A_217 : i32 to index
    %swap3A_219 = arith.constant 0 : index
    %swap3A_220 = tpu.vector_load %arg13[%swap3A_218, %swap3A_219] {strides = array<i32>} : memref<128x16xf32, #tpu.memory_space<vmem>>, vector<1x16xf32>,
    %swap3A_221 = vector.shape_cast %swap3A_220 : vector<1x16xf32> to vector<16xf32>
    %swap3A_222 = vector.shape_cast %broadcast_in_dim3A_1 : vector<16xf32> to vector<1x16xf32>
    tpu.vector_store %arg13[%swap3A_218, %swap3A_219], %swap3A_222 {strides = array<i32>} : memref<128x16xf32, #tpu.memory_space<vmem>>, vector<1x16xf32>,
    %swap3A_223 = arith.constant 4 : i32
    %swap3A_224 = arith.index_cast %swap3A_223 : i32 to index
    %swap3A_225 = arith.constant 0 : index
    %swap3A_226 = tpu.vector_load %arg14[%swap3A_224, %swap3A_225] {strides = array<i32>} : memref<128x128xf32, #tpu.memory_space<vmem>>, vector<1x16xf32>,
    %swap3A_227 = vector.shape_cast %swap3A_226 : vector<1x16xf32> to vector<16xf32>
    %swap3A_228 = vector.shape_cast %broadcast_in_dim3A_1 : vector<16xf32> to vector<1x16xf32>
    tpu.vector_store %arg14[%swap3A_224, %swap3A_225], %swap3A_228 {strides = array<i32>} : memref<128x128xf32, #tpu.memory_space<vmem>>, vector<1x16xf32>,
    %swap3A_229 = arith.constant 4 : i32
    %swap3A_230 = arith.index_cast %swap3A_229 : i32 to index
    %swap3A_231 = arith.constant 16 : index
    %swap3A_232 = tpu.vector_load %arg14[%swap3A_230, %swap3A_231] {strides = array<i32>} : memref<128x128xf32, #tpu.memory_space<vmem>>, vector<1x16xf32>,
    %swap3A_233 = vector.shape_cast %swap3A_232 : vector<1x16xf32> to vector<16xf32>
    %swap3A_234 = vector.shape_cast %broadcast_in_dim3A_1 : vector<16xf32> to vector<1x16xf32>
    tpu.vector_store %arg14[%swap3A_230, %swap3A_231], %swap3A_234 {strides = array<i32>} : memref<128x128xf32, #tpu.memory_space<vmem>>, vector<1x16xf32>,
    %swap3A_235 = arith.constant 4 : i32
    %swap3A_236 = arith.index_cast %swap3A_235 : i32 to index
    %swap3A_237 = arith.constant 32 : index
    %swap3A_238 = tpu.vector_load %arg14[%swap3A_236, %swap3A_237] {strides = array<i32>} : memref<128x128xf32, #tpu.memory_space<vmem>>, vector<1x16xf32>,
    %swap3A_239 = vector.shape_cast %swap3A_238 : vector<1x16xf32> to vector<16xf32>
    %swap3A_240 = vector.shape_cast %broadcast_in_dim3A_1 : vector<16xf32> to vector<1x16xf32>
    tpu.vector_store %arg14[%swap3A_236, %swap3A_237], %swap3A_240 {strides = array<i32>} : memref<128x128xf32, #tpu.memory_space<vmem>>, vector<1x16xf32>,
    %swap3A_241 = arith.constant 4 : i32
    %swap3A_242 = arith.index_cast %swap3A_241 : i32 to index
    %swap3A_243 = arith.constant 48 : index
    %swap3A_244 = tpu.vector_load %arg14[%swap3A_242, %swap3A_243] {strides = array<i32>} : memref<128x128xf32, #tpu.memory_space<vmem>>, vector<1x16xf32>,
    %swap3A_245 = vector.shape_cast %swap3A_244 : vector<1x16xf32> to vector<16xf32>
    %swap3A_246 = vector.shape_cast %broadcast_in_dim3A_1 : vector<16xf32> to vector<1x16xf32>
    tpu.vector_store %arg14[%swap3A_242, %swap3A_243], %swap3A_246 {strides = array<i32>} : memref<128x128xf32, #tpu.memory_space<vmem>>, vector<1x16xf32>,
    %swap3A_247 = arith.constant 4 : i32
    %swap3A_248 = arith.index_cast %swap3A_247 : i32 to index
    %swap3A_249 = arith.constant 64 : index
    %swap3A_250 = tpu.vector_load %arg14[%swap3A_248, %swap3A_249] {strides = array<i32>} : memref<128x128xf32, #tpu.memory_space<vmem>>, vector<1x16xf32>,
    %swap3A_251 = vector.shape_cast %swap3A_250 : vector<1x16xf32> to vector<16xf32>
    %swap3A_252 = vector.shape_cast %broadcast_in_dim3A_1 : vector<16xf32> to vector<1x16xf32>
    tpu.vector_store %arg14[%swap3A_248, %swap3A_249], %swap3A_252 {strides = array<i32>} : memref<128x128xf32, #tpu.memory_space<vmem>>, vector<1x16xf32>,
    %swap3A_253 = arith.constant 4 : i32
    %swap3A_254 = arith.index_cast %swap3A_253 : i32 to index
    %swap3A_255 = arith.constant 80 : index
    %swap3A_256 = tpu.vector_load %arg14[%swap3A_254, %swap3A_255] {strides = array<i32>} : memref<128x128xf32, #tpu.memory_space<vmem>>, vector<1x16xf32>,
    %swap3A_257 = vector.shape_cast %swap3A_256 : vector<1x16xf32> to vector<16xf32>
    %swap3A_258 = vector.shape_cast %broadcast_in_dim3A_1 : vector<16xf32> to vector<1x16xf32>
    tpu.vector_store %arg14[%swap3A_254, %swap3A_255], %swap3A_258 {strides = array<i32>} : memref<128x128xf32, #tpu.memory_space<vmem>>, vector<1x16xf32>,
    %swap3A_259 = arith.constant 4 : i32
    %swap3A_260 = arith.index_cast %swap3A_259 : i32 to index
    %swap3A_261 = arith.constant 96 : index
    %swap3A_262 = tpu.vector_load %arg14[%swap3A_260, %swap3A_261] {strides = array<i32>} : memref<128x128xf32, #tpu.memory_space<vmem>>, vector<1x16xf32>,
    %swap3A_263 = vector.shape_cast %swap3A_262 : vector<1x16xf32> to vector<16xf32>
    %swap3A_264 = vector.shape_cast %broadcast_in_dim3A_1 : vector<16xf32> to vector<1x16xf32>
    tpu.vector_store %arg14[%swap3A_260, %swap3A_261], %swap3A_264 {strides = array<i32>} : memref<128x128xf32, #tpu.memory_space<vmem>>, vector<1x16xf32>,
    %swap3A_265 = arith.constant 4 : i32
    %swap3A_266 = arith.index_cast %swap3A_265 : i32 to index
    %swap3A_267 = arith.constant 112 : index
    %swap3A_268 = tpu.vector_load %arg14[%swap3A_266, %swap3A_267] {strides = array<i32>} : memref<128x128xf32, #tpu.memory_space<vmem>>, vector<1x16xf32>,
    %swap3A_269 = vector.shape_cast %swap3A_268 : vector<1x16xf32> to vector<16xf32>
    %swap3A_270 = vector.shape_cast %broadcast_in_dim3A_1 : vector<16xf32> to vector<1x16xf32>
    tpu.vector_store %arg14[%swap3A_266, %swap3A_267], %swap3A_270 {strides = array<i32>} : memref<128x128xf32, #tpu.memory_space<vmem>>, vector<1x16xf32>,
    %swap3A_271 = arith.constant 5 : i32
    %swap3A_272 = arith.index_cast %swap3A_271 : i32 to index
    %swap3A_273 = arith.constant 0 : index
    %swap3A_274 = tpu.vector_load %arg13[%swap3A_272, %swap3A_273] {strides = array<i32>} : memref<128x16xf32, #tpu.memory_space<vmem>>, vector<1x16xf32>,
    %swap3A_275 = vector.shape_cast %swap3A_274 : vector<1x16xf32> to vector<16xf32>
    %swap3A_276 = vector.shape_cast %broadcast_in_dim3A_1 : vector<16xf32> to vector<1x16xf32>
    tpu.vector_store %arg13[%swap3A_272, %swap3A_273], %swap3A_276 {strides = array<i32>} : memref<128x16xf32, #tpu.memory_space<vmem>>, vector<1x16xf32>,
    %swap3A_277 = arith.constant 5 : i32
    %swap3A_278 = arith.index_cast %swap3A_277 : i32 to index
    %swap3A_279 = arith.constant 0 : index
    %swap3A_280 = tpu.vector_load %arg14[%swap3A_278, %swap3A_279] {strides = array<i32>} : memref<128x128xf32, #tpu.memory_space<vmem>>, vector<1x16xf32>,
    %swap3A_281 = vector.shape_cast %swap3A_280 : vector<1x16xf32> to vector<16xf32>
    %swap3A_282 = vector.shape_cast %broadcast_in_dim3A_1 : vector<16xf32> to vector<1x16xf32>
    tpu.vector_store %arg14[%swap3A_278, %swap3A_279], %swap3A_282 {strides = array<i32>} : memref<128x128xf32, #tpu.memory_space<vmem>>, vector<1x16xf32>,
    %swap3A_283 = arith.constant 5 : i32
    %swap3A_284 = arith.index_cast %swap3A_283 : i32 to index
    %swap3A_285 = arith.constant 16 : index
    %swap3A_286 = tpu.vector_load %arg14[%swap3A_284, %swap3A_285] {strides = array<i32>} : memref<128x128xf32, #tpu.memory_space<vmem>>, vector<1x16xf32>,
    %swap3A_287 = vector.shape_cast %swap3A_286 : vector<1x16xf32> to vector<16xf32>
    %swap3A_288 = vector.shape_cast %broadcast_in_dim3A_1 : vector<16xf32> to vector<1x16xf32>
    tpu.vector_store %arg14[%swap3A_284, %swap3A_285], %swap3A_288 {strides = array<i32>} : memref<128x128xf32, #tpu.memory_space<vmem>>, vector<1x16xf32>,
    %swap3A_289 = arith.constant 5 : i32
    %swap3A_290 = arith.index_cast %swap3A_289 : i32 to index
    %swap3A_291 = arith.constant 32 : index
    %swap3A_292 = tpu.vector_load %arg14[%swap3A_290, %swap3A_291] {strides = array<i32>} : memref<128x128xf32, #tpu.memory_space<vmem>>, vector<1x16xf32>,
    %swap3A_293 = vector.shape_cast %swap3A_292 : vector<1x16xf32> to vector<16xf32>
    %swap3A_294 = vector.shape_cast %broadcast_in_dim3A_1 : vector<16xf32> to vector<1x16xf32>
    tpu.vector_store %arg14[%swap3A_290, %swap3A_291], %swap3A_294 {strides = array<i32>} : memref<128x128xf32, #tpu.memory_space<vmem>>, vector<1x16xf32>,
    %swap3A_295 = arith.constant 5 : i32
    %swap3A_296 = arith.index_cast %swap3A_295 : i32 to index
    %swap3A_297 = arith.constant 48 : index
    %swap3A_298 = tpu.vector_load %arg14[%swap3A_296, %swap3A_297] {strides = array<i32>} : memref<128x128xf32, #tpu.memory_space<vmem>>, vector<1x16xf32>,
    %swap3A_299 = vector.shape_cast %swap3A_298 : vector<1x16xf32> to vector<16xf32>
    %swap3A_300 = vector.shape_cast %broadcast_in_dim3A_1 : vector<16xf32> to vector<1x16xf32>
    tpu.vector_store %arg14[%swap3A_296, %swap3A_297], %swap3A_300 {strides = array<i32>} : memref<128x128xf32, #tpu.memory_space<vmem>>, vector<1x16xf32>,
    %swap3A_301 = arith.constant 5 : i32
    %swap3A_302 = arith.index_cast %swap3A_301 : i32 to index
    %swap3A_303 = arith.constant 64 : index
    %swap3A_304 = tpu.vector_load %arg14[%swap3A_302, %swap3A_303] {strides = array<i32>} : memref<128x128xf32, #tpu.memory_space<vmem>>, vector<1x16xf32>,
    %swap3A_305 = vector.shape_cast %swap3A_304 : vector<1x16xf32> to vector<16xf32>
    %swap3A_306 = vector.shape_cast %broadcast_in_dim3A_1 : vector<16xf32> to vector<1x16xf32>
    tpu.vector_store %arg14[%swap3A_302, %swap3A_303], %swap3A_306 {strides = array<i32>} : memref<128x128xf32, #tpu.memory_space<vmem>>, vector<1x16xf32>,
    %swap3A_307 = arith.constant 5 : i32
    %swap3A_308 = arith.index_cast %swap3A_307 : i32 to index
    %swap3A_309 = arith.constant 80 : index
    %swap3A_310 = tpu.vector_load %arg14[%swap3A_308, %swap3A_309] {strides = array<i32>} : memref<128x128xf32, #tpu.memory_space<vmem>>, vector<1x16xf32>,
    %swap3A_311 = vector.shape_cast %swap3A_310 : vector<1x16xf32> to vector<16xf32>
    %swap3A_312 = vector.shape_cast %broadcast_in_dim3A_1 : vector<16xf32> to vector<1x16xf32>
    tpu.vector_store %arg14[%swap3A_308, %swap3A_309], %swap3A_312 {strides = array<i32>} : memref<128x128xf32, #tpu.memory_space<vmem>>, vector<1x16xf32>,
    %swap3A_313 = arith.constant 5 : i32
    %swap3A_314 = arith.index_cast %swap3A_313 : i32 to index
    %swap3A_315 = arith.constant 96 : index
    %swap3A_316 = tpu.vector_load %arg14[%swap3A_314, %swap3A_315] {strides = array<i32>} : memref<128x128xf32, #tpu.memory_space<vmem>>, vector<1x16xf32>,
    %swap3A_317 = vector.shape_cast %swap3A_316 : vector<1x16xf32> to vector<16xf32>
    %swap3A_318 = vector.shape_cast %broadcast_in_dim3A_1 : vector<16xf32> to vector<1x16xf32>
    tpu.vector_store %arg14[%swap3A_314, %swap3A_315], %swap3A_318 {strides = array<i32>} : memref<128x128xf32, #tpu.memory_space<vmem>>, vector<1x16xf32>,
    %swap3A_319 = arith.constant 5 : i32
    %swap3A_320 = arith.index_cast %swap3A_319 : i32 to index
    %swap3A_321 = arith.constant 112 : index
    %swap3A_322 = tpu.vector_load %arg14[%swap3A_320, %swap3A_321] {strides = array<i32>} : memref<128x128xf32, #tpu.memory_space<vmem>>, vector<1x16xf32>,
    %swap3A_323 = vector.shape_cast %swap3A_322 : vector<1x16xf32> to vector<16xf32>
    %swap3A_324 = vector.shape_cast %broadcast_in_dim3A_1 : vector<16xf32> to vector<1x16xf32>
    tpu.vector_store %arg14[%swap3A_320, %swap3A_321], %swap3A_324 {strides = array<i32>} : memref<128x128xf32, #tpu.memory_space<vmem>>, vector<1x16xf32>,
    %swap3A_325 = arith.constant 6 : i32
    %swap3A_326 = arith.index_cast %swap3A_325 : i32 to index
    %swap3A_327 = arith.constant 0 : index
    %swap3A_328 = tpu.vector_load %arg13[%swap3A_326, %swap3A_327] {strides = array<i32>} : memref<128x16xf32, #tpu.memory_space<vmem>>, vector<1x16xf32>,
    %swap3A_329 = vector.shape_cast %swap3A_328 : vector<1x16xf32> to vector<16xf32>
    %swap3A_330 = vector.shape_cast %broadcast_in_dim3A_1 : vector<16xf32> to vector<1x16xf32>
    tpu.vector_store %arg13[%swap3A_326, %swap3A_327], %swap3A_330 {strides = array<i32>} : memref<128x16xf32, #tpu.memory_space<vmem>>, vector<1x16xf32>,
    %swap3A_331 = arith.constant 6 : i32
    %swap3A_332 = arith.index_cast %swap3A_331 : i32 to index
    %swap3A_333 = arith.constant 0 : index
    %swap3A_334 = tpu.vector_load %arg14[%swap3A_332, %swap3A_333] {strides = array<i32>} : memref<128x128xf32, #tpu.memory_space<vmem>>, vector<1x16xf32>,
    %swap3A_335 = vector.shape_cast %swap3A_334 : vector<1x16xf32> to vector<16xf32>
    %swap3A_336 = vector.shape_cast %broadcast_in_dim3A_1 : vector<16xf32> to vector<1x16xf32>
    tpu.vector_store %arg14[%swap3A_332, %swap3A_333], %swap3A_336 {strides = array<i32>} : memref<128x128xf32, #tpu.memory_space<vmem>>, vector<1x16xf32>,
    %swap3A_337 = arith.constant 6 : i32
    %swap3A_338 = arith.index_cast %swap3A_337 : i32 to index
    %swap3A_339 = arith.constant 16 : index
    %swap3A_340 = tpu.vector_load %arg14[%swap3A_338, %swap3A_339] {strides = array<i32>} : memref<128x128xf32, #tpu.memory_space<vmem>>, vector<1x16xf32>,
    %swap3A_341 = vector.shape_cast %swap3A_340 : vector<1x16xf32> to vector<16xf32>
    %swap3A_342 = vector.shape_cast %broadcast_in_dim3A_1 : vector<16xf32> to vector<1x16xf32>
    tpu.vector_store %arg14[%swap3A_338, %swap3A_339], %swap3A_342 {strides = array<i32>} : memref<128x128xf32, #tpu.memory_space<vmem>>, vector<1x16xf32>,
    %swap3A_343 = arith.constant 6 : i32
    %swap3A_344 = arith.index_cast %swap3A_343 : i32 to index
    %swap3A_345 = arith.constant 32 : index
    %swap3A_346 = tpu.vector_load %arg14[%swap3A_344, %swap3A_345] {strides = array<i32>} : memref<128x128xf32, #tpu.memory_space<vmem>>, vector<1x16xf32>,
    %swap3A_347 = vector.shape_cast %swap3A_346 : vector<1x16xf32> to vector<16xf32>
    %swap3A_348 = vector.shape_cast %broadcast_in_dim3A_1 : vector<16xf32> to vector<1x16xf32>
    tpu.vector_store %arg14[%swap3A_344, %swap3A_345], %swap3A_348 {strides = array<i32>} : memref<128x128xf32, #tpu.memory_space<vmem>>, vector<1x16xf32>,
    %swap3A_349 = arith.constant 6 : i32
    %swap3A_350 = arith.index_cast %swap3A_349 : i32 to index
    %swap3A_351 = arith.constant 48 : index
    %swap3A_352 = tpu.vector_load %arg14[%swap3A_350, %swap3A_351] {strides = array<i32>} : memref<128x128xf32, #tpu.memory_space<vmem>>, vector<1x16xf32>,
    %swap3A_353 = vector.shape_cast %swap3A_352 : vector<1x16xf32> to vector<16xf32>
    %swap3A_354 = vector.shape_cast %broadcast_in_dim3A_1 : vector<16xf32> to vector<1x16xf32>
    tpu.vector_store %arg14[%swap3A_350, %swap3A_351], %swap3A_354 {strides = array<i32>} : memref<128x128xf32, #tpu.memory_space<vmem>>, vector<1x16xf32>,
    %swap3A_355 = arith.constant 6 : i32
    %swap3A_356 = arith.index_cast %swap3A_355 : i32 to index
    %swap3A_357 = arith.constant 64 : index
    %swap3A_358 = tpu.vector_load %arg14[%swap3A_356, %swap3A_357] {strides = array<i32>} : memref<128x128xf32, #tpu.memory_space<vmem>>, vector<1x16xf32>,
    %swap3A_359 = vector.shape_cast %swap3A_358 : vector<1x16xf32> to vector<16xf32>
    %swap3A_360 = vector.shape_cast %broadcast_in_dim3A_1 : vector<16xf32> to vector<1x16xf32>
    tpu.vector_store %arg14[%swap3A_356, %swap3A_357], %swap3A_360 {strides = array<i32>} : memref<128x128xf32, #tpu.memory_space<vmem>>, vector<1x16xf32>,
    %swap3A_361 = arith.constant 6 : i32
    %swap3A_362 = arith.index_cast %swap3A_361 : i32 to index
    %swap3A_363 = arith.constant 80 : index
    %swap3A_364 = tpu.vector_load %arg14[%swap3A_362, %swap3A_363] {strides = array<i32>} : memref<128x128xf32, #tpu.memory_space<vmem>>, vector<1x16xf32>,
    %swap3A_365 = vector.shape_cast %swap3A_364 : vector<1x16xf32> to vector<16xf32>
    %swap3A_366 = vector.shape_cast %broadcast_in_dim3A_1 : vector<16xf32> to vector<1x16xf32>
    tpu.vector_store %arg14[%swap3A_362, %swap3A_363], %swap3A_366 {strides = array<i32>} : memref<128x128xf32, #tpu.memory_space<vmem>>, vector<1x16xf32>,
    %swap3A_367 = arith.constant 6 : i32
    %swap3A_368 = arith.index_cast %swap3A_367 : i32 to index
    %swap3A_369 = arith.constant 96 : index
    %swap3A_370 = tpu.vector_load %arg14[%swap3A_368, %swap3A_369] {strides = array<i32>} : memref<128x128xf32, #tpu.memory_space<vmem>>, vector<1x16xf32>,
    %swap3A_371 = vector.shape_cast %swap3A_370 : vector<1x16xf32> to vector<16xf32>
    %swap3A_372 = vector.shape_cast %broadcast_in_dim3A_1 : vector<16xf32> to vector<1x16xf32>
    tpu.vector_store %arg14[%swap3A_368, %swap3A_369], %swap3A_372 {strides = array<i32>} : memref<128x128xf32, #tpu.memory_space<vmem>>, vector<1x16xf32>,
    %swap3A_373 = arith.constant 6 : i32
    %swap3A_374 = arith.index_cast %swap3A_373 : i32 to index
    %swap3A_375 = arith.constant 112 : index
    %swap3A_376 = tpu.vector_load %arg14[%swap3A_374, %swap3A_375] {strides = array<i32>} : memref<128x128xf32, #tpu.memory_space<vmem>>, vector<1x16xf32>,
    %swap3A_377 = vector.shape_cast %swap3A_376 : vector<1x16xf32> to vector<16xf32>
    %swap3A_378 = vector.shape_cast %broadcast_in_dim3A_1 : vector<16xf32> to vector<1x16xf32>
    tpu.vector_store %arg14[%swap3A_374, %swap3A_375], %swap3A_378 {strides = array<i32>} : memref<128x128xf32, #tpu.memory_space<vmem>>, vector<1x16xf32>,
    %swap3A_379 = arith.constant 7 : i32
    %swap3A_380 = arith.index_cast %swap3A_379 : i32 to index
    %swap3A_381 = arith.constant 0 : index
    %swap3A_382 = tpu.vector_load %arg13[%swap3A_380, %swap3A_381] {strides = array<i32>} : memref<128x16xf32, #tpu.memory_space<vmem>>, vector<1x16xf32>,
    %swap3A_383 = vector.shape_cast %swap3A_382 : vector<1x16xf32> to vector<16xf32>
    %swap3A_384 = vector.shape_cast %broadcast_in_dim3A_1 : vector<16xf32> to vector<1x16xf32>
    tpu.vector_store %arg13[%swap3A_380, %swap3A_381], %swap3A_384 {strides = array<i32>} : memref<128x16xf32, #tpu.memory_space<vmem>>, vector<1x16xf32>,
    %swap3A_385 = arith.constant 7 : i32
    %swap3A_386 = arith.index_cast %swap3A_385 : i32 to index
    %swap3A_387 = arith.constant 0 : index
    %swap3A_388 = tpu.vector_load %arg14[%swap3A_386, %swap3A_387] {strides = array<i32>} : memref<128x128xf32, #tpu.memory_space<vmem>>, vector<1x16xf32>,
    %swap3A_389 = vector.shape_cast %swap3A_388 : vector<1x16xf32> to vector<16xf32>
    %swap3A_390 = vector.shape_cast %broadcast_in_dim3A_1 : vector<16xf32> to vector<1x16xf32>
    tpu.vector_store %arg14[%swap3A_386, %swap3A_387], %swap3A_390 {strides = array<i32>} : memref<128x128xf32, #tpu.memory_space<vmem>>, vector<1x16xf32>,
    %swap3A_391 = arith.constant 7 : i32
    %swap3A_392 = arith.index_cast %swap3A_391 : i32 to index
    %swap3A_393 = arith.constant 16 : index
    %swap3A_394 = tpu.vector_load %arg14[%swap3A_392, %swap3A_393] {strides = array<i32>} : memref<128x128xf32, #tpu.memory_space<vmem>>, vector<1x16xf32>,
    %swap3A_395 = vector.shape_cast %swap3A_394 : vector<1x16xf32> to vector<16xf32>
    %swap3A_396 = vector.shape_cast %broadcast_in_dim3A_1 : vector<16xf32> to vector<1x16xf32>
    tpu.vector_store %arg14[%swap3A_392, %swap3A_393], %swap3A_396 {strides = array<i32>} : memref<128x128xf32, #tpu.memory_space<vmem>>, vector<1x16xf32>,
    %swap3A_397 = arith.constant 7 : i32
    %swap3A_398 = arith.index_cast %swap3A_397 : i32 to index
    %swap3A_399 = arith.constant 32 : index
    %swap3A_400 = tpu.vector_load %arg14[%swap3A_398, %swap3A_399] {strides = array<i32>} : memref<128x128xf32, #tpu.memory_space<vmem>>, vector<1x16xf32>,
    %swap3A_401 = vector.shape_cast %swap3A_400 : vector<1x16xf32> to vector<16xf32>
    %swap3A_402 = vector.shape_cast %broadcast_in_dim3A_1 : vector<16xf32> to vector<1x16xf32>
    tpu.vector_store %arg14[%swap3A_398, %swap3A_399], %swap3A_402 {strides = array<i32>} : memref<128x128xf32, #tpu.memory_space<vmem>>, vector<1x16xf32>,
    %swap3A_403 = arith.constant 7 : i32
    %swap3A_404 = arith.index_cast %swap3A_403 : i32 to index
    %swap3A_405 = arith.constant 48 : index
    %swap3A_406 = tpu.vector_load %arg14[%swap3A_404, %swap3A_405] {strides = array<i32>} : memref<128x128xf32, #tpu.memory_space<vmem>>, vector<1x16xf32>,
    %swap3A_407 = vector.shape_cast %swap3A_406 : vector<1x16xf32> to vector<16xf32>
    %swap3A_408 = vector.shape_cast %broadcast_in_dim3A_1 : vector<16xf32> to vector<1x16xf32>
    tpu.vector_store %arg14[%swap3A_404, %swap3A_405], %swap3A_408 {strides = array<i32>} : memref<128x128xf32, #tpu.memory_space<vmem>>, vector<1x16xf32>,
    %swap3A_409 = arith.constant 7 : i32
    %swap3A_410 = arith.index_cast %swap3A_409 : i32 to index
    %swap3A_411 = arith.constant 64 : index
    %swap3A_412 = tpu.vector_load %arg14[%swap3A_410, %swap3A_411] {strides = array<i32>} : memref<128x128xf32, #tpu.memory_space<vmem>>, vector<1x16xf32>,
    %swap3A_413 = vector.shape_cast %swap3A_412 : vector<1x16xf32> to vector<16xf32>
    %swap3A_414 = vector.shape_cast %broadcast_in_dim3A_1 : vector<16xf32> to vector<1x16xf32>
    tpu.vector_store %arg14[%swap3A_410, %swap3A_411], %swap3A_414 {strides = array<i32>} : memref<128x128xf32, #tpu.memory_space<vmem>>, vector<1x16xf32>,
    %swap3A_415 = arith.constant 7 : i32
    %swap3A_416 = arith.index_cast %swap3A_415 : i32 to index
    %swap3A_417 = arith.constant 80 : index
    %swap3A_418 = tpu.vector_load %arg14[%swap3A_416, %swap3A_417] {strides = array<i32>} : memref<128x128xf32, #tpu.memory_space<vmem>>, vector<1x16xf32>,
    %swap3A_419 = vector.shape_cast %swap3A_418 : vector<1x16xf32> to vector<16xf32>
    %swap3A_420 = vector.shape_cast %broadcast_in_dim3A_1 : vector<16xf32> to vector<1x16xf32>
    tpu.vector_store %arg14[%swap3A_416, %swap3A_417], %swap3A_420 {strides = array<i32>} : memref<128x128xf32, #tpu.memory_space<vmem>>, vector<1x16xf32>,
    %swap3A_421 = arith.constant 7 : i32
    %swap3A_422 = arith.index_cast %swap3A_421 : i32 to index
    %swap3A_423 = arith.constant 96 : index
    %swap3A_424 = tpu.vector_load %arg14[%swap3A_422, %swap3A_423] {strides = array<i32>} : memref<128x128xf32, #tpu.memory_space<vmem>>, vector<1x16xf32>,
    %swap3A_425 = vector.shape_cast %swap3A_424 : vector<1x16xf32> to vector<16xf32>
    %swap3A_426 = vector.shape_cast %broadcast_in_dim3A_1 : vector<16xf32> to vector<1x16xf32>
    tpu.vector_store %arg14[%swap3A_422, %swap3A_423], %swap3A_426 {strides = array<i32>} : memref<128x128xf32, #tpu.memory_space<vmem>>, vector<1x16xf32>,
    %swap3A_427 = arith.constant 7 : i32
    %swap3A_428 = arith.index_cast %swap3A_427 : i32 to index
    %swap3A_429 = arith.constant 112 : index
    %swap3A_430 = tpu.vector_load %arg14[%swap3A_428, %swap3A_429] {strides = array<i32>} : memref<128x128xf32, #tpu.memory_space<vmem>>, vector<1x16xf32>,
    %swap3A_431 = vector.shape_cast %swap3A_430 : vector<1x16xf32> to vector<16xf32>
    %swap3A_432 = vector.shape_cast %broadcast_in_dim3A_1 : vector<16xf32> to vector<1x16xf32>
    tpu.vector_store %arg14[%swap3A_428, %swap3A_429], %swap3A_432 {strides = array<i32>} : memref<128x128xf32, #tpu.memory_space<vmem>>, vector<1x16xf32>,
    %swap3A_433 = arith.constant 8 : i32
    %swap3A_434 = arith.index_cast %swap3A_433 : i32 to index
    %swap3A_435 = arith.constant 0 : index
    %swap3A_436 = tpu.vector_load %arg13[%swap3A_434, %swap3A_435] {strides = array<i32>} : memref<128x16xf32, #tpu.memory_space<vmem>>, vector<1x16xf32>,
    %swap3A_437 = vector.shape_cast %swap3A_436 : vector<1x16xf32> to vector<16xf32>
    %swap3A_438 = vector.shape_cast %broadcast_in_dim3A_1 : vector<16xf32> to vector<1x16xf32>
    tpu.vector_store %arg13[%swap3A_434, %swap3A_435], %swap3A_438 {strides = array<i32>} : memref<128x16xf32, #tpu.memory_space<vmem>>, vector<1x16xf32>,
    %swap3A_439 = arith.constant 8 : i32
    %swap3A_440 = arith.index_cast %swap3A_439 : i32 to index
    %swap3A_441 = arith.constant 0 : index
    %swap3A_442 = tpu.vector_load %arg14[%swap3A_440, %swap3A_441] {strides = array<i32>} : memref<128x128xf32, #tpu.memory_space<vmem>>, vector<1x16xf32>,
    %swap3A_443 = vector.shape_cast %swap3A_442 : vector<1x16xf32> to vector<16xf32>
    %swap3A_444 = vector.shape_cast %broadcast_in_dim3A_1 : vector<16xf32> to vector<1x16xf32>
    tpu.vector_store %arg14[%swap3A_440, %swap3A_441], %swap3A_444 {strides = array<i32>} : memref<128x128xf32, #tpu.memory_space<vmem>>, vector<1x16xf32>,
    %swap3A_445 = arith.constant 8 : i32
    %swap3A_446 = arith.index_cast %swap3A_445 : i32 to index
    %swap3A_447 = arith.constant 16 : index
    %swap3A_448 = tpu.vector_load %arg14[%swap3A_446, %swap3A_447] {strides = array<i32>} : memref<128x128xf32, #tpu.memory_space<vmem>>, vector<1x16xf32>,
    %swap3A_449 = vector.shape_cast %swap3A_448 : vector<1x16xf32> to vector<16xf32>
    %swap3A_450 = vector.shape_cast %broadcast_in_dim3A_1 : vector<16xf32> to vector<1x16xf32>
    tpu.vector_store %arg14[%swap3A_446, %swap3A_447], %swap3A_450 {strides = array<i32>} : memref<128x128xf32, #tpu.memory_space<vmem>>, vector<1x16xf32>,
    %swap3A_451 = arith.constant 8 : i32
    %swap3A_452 = arith.index_cast %swap3A_451 : i32 to index
    %swap3A_453 = arith.constant 32 : index
    %swap3A_454 = tpu.vector_load %arg14[%swap3A_452, %swap3A_453] {strides = array<i32>} : memref<128x128xf32, #tpu.memory_space<vmem>>, vector<1x16xf32>,
    %swap3A_455 = vector.shape_cast %swap3A_454 : vector<1x16xf32> to vector<16xf32>
    %swap3A_456 = vector.shape_cast %broadcast_in_dim3A_1 : vector<16xf32> to vector<1x16xf32>
    tpu.vector_store %arg14[%swap3A_452, %swap3A_453], %swap3A_456 {strides = array<i32>} : memref<128x128xf32, #tpu.memory_space<vmem>>, vector<1x16xf32>,
    %swap3A_457 = arith.constant 8 : i32
    %swap3A_458 = arith.index_cast %swap3A_457 : i32 to index
    %swap3A_459 = arith.constant 48 : index
    %swap3A_460 = tpu.vector_load %arg14[%swap3A_458, %swap3A_459] {strides = array<i32>} : memref<128x128xf32, #tpu.memory_space<vmem>>, vector<1x16xf32>,
    %swap3A_461 = vector.shape_cast %swap3A_460 : vector<1x16xf32> to vector<16xf32>
    %swap3A_462 = vector.shape_cast %broadcast_in_dim3A_1 : vector<16xf32> to vector<1x16xf32>
    tpu.vector_store %arg14[%swap3A_458, %swap3A_459], %swap3A_462 {strides = array<i32>} : memref<128x128xf32, #tpu.memory_space<vmem>>, vector<1x16xf32>,
    %swap3A_463 = arith.constant 8 : i32
    %swap3A_464 = arith.index_cast %swap3A_463 : i32 to index
    %swap3A_465 = arith.constant 64 : index
    %swap3A_466 = tpu.vector_load %arg14[%swap3A_464, %swap3A_465] {strides = array<i32>} : memref<128x128xf32, #tpu.memory_space<vmem>>, vector<1x16xf32>,
    %swap3A_467 = vector.shape_cast %swap3A_466 : vector<1x16xf32> to vector<16xf32>
    %swap3A_468 = vector.shape_cast %broadcast_in_dim3A_1 : vector<16xf32> to vector<1x16xf32>
    tpu.vector_store %arg14[%swap3A_464, %swap3A_465], %swap3A_468 {strides = array<i32>} : memref<128x128xf32, #tpu.memory_space<vmem>>, vector<1x16xf32>,
    %swap3A_469 = arith.constant 8 : i32
    %swap3A_470 = arith.index_cast %swap3A_469 : i32 to index
    %swap3A_471 = arith.constant 80 : index
    %swap3A_472 = tpu.vector_load %arg14[%swap3A_470, %swap3A_471] {strides = array<i32>} : memref<128x128xf32, #tpu.memory_space<vmem>>, vector<1x16xf32>,
    %swap3A_473 = vector.shape_cast %swap3A_472 : vector<1x16xf32> to vector<16xf32>
    %swap3A_474 = vector.shape_cast %broadcast_in_dim3A_1 : vector<16xf32> to vector<1x16xf32>
    tpu.vector_store %arg14[%swap3A_470, %swap3A_471], %swap3A_474 {strides = array<i32>} : memref<128x128xf32, #tpu.memory_space<vmem>>, vector<1x16xf32>,
    %swap3A_475 = arith.constant 8 : i32
    %swap3A_476 = arith.index_cast %swap3A_475 : i32 to index
    %swap3A_477 = arith.constant 96 : index
    %swap3A_478 = tpu.vector_load %arg14[%swap3A_476, %swap3A_477] {strides = array<i32>} : memref<128x128xf32, #tpu.memory_space<vmem>>, vector<1x16xf32>,
    %swap3A_479 = vector.shape_cast %swap3A_478 : vector<1x16xf32> to vector<16xf32>
    %swap3A_480 = vector.shape_cast %broadcast_in_dim3A_1 : vector<16xf32> to vector<1x16xf32>
    tpu.vector_store %arg14[%swap3A_476, %swap3A_477], %swap3A_480 {strides = array<i32>} : memref<128x128xf32, #tpu.memory_space<vmem>>, vector<1x16xf32>,
    %swap3A_481 = arith.constant 8 : i32
    %swap3A_482 = arith.index_cast %swap3A_481 : i32 to index
    %swap3A_483 = arith.constant 112 : index
    %swap3A_484 = tpu.vector_load %arg14[%swap3A_482, %swap3A_483] {strides = array<i32>} : memref<128x128xf32, #tpu.memory_space<vmem>>, vector<1x16xf32>,
    %swap3A_485 = vector.shape_cast %swap3A_484 : vector<1x16xf32> to vector<16xf32>
    %swap3A_486 = vector.shape_cast %broadcast_in_dim3A_1 : vector<16xf32> to vector<1x16xf32>
    tpu.vector_store %arg14[%swap3A_482, %swap3A_483], %swap3A_486 {strides = array<i32>} : memref<128x128xf32, #tpu.memory_space<vmem>>, vector<1x16xf32>,
    %swap3A_487 = arith.constant 9 : i32
    %swap3A_488 = arith.index_cast %swap3A_487 : i32 to index
    %swap3A_489 = arith.constant 0 : index
    %swap3A_490 = tpu.vector_load %arg13[%swap3A_488, %swap3A_489] {strides = array<i32>} : memref<128x16xf32, #tpu.memory_space<vmem>>, vector<1x16xf32>,
    %swap3A_491 = vector.shape_cast %swap3A_490 : vector<1x16xf32> to vector<16xf32>
    %swap3A_492 = vector.shape_cast %broadcast_in_dim3A_1 : vector<16xf32> to vector<1x16xf32>
    tpu.vector_store %arg13[%swap3A_488, %swap3A_489], %swap3A_492 {strides = array<i32>} : memref<128x16xf32, #tpu.memory_space<vmem>>, vector<1x16xf32>,
    %swap3A_493 = arith.constant 9 : i32
    %swap3A_494 = arith.index_cast %swap3A_493 : i32 to index
    %swap3A_495 = arith.constant 0 : index
    %swap3A_496 = tpu.vector_load %arg14[%swap3A_494, %swap3A_495] {strides = array<i32>} : memref<128x128xf32, #tpu.memory_space<vmem>>, vector<1x16xf32>,
    %swap3A_497 = vector.shape_cast %swap3A_496 : vector<1x16xf32> to vector<16xf32>
    %swap3A_498 = vector.shape_cast %broadcast_in_dim3A_1 : vector<16xf32> to vector<1x16xf32>
    tpu.vector_store %arg14[%swap3A_494, %swap3A_495], %swap3A_498 {strides = array<i32>} : memref<128x128xf32, #tpu.memory_space<vmem>>, vector<1x16xf32>,
    %swap3A_499 = arith.constant 9 : i32
    %swap3A_500 = arith.index_cast %swap3A_499 : i32 to index
    %swap3A_501 = arith.constant 16 : index
    %swap3A_502 = tpu.vector_load %arg14[%swap3A_500, %swap3A_501] {strides = array<i32>} : memref<128x128xf32, #tpu.memory_space<vmem>>, vector<1x16xf32>,
    %swap3A_503 = vector.shape_cast %swap3A_502 : vector<1x16xf32> to vector<16xf32>
    %swap3A_504 = vector.shape_cast %broadcast_in_dim3A_1 : vector<16xf32> to vector<1x16xf32>
    tpu.vector_store %arg14[%swap3A_500, %swap3A_501], %swap3A_504 {strides = array<i32>} : memref<128x128xf32, #tpu.memory_space<vmem>>, vector<1x16xf32>,
    %swap3A_505 = arith.constant 9 : i32
    %swap3A_506 = arith.index_cast %swap3A_505 : i32 to index
    %swap3A_507 = arith.constant 32 : index
    %swap3A_508 = tpu.vector_load %arg14[%swap3A_506, %swap3A_507] {strides = array<i32>} : memref<128x128xf32, #tpu.memory_space<vmem>>, vector<1x16xf32>,
    %swap3A_509 = vector.shape_cast %swap3A_508 : vector<1x16xf32> to vector<16xf32>
    %swap3A_510 = vector.shape_cast %broadcast_in_dim3A_1 : vector<16xf32> to vector<1x16xf32>
    tpu.vector_store %arg14[%swap3A_506, %swap3A_507], %swap3A_510 {strides = array<i32>} : memref<128x128xf32, #tpu.memory_space<vmem>>, vector<1x16xf32>,
    %swap3A_511 = arith.constant 9 : i32
    %swap3A_512 = arith.index_cast %swap3A_511 : i32 to index
    %swap3A_513 = arith.constant 48 : index
    %swap3A_514 = tpu.vector_load %arg14[%swap3A_512, %swap3A_513] {strides = array<i32>} : memref<128x128xf32, #tpu.memory_space<vmem>>, vector<1x16xf32>,
    %swap3A_515 = vector.shape_cast %swap3A_514 : vector<1x16xf32> to vector<16xf32>
    %swap3A_516 = vector.shape_cast %broadcast_in_dim3A_1 : vector<16xf32> to vector<1x16xf32>
    tpu.vector_store %arg14[%swap3A_512, %swap3A_513], %swap3A_516 {strides = array<i32>} : memref<128x128xf32, #tpu.memory_space<vmem>>, vector<1x16xf32>,
    %swap3A_517 = arith.constant 9 : i32
    %swap3A_518 = arith.index_cast %swap3A_517 : i32 to index
    %swap3A_519 = arith.constant 64 : index
    %swap3A_520 = tpu.vector_load %arg14[%swap3A_518, %swap3A_519] {strides = array<i32>} : memref<128x128xf32, #tpu.memory_space<vmem>>, vector<1x16xf32>,
    %swap3A_521 = vector.shape_cast %swap3A_520 : vector<1x16xf32> to vector<16xf32>
    %swap3A_522 = vector.shape_cast %broadcast_in_dim3A_1 : vector<16xf32> to vector<1x16xf32>
    tpu.vector_store %arg14[%swap3A_518, %swap3A_519], %swap3A_522 {strides = array<i32>} : memref<128x128xf32, #tpu.memory_space<vmem>>, vector<1x16xf32>,
    %swap3A_523 = arith.constant 9 : i32
    %swap3A_524 = arith.index_cast %swap3A_523 : i32 to index
    %swap3A_525 = arith.constant 80 : index
    %swap3A_526 = tpu.vector_load %arg14[%swap3A_524, %swap3A_525] {strides = array<i32>} : memref<128x128xf32, #tpu.memory_space<vmem>>, vector<1x16xf32>,
    %swap3A_527 = vector.shape_cast %swap3A_526 : vector<1x16xf32> to vector<16xf32>
    %swap3A_528 = vector.shape_cast %broadcast_in_dim3A_1 : vector<16xf32> to vector<1x16xf32>
    tpu.vector_store %arg14[%swap3A_524, %swap3A_525], %swap3A_528 {strides = array<i32>} : memref<128x128xf32, #tpu.memory_space<vmem>>, vector<1x16xf32>,
    %swap3A_529 = arith.constant 9 : i32
    %swap3A_530 = arith.index_cast %swap3A_529 : i32 to index
    %swap3A_531 = arith.constant 96 : index
    %swap3A_532 = tpu.vector_load %arg14[%swap3A_530, %swap3A_531] {strides = array<i32>} : memref<128x128xf32, #tpu.memory_space<vmem>>, vector<1x16xf32>,
    %swap3A_533 = vector.shape_cast %swap3A_532 : vector<1x16xf32> to vector<16xf32>
    %swap3A_534 = vector.shape_cast %broadcast_in_dim3A_1 : vector<16xf32> to vector<1x16xf32>
    tpu.vector_store %arg14[%swap3A_530, %swap3A_531], %swap3A_534 {strides = array<i32>} : memref<128x128xf32, #tpu.memory_space<vmem>>, vector<1x16xf32>,
    %swap3A_535 = arith.constant 9 : i32
    %swap3A_536 = arith.index_cast %swap3A_535 : i32 to index
    %swap3A_537 = arith.constant 112 : index
    %swap3A_538 = tpu.vector_load %arg14[%swap3A_536, %swap3A_537] {strides = array<i32>} : memref<128x128xf32, #tpu.memory_space<vmem>>, vector<1x16xf32>,
    %swap3A_539 = vector.shape_cast %swap3A_538 : vector<1x16xf32> to vector<16xf32>
    %swap3A_540 = vector.shape_cast %broadcast_in_dim3A_1 : vector<16xf32> to vector<1x16xf32>
    tpu.vector_store %arg14[%swap3A_536, %swap3A_537], %swap3A_540 {strides = array<i32>} : memref<128x128xf32, #tpu.memory_space<vmem>>, vector<1x16xf32>,
    %swap3A_541 = arith.constant 10 : i32
    %swap3A_542 = arith.index_cast %swap3A_541 : i32 to index
    %swap3A_543 = arith.constant 0 : index
    %swap3A_544 = tpu.vector_load %arg13[%swap3A_542, %swap3A_543] {strides = array<i32>} : memref<128x16xf32, #tpu.memory_space<vmem>>, vector<1x16xf32>,
    %swap3A_545 = vector.shape_cast %swap3A_544 : vector<1x16xf32> to vector<16xf32>
    %swap3A_546 = vector.shape_cast %broadcast_in_dim3A_1 : vector<16xf32> to vector<1x16xf32>
    tpu.vector_store %arg13[%swap3A_542, %swap3A_543], %swap3A_546 {strides = array<i32>} : memref<128x16xf32, #tpu.memory_space<vmem>>, vector<1x16xf32>,
    %swap3A_547 = arith.constant 10 : i32
    %swap3A_548 = arith.index_cast %swap3A_547 : i32 to index
    %swap3A_549 = arith.constant 0 : index
    %swap3A_550 = tpu.vector_load %arg14[%swap3A_548, %swap3A_549] {strides = array<i32>} : memref<128x128xf32, #tpu.memory_space<vmem>>, vector<1x16xf32>,
    %swap3A_551 = vector.shape_cast %swap3A_550 : vector<1x16xf32> to vector<16xf32>
    %swap3A_552 = vector.shape_cast %broadcast_in_dim3A_1 : vector<16xf32> to vector<1x16xf32>
    tpu.vector_store %arg14[%swap3A_548, %swap3A_549], %swap3A_552 {strides = array<i32>} : memref<128x128xf32, #tpu.memory_space<vmem>>, vector<1x16xf32>,
    %swap3A_553 = arith.constant 10 : i32
    %swap3A_554 = arith.index_cast %swap3A_553 : i32 to index
    %swap3A_555 = arith.constant 16 : index
    %swap3A_556 = tpu.vector_load %arg14[%swap3A_554, %swap3A_555] {strides = array<i32>} : memref<128x128xf32, #tpu.memory_space<vmem>>, vector<1x16xf32>,
    %swap3A_557 = vector.shape_cast %swap3A_556 : vector<1x16xf32> to vector<16xf32>
    %swap3A_558 = vector.shape_cast %broadcast_in_dim3A_1 : vector<16xf32> to vector<1x16xf32>
    tpu.vector_store %arg14[%swap3A_554, %swap3A_555], %swap3A_558 {strides = array<i32>} : memref<128x128xf32, #tpu.memory_space<vmem>>, vector<1x16xf32>,
    %swap3A_559 = arith.constant 10 : i32
    %swap3A_560 = arith.index_cast %swap3A_559 : i32 to index
    %swap3A_561 = arith.constant 32 : index
    %swap3A_562 = tpu.vector_load %arg14[%swap3A_560, %swap3A_561] {strides = array<i32>} : memref<128x128xf32, #tpu.memory_space<vmem>>, vector<1x16xf32>,
    %swap3A_563 = vector.shape_cast %swap3A_562 : vector<1x16xf32> to vector<16xf32>
    %swap3A_564 = vector.shape_cast %broadcast_in_dim3A_1 : vector<16xf32> to vector<1x16xf32>
    tpu.vector_store %arg14[%swap3A_560, %swap3A_561], %swap3A_564 {strides = array<i32>} : memref<128x128xf32, #tpu.memory_space<vmem>>, vector<1x16xf32>,
    %swap3A_565 = arith.constant 10 : i32
    %swap3A_566 = arith.index_cast %swap3A_565 : i32 to index
    %swap3A_567 = arith.constant 48 : index
    %swap3A_568 = tpu.vector_load %arg14[%swap3A_566, %swap3A_567] {strides = array<i32>} : memref<128x128xf32, #tpu.memory_space<vmem>>, vector<1x16xf32>,
    %swap3A_569 = vector.shape_cast %swap3A_568 : vector<1x16xf32> to vector<16xf32>
    %swap3A_570 = vector.shape_cast %broadcast_in_dim3A_1 : vector<16xf32> to vector<1x16xf32>
    tpu.vector_store %arg14[%swap3A_566, %swap3A_567], %swap3A_570 {strides = array<i32>} : memref<128x128xf32, #tpu.memory_space<vmem>>, vector<1x16xf32>,
    %swap3A_571 = arith.constant 10 : i32
    %swap3A_572 = arith.index_cast %swap3A_571 : i32 to index
    %swap3A_573 = arith.constant 64 : index
    %swap3A_574 = tpu.vector_load %arg14[%swap3A_572, %swap3A_573] {strides = array<i32>} : memref<128x128xf32, #tpu.memory_space<vmem>>, vector<1x16xf32>,
    %swap3A_575 = vector.shape_cast %swap3A_574 : vector<1x16xf32> to vector<16xf32>
    %swap3A_576 = vector.shape_cast %broadcast_in_dim3A_1 : vector<16xf32> to vector<1x16xf32>
    tpu.vector_store %arg14[%swap3A_572, %swap3A_573], %swap3A_576 {strides = array<i32>} : memref<128x128xf32, #tpu.memory_space<vmem>>, vector<1x16xf32>,
    %swap3A_577 = arith.constant 10 : i32
    %swap3A_578 = arith.index_cast %swap3A_577 : i32 to index
    %swap3A_579 = arith.constant 80 : index
    %swap3A_580 = tpu.vector_load %arg14[%swap3A_578, %swap3A_579] {strides = array<i32>} : memref<128x128xf32, #tpu.memory_space<vmem>>, vector<1x16xf32>,
    %swap3A_581 = vector.shape_cast %swap3A_580 : vector<1x16xf32> to vector<16xf32>
    %swap3A_582 = vector.shape_cast %broadcast_in_dim3A_1 : vector<16xf32> to vector<1x16xf32>
    tpu.vector_store %arg14[%swap3A_578, %swap3A_579], %swap3A_582 {strides = array<i32>} : memref<128x128xf32, #tpu.memory_space<vmem>>, vector<1x16xf32>,
    %swap3A_583 = arith.constant 10 : i32
    %swap3A_584 = arith.index_cast %swap3A_583 : i32 to index
    %swap3A_585 = arith.constant 96 : index
    %swap3A_586 = tpu.vector_load %arg14[%swap3A_584, %swap3A_585] {strides = array<i32>} : memref<128x128xf32, #tpu.memory_space<vmem>>, vector<1x16xf32>,
    %swap3A_587 = vector.shape_cast %swap3A_586 : vector<1x16xf32> to vector<16xf32>
    %swap3A_588 = vector.shape_cast %broadcast_in_dim3A_1 : vector<16xf32> to vector<1x16xf32>
    tpu.vector_store %arg14[%swap3A_584, %swap3A_585], %swap3A_588 {strides = array<i32>} : memref<128x128xf32, #tpu.memory_space<vmem>>, vector<1x16xf32>,
    %swap3A_589 = arith.constant 10 : i32
    %swap3A_590 = arith.index_cast %swap3A_589 : i32 to index
    %swap3A_591 = arith.constant 112 : index
    %swap3A_592 = tpu.vector_load %arg14[%swap3A_590, %swap3A_591] {strides = array<i32>} : memref<128x128xf32, #tpu.memory_space<vmem>>, vector<1x16xf32>,
    %swap3A_593 = vector.shape_cast %swap3A_592 : vector<1x16xf32> to vector<16xf32>
    %swap3A_594 = vector.shape_cast %broadcast_in_dim3A_1 : vector<16xf32> to vector<1x16xf32>
    tpu.vector_store %arg14[%swap3A_590, %swap3A_591], %swap3A_594 {strides = array<i32>} : memref<128x128xf32, #tpu.memory_space<vmem>>, vector<1x16xf32>,
    %swap3A_595 = arith.constant 11 : i32
    %swap3A_596 = arith.index_cast %swap3A_595 : i32 to index
    %swap3A_597 = arith.constant 0 : index
    %swap3A_598 = tpu.vector_load %arg13[%swap3A_596, %swap3A_597] {strides = array<i32>} : memref<128x16xf32, #tpu.memory_space<vmem>>, vector<1x16xf32>,
    %swap3A_599 = vector.shape_cast %swap3A_598 : vector<1x16xf32> to vector<16xf32>
    %swap3A_600 = vector.shape_cast %broadcast_in_dim3A_1 : vector<16xf32> to vector<1x16xf32>
    tpu.vector_store %arg13[%swap3A_596, %swap3A_597], %swap3A_600 {strides = array<i32>} : memref<128x16xf32, #tpu.memory_space<vmem>>, vector<1x16xf32>,
    %swap3A_601 = arith.constant 11 : i32
    %swap3A_602 = arith.index_cast %swap3A_601 : i32 to index
    %swap3A_603 = arith.constant 0 : index
    %swap3A_604 = tpu.vector_load %arg14[%swap3A_602, %swap3A_603] {strides = array<i32>} : memref<128x128xf32, #tpu.memory_space<vmem>>, vector<1x16xf32>,
    %swap3A_605 = vector.shape_cast %swap3A_604 : vector<1x16xf32> to vector<16xf32>
    %swap3A_606 = vector.shape_cast %broadcast_in_dim3A_1 : vector<16xf32> to vector<1x16xf32>
    tpu.vector_store %arg14[%swap3A_602, %swap3A_603], %swap3A_606 {strides = array<i32>} : memref<128x128xf32, #tpu.memory_space<vmem>>, vector<1x16xf32>,
    %swap3A_607 = arith.constant 11 : i32
    %swap3A_608 = arith.index_cast %swap3A_607 : i32 to index
    %swap3A_609 = arith.constant 16 : index
    %swap3A_610 = tpu.vector_load %arg14[%swap3A_608, %swap3A_609] {strides = array<i32>} : memref<128x128xf32, #tpu.memory_space<vmem>>, vector<1x16xf32>,
    %swap3A_611 = vector.shape_cast %swap3A_610 : vector<1x16xf32> to vector<16xf32>
    %swap3A_612 = vector.shape_cast %broadcast_in_dim3A_1 : vector<16xf32> to vector<1x16xf32>
    tpu.vector_store %arg14[%swap3A_608, %swap3A_609], %swap3A_612 {strides = array<i32>} : memref<128x128xf32, #tpu.memory_space<vmem>>, vector<1x16xf32>,
    %swap3A_613 = arith.constant 11 : i32
    %swap3A_614 = arith.index_cast %swap3A_613 : i32 to index
    %swap3A_615 = arith.constant 32 : index
    %swap3A_616 = tpu.vector_load %arg14[%swap3A_614, %swap3A_615] {strides = array<i32>} : memref<128x128xf32, #tpu.memory_space<vmem>>, vector<1x16xf32>,
    %swap3A_617 = vector.shape_cast %swap3A_616 : vector<1x16xf32> to vector<16xf32>
    %swap3A_618 = vector.shape_cast %broadcast_in_dim3A_1 : vector<16xf32> to vector<1x16xf32>
    tpu.vector_store %arg14[%swap3A_614, %swap3A_615], %swap3A_618 {strides = array<i32>} : memref<128x128xf32, #tpu.memory_space<vmem>>, vector<1x16xf32>,
    %swap3A_619 = arith.constant 11 : i32
    %swap3A_620 = arith.index_cast %swap3A_619 : i32 to index
    %swap3A_621 = arith.constant 48 : index
    %swap3A_622 = tpu.vector_load %arg14[%swap3A_620, %swap3A_621] {strides = array<i32>} : memref<128x128xf32, #tpu.memory_space<vmem>>, vector<1x16xf32>,
    %swap3A_623 = vector.shape_cast %swap3A_622 : vector<1x16xf32> to vector<16xf32>
    %swap3A_624 = vector.shape_cast %broadcast_in_dim3A_1 : vector<16xf32> to vector<1x16xf32>
    tpu.vector_store %arg14[%swap3A_620, %swap3A_621], %swap3A_624 {strides = array<i32>} : memref<128x128xf32, #tpu.memory_space<vmem>>, vector<1x16xf32>,
    %swap3A_625 = arith.constant 11 : i32
    %swap3A_626 = arith.index_cast %swap3A_625 : i32 to index
    %swap3A_627 = arith.constant 64 : index
    %swap3A_628 = tpu.vector_load %arg14[%swap3A_626, %swap3A_627] {strides = array<i32>} : memref<128x128xf32, #tpu.memory_space<vmem>>, vector<1x16xf32>,
    %swap3A_629 = vector.shape_cast %swap3A_628 : vector<1x16xf32> to vector<16xf32>
    %swap3A_630 = vector.shape_cast %broadcast_in_dim3A_1 : vector<16xf32> to vector<1x16xf32>
    tpu.vector_store %arg14[%swap3A_626, %swap3A_627], %swap3A_630 {strides = array<i32>} : memref<128x128xf32, #tpu.memory_space<vmem>>, vector<1x16xf32>,
    %swap3A_631 = arith.constant 11 : i32
    %swap3A_632 = arith.index_cast %swap3A_631 : i32 to index
    %swap3A_633 = arith.constant 80 : index
    %swap3A_634 = tpu.vector_load %arg14[%swap3A_632, %swap3A_633] {strides = array<i32>} : memref<128x128xf32, #tpu.memory_space<vmem>>, vector<1x16xf32>,
    %swap3A_635 = vector.shape_cast %swap3A_634 : vector<1x16xf32> to vector<16xf32>
    %swap3A_636 = vector.shape_cast %broadcast_in_dim3A_1 : vector<16xf32> to vector<1x16xf32>
    tpu.vector_store %arg14[%swap3A_632, %swap3A_633], %swap3A_636 {strides = array<i32>} : memref<128x128xf32, #tpu.memory_space<vmem>>, vector<1x16xf32>,
    %swap3A_637 = arith.constant 11 : i32
    %swap3A_638 = arith.index_cast %swap3A_637 : i32 to index
    %swap3A_639 = arith.constant 96 : index
    %swap3A_640 = tpu.vector_load %arg14[%swap3A_638, %swap3A_639] {strides = array<i32>} : memref<128x128xf32, #tpu.memory_space<vmem>>, vector<1x16xf32>,
    %swap3A_641 = vector.shape_cast %swap3A_640 : vector<1x16xf32> to vector<16xf32>
    %swap3A_642 = vector.shape_cast %broadcast_in_dim3A_1 : vector<16xf32> to vector<1x16xf32>
    tpu.vector_store %arg14[%swap3A_638, %swap3A_639], %swap3A_642 {strides = array<i32>} : memref<128x128xf32, #tpu.memory_space<vmem>>, vector<1x16xf32>,
    %swap3A_643 = arith.constant 11 : i32
    %swap3A_644 = arith.index_cast %swap3A_643 : i32 to index
    %swap3A_645 = arith.constant 112 : index
    %swap3A_646 = tpu.vector_load %arg14[%swap3A_644, %swap3A_645] {strides = array<i32>} : memref<128x128xf32, #tpu.memory_space<vmem>>, vector<1x16xf32>,
    %swap3A_647 = vector.shape_cast %swap3A_646 : vector<1x16xf32> to vector<16xf32>
    %swap3A_648 = vector.shape_cast %broadcast_in_dim3A_1 : vector<16xf32> to vector<1x16xf32>
    tpu.vector_store %arg14[%swap3A_644, %swap3A_645], %swap3A_648 {strides = array<i32>} : memref<128x128xf32, #tpu.memory_space<vmem>>, vector<1x16xf32>,
    %swap3A_649 = arith.constant 12 : i32
    %swap3A_650 = arith.index_cast %swap3A_649 : i32 to index
    %swap3A_651 = arith.constant 0 : index
    %swap3A_652 = tpu.vector_load %arg13[%swap3A_650, %swap3A_651] {strides = array<i32>} : memref<128x16xf32, #tpu.memory_space<vmem>>, vector<1x16xf32>,
    %swap3A_653 = vector.shape_cast %swap3A_652 : vector<1x16xf32> to vector<16xf32>
    %swap3A_654 = vector.shape_cast %broadcast_in_dim3A_1 : vector<16xf32> to vector<1x16xf32>
    tpu.vector_store %arg13[%swap3A_650, %swap3A_651], %swap3A_654 {strides = array<i32>} : memref<128x16xf32, #tpu.memory_space<vmem>>, vector<1x16xf32>,
    %swap3A_655 = arith.constant 12 : i32
    %swap3A_656 = arith.index_cast %swap3A_655 : i32 to index
    %swap3A_657 = arith.constant 0 : index
    %swap3A_658 = tpu.vector_load %arg14[%swap3A_656, %swap3A_657] {strides = array<i32>} : memref<128x128xf32, #tpu.memory_space<vmem>>, vector<1x16xf32>,
    %swap3A_659 = vector.shape_cast %swap3A_658 : vector<1x16xf32> to vector<16xf32>
    %swap3A_660 = vector.shape_cast %broadcast_in_dim3A_1 : vector<16xf32> to vector<1x16xf32>
    tpu.vector_store %arg14[%swap3A_656, %swap3A_657], %swap3A_660 {strides = array<i32>} : memref<128x128xf32, #tpu.memory_space<vmem>>, vector<1x16xf32>,
    %swap3A_661 = arith.constant 12 : i32
    %swap3A_662 = arith.index_cast %swap3A_661 : i32 to index
    %swap3A_663 = arith.constant 16 : index
    %swap3A_664 = tpu.vector_load %arg14[%swap3A_662, %swap3A_663] {strides = array<i32>} : memref<128x128xf32, #tpu.memory_space<vmem>>, vector<1x16xf32>,
    %swap3A_665 = vector.shape_cast %swap3A_664 : vector<1x16xf32> to vector<16xf32>
    %swap3A_666 = vector.shape_cast %broadcast_in_dim3A_1 : vector<16xf32> to vector<1x16xf32>
    tpu.vector_store %arg14[%swap3A_662, %swap3A_663], %swap3A_666 {strides = array<i32>} : memref<128x128xf32, #tpu.memory_space<vmem>>, vector<1x16xf32>,
    %swap3A_667 = arith.constant 12 : i32
    %swap3A_668 = arith.index_cast %swap3A_667 : i32 to index
    %swap3A_669 = arith.constant 32 : index
    %swap3A_670 = tpu.vector_load %arg14[%swap3A_668, %swap3A_669] {strides = array<i32>} : memref<128x128xf32, #tpu.memory_space<vmem>>, vector<1x16xf32>,
    %swap3A_671 = vector.shape_cast %swap3A_670 : vector<1x16xf32> to vector<16xf32>
    %swap3A_672 = vector.shape_cast %broadcast_in_dim3A_1 : vector<16xf32> to vector<1x16xf32>
    tpu.vector_store %arg14[%swap3A_668, %swap3A_669], %swap3A_672 {strides = array<i32>} : memref<128x128xf32, #tpu.memory_space<vmem>>, vector<1x16xf32>,
    %swap3A_673 = arith.constant 12 : i32
    %swap3A_674 = arith.index_cast %swap3A_673 : i32 to index
    %swap3A_675 = arith.constant 48 : index
    %swap3A_676 = tpu.vector_load %arg14[%swap3A_674, %swap3A_675] {strides = array<i32>} : memref<128x128xf32, #tpu.memory_space<vmem>>, vector<1x16xf32>,
    %swap3A_677 = vector.shape_cast %swap3A_676 : vector<1x16xf32> to vector<16xf32>
    %swap3A_678 = vector.shape_cast %broadcast_in_dim3A_1 : vector<16xf32> to vector<1x16xf32>
    tpu.vector_store %arg14[%swap3A_674, %swap3A_675], %swap3A_678 {strides = array<i32>} : memref<128x128xf32, #tpu.memory_space<vmem>>, vector<1x16xf32>,
    %swap3A_679 = arith.constant 12 : i32
    %swap3A_680 = arith.index_cast %swap3A_679 : i32 to index
    %swap3A_681 = arith.constant 64 : index
    %swap3A_682 = tpu.vector_load %arg14[%swap3A_680, %swap3A_681] {strides = array<i32>} : memref<128x128xf32, #tpu.memory_space<vmem>>, vector<1x16xf32>,
    %swap3A_683 = vector.shape_cast %swap3A_682 : vector<1x16xf32> to vector<16xf32>
    %swap3A_684 = vector.shape_cast %broadcast_in_dim3A_1 : vector<16xf32> to vector<1x16xf32>
    tpu.vector_store %arg14[%swap3A_680, %swap3A_681], %swap3A_684 {strides = array<i32>} : memref<128x128xf32, #tpu.memory_space<vmem>>, vector<1x16xf32>,
    %swap3A_685 = arith.constant 12 : i32
    %swap3A_686 = arith.index_cast %swap3A_685 : i32 to index
    %swap3A_687 = arith.constant 80 : index
    %swap3A_688 = tpu.vector_load %arg14[%swap3A_686, %swap3A_687] {strides = array<i32>} : memref<128x128xf32, #tpu.memory_space<vmem>>, vector<1x16xf32>,
    %swap3A_689 = vector.shape_cast %swap3A_688 : vector<1x16xf32> to vector<16xf32>
    %swap3A_690 = vector.shape_cast %broadcast_in_dim3A_1 : vector<16xf32> to vector<1x16xf32>
    tpu.vector_store %arg14[%swap3A_686, %swap3A_687], %swap3A_690 {strides = array<i32>} : memref<128x128xf32, #tpu.memory_space<vmem>>, vector<1x16xf32>,
    %swap3A_691 = arith.constant 12 : i32
    %swap3A_692 = arith.index_cast %swap3A_691 : i32 to index
    %swap3A_693 = arith.constant 96 : index
    %swap3A_694 = tpu.vector_load %arg14[%swap3A_692, %swap3A_693] {strides = array<i32>} : memref<128x128xf32, #tpu.memory_space<vmem>>, vector<1x16xf32>,
    %swap3A_695 = vector.shape_cast %swap3A_694 : vector<1x16xf32> to vector<16xf32>
    %swap3A_696 = vector.shape_cast %broadcast_in_dim3A_1 : vector<16xf32> to vector<1x16xf32>
    tpu.vector_store %arg14[%swap3A_692, %swap3A_693], %swap3A_696 {strides = array<i32>} : memref<128x128xf32, #tpu.memory_space<vmem>>, vector<1x16xf32>,
    %swap3A_697 = arith.constant 12 : i32
    %swap3A_698 = arith.index_cast %swap3A_697 : i32 to index
    %swap3A_699 = arith.constant 112 : index
    %swap3A_700 = tpu.vector_load %arg14[%swap3A_698, %swap3A_699] {strides = array<i32>} : memref<128x128xf32, #tpu.memory_space<vmem>>, vector<1x16xf32>,
    %swap3A_701 = vector.shape_cast %swap3A_700 : vector<1x16xf32> to vector<16xf32>
    %swap3A_702 = vector.shape_cast %broadcast_in_dim3A_1 : vector<16xf32> to vector<1x16xf32>
    tpu.vector_store %arg14[%swap3A_698, %swap3A_699], %swap3A_702 {strides = array<i32>} : memref<128x128xf32, #tpu.memory_space<vmem>>, vector<1x16xf32>,
    %swap3A_703 = arith.constant 13 : i32
    %swap3A_704 = arith.index_cast %swap3A_703 : i32 to index
    %swap3A_705 = arith.constant 0 : index
    %swap3A_706 = tpu.vector_load %arg13[%swap3A_704, %swap3A_705] {strides = array<i32>} : memref<128x16xf32, #tpu.memory_space<vmem>>, vector<1x16xf32>,
    %swap3A_707 = vector.shape_cast %swap3A_706 : vector<1x16xf32> to vector<16xf32>
    %swap3A_708 = vector.shape_cast %broadcast_in_dim3A_1 : vector<16xf32> to vector<1x16xf32>
    tpu.vector_store %arg13[%swap3A_704, %swap3A_705], %swap3A_708 {strides = array<i32>} : memref<128x16xf32, #tpu.memory_space<vmem>>, vector<1x16xf32>,
    %swap3A_709 = arith.constant 13 : i32
    %swap3A_710 = arith.index_cast %swap3A_709 : i32 to index
    %swap3A_711 = arith.constant 0 : index
    %swap3A_712 = tpu.vector_load %arg14[%swap3A_710, %swap3A_711] {strides = array<i32>} : memref<128x128xf32, #tpu.memory_space<vmem>>, vector<1x16xf32>,
    %swap3A_713 = vector.shape_cast %swap3A_712 : vector<1x16xf32> to vector<16xf32>
    %swap3A_714 = vector.shape_cast %broadcast_in_dim3A_1 : vector<16xf32> to vector<1x16xf32>
    tpu.vector_store %arg14[%swap3A_710, %swap3A_711], %swap3A_714 {strides = array<i32>} : memref<128x128xf32, #tpu.memory_space<vmem>>, vector<1x16xf32>,
    %swap3A_715 = arith.constant 13 : i32
    %swap3A_716 = arith.index_cast %swap3A_715 : i32 to index
    %swap3A_717 = arith.constant 16 : index
    %swap3A_718 = tpu.vector_load %arg14[%swap3A_716, %swap3A_717] {strides = array<i32>} : memref<128x128xf32, #tpu.memory_space<vmem>>, vector<1x16xf32>,
    %swap3A_719 = vector.shape_cast %swap3A_718 : vector<1x16xf32> to vector<16xf32>
    %swap3A_720 = vector.shape_cast %broadcast_in_dim3A_1 : vector<16xf32> to vector<1x16xf32>
    tpu.vector_store %arg14[%swap3A_716, %swap3A_717], %swap3A_720 {strides = array<i32>} : memref<128x128xf32, #tpu.memory_space<vmem>>, vector<1x16xf32>,
    %swap3A_721 = arith.constant 13 : i32
    %swap3A_722 = arith.index_cast %swap3A_721 : i32 to index
    %swap3A_723 = arith.constant 32 : index
    %swap3A_724 = tpu.vector_load %arg14[%swap3A_722, %swap3A_723] {strides = array<i32>} : memref<128x128xf32, #tpu.memory_space<vmem>>, vector<1x16xf32>,
    %swap3A_725 = vector.shape_cast %swap3A_724 : vector<1x16xf32> to vector<16xf32>
    %swap3A_726 = vector.shape_cast %broadcast_in_dim3A_1 : vector<16xf32> to vector<1x16xf32>
    tpu.vector_store %arg14[%swap3A_722, %swap3A_723], %swap3A_726 {strides = array<i32>} : memref<128x128xf32, #tpu.memory_space<vmem>>, vector<1x16xf32>,
    %swap3A_727 = arith.constant 13 : i32
    %swap3A_728 = arith.index_cast %swap3A_727 : i32 to index
    %swap3A_729 = arith.constant 48 : index
    %swap3A_730 = tpu.vector_load %arg14[%swap3A_728, %swap3A_729] {strides = array<i32>} : memref<128x128xf32, #tpu.memory_space<vmem>>, vector<1x16xf32>,
    %swap3A_731 = vector.shape_cast %swap3A_730 : vector<1x16xf32> to vector<16xf32>
    %swap3A_732 = vector.shape_cast %broadcast_in_dim3A_1 : vector<16xf32> to vector<1x16xf32>
    tpu.vector_store %arg14[%swap3A_728, %swap3A_729], %swap3A_732 {strides = array<i32>} : memref<128x128xf32, #tpu.memory_space<vmem>>, vector<1x16xf32>,
    %swap3A_733 = arith.constant 13 : i32
    %swap3A_734 = arith.index_cast %swap3A_733 : i32 to index
    %swap3A_735 = arith.constant 64 : index
    %swap3A_736 = tpu.vector_load %arg14[%swap3A_734, %swap3A_735] {strides = array<i32>} : memref<128x128xf32, #tpu.memory_space<vmem>>, vector<1x16xf32>,
    %swap3A_737 = vector.shape_cast %swap3A_736 : vector<1x16xf32> to vector<16xf32>
    %swap3A_738 = vector.shape_cast %broadcast_in_dim3A_1 : vector<16xf32> to vector<1x16xf32>
    tpu.vector_store %arg14[%swap3A_734, %swap3A_735], %swap3A_738 {strides = array<i32>} : memref<128x128xf32, #tpu.memory_space<vmem>>, vector<1x16xf32>,
    %swap3A_739 = arith.constant 13 : i32
    %swap3A_740 = arith.index_cast %swap3A_739 : i32 to index
    %swap3A_741 = arith.constant 80 : index
    %swap3A_742 = tpu.vector_load %arg14[%swap3A_740, %swap3A_741] {strides = array<i32>} : memref<128x128xf32, #tpu.memory_space<vmem>>, vector<1x16xf32>,
    %swap3A_743 = vector.shape_cast %swap3A_742 : vector<1x16xf32> to vector<16xf32>
    %swap3A_744 = vector.shape_cast %broadcast_in_dim3A_1 : vector<16xf32> to vector<1x16xf32>
    tpu.vector_store %arg14[%swap3A_740, %swap3A_741], %swap3A_744 {strides = array<i32>} : memref<128x128xf32, #tpu.memory_space<vmem>>, vector<1x16xf32>,
    %swap3A_745 = arith.constant 13 : i32
    %swap3A_746 = arith.index_cast %swap3A_745 : i32 to index
    %swap3A_747 = arith.constant 96 : index
    %swap3A_748 = tpu.vector_load %arg14[%swap3A_746, %swap3A_747] {strides = array<i32>} : memref<128x128xf32, #tpu.memory_space<vmem>>, vector<1x16xf32>,
    %swap3A_749 = vector.shape_cast %swap3A_748 : vector<1x16xf32> to vector<16xf32>
    %swap3A_750 = vector.shape_cast %broadcast_in_dim3A_1 : vector<16xf32> to vector<1x16xf32>
    tpu.vector_store %arg14[%swap3A_746, %swap3A_747], %swap3A_750 {strides = array<i32>} : memref<128x128xf32, #tpu.memory_space<vmem>>, vector<1x16xf32>,
    %swap3A_751 = arith.constant 13 : i32
    %swap3A_752 = arith.index_cast %swap3A_751 : i32 to index
    %swap3A_753 = arith.constant 112 : index
    %swap3A_754 = tpu.vector_load %arg14[%swap3A_752, %swap3A_753] {strides = array<i32>} : memref<128x128xf32, #tpu.memory_space<vmem>>, vector<1x16xf32>,
    %swap3A_755 = vector.shape_cast %swap3A_754 : vector<1x16xf32> to vector<16xf32>
    %swap3A_756 = vector.shape_cast %broadcast_in_dim3A_1 : vector<16xf32> to vector<1x16xf32>
    tpu.vector_store %arg14[%swap3A_752, %swap3A_753], %swap3A_756 {strides = array<i32>} : memref<128x128xf32, #tpu.memory_space<vmem>>, vector<1x16xf32>,
    %swap3A_757 = arith.constant 14 : i32
    %swap3A_758 = arith.index_cast %swap3A_757 : i32 to index
    %swap3A_759 = arith.constant 0 : index
    %swap3A_760 = tpu.vector_load %arg13[%swap3A_758, %swap3A_759] {strides = array<i32>} : memref<128x16xf32, #tpu.memory_space<vmem>>, vector<1x16xf32>,
    %swap3A_761 = vector.shape_cast %swap3A_760 : vector<1x16xf32> to vector<16xf32>
    %swap3A_762 = vector.shape_cast %broadcast_in_dim3A_1 : vector<16xf32> to vector<1x16xf32>
    tpu.vector_store %arg13[%swap3A_758, %swap3A_759], %swap3A_762 {strides = array<i32>} : memref<128x16xf32, #tpu.memory_space<vmem>>, vector<1x16xf32>,
    %swap3A_763 = arith.constant 14 : i32
    %swap3A_764 = arith.index_cast %swap3A_763 : i32 to index
    %swap3A_765 = arith.constant 0 : index
    %swap3A_766 = tpu.vector_load %arg14[%swap3A_764, %swap3A_765] {strides = array<i32>} : memref<128x128xf32, #tpu.memory_space<vmem>>, vector<1x16xf32>,
    %swap3A_767 = vector.shape_cast %swap3A_766 : vector<1x16xf32> to vector<16xf32>
    %swap3A_768 = vector.shape_cast %broadcast_in_dim3A_1 : vector<16xf32> to vector<1x16xf32>
    tpu.vector_store %arg14[%swap3A_764, %swap3A_765], %swap3A_768 {strides = array<i32>} : memref<128x128xf32, #tpu.memory_space<vmem>>, vector<1x16xf32>,
    %swap3A_769 = arith.constant 14 : i32
    %swap3A_770 = arith.index_cast %swap3A_769 : i32 to index
    %swap3A_771 = arith.constant 16 : index
    %swap3A_772 = tpu.vector_load %arg14[%swap3A_770, %swap3A_771] {strides = array<i32>} : memref<128x128xf32, #tpu.memory_space<vmem>>, vector<1x16xf32>,
    %swap3A_773 = vector.shape_cast %swap3A_772 : vector<1x16xf32> to vector<16xf32>
    %swap3A_774 = vector.shape_cast %broadcast_in_dim3A_1 : vector<16xf32> to vector<1x16xf32>
    tpu.vector_store %arg14[%swap3A_770, %swap3A_771], %swap3A_774 {strides = array<i32>} : memref<128x128xf32, #tpu.memory_space<vmem>>, vector<1x16xf32>,
    %swap3A_775 = arith.constant 14 : i32
    %swap3A_776 = arith.index_cast %swap3A_775 : i32 to index
    %swap3A_777 = arith.constant 32 : index
    %swap3A_778 = tpu.vector_load %arg14[%swap3A_776, %swap3A_777] {strides = array<i32>} : memref<128x128xf32, #tpu.memory_space<vmem>>, vector<1x16xf32>,
    %swap3A_779 = vector.shape_cast %swap3A_778 : vector<1x16xf32> to vector<16xf32>
    %swap3A_780 = vector.shape_cast %broadcast_in_dim3A_1 : vector<16xf32> to vector<1x16xf32>
    tpu.vector_store %arg14[%swap3A_776, %swap3A_777], %swap3A_780 {strides = array<i32>} : memref<128x128xf32, #tpu.memory_space<vmem>>, vector<1x16xf32>,
    %swap3A_781 = arith.constant 14 : i32
    %swap3A_782 = arith.index_cast %swap3A_781 : i32 to index
    %swap3A_783 = arith.constant 48 : index
    %swap3A_784 = tpu.vector_load %arg14[%swap3A_782, %swap3A_783] {strides = array<i32>} : memref<128x128xf32, #tpu.memory_space<vmem>>, vector<1x16xf32>,
    %swap3A_785 = vector.shape_cast %swap3A_784 : vector<1x16xf32> to vector<16xf32>
    %swap3A_786 = vector.shape_cast %broadcast_in_dim3A_1 : vector<16xf32> to vector<1x16xf32>
    tpu.vector_store %arg14[%swap3A_782, %swap3A_783], %swap3A_786 {strides = array<i32>} : memref<128x128xf32, #tpu.memory_space<vmem>>, vector<1x16xf32>,
    %swap3A_787 = arith.constant 14 : i32
    %swap3A_788 = arith.index_cast %swap3A_787 : i32 to index
    %swap3A_789 = arith.constant 64 : index
    %swap3A_790 = tpu.vector_load %arg14[%swap3A_788, %swap3A_789] {strides = array<i32>} : memref<128x128xf32, #tpu.memory_space<vmem>>, vector<1x16xf32>,
    %swap3A_791 = vector.shape_cast %swap3A_790 : vector<1x16xf32> to vector<16xf32>
    %swap3A_792 = vector.shape_cast %broadcast_in_dim3A_1 : vector<16xf32> to vector<1x16xf32>
    tpu.vector_store %arg14[%swap3A_788, %swap3A_789], %swap3A_792 {strides = array<i32>} : memref<128x128xf32, #tpu.memory_space<vmem>>, vector<1x16xf32>,
    %swap3A_793 = arith.constant 14 : i32
    %swap3A_794 = arith.index_cast %swap3A_793 : i32 to index
    %swap3A_795 = arith.constant 80 : index
    %swap3A_796 = tpu.vector_load %arg14[%swap3A_794, %swap3A_795] {strides = array<i32>} : memref<128x128xf32, #tpu.memory_space<vmem>>, vector<1x16xf32>,
    %swap3A_797 = vector.shape_cast %swap3A_796 : vector<1x16xf32> to vector<16xf32>
    %swap3A_798 = vector.shape_cast %broadcast_in_dim3A_1 : vector<16xf32> to vector<1x16xf32>
    tpu.vector_store %arg14[%swap3A_794, %swap3A_795], %swap3A_798 {strides = array<i32>} : memref<128x128xf32, #tpu.memory_space<vmem>>, vector<1x16xf32>,
    %swap3A_799 = arith.constant 14 : i32
    %swap3A_800 = arith.index_cast %swap3A_799 : i32 to index
    %swap3A_801 = arith.constant 96 : index
    %swap3A_802 = tpu.vector_load %arg14[%swap3A_800, %swap3A_801] {strides = array<i32>} : memref<128x128xf32, #tpu.memory_space<vmem>>, vector<1x16xf32>,
    %swap3A_803 = vector.shape_cast %swap3A_802 : vector<1x16xf32> to vector<16xf32>
    %swap3A_804 = vector.shape_cast %broadcast_in_dim3A_1 : vector<16xf32> to vector<1x16xf32>
    tpu.vector_store %arg14[%swap3A_800, %swap3A_801], %swap3A_804 {strides = array<i32>} : memref<128x128xf32, #tpu.memory_space<vmem>>, vector<1x16xf32>,
    %swap3A_805 = arith.constant 14 : i32
    %swap3A_806 = arith.index_cast %swap3A_805 : i32 to index
    %swap3A_807 = arith.constant 112 : index
    %swap3A_808 = tpu.vector_load %arg14[%swap3A_806, %swap3A_807] {strides = array<i32>} : memref<128x128xf32, #tpu.memory_space<vmem>>, vector<1x16xf32>,
    %swap3A_809 = vector.shape_cast %swap3A_808 : vector<1x16xf32> to vector<16xf32>
    %swap3A_810 = vector.shape_cast %broadcast_in_dim3A_1 : vector<16xf32> to vector<1x16xf32>
    tpu.vector_store %arg14[%swap3A_806, %swap3A_807], %swap3A_810 {strides = array<i32>} : memref<128x128xf32, #tpu.memory_space<vmem>>, vector<1x16xf32>,
    %swap3A_811 = arith.constant 15 : i32
    %swap3A_812 = arith.index_cast %swap3A_811 : i32 to index
    %swap3A_813 = arith.constant 0 : index
    %swap3A_814 = tpu.vector_load %arg13[%swap3A_812, %swap3A_813] {strides = array<i32>} : memref<128x16xf32, #tpu.memory_space<vmem>>, vector<1x16xf32>,
    %swap3A_815 = vector.shape_cast %swap3A_814 : vector<1x16xf32> to vector<16xf32>
    %swap3A_816 = vector.shape_cast %broadcast_in_dim3A_1 : vector<16xf32> to vector<1x16xf32>
    tpu.vector_store %arg13[%swap3A_812, %swap3A_813], %swap3A_816 {strides = array<i32>} : memref<128x16xf32, #tpu.memory_space<vmem>>, vector<1x16xf32>,
    %swap3A_817 = arith.constant 15 : i32
    %swap3A_818 = arith.index_cast %swap3A_817 : i32 to index
    %swap3A_819 = arith.constant 0 : index
    %swap3A_820 = tpu.vector_load %arg14[%swap3A_818, %swap3A_819] {strides = array<i32>} : memref<128x128xf32, #tpu.memory_space<vmem>>, vector<1x16xf32>,
    %swap3A_821 = vector.shape_cast %swap3A_820 : vector<1x16xf32> to vector<16xf32>
    %swap3A_822 = vector.shape_cast %broadcast_in_dim3A_1 : vector<16xf32> to vector<1x16xf32>
    tpu.vector_store %arg14[%swap3A_818, %swap3A_819], %swap3A_822 {strides = array<i32>} : memref<128x128xf32, #tpu.memory_space<vmem>>, vector<1x16xf32>,
    %swap3A_823 = arith.constant 15 : i32
    %swap3A_824 = arith.index_cast %swap3A_823 : i32 to index
    %swap3A_825 = arith.constant 16 : index
    %swap3A_826 = tpu.vector_load %arg14[%swap3A_824, %swap3A_825] {strides = array<i32>} : memref<128x128xf32, #tpu.memory_space<vmem>>, vector<1x16xf32>,
    %swap3A_827 = vector.shape_cast %swap3A_826 : vector<1x16xf32> to vector<16xf32>
    %swap3A_828 = vector.shape_cast %broadcast_in_dim3A_1 : vector<16xf32> to vector<1x16xf32>
    tpu.vector_store %arg14[%swap3A_824, %swap3A_825], %swap3A_828 {strides = array<i32>} : memref<128x128xf32, #tpu.memory_space<vmem>>, vector<1x16xf32>,
    %swap3A_829 = arith.constant 15 : i32
    %swap3A_830 = arith.index_cast %swap3A_829 : i32 to index
    %swap3A_831 = arith.constant 32 : index
    %swap3A_832 = tpu.vector_load %arg14[%swap3A_830, %swap3A_831] {strides = array<i32>} : memref<128x128xf32, #tpu.memory_space<vmem>>, vector<1x16xf32>,
    %swap3A_833 = vector.shape_cast %swap3A_832 : vector<1x16xf32> to vector<16xf32>
    %swap3A_834 = vector.shape_cast %broadcast_in_dim3A_1 : vector<16xf32> to vector<1x16xf32>
    tpu.vector_store %arg14[%swap3A_830, %swap3A_831], %swap3A_834 {strides = array<i32>} : memref<128x128xf32, #tpu.memory_space<vmem>>, vector<1x16xf32>,
    %swap3A_835 = arith.constant 15 : i32
    %swap3A_836 = arith.index_cast %swap3A_835 : i32 to index
    %swap3A_837 = arith.constant 48 : index
    %swap3A_838 = tpu.vector_load %arg14[%swap3A_836, %swap3A_837] {strides = array<i32>} : memref<128x128xf32, #tpu.memory_space<vmem>>, vector<1x16xf32>,
    %swap3A_839 = vector.shape_cast %swap3A_838 : vector<1x16xf32> to vector<16xf32>
    %swap3A_840 = vector.shape_cast %broadcast_in_dim3A_1 : vector<16xf32> to vector<1x16xf32>
    tpu.vector_store %arg14[%swap3A_836, %swap3A_837], %swap3A_840 {strides = array<i32>} : memref<128x128xf32, #tpu.memory_space<vmem>>, vector<1x16xf32>,
    %swap3A_841 = arith.constant 15 : i32
    %swap3A_842 = arith.index_cast %swap3A_841 : i32 to index
    %swap3A_843 = arith.constant 64 : index
    %swap3A_844 = tpu.vector_load %arg14[%swap3A_842, %swap3A_843] {strides = array<i32>} : memref<128x128xf32, #tpu.memory_space<vmem>>, vector<1x16xf32>,
    %swap3A_845 = vector.shape_cast %swap3A_844 : vector<1x16xf32> to vector<16xf32>
    %swap3A_846 = vector.shape_cast %broadcast_in_dim3A_1 : vector<16xf32> to vector<1x16xf32>
    tpu.vector_store %arg14[%swap3A_842, %swap3A_843], %swap3A_846 {strides = array<i32>} : memref<128x128xf32, #tpu.memory_space<vmem>>, vector<1x16xf32>,
    %swap3A_847 = arith.constant 15 : i32
    %swap3A_848 = arith.index_cast %swap3A_847 : i32 to index
    %swap3A_849 = arith.constant 80 : index
    %swap3A_850 = tpu.vector_load %arg14[%swap3A_848, %swap3A_849] {strides = array<i32>} : memref<128x128xf32, #tpu.memory_space<vmem>>, vector<1x16xf32>,
    %swap3A_851 = vector.shape_cast %swap3A_850 : vector<1x16xf32> to vector<16xf32>
    %swap3A_852 = vector.shape_cast %broadcast_in_dim3A_1 : vector<16xf32> to vector<1x16xf32>
    tpu.vector_store %arg14[%swap3A_848, %swap3A_849], %swap3A_852 {strides = array<i32>} : memref<128x128xf32, #tpu.memory_space<vmem>>, vector<1x16xf32>,
    %swap3A_853 = arith.constant 15 : i32
    %swap3A_854 = arith.index_cast %swap3A_853 : i32 to index
    %swap3A_855 = arith.constant 96 : index
    %swap3A_856 = tpu.vector_load %arg14[%swap3A_854, %swap3A_855] {strides = array<i32>} : memref<128x128xf32, #tpu.memory_space<vmem>>, vector<1x16xf32>,
    %swap3A_857 = vector.shape_cast %swap3A_856 : vector<1x16xf32> to vector<16xf32>
    %swap3A_858 = vector.shape_cast %broadcast_in_dim3A_1 : vector<16xf32> to vector<1x16xf32>
    tpu.vector_store %arg14[%swap3A_854, %swap3A_855], %swap3A_858 {strides = array<i32>} : memref<128x128xf32, #tpu.memory_space<vmem>>, vector<1x16xf32>,
    %swap3A_859 = arith.constant 15 : i32
    %swap3A_860 = arith.index_cast %swap3A_859 : i32 to index
    %swap3A_861 = arith.constant 112 : index
    %swap3A_862 = tpu.vector_load %arg14[%swap3A_860, %swap3A_861] {strides = array<i32>} : memref<128x128xf32, #tpu.memory_space<vmem>>, vector<1x16xf32>,
    %swap3A_863 = vector.shape_cast %swap3A_862 : vector<1x16xf32> to vector<16xf32>
    %swap3A_864 = vector.shape_cast %broadcast_in_dim3A_1 : vector<16xf32> to vector<1x16xf32>
    tpu.vector_store %arg14[%swap3A_860, %swap3A_861], %swap3A_864 {strides = array<i32>} : memref<128x128xf32, #tpu.memory_space<vmem>>, vector<1x16xf32>,
    %mul3A_865 = arith.constant 640 : i32
    %mul3A_866 = arith.muli %arg1, %mul3A_865 : i32
    %scan3A = arith.constant 0 : i32
    %scan3A_867 = arith.constant 0 : i32
    %scan3A_868 = arith.constant 40 : i32
    %scan3A_869 = arith.addi %scan3A_867, %scan3A_868 : i32
    %scan3A_870 = arith.constant 1 : i32
    %scan3A_871 = scf.for %scan3A_883 = %scan3A_867 to %scan3A_869 step %scan3A_870 iter_args(%scan3A_884 = %scan3A) -> (i32)  : i32 {
      %mul3A_885 = arith.constant 16 : i32
      %mul3A_886 = arith.muli %scan3A_883, %mul3A_885 : i32
      %add3A_887 = arith.addi %mul3A_866, %mul3A_886 : i32
      "tpu.region"() ({
        %run_scoped3A = tpu.sem_alloc : memref<!tpu.dma_semaphore, #tpu.memory_space<semaphore_mem>>
        %dma_start3A = arith.constant 0 : i32
        %dma_start3A_892 = arith.constant 0 : i32
        %dma_start3A_893 = tpu.memref_slice %arg14[%dma_start3A, %dma_start3A_892] : memref<128x128xf32, #tpu.memory_space<vmem>> -> memref<16x128xf32, #tpu.memory_space<vmem>>
        %dma_start3A_894 = arith.constant 0 : i32
        %dma_start3A_895 = tpu.memref_slice %arg15[%add3A_887, %dma_start3A_894] : memref<10240x128xf32, #tpu.memory_space<vmem_shared>> -> memref<16x128xf32, #tpu.memory_space<vmem_shared>>
        %dma_start3A_896 = arith.constant 0 : i32
        %dma_start3A_897 = tpu.memref_slice %arg15[%add3A_887, %dma_start3A_896] : memref<10240x128xf32, #tpu.memory_space<vmem_shared>> -> memref<16x128xf32, #tpu.memory_space<vmem_shared>>
        %dma_start3A_898 = arith.constant 0 : i32
        %dma_start3A_899 = arith.constant 0 : i32
        %dma_start3A_900 = tpu.memref_slice %arg14[%dma_start3A_898, %dma_start3A_899] : memref<128x128xf32, #tpu.memory_space<vmem>> -> memref<16x128xf32, #tpu.memory_space<vmem>>
        tpu.enqueue_dma source(%dma_start3A_900 : memref<16x128xf32, #tpu.memory_space<vmem>>) target(%dma_start3A_897 : memref<16x128xf32, #tpu.memory_space<vmem_shared>>) target_semaphore(%run_scoped3A : memref<!tpu.dma_semaphore, #tpu.memory_space<semaphore_mem>>)
        %dma_wait3A = arith.constant 0 : i32
        %dma_wait3A_901 = arith.constant 0 : i32
        %dma_wait3A_902 = tpu.memref_slice %arg14[%dma_wait3A, %dma_wait3A_901] : memref<128x128xf32, #tpu.memory_space<vmem>> -> memref<16x128xf32, #tpu.memory_space<vmem>>
        %dma_wait3A_903 = arith.constant 0 : i32
        %dma_wait3A_904 = tpu.memref_slice %arg15[%add3A_887, %dma_wait3A_903] : memref<10240x128xf32, #tpu.memory_space<vmem_shared>> -> memref<16x128xf32, #tpu.memory_space<vmem_shared>>
        %dma_wait3A_905 = arith.constant 0 : i32
        %dma_wait3A_906 = tpu.memref_slice %arg15[%add3A_887, %dma_wait3A_905] : memref<10240x128xf32, #tpu.memory_space<vmem_shared>> -> memref<16x128xf32, #tpu.memory_space<vmem_shared>>
        %dma_wait3A_907 = arith.constant 0 : i32
        %dma_wait3A_908 = arith.constant 0 : i32
        %dma_wait3A_909 = tpu.memref_slice %arg14[%dma_wait3A_907, %dma_wait3A_908] : memref<128x128xf32, #tpu.memory_space<vmem>> -> memref<16x128xf32, #tpu.memory_space<vmem>>
        tpu.wait_dma2 semaphore(%run_scoped3A : memref<!tpu.dma_semaphore, #tpu.memory_space<semaphore_mem>>) src(%dma_wait3A_909 : memref<16x128xf32, #tpu.memory_space<vmem>>) dst(%dma_wait3A_906 : memref<16x128xf32, #tpu.memory_space<vmem_shared>>)
        tpu.yield
      }) : () -> ()
      %mul3A_888 = arith.constant 16 : i32
      %mul3A_889 = arith.muli %scan3A_883, %mul3A_888 : i32
      %add3A_890 = arith.addi %mul3A_866, %mul3A_889 : i32
      "tpu.region"() ({
        %run_scoped3A = tpu.sem_alloc : memref<!tpu.dma_semaphore, #tpu.memory_space<semaphore_mem>>
        %dma_start3A = arith.constant 0 : i32
        %dma_start3A_892 = arith.constant 0 : i32
        %dma_start3A_893 = tpu.memref_slice %arg13[%dma_start3A, %dma_start3A_892] : memref<128x16xf32, #tpu.memory_space<vmem>> -> memref<16x16xf32, #tpu.memory_space<vmem>>
        %dma_start3A_894 = arith.constant 0 : i32
        %dma_start3A_895 = tpu.memref_slice %arg16[%add3A_890, %dma_start3A_894] : memref<10240x16xf32, #tpu.memory_space<vmem_shared>> -> memref<16x16xf32, #tpu.memory_space<vmem_shared>>
        %dma_start3A_896 = arith.constant 0 : i32
        %dma_start3A_897 = tpu.memref_slice %arg16[%add3A_890, %dma_start3A_896] : memref<10240x16xf32, #tpu.memory_space<vmem_shared>> -> memref<16x16xf32, #tpu.memory_space<vmem_shared>>
        %dma_start3A_898 = arith.constant 0 : i32
        %dma_start3A_899 = arith.constant 0 : i32
        %dma_start3A_900 = tpu.memref_slice %arg13[%dma_start3A_898, %dma_start3A_899] : memref<128x16xf32, #tpu.memory_space<vmem>> -> memref<16x16xf32, #tpu.memory_space<vmem>>
        tpu.enqueue_dma source(%dma_start3A_900 : memref<16x16xf32, #tpu.memory_space<vmem>>) target(%dma_start3A_897 : memref<16x16xf32, #tpu.memory_space<vmem_shared>>) target_semaphore(%run_scoped3A : memref<!tpu.dma_semaphore, #tpu.memory_space<semaphore_mem>>)
        %dma_wait3A = arith.constant 0 : i32
        %dma_wait3A_901 = arith.constant 0 : i32
        %dma_wait3A_902 = tpu.memref_slice %arg13[%dma_wait3A, %dma_wait3A_901] : memref<128x16xf32, #tpu.memory_space<vmem>> -> memref<16x16xf32, #tpu.memory_space<vmem>>
        %dma_wait3A_903 = arith.constant 0 : i32
        %dma_wait3A_904 = tpu.memref_slice %arg16[%add3A_890, %dma_wait3A_903] : memref<10240x16xf32, #tpu.memory_space<vmem_shared>> -> memref<16x16xf32, #tpu.memory_space<vmem_shared>>
        %dma_wait3A_905 = arith.constant 0 : i32
        %dma_wait3A_906 = tpu.memref_slice %arg16[%add3A_890, %dma_wait3A_905] : memref<10240x16xf32, #tpu.memory_space<vmem_shared>> -> memref<16x16xf32, #tpu.memory_space<vmem_shared>>
        %dma_wait3A_907 = arith.constant 0 : i32
        %dma_wait3A_908 = arith.constant 0 : i32
        %dma_wait3A_909 = tpu.memref_slice %arg13[%dma_wait3A_907, %dma_wait3A_908] : memref<128x16xf32, #tpu.memory_space<vmem>> -> memref<16x16xf32, #tpu.memory_space<vmem>>
        tpu.wait_dma2 semaphore(%run_scoped3A : memref<!tpu.dma_semaphore, #tpu.memory_space<semaphore_mem>>) src(%dma_wait3A_909 : memref<16x16xf32, #tpu.memory_space<vmem>>) dst(%dma_wait3A_906 : memref<16x16xf32, #tpu.memory_space<vmem_shared>>)
        tpu.yield
      }) : () -> ()
      %scan3A_891 = arith.constant 0 : i32
      scf.yield %scan3A_891 : i32
    }
    %scan3A_872 = arith.constant 40 : i32
    %barrier3A = arith.constant 0 : index
    tpu.barrier barrier_id(%barrier3A)
    %mul3A_873 = arith.constant 81 : i32
    %mul3A_874 = arith.muli %add3A, %mul3A_873 : i32
    %scan3A_875 = arith.constant 0 : i32
    %scan3A_876 = arith.constant 0 : i32
    %scan3A_877 = arith.constant 81 : i32
    %scan3A_878 = arith.addi %scan3A_876, %scan3A_877 : i32
    %scan3A_879 = arith.constant 1 : i32
    %scan3A_880 = scf.for %scan3A_883 = %scan3A_876 to %scan3A_878 step %scan3A_879 iter_args(%scan3A_884 = %scan3A_875) -> (i32)  : i32 {
      %mul3A_885 = arith.constant 1 : i32
      %mul3A_886 = arith.muli %scan3A_883, %mul3A_885 : i32
      %add3A_887 = arith.addi %mul3A_874, %mul3A_886 : i32
      "tpu.region"() ({
        %run_scoped3A_900 = tpu.sem_alloc : memref<!tpu.dma_semaphore, #tpu.memory_space<semaphore_mem>>
        %dma_start3A = arith.constant 0 : i32
        %dma_start3A_901 = tpu.memref_slice %arg2[%add3A_887, %dma_start3A] : memref<2592x128xi32, #tpu.memory_space<hbm>> -> memref<1x128xi32, #tpu.memory_space<hbm>>
        %dma_start3A_902 = arith.constant 0 : i32
        %dma_start3A_903 = tpu.memref_slice %arg2[%add3A_887, %dma_start3A_902] : memref<2592x128xi32, #tpu.memory_space<hbm>> -> memref<1x128xi32, #tpu.memory_space<hbm>>
        tpu.enqueue_dma source(%dma_start3A_903 : memref<1x128xi32, #tpu.memory_space<hbm>>) target(%arg9 : memref<1x128xi32, #tpu.memory_space<vmem>>) target_semaphore(%run_scoped3A_900 : memref<!tpu.dma_semaphore, #tpu.memory_space<semaphore_mem>>)
        %dma_wait3A = arith.constant 0 : i32
        %dma_wait3A_904 = tpu.memref_slice %arg2[%add3A_887, %dma_wait3A] : memref<2592x128xi32, #tpu.memory_space<hbm>> -> memref<1x128xi32, #tpu.memory_space<hbm>>
        %dma_wait3A_905 = arith.constant 0 : i32
        %dma_wait3A_906 = tpu.memref_slice %arg2[%add3A_887, %dma_wait3A_905] : memref<2592x128xi32, #tpu.memory_space<hbm>> -> memref<1x128xi32, #tpu.memory_space<hbm>>
        tpu.wait_dma2 semaphore(%run_scoped3A_900 : memref<!tpu.dma_semaphore, #tpu.memory_space<semaphore_mem>>) src(%dma_wait3A_906 : memref<1x128xi32, #tpu.memory_space<hbm>>) dst(%arg9 : memref<1x128xi32, #tpu.memory_space<vmem>>)
        tpu.yield
      }) : () -> ()
      "tpu.region"() ({
        %run_scoped3A_900 = tpu.sem_alloc : memref<!tpu.dma_semaphore, #tpu.memory_space<semaphore_mem>>
        %dma_start3A = arith.constant 0 : i32
        %dma_start3A_901 = tpu.memref_slice %arg3[%add3A_887, %dma_start3A] : memref<2592x128xi32, #tpu.memory_space<hbm>> -> memref<1x128xi32, #tpu.memory_space<hbm>>
        %dma_start3A_902 = arith.constant 0 : i32
        %dma_start3A_903 = tpu.memref_slice %arg3[%add3A_887, %dma_start3A_902] : memref<2592x128xi32, #tpu.memory_space<hbm>> -> memref<1x128xi32, #tpu.memory_space<hbm>>
        tpu.enqueue_dma source(%dma_start3A_903 : memref<1x128xi32, #tpu.memory_space<hbm>>) target(%arg10 : memref<1x128xi32, #tpu.memory_space<vmem>>) target_semaphore(%run_scoped3A_900 : memref<!tpu.dma_semaphore, #tpu.memory_space<semaphore_mem>>)
        %dma_wait3A = arith.constant 0 : i32
        %dma_wait3A_904 = tpu.memref_slice %arg3[%add3A_887, %dma_wait3A] : memref<2592x128xi32, #tpu.memory_space<hbm>> -> memref<1x128xi32, #tpu.memory_space<hbm>>
        %dma_wait3A_905 = arith.constant 0 : i32
        %dma_wait3A_906 = tpu.memref_slice %arg3[%add3A_887, %dma_wait3A_905] : memref<2592x128xi32, #tpu.memory_space<hbm>> -> memref<1x128xi32, #tpu.memory_space<hbm>>
        tpu.wait_dma2 semaphore(%run_scoped3A_900 : memref<!tpu.dma_semaphore, #tpu.memory_space<semaphore_mem>>) src(%dma_wait3A_906 : memref<1x128xi32, #tpu.memory_space<hbm>>) dst(%arg10 : memref<1x128xi32, #tpu.memory_space<vmem>>)
        tpu.yield
      }) : () -> ()
      %run_scoped3A = arith.constant 0 : i32
      "tpu.region"() ({
        %run_scoped3A_900 = tpu.sem_alloc : memref<!tpu.dma_semaphore, #tpu.memory_space<semaphore_mem>>
        %dma_start3A = arith.constant 0 : i32
        %dma_start3A_901 = arith.constant 0 : i32
        %dma_start3A_902 = tpu.memref_slice %arg11[%dma_start3A, %dma_start3A_901] : memref<128x16xf32, #tpu.memory_space<vmem>> -> memref<128x16xf32, #tpu.memory_space<vmem>>
        %dma_start3A_903 = arith.constant 0 : i32
        %dma_start3A_904 = tpu.memref_slice %arg9[%run_scoped3A, %dma_start3A_903] : memref<1x128xi32, #tpu.memory_space<vmem>> -> memref<1x128xi32, #tpu.memory_space<vmem>>
        %dma_start3A_905 = tpu.memref_squeeze %dma_start3A_904 : memref<1x128xi32, #tpu.memory_space<vmem>> -> memref<128xi32, #tpu.memory_space<vmem>>
        %dma_start3A_906 = arith.constant 0 : i32
        %dma_start3A_907 = arith.constant 0 : i32
        %dma_start3A_908 = tpu.memref_slice %arg4[%dma_start3A_906, %dma_start3A_907] : memref<10240x16xf32, #tpu.memory_space<hbm>> -> memref<10240x16xf32, #tpu.memory_space<hbm>>
        tpu.enqueue_indirect_dma source(%dma_start3A_908 : memref<10240x16xf32, #tpu.memory_space<hbm>>) target(%dma_start3A_902 : memref<128x16xf32, #tpu.memory_space<vmem>>) offsets(%dma_start3A_905 : memref<128xi32, #tpu.memory_space<vmem>>) semaphore(%run_scoped3A_900 : memref<!tpu.dma_semaphore, #tpu.memory_space<semaphore_mem>>)
        %dma_wait3A = arith.constant 0 : i32
        %dma_wait3A_909 = arith.constant 0 : i32
        %dma_wait3A_910 = tpu.memref_slice %arg11[%dma_wait3A, %dma_wait3A_909] : memref<128x16xf32, #tpu.memory_space<vmem>> -> memref<128x16xf32, #tpu.memory_space<vmem>>
        %dma_wait3A_911 = arith.constant 0 : i32
        %dma_wait3A_912 = tpu.memref_slice %arg9[%run_scoped3A, %dma_wait3A_911] : memref<1x128xi32, #tpu.memory_space<vmem>> -> memref<1x128xi32, #tpu.memory_space<vmem>>
        %dma_wait3A_913 = tpu.memref_squeeze %dma_wait3A_912 : memref<1x128xi32, #tpu.memory_space<vmem>> -> memref<128xi32, #tpu.memory_space<vmem>>
        %dma_wait3A_914 = arith.constant 0 : i32
        %dma_wait3A_915 = arith.constant 0 : i32
        %dma_wait3A_916 = tpu.memref_slice %arg4[%dma_wait3A_914, %dma_wait3A_915] : memref<10240x16xf32, #tpu.memory_space<hbm>> -> memref<10240x16xf32, #tpu.memory_space<hbm>>
        tpu.wait_indirect_dma semaphore(%run_scoped3A_900 : memref<!tpu.dma_semaphore, #tpu.memory_space<semaphore_mem>>) src(%dma_wait3A_916 : memref<10240x16xf32, #tpu.memory_space<hbm>>) dst(%dma_wait3A_910 : memref<128x16xf32, #tpu.memory_space<vmem>>)
        tpu.yield
      }) : () -> ()
      %run_scoped3A_888 = arith.constant 0 : i32
      "tpu.region"() ({
        %run_scoped3A_900 = tpu.sem_alloc : memref<!tpu.dma_semaphore, #tpu.memory_space<semaphore_mem>>
        %dma_start3A = arith.constant 0 : i32
        %dma_start3A_901 = arith.constant 0 : i32
        %dma_start3A_902 = tpu.memref_slice %arg12[%dma_start3A, %dma_start3A_901] : memref<128x16xf32, #tpu.memory_space<vmem>> -> memref<128x16xf32, #tpu.memory_space<vmem>>
        %dma_start3A_903 = arith.constant 0 : i32
        %dma_start3A_904 = tpu.memref_slice %arg10[%run_scoped3A_888, %dma_start3A_903] : memref<1x128xi32, #tpu.memory_space<vmem>> -> memref<1x128xi32, #tpu.memory_space<vmem>>
        %dma_start3A_905 = tpu.memref_squeeze %dma_start3A_904 : memref<1x128xi32, #tpu.memory_space<vmem>> -> memref<128xi32, #tpu.memory_space<vmem>>
        %dma_start3A_906 = arith.constant 0 : i32
        %dma_start3A_907 = arith.constant 0 : i32
        %dma_start3A_908 = tpu.memref_slice %arg5[%dma_start3A_906, %dma_start3A_907] : memref<10240x16xf32, #tpu.memory_space<hbm>> -> memref<10240x16xf32, #tpu.memory_space<hbm>>
        tpu.enqueue_indirect_dma source(%dma_start3A_908 : memref<10240x16xf32, #tpu.memory_space<hbm>>) target(%dma_start3A_902 : memref<128x16xf32, #tpu.memory_space<vmem>>) offsets(%dma_start3A_905 : memref<128xi32, #tpu.memory_space<vmem>>) semaphore(%run_scoped3A_900 : memref<!tpu.dma_semaphore, #tpu.memory_space<semaphore_mem>>)
        %dma_wait3A = arith.constant 0 : i32
        %dma_wait3A_909 = arith.constant 0 : i32
        %dma_wait3A_910 = tpu.memref_slice %arg12[%dma_wait3A, %dma_wait3A_909] : memref<128x16xf32, #tpu.memory_space<vmem>> -> memref<128x16xf32, #tpu.memory_space<vmem>>
        %dma_wait3A_911 = arith.constant 0 : i32
        %dma_wait3A_912 = tpu.memref_slice %arg10[%run_scoped3A_888, %dma_wait3A_911] : memref<1x128xi32, #tpu.memory_space<vmem>> -> memref<1x128xi32, #tpu.memory_space<vmem>>
        %dma_wait3A_913 = tpu.memref_squeeze %dma_wait3A_912 : memref<1x128xi32, #tpu.memory_space<vmem>> -> memref<128xi32, #tpu.memory_space<vmem>>
        %dma_wait3A_914 = arith.constant 0 : i32
        %dma_wait3A_915 = arith.constant 0 : i32
        %dma_wait3A_916 = tpu.memref_slice %arg5[%dma_wait3A_914, %dma_wait3A_915] : memref<10240x16xf32, #tpu.memory_space<hbm>> -> memref<10240x16xf32, #tpu.memory_space<hbm>>
        tpu.wait_indirect_dma semaphore(%run_scoped3A_900 : memref<!tpu.dma_semaphore, #tpu.memory_space<semaphore_mem>>) src(%dma_wait3A_916 : memref<10240x16xf32, #tpu.memory_space<hbm>>) dst(%dma_wait3A_910 : memref<128x16xf32, #tpu.memory_space<vmem>>)
        tpu.yield
      }) : () -> ()
      %run_scoped3A_889 = arith.constant 0 : i32
      "tpu.region"() ({
        %run_scoped3A_900 = tpu.sem_alloc : memref<!tpu.dma_semaphore, #tpu.memory_space<semaphore_mem>>
        %dma_start3A = arith.constant 0 : i32
        %dma_start3A_901 = arith.constant 0 : i32
        %dma_start3A_902 = tpu.memref_slice %arg14[%dma_start3A, %dma_start3A_901] : memref<128x128xf32, #tpu.memory_space<vmem>> -> memref<128x128xf32, #tpu.memory_space<vmem>>
        %dma_start3A_903 = arith.constant 0 : i32
        %dma_start3A_904 = tpu.memref_slice %arg9[%run_scoped3A_889, %dma_start3A_903] : memref<1x128xi32, #tpu.memory_space<vmem>> -> memref<1x128xi32, #tpu.memory_space<vmem>>
        %dma_start3A_905 = tpu.memref_squeeze %dma_start3A_904 : memref<1x128xi32, #tpu.memory_space<vmem>> -> memref<128xi32, #tpu.memory_space<vmem>>
        %dma_start3A_906 = arith.constant 0 : i32
        %dma_start3A_907 = arith.constant 0 : i32
        %dma_start3A_908 = tpu.memref_slice %arg6[%dma_start3A_906, %dma_start3A_907] : memref<10240x128xf32, #tpu.memory_space<hbm>> -> memref<10240x128xf32, #tpu.memory_space<hbm>>
        tpu.enqueue_indirect_dma source(%dma_start3A_908 : memref<10240x128xf32, #tpu.memory_space<hbm>>) target(%dma_start3A_902 : memref<128x128xf32, #tpu.memory_space<vmem>>) offsets(%dma_start3A_905 : memref<128xi32, #tpu.memory_space<vmem>>) semaphore(%run_scoped3A_900 : memref<!tpu.dma_semaphore, #tpu.memory_space<semaphore_mem>>)
        %dma_wait3A = arith.constant 0 : i32
        %dma_wait3A_909 = arith.constant 0 : i32
        %dma_wait3A_910 = tpu.memref_slice %arg14[%dma_wait3A, %dma_wait3A_909] : memref<128x128xf32, #tpu.memory_space<vmem>> -> memref<128x128xf32, #tpu.memory_space<vmem>>
        %dma_wait3A_911 = arith.constant 0 : i32
        %dma_wait3A_912 = tpu.memref_slice %arg9[%run_scoped3A_889, %dma_wait3A_911] : memref<1x128xi32, #tpu.memory_space<vmem>> -> memref<1x128xi32, #tpu.memory_space<vmem>>
        %dma_wait3A_913 = tpu.memref_squeeze %dma_wait3A_912 : memref<1x128xi32, #tpu.memory_space<vmem>> -> memref<128xi32, #tpu.memory_space<vmem>>
        %dma_wait3A_914 = arith.constant 0 : i32
        %dma_wait3A_915 = arith.constant 0 : i32
        %dma_wait3A_916 = tpu.memref_slice %arg6[%dma_wait3A_914, %dma_wait3A_915] : memref<10240x128xf32, #tpu.memory_space<hbm>> -> memref<10240x128xf32, #tpu.memory_space<hbm>>
        tpu.wait_indirect_dma semaphore(%run_scoped3A_900 : memref<!tpu.dma_semaphore, #tpu.memory_space<semaphore_mem>>) src(%dma_wait3A_916 : memref<10240x128xf32, #tpu.memory_space<hbm>>) dst(%dma_wait3A_910 : memref<128x128xf32, #tpu.memory_space<vmem>>)
        tpu.yield
      }) : () -> ()
      %scan3A_890 = arith.constant 0 : i32
      %scan3A_891 = arith.constant 0 : i32
      %scan3A_892 = arith.constant 128 : i32
      %scan3A_893 = arith.addi %scan3A_891, %scan3A_892 : i32
      %scan3A_894 = arith.constant 1 : i32
      %scan3A_895 = scf.for %scan3A_900 = %scan3A_891 to %scan3A_893 step %scan3A_894 iter_args(%scan3A_901 = %scan3A_890) -> (i32)  : i32 {
        %get3A = arith.index_cast %scan3A_900 : i32 to index
        %get3A_902 = arith.constant 0 : index
        %get3A_903 = tpu.vector_load %arg11[%get3A, %get3A_902] {strides = array<i32>} : memref<128x16xf32, #tpu.memory_space<vmem>>, vector<1x16xf32>,
        %get3A_904 = vector.shape_cast %get3A_903 : vector<1x16xf32> to vector<16xf32>
        %get3A_905 = arith.index_cast %scan3A_900 : i32 to index
        %get3A_906 = arith.constant 0 : index
        %get3A_907 = tpu.vector_load %arg12[%get3A_905, %get3A_906] {strides = array<i32>} : memref<128x16xf32, #tpu.memory_space<vmem>>, vector<1x16xf32>,
        %get3A_908 = vector.shape_cast %get3A_907 : vector<1x16xf32> to vector<16xf32>
        %add3A_909 = arith.addf %get3A_904, %get3A_908 : vector<16xf32>
        %ge3A = arith.constant 0.000000e+00 : f32
        %ge3A_910 = vector.broadcast %ge3A : f32 to vector<16xf32>
        %ge3A_911 = arith.cmpf oge, %add3A_909, %ge3A_910 : vector<16xf32>
        %mul3A_912 = arith.constant 2.000000e-01 : f32
        %mul3A_913 = vector.broadcast %mul3A_912 : f32 to vector<16xf32>
        %mul3A_914 = arith.mulf %mul3A_913, %add3A_909 : vector<16xf32>
        %select_n3A = arith.select %ge3A_911, %add3A_909, %mul3A_914 : vector<16xi1>, vector<16xf32>
        %exp3A = math.exp %select_n3A : vector<16xf32>
        %swap3A_915 = arith.index_cast %scan3A_900 : i32 to index
        %swap3A_916 = arith.constant 0 : index
        %swap3A_917 = tpu.vector_load %arg13[%swap3A_915, %swap3A_916] {strides = array<i32>} : memref<128x16xf32, #tpu.memory_space<vmem>>, vector<1x16xf32>,
        %swap3A_918 = vector.shape_cast %swap3A_917 : vector<1x16xf32> to vector<16xf32>
        %swap3A_919 = vector.shape_cast %exp3A : vector<16xf32> to vector<1x16xf32>
        tpu.vector_store %arg13[%swap3A_915, %swap3A_916], %swap3A_919 {strides = array<i32>} : memref<128x16xf32, #tpu.memory_space<vmem>>, vector<1x16xf32>,
        %slice3A = vector.extract_strided_slice %exp3A {offsets = [0], sizes = [1], strides = [1]} : vector<16xf32> to vector<1xf32>
        %squeeze3A = vector.extract %slice3A[0] : f32 from vector<1xf32>
        %get3A_920 = arith.index_cast %scan3A_900 : i32 to index
        %get3A_921 = arith.constant 0 : index
        %get3A_922 = tpu.vector_load %arg14[%get3A_920, %get3A_921] {strides = array<i32>} : memref<128x128xf32, #tpu.memory_space<vmem>>, vector<1x16xf32>,
        %get3A_923 = vector.shape_cast %get3A_922 : vector<1x16xf32> to vector<16xf32>
        %mul3A_924 = vector.broadcast %squeeze3A : f32 to vector<16xf32>
        %mul3A_925 = arith.mulf %get3A_923, %mul3A_924 : vector<16xf32>
        %swap3A_926 = arith.index_cast %scan3A_900 : i32 to index
        %swap3A_927 = arith.constant 0 : index
        %swap3A_928 = tpu.vector_load %arg14[%swap3A_926, %swap3A_927] {strides = array<i32>} : memref<128x128xf32, #tpu.memory_space<vmem>>, vector<1x16xf32>,
        %swap3A_929 = vector.shape_cast %swap3A_928 : vector<1x16xf32> to vector<16xf32>
        %swap3A_930 = vector.shape_cast %mul3A_925 : vector<16xf32> to vector<1x16xf32>
        tpu.vector_store %arg14[%swap3A_926, %swap3A_927], %swap3A_930 {strides = array<i32>} : memref<128x128xf32, #tpu.memory_space<vmem>>, vector<1x16xf32>,
        %slice3A_931 = vector.extract_strided_slice %exp3A {offsets = [0], sizes = [1], strides = [1]} : vector<16xf32> to vector<1xf32>
        %squeeze3A_932 = vector.extract %slice3A_931[0] : f32 from vector<1xf32>
        %get3A_933 = arith.index_cast %scan3A_900 : i32 to index
        %get3A_934 = arith.constant 16 : index
        %get3A_935 = tpu.vector_load %arg14[%get3A_933, %get3A_934] {strides = array<i32>} : memref<128x128xf32, #tpu.memory_space<vmem>>, vector<1x16xf32>,
        %get3A_936 = vector.shape_cast %get3A_935 : vector<1x16xf32> to vector<16xf32>
        %mul3A_937 = vector.broadcast %squeeze3A_932 : f32 to vector<16xf32>
        %mul3A_938 = arith.mulf %get3A_936, %mul3A_937 : vector<16xf32>
        %swap3A_939 = arith.index_cast %scan3A_900 : i32 to index
        %swap3A_940 = arith.constant 16 : index
        %swap3A_941 = tpu.vector_load %arg14[%swap3A_939, %swap3A_940] {strides = array<i32>} : memref<128x128xf32, #tpu.memory_space<vmem>>, vector<1x16xf32>,
        %swap3A_942 = vector.shape_cast %swap3A_941 : vector<1x16xf32> to vector<16xf32>
        %swap3A_943 = vector.shape_cast %mul3A_938 : vector<16xf32> to vector<1x16xf32>
        tpu.vector_store %arg14[%swap3A_939, %swap3A_940], %swap3A_943 {strides = array<i32>} : memref<128x128xf32, #tpu.memory_space<vmem>>, vector<1x16xf32>,
        %slice3A_944 = vector.extract_strided_slice %exp3A {offsets = [1], sizes = [1], strides = [1]} : vector<16xf32> to vector<1xf32>
        %squeeze3A_945 = vector.extract %slice3A_944[0] : f32 from vector<1xf32>
        %get3A_946 = arith.index_cast %scan3A_900 : i32 to index
        %get3A_947 = arith.constant 32 : index
        %get3A_948 = tpu.vector_load %arg14[%get3A_946, %get3A_947] {strides = array<i32>} : memref<128x128xf32, #tpu.memory_space<vmem>>, vector<1x16xf32>,
        %get3A_949 = vector.shape_cast %get3A_948 : vector<1x16xf32> to vector<16xf32>
        %mul3A_950 = vector.broadcast %squeeze3A_945 : f32 to vector<16xf32>
        %mul3A_951 = arith.mulf %get3A_949, %mul3A_950 : vector<16xf32>
        %swap3A_952 = arith.index_cast %scan3A_900 : i32 to index
        %swap3A_953 = arith.constant 32 : index
        %swap3A_954 = tpu.vector_load %arg14[%swap3A_952, %swap3A_953] {strides = array<i32>} : memref<128x128xf32, #tpu.memory_space<vmem>>, vector<1x16xf32>,
        %swap3A_955 = vector.shape_cast %swap3A_954 : vector<1x16xf32> to vector<16xf32>
        %swap3A_956 = vector.shape_cast %mul3A_951 : vector<16xf32> to vector<1x16xf32>
        tpu.vector_store %arg14[%swap3A_952, %swap3A_953], %swap3A_956 {strides = array<i32>} : memref<128x128xf32, #tpu.memory_space<vmem>>, vector<1x16xf32>,
        %slice3A_957 = vector.extract_strided_slice %exp3A {offsets = [1], sizes = [1], strides = [1]} : vector<16xf32> to vector<1xf32>
        %squeeze3A_958 = vector.extract %slice3A_957[0] : f32 from vector<1xf32>
        %get3A_959 = arith.index_cast %scan3A_900 : i32 to index
        %get3A_960 = arith.constant 48 : index
        %get3A_961 = tpu.vector_load %arg14[%get3A_959, %get3A_960] {strides = array<i32>} : memref<128x128xf32, #tpu.memory_space<vmem>>, vector<1x16xf32>,
        %get3A_962 = vector.shape_cast %get3A_961 : vector<1x16xf32> to vector<16xf32>
        %mul3A_963 = vector.broadcast %squeeze3A_958 : f32 to vector<16xf32>
        %mul3A_964 = arith.mulf %get3A_962, %mul3A_963 : vector<16xf32>
        %swap3A_965 = arith.index_cast %scan3A_900 : i32 to index
        %swap3A_966 = arith.constant 48 : index
        %swap3A_967 = tpu.vector_load %arg14[%swap3A_965, %swap3A_966] {strides = array<i32>} : memref<128x128xf32, #tpu.memory_space<vmem>>, vector<1x16xf32>,
        %swap3A_968 = vector.shape_cast %swap3A_967 : vector<1x16xf32> to vector<16xf32>
        %swap3A_969 = vector.shape_cast %mul3A_964 : vector<16xf32> to vector<1x16xf32>
        tpu.vector_store %arg14[%swap3A_965, %swap3A_966], %swap3A_969 {strides = array<i32>} : memref<128x128xf32, #tpu.memory_space<vmem>>, vector<1x16xf32>,
        %slice3A_970 = vector.extract_strided_slice %exp3A {offsets = [2], sizes = [1], strides = [1]} : vector<16xf32> to vector<1xf32>
        %squeeze3A_971 = vector.extract %slice3A_970[0] : f32 from vector<1xf32>
        %get3A_972 = arith.index_cast %scan3A_900 : i32 to index
        %get3A_973 = arith.constant 64 : index
        %get3A_974 = tpu.vector_load %arg14[%get3A_972, %get3A_973] {strides = array<i32>} : memref<128x128xf32, #tpu.memory_space<vmem>>, vector<1x16xf32>,
        %get3A_975 = vector.shape_cast %get3A_974 : vector<1x16xf32> to vector<16xf32>
        %mul3A_976 = vector.broadcast %squeeze3A_971 : f32 to vector<16xf32>
        %mul3A_977 = arith.mulf %get3A_975, %mul3A_976 : vector<16xf32>
        %swap3A_978 = arith.index_cast %scan3A_900 : i32 to index
        %swap3A_979 = arith.constant 64 : index
        %swap3A_980 = tpu.vector_load %arg14[%swap3A_978, %swap3A_979] {strides = array<i32>} : memref<128x128xf32, #tpu.memory_space<vmem>>, vector<1x16xf32>,
        %swap3A_981 = vector.shape_cast %swap3A_980 : vector<1x16xf32> to vector<16xf32>
        %swap3A_982 = vector.shape_cast %mul3A_977 : vector<16xf32> to vector<1x16xf32>
        tpu.vector_store %arg14[%swap3A_978, %swap3A_979], %swap3A_982 {strides = array<i32>} : memref<128x128xf32, #tpu.memory_space<vmem>>, vector<1x16xf32>,
        %slice3A_983 = vector.extract_strided_slice %exp3A {offsets = [2], sizes = [1], strides = [1]} : vector<16xf32> to vector<1xf32>
        %squeeze3A_984 = vector.extract %slice3A_983[0] : f32 from vector<1xf32>
        %get3A_985 = arith.index_cast %scan3A_900 : i32 to index
        %get3A_986 = arith.constant 80 : index
        %get3A_987 = tpu.vector_load %arg14[%get3A_985, %get3A_986] {strides = array<i32>} : memref<128x128xf32, #tpu.memory_space<vmem>>, vector<1x16xf32>,
        %get3A_988 = vector.shape_cast %get3A_987 : vector<1x16xf32> to vector<16xf32>
        %mul3A_989 = vector.broadcast %squeeze3A_984 : f32 to vector<16xf32>
        %mul3A_990 = arith.mulf %get3A_988, %mul3A_989 : vector<16xf32>
        %swap3A_991 = arith.index_cast %scan3A_900 : i32 to index
        %swap3A_992 = arith.constant 80 : index
        %swap3A_993 = tpu.vector_load %arg14[%swap3A_991, %swap3A_992] {strides = array<i32>} : memref<128x128xf32, #tpu.memory_space<vmem>>, vector<1x16xf32>,
        %swap3A_994 = vector.shape_cast %swap3A_993 : vector<1x16xf32> to vector<16xf32>
        %swap3A_995 = vector.shape_cast %mul3A_990 : vector<16xf32> to vector<1x16xf32>
        tpu.vector_store %arg14[%swap3A_991, %swap3A_992], %swap3A_995 {strides = array<i32>} : memref<128x128xf32, #tpu.memory_space<vmem>>, vector<1x16xf32>,
        %slice3A_996 = vector.extract_strided_slice %exp3A {offsets = [3], sizes = [1], strides = [1]} : vector<16xf32> to vector<1xf32>
        %squeeze3A_997 = vector.extract %slice3A_996[0] : f32 from vector<1xf32>
        %get3A_998 = arith.index_cast %scan3A_900 : i32 to index
        %get3A_999 = arith.constant 96 : index
        %get3A_1000 = tpu.vector_load %arg14[%get3A_998, %get3A_999] {strides = array<i32>} : memref<128x128xf32, #tpu.memory_space<vmem>>, vector<1x16xf32>,
        %get3A_1001 = vector.shape_cast %get3A_1000 : vector<1x16xf32> to vector<16xf32>
        %mul3A_1002 = vector.broadcast %squeeze3A_997 : f32 to vector<16xf32>
        %mul3A_1003 = arith.mulf %get3A_1001, %mul3A_1002 : vector<16xf32>
        %swap3A_1004 = arith.index_cast %scan3A_900 : i32 to index
        %swap3A_1005 = arith.constant 96 : index
        %swap3A_1006 = tpu.vector_load %arg14[%swap3A_1004, %swap3A_1005] {strides = array<i32>} : memref<128x128xf32, #tpu.memory_space<vmem>>, vector<1x16xf32>,
        %swap3A_1007 = vector.shape_cast %swap3A_1006 : vector<1x16xf32> to vector<16xf32>
        %swap3A_1008 = vector.shape_cast %mul3A_1003 : vector<16xf32> to vector<1x16xf32>
        tpu.vector_store %arg14[%swap3A_1004, %swap3A_1005], %swap3A_1008 {strides = array<i32>} : memref<128x128xf32, #tpu.memory_space<vmem>>, vector<1x16xf32>,
        %slice3A_1009 = vector.extract_strided_slice %exp3A {offsets = [3], sizes = [1], strides = [1]} : vector<16xf32> to vector<1xf32>
        %squeeze3A_1010 = vector.extract %slice3A_1009[0] : f32 from vector<1xf32>
        %get3A_1011 = arith.index_cast %scan3A_900 : i32 to index
        %get3A_1012 = arith.constant 112 : index
        %get3A_1013 = tpu.vector_load %arg14[%get3A_1011, %get3A_1012] {strides = array<i32>} : memref<128x128xf32, #tpu.memory_space<vmem>>, vector<1x16xf32>,
        %get3A_1014 = vector.shape_cast %get3A_1013 : vector<1x16xf32> to vector<16xf32>
        %mul3A_1015 = vector.broadcast %squeeze3A_1010 : f32 to vector<16xf32>
        %mul3A_1016 = arith.mulf %get3A_1014, %mul3A_1015 : vector<16xf32>
        %swap3A_1017 = arith.index_cast %scan3A_900 : i32 to index
        %swap3A_1018 = arith.constant 112 : index
        %swap3A_1019 = tpu.vector_load %arg14[%swap3A_1017, %swap3A_1018] {strides = array<i32>} : memref<128x128xf32, #tpu.memory_space<vmem>>, vector<1x16xf32>,
        %swap3A_1020 = vector.shape_cast %swap3A_1019 : vector<1x16xf32> to vector<16xf32>
        %swap3A_1021 = vector.shape_cast %mul3A_1016 : vector<16xf32> to vector<1x16xf32>
        tpu.vector_store %arg14[%swap3A_1017, %swap3A_1018], %swap3A_1021 {strides = array<i32>} : memref<128x128xf32, #tpu.memory_space<vmem>>, vector<1x16xf32>,
        %scan3A_1022 = arith.constant 0 : i32
        scf.yield %scan3A_1022 : i32
      }
      %scan3A_896 = arith.constant 128 : i32
      %run_scoped3A_897 = arith.constant 0 : i32
      "tpu.region"() ({
        %run_scoped3A_900 = tpu.sem_alloc : memref<!tpu.dma_semaphore, #tpu.memory_space<semaphore_mem>>
        %dma_start3A = arith.constant 0 : i32
        %dma_start3A_901 = arith.constant 0 : i32
        %dma_start3A_902 = tpu.memref_slice %arg13[%dma_start3A, %dma_start3A_901] : memref<128x16xf32, #tpu.memory_space<vmem>> -> memref<128x16xf32, #tpu.memory_space<vmem>>
        %dma_start3A_903 = arith.constant 0 : i32
        %dma_start3A_904 = tpu.memref_slice %arg10[%run_scoped3A_897, %dma_start3A_903] : memref<1x128xi32, #tpu.memory_space<vmem>> -> memref<1x128xi32, #tpu.memory_space<vmem>>
        %dma_start3A_905 = tpu.memref_squeeze %dma_start3A_904 : memref<1x128xi32, #tpu.memory_space<vmem>> -> memref<128xi32, #tpu.memory_space<vmem>>
        %dma_start3A_906 = arith.constant 0 : i32
        %dma_start3A_907 = arith.constant 0 : i32
        %dma_start3A_908 = tpu.memref_slice %arg16[%dma_start3A_906, %dma_start3A_907] : memref<10240x16xf32, #tpu.memory_space<vmem_shared>> -> memref<10240x16xf32, #tpu.memory_space<vmem_shared>>
        tpu.enqueue_indirect_dma source(%dma_start3A_902 : memref<128x16xf32, #tpu.memory_space<vmem>>) target(%dma_start3A_908 : memref<10240x16xf32, #tpu.memory_space<vmem_shared>>) offsets(%dma_start3A_905 : memref<128xi32, #tpu.memory_space<vmem>>) semaphore(%run_scoped3A_900 : memref<!tpu.dma_semaphore, #tpu.memory_space<semaphore_mem>>) {add = true}
        %dma_wait3A = arith.constant 0 : i32
        %dma_wait3A_909 = arith.constant 0 : i32
        %dma_wait3A_910 = tpu.memref_slice %arg13[%dma_wait3A, %dma_wait3A_909] : memref<128x16xf32, #tpu.memory_space<vmem>> -> memref<128x16xf32, #tpu.memory_space<vmem>>
        %dma_wait3A_911 = arith.constant 0 : i32
        %dma_wait3A_912 = tpu.memref_slice %arg10[%run_scoped3A_897, %dma_wait3A_911] : memref<1x128xi32, #tpu.memory_space<vmem>> -> memref<1x128xi32, #tpu.memory_space<vmem>>
        %dma_wait3A_913 = tpu.memref_squeeze %dma_wait3A_912 : memref<1x128xi32, #tpu.memory_space<vmem>> -> memref<128xi32, #tpu.memory_space<vmem>>
        %dma_wait3A_914 = arith.constant 0 : i32
        %dma_wait3A_915 = arith.constant 0 : i32
        %dma_wait3A_916 = tpu.memref_slice %arg16[%dma_wait3A_914, %dma_wait3A_915] : memref<10240x16xf32, #tpu.memory_space<vmem_shared>> -> memref<10240x16xf32, #tpu.memory_space<vmem_shared>>
        tpu.wait_indirect_dma semaphore(%run_scoped3A_900 : memref<!tpu.dma_semaphore, #tpu.memory_space<semaphore_mem>>) src(%dma_wait3A_910 : memref<128x16xf32, #tpu.memory_space<vmem>>) dst(%dma_wait3A_916 : memref<10240x16xf32, #tpu.memory_space<vmem_shared>>)
        tpu.yield
      }) : () -> ()
      %run_scoped3A_898 = arith.constant 0 : i32
      "tpu.region"() ({
        %run_scoped3A_900 = tpu.sem_alloc : memref<!tpu.dma_semaphore, #tpu.memory_space<semaphore_mem>>
        %dma_start3A = arith.constant 0 : i32
        %dma_start3A_901 = arith.constant 0 : i32
        %dma_start3A_902 = tpu.memref_slice %arg14[%dma_start3A, %dma_start3A_901] : memref<128x128xf32, #tpu.memory_space<vmem>> -> memref<128x128xf32, #tpu.memory_space<vmem>>
        %dma_start3A_903 = arith.constant 0 : i32
        %dma_start3A_904 = tpu.memref_slice %arg10[%run_scoped3A_898, %dma_start3A_903] : memref<1x128xi32, #tpu.memory_space<vmem>> -> memref<1x128xi32, #tpu.memory_space<vmem>>
        %dma_start3A_905 = tpu.memref_squeeze %dma_start3A_904 : memref<1x128xi32, #tpu.memory_space<vmem>> -> memref<128xi32, #tpu.memory_space<vmem>>
        %dma_start3A_906 = arith.constant 0 : i32
        %dma_start3A_907 = arith.constant 0 : i32
        %dma_start3A_908 = tpu.memref_slice %arg15[%dma_start3A_906, %dma_start3A_907] : memref<10240x128xf32, #tpu.memory_space<vmem_shared>> -> memref<10240x128xf32, #tpu.memory_space<vmem_shared>>
        tpu.enqueue_indirect_dma source(%dma_start3A_902 : memref<128x128xf32, #tpu.memory_space<vmem>>) target(%dma_start3A_908 : memref<10240x128xf32, #tpu.memory_space<vmem_shared>>) offsets(%dma_start3A_905 : memref<128xi32, #tpu.memory_space<vmem>>) semaphore(%run_scoped3A_900 : memref<!tpu.dma_semaphore, #tpu.memory_space<semaphore_mem>>) {add = true}
        %dma_wait3A = arith.constant 0 : i32
        %dma_wait3A_909 = arith.constant 0 : i32
        %dma_wait3A_910 = tpu.memref_slice %arg14[%dma_wait3A, %dma_wait3A_909] : memref<128x128xf32, #tpu.memory_space<vmem>> -> memref<128x128xf32, #tpu.memory_space<vmem>>
        %dma_wait3A_911 = arith.constant 0 : i32
        %dma_wait3A_912 = tpu.memref_slice %arg10[%run_scoped3A_898, %dma_wait3A_911] : memref<1x128xi32, #tpu.memory_space<vmem>> -> memref<1x128xi32, #tpu.memory_space<vmem>>
        %dma_wait3A_913 = tpu.memref_squeeze %dma_wait3A_912 : memref<1x128xi32, #tpu.memory_space<vmem>> -> memref<128xi32, #tpu.memory_space<vmem>>
        %dma_wait3A_914 = arith.constant 0 : i32
        %dma_wait3A_915 = arith.constant 0 : i32
        %dma_wait3A_916 = tpu.memref_slice %arg15[%dma_wait3A_914, %dma_wait3A_915] : memref<10240x128xf32, #tpu.memory_space<vmem_shared>> -> memref<10240x128xf32, #tpu.memory_space<vmem_shared>>
        tpu.wait_indirect_dma semaphore(%run_scoped3A_900 : memref<!tpu.dma_semaphore, #tpu.memory_space<semaphore_mem>>) src(%dma_wait3A_910 : memref<128x128xf32, #tpu.memory_space<vmem>>) dst(%dma_wait3A_916 : memref<10240x128xf32, #tpu.memory_space<vmem_shared>>)
        tpu.yield
      }) : () -> ()
      %scan3A_899 = arith.constant 0 : i32
      scf.yield %scan3A_899 : i32
    }
    %scan3A_881 = arith.constant 81 : i32
    %barrier3A_882 = arith.constant 0 : index
    tpu.barrier barrier_id(%barrier3A_882)
    "tpu.region"() ({
      %run_scoped3A = tpu.sem_alloc : memref<!tpu.dma_semaphore, #tpu.memory_space<semaphore_mem>>
      %dma_start3A = arith.constant 0 : i32
      %dma_start3A_883 = arith.constant 0 : i32
      %dma_start3A_884 = tpu.memref_slice %arg7[%arg0, %dma_start3A, %dma_start3A_883] : memref<2x10240x128xf32, #tpu.memory_space<hbm>> -> memref<1x10240x128xf32, #tpu.memory_space<hbm>>
      %dma_start3A_885 = tpu.memref_squeeze %dma_start3A_884 : memref<1x10240x128xf32, #tpu.memory_space<hbm>> -> memref<10240x128xf32, #tpu.memory_space<hbm>>
      %dma_start3A_886 = arith.constant 0 : i32
      %dma_start3A_887 = tpu.memref_slice %dma_start3A_885[%mul3A_866, %dma_start3A_886] : memref<10240x128xf32, #tpu.memory_space<hbm>> -> memref<640x128xf32, #tpu.memory_space<hbm>>
      %dma_start3A_888 = arith.constant 0 : i32
      %dma_start3A_889 = tpu.memref_slice %arg15[%mul3A_866, %dma_start3A_888] : memref<10240x128xf32, #tpu.memory_space<vmem_shared>> -> memref<640x128xf32, #tpu.memory_space<vmem_shared>>
      tpu.enqueue_dma source(%dma_start3A_889 : memref<640x128xf32, #tpu.memory_space<vmem_shared>>) target(%dma_start3A_887 : memref<640x128xf32, #tpu.memory_space<hbm>>) target_semaphore(%run_scoped3A : memref<!tpu.dma_semaphore, #tpu.memory_space<semaphore_mem>>)
      %dma_wait3A = arith.constant 0 : i32
      %dma_wait3A_890 = arith.constant 0 : i32
      %dma_wait3A_891 = tpu.memref_slice %arg7[%arg0, %dma_wait3A, %dma_wait3A_890] : memref<2x10240x128xf32, #tpu.memory_space<hbm>> -> memref<1x10240x128xf32, #tpu.memory_space<hbm>>
      %dma_wait3A_892 = tpu.memref_squeeze %dma_wait3A_891 : memref<1x10240x128xf32, #tpu.memory_space<hbm>> -> memref<10240x128xf32, #tpu.memory_space<hbm>>
      %dma_wait3A_893 = arith.constant 0 : i32
      %dma_wait3A_894 = tpu.memref_slice %dma_wait3A_892[%mul3A_866, %dma_wait3A_893] : memref<10240x128xf32, #tpu.memory_space<hbm>> -> memref<640x128xf32, #tpu.memory_space<hbm>>
      %dma_wait3A_895 = arith.constant 0 : i32
      %dma_wait3A_896 = tpu.memref_slice %arg15[%mul3A_866, %dma_wait3A_895] : memref<10240x128xf32, #tpu.memory_space<vmem_shared>> -> memref<640x128xf32, #tpu.memory_space<vmem_shared>>
      tpu.wait_dma2 semaphore(%run_scoped3A : memref<!tpu.dma_semaphore, #tpu.memory_space<semaphore_mem>>) src(%dma_wait3A_896 : memref<640x128xf32, #tpu.memory_space<vmem_shared>>) dst(%dma_wait3A_894 : memref<640x128xf32, #tpu.memory_space<hbm>>)
      tpu.yield
    }) : () -> ()
    "tpu.region"() ({
      %run_scoped3A = tpu.sem_alloc : memref<!tpu.dma_semaphore, #tpu.memory_space<semaphore_mem>>
      %dma_start3A = arith.constant 0 : i32
      %dma_start3A_883 = arith.constant 0 : i32
      %dma_start3A_884 = tpu.memref_slice %arg8[%arg0, %dma_start3A, %dma_start3A_883] : memref<2x10240x16xf32, #tpu.memory_space<hbm>> -> memref<1x10240x16xf32, #tpu.memory_space<hbm>>
      %dma_start3A_885 = tpu.memref_squeeze %dma_start3A_884 : memref<1x10240x16xf32, #tpu.memory_space<hbm>> -> memref<10240x16xf32, #tpu.memory_space<hbm>>
      %dma_start3A_886 = arith.constant 0 : i32
      %dma_start3A_887 = tpu.memref_slice %dma_start3A_885[%mul3A_866, %dma_start3A_886] : memref<10240x16xf32, #tpu.memory_space<hbm>> -> memref<640x16xf32, #tpu.memory_space<hbm>>
      %dma_start3A_888 = arith.constant 0 : i32
      %dma_start3A_889 = tpu.memref_slice %arg16[%mul3A_866, %dma_start3A_888] : memref<10240x16xf32, #tpu.memory_space<vmem_shared>> -> memref<640x16xf32, #tpu.memory_space<vmem_shared>>
      tpu.enqueue_dma source(%dma_start3A_889 : memref<640x16xf32, #tpu.memory_space<vmem_shared>>) target(%dma_start3A_887 : memref<640x16xf32, #tpu.memory_space<hbm>>) target_semaphore(%run_scoped3A : memref<!tpu.dma_semaphore, #tpu.memory_space<semaphore_mem>>)
      %dma_wait3A = arith.constant 0 : i32
      %dma_wait3A_890 = arith.constant 0 : i32
      %dma_wait3A_891 = tpu.memref_slice %arg8[%arg0, %dma_wait3A, %dma_wait3A_890] : memref<2x10240x16xf32, #tpu.memory_space<hbm>> -> memref<1x10240x16xf32, #tpu.memory_space<hbm>>
      %dma_wait3A_892 = tpu.memref_squeeze %dma_wait3A_891 : memref<1x10240x16xf32, #tpu.memory_space<hbm>> -> memref<10240x16xf32, #tpu.memory_space<hbm>>
      %dma_wait3A_893 = arith.constant 0 : i32
      %dma_wait3A_894 = tpu.memref_slice %dma_wait3A_892[%mul3A_866, %dma_wait3A_893] : memref<10240x16xf32, #tpu.memory_space<hbm>> -> memref<640x16xf32, #tpu.memory_space<hbm>>
      %dma_wait3A_895 = arith.constant 0 : i32
      %dma_wait3A_896 = tpu.memref_slice %arg16[%mul3A_866, %dma_wait3A_895] : memref<10240x16xf32, #tpu.memory_space<vmem_shared>> -> memref<640x16xf32, #tpu.memory_space<vmem_shared>>
      tpu.wait_dma2 semaphore(%run_scoped3A : memref<!tpu.dma_semaphore, #tpu.memory_space<semaphore_mem>>) src(%dma_wait3A_896 : memref<640x16xf32, #tpu.memory_space<vmem_shared>>) dst(%dma_wait3A_894 : memref<640x16xf32, #tpu.memory_space<hbm>>)
      tpu.yield
    }) : () -> ()
    return
  }
}

module attributes {stable_mosaic.version = 14 : i64} {
  func.func @_prep_body(%arg0: memref<10240x128xf32, #tpu.memory_space<vmem>>, %arg1: memref<128x128xf32, #tpu.memory_space<vmem>>, %arg2: memref<128x16xf32, #tpu.memory_space<vmem>>, %arg3: memref<128x16xf32, #tpu.memory_space<vmem>>, %arg4: memref<10240x128xf32, #tpu.memory_space<vmem>>, %arg5: memref<10240x16xf32, #tpu.memory_space<vmem>>, %arg6: memref<10240x16xf32, #tpu.memory_space<vmem>>) attributes {dimension_semantics = [], scalar_prefetch = 0 : i64, scratch_operands = 0 : i64, tpu.core_type = #tpu.core_type<tc>} {
    %get3A = arith.constant 0 : index
    %get3A_0 = arith.constant 0 : index
    %get3A_1 = vector.load %arg0[%get3A, %get3A_0] : memref<10240x128xf32, #tpu.memory_space<vmem>>, vector<10240x128xf32>
    %get3A_2 = arith.constant 0 : index
    %get3A_3 = arith.constant 0 : index
    %get3A_4 = vector.load %arg1[%get3A_2, %get3A_3] : memref<128x128xf32, #tpu.memory_space<vmem>>, vector<128x128xf32>
    %dot_general3A = arith.constant dense<0.000000e+00> : vector<10240x128xf32>
    %dot_general3A_5 = tpu.matmul %get3A_1, %get3A_4, %dot_general3A {dimension_numbers = #tpu.dot_dimension_numbers<[1], [0], [0], [1], [0, 0, 1, 1], [], []>, precision = #tpu.contract_precision<fp32>, transpose_lhs_hint = false} : vector<10240x128xf32>, vector<128x128xf32>, vector<10240x128xf32> -> vector<10240x128xf32>
    %swap3A = arith.constant 0 : index
    %swap3A_6 = arith.constant 0 : index
    %swap3A_7 = vector.load %arg4[%swap3A, %swap3A_6] : memref<10240x128xf32, #tpu.memory_space<vmem>>, vector<10240x128xf32>
    tpu.vector_store %arg4[%swap3A, %swap3A_6], %dot_general3A_5 {strides = array<i32>} : memref<10240x128xf32, #tpu.memory_space<vmem>>, vector<10240x128xf32>,
    %get3A_8 = arith.constant 0 : index
    %get3A_9 = arith.constant 0 : index
    %get3A_10 = vector.load %arg2[%get3A_8, %get3A_9] : memref<128x16xf32, #tpu.memory_space<vmem>>, vector<128x16xf32>
    %get3A_11 = arith.constant 0 : index
    %get3A_12 = arith.constant 0 : index
    %get3A_13 = vector.load %arg3[%get3A_11, %get3A_12] : memref<128x16xf32, #tpu.memory_space<vmem>>, vector<128x16xf32>
    %iota3A = tpu.iota {dimensions = array<i32: 0>} : vector<10240x16xi32>
    %iota3A_14 = tpu.iota {dimensions = array<i32: 1>} : vector<10240x16xi32>
    %lt3A = arith.constant 10000 : i32
    %lt3A_15 = vector.broadcast %lt3A : i32 to vector<10240x16xi32>
    %lt3A_16 = arith.cmpi slt, %iota3A, %lt3A_15 : vector<10240x16xi32>
    %lt3A_17 = arith.constant 4 : i32
    %lt3A_18 = vector.broadcast %lt3A_17 : i32 to vector<10240x16xi32>
    %lt3A_19 = arith.cmpi slt, %iota3A_14, %lt3A_18 : vector<10240x16xi32>
    %and3A = arith.andi %lt3A_16, %lt3A_19 : vector<10240x16xi1>
    %dot_general3A_20 = arith.constant dense<0.000000e+00> : vector<10240x16xf32>
    %dot_general3A_21 = tpu.matmul %dot_general3A_5, %get3A_10, %dot_general3A_20 {dimension_numbers = #tpu.dot_dimension_numbers<[1], [0], [0], [1], [0, 0, 1, 1], [], []>, precision = #tpu.contract_precision<fp32>, transpose_lhs_hint = false} : vector<10240x128xf32>, vector<128x16xf32>, vector<10240x16xf32> -> vector<10240x16xf32>
    %jit3A = arith.constant -1.000000e+30 : f32
    %broadcast_in_dim3A = vector.broadcast %jit3A : f32 to vector<10240x16xf32>
    %select_n3A = arith.select %and3A, %dot_general3A_21, %broadcast_in_dim3A : vector<10240x16xi1>, vector<10240x16xf32>
    %swap3A_22 = arith.constant 0 : index
    %swap3A_23 = arith.constant 0 : index
    %swap3A_24 = vector.load %arg5[%swap3A_22, %swap3A_23] : memref<10240x16xf32, #tpu.memory_space<vmem>>, vector<10240x16xf32>
    tpu.vector_store %arg5[%swap3A_22, %swap3A_23], %select_n3A {strides = array<i32>} : memref<10240x16xf32, #tpu.memory_space<vmem>>, vector<10240x16xf32>,
    %dot_general3A_25 = arith.constant dense<0.000000e+00> : vector<10240x16xf32>
    %dot_general3A_26 = tpu.matmul %dot_general3A_5, %get3A_13, %dot_general3A_25 {dimension_numbers = #tpu.dot_dimension_numbers<[1], [0], [0], [1], [0, 0, 1, 1], [], []>, precision = #tpu.contract_precision<fp32>, transpose_lhs_hint = false} : vector<10240x128xf32>, vector<128x16xf32>, vector<10240x16xf32> -> vector<10240x16xf32>
    %jit3A_27 = arith.constant -1.000000e+30 : f32
    %broadcast_in_dim3A_28 = vector.broadcast %jit3A_27 : f32 to vector<10240x16xf32>
    %select_n3A_29 = arith.select %and3A, %dot_general3A_26, %broadcast_in_dim3A_28 : vector<10240x16xi1>, vector<10240x16xf32>
    %swap3A_30 = arith.constant 0 : index
    %swap3A_31 = arith.constant 0 : index
    %swap3A_32 = vector.load %arg6[%swap3A_30, %swap3A_31] : memref<10240x16xf32, #tpu.memory_space<vmem>>, vector<10240x16xf32>
    tpu.vector_store %arg6[%swap3A_30, %swap3A_31], %select_n3A_29 {strides = array<i32>} : memref<10240x16xf32, #tpu.memory_space<vmem>>, vector<10240x16xf32>,
    return
  }
}

module attributes {stable_mosaic.version = 14 : i64} {
  func.func @_combine_body(%arg0: memref<2x10240x128xf32, #tpu.memory_space<vmem>>, %arg1: memref<2x10240x16xf32, #tpu.memory_space<vmem>>, %arg2: memref<1x128xf32, #tpu.memory_space<vmem>>, %arg3: memref<16x128xf32, #tpu.memory_space<vmem>>, %arg4: memref<128x128xf32, #tpu.memory_space<vmem>>, %arg5: memref<128x16xf32, #tpu.memory_space<vmem>>, %arg6: memref<128x16xf32, #tpu.memory_space<vmem>>, %arg7: memref<10240x128xf32, #tpu.memory_space<vmem>>, %arg8: memref<10240x16xf32, #tpu.memory_space<vmem>>, %arg9: memref<10240x16xf32, #tpu.memory_space<vmem>>) attributes {dimension_semantics = [], scalar_prefetch = 0 : i64, scratch_operands = 0 : i64, tpu.core_type = #tpu.core_type<tc>} {
    %get3A = arith.constant 0 : index
    %get3A_0 = arith.constant 0 : index
    %get3A_1 = arith.constant 0 : index
    %get3A_2 = vector.load %arg0[%get3A, %get3A_0, %get3A_1] : memref<2x10240x128xf32, #tpu.memory_space<vmem>>, vector<1x10240x128xf32>
    %get3A_3 = vector.shape_cast %get3A_2 : vector<1x10240x128xf32> to vector<10240x128xf32>
    %get3A_4 = arith.constant 1 : index
    %get3A_5 = arith.constant 0 : index
    %get3A_6 = arith.constant 0 : index
    %get3A_7 = vector.load %arg0[%get3A_4, %get3A_5, %get3A_6] : memref<2x10240x128xf32, #tpu.memory_space<vmem>>, vector<1x10240x128xf32>
    %get3A_8 = vector.shape_cast %get3A_7 : vector<1x10240x128xf32> to vector<10240x128xf32>
    %add3A = arith.addf %get3A_3, %get3A_8 : vector<10240x128xf32>
    %get3A_9 = arith.constant 0 : index
    %get3A_10 = arith.constant 0 : index
    %get3A_11 = arith.constant 0 : index
    %get3A_12 = vector.load %arg1[%get3A_9, %get3A_10, %get3A_11] : memref<2x10240x16xf32, #tpu.memory_space<vmem>>, vector<1x10240x16xf32>
    %get3A_13 = vector.shape_cast %get3A_12 : vector<1x10240x16xf32> to vector<10240x16xf32>
    %get3A_14 = arith.constant 1 : index
    %get3A_15 = arith.constant 0 : index
    %get3A_16 = arith.constant 0 : index
    %get3A_17 = vector.load %arg1[%get3A_14, %get3A_15, %get3A_16] : memref<2x10240x16xf32, #tpu.memory_space<vmem>>, vector<1x10240x16xf32>
    %get3A_18 = vector.shape_cast %get3A_17 : vector<1x10240x16xf32> to vector<10240x16xf32>
    %add3A_19 = arith.addf %get3A_13, %get3A_18 : vector<10240x16xf32>
    %get3A_20 = arith.constant 0 : index
    %get3A_21 = arith.constant 0 : index
    %get3A_22 = vector.load %arg3[%get3A_20, %get3A_21] : memref<16x128xf32, #tpu.memory_space<vmem>>, vector<16x128xf32>
    %dot_general3A = arith.constant dense<0.000000e+00> : vector<10240x128xf32>
    %dot_general3A_23 = tpu.matmul %add3A_19, %get3A_22, %dot_general3A {dimension_numbers = #tpu.dot_dimension_numbers<[1], [0], [0], [1], [0, 0, 1, 1], [], []>, precision = #tpu.contract_precision<fp32>, transpose_lhs_hint = false} : vector<10240x16xf32>, vector<16x128xf32>, vector<10240x128xf32> -> vector<10240x128xf32>
    %add3A_24 = arith.constant 1.000000e-16 : f32
    %add3A_25 = vector.broadcast %add3A_24 : f32 to vector<10240x128xf32>
    %add3A_26 = arith.addf %dot_general3A_23, %add3A_25 : vector<10240x128xf32>
    %div3A = arith.divf %add3A, %add3A_26 : vector<10240x128xf32>
    %get3A_27 = arith.constant 0 : index
    %get3A_28 = arith.constant 0 : index
    %get3A_29 = vector.load %arg2[%get3A_27, %get3A_28] : memref<1x128xf32, #tpu.memory_space<vmem>>, vector<1x128xf32>
    %add3A_30 = vector.broadcast %get3A_29 : vector<1x128xf32> to vector<10240x128xf32>
    %add3A_31 = arith.addf %div3A, %add3A_30 : vector<10240x128xf32>
    %max3A = arith.constant 0.000000e+00 : f32
    %max3A_32 = vector.broadcast %max3A : f32 to vector<10240x128xf32>
    %max3A_33 = arith.maximumf %add3A_31, %max3A_32 : vector<10240x128xf32>
    %iota3A = tpu.iota {dimensions = array<i32: 0>} : vector<10240x128xi32>
    %lt3A = arith.constant 10000 : i32
    %lt3A_34 = vector.broadcast %lt3A : i32 to vector<10240x128xi32>
    %lt3A_35 = arith.cmpi slt, %iota3A, %lt3A_34 : vector<10240x128xi32>
    %jit3A = arith.constant 0.000000e+00 : f32
    %broadcast_in_dim3A = vector.broadcast %jit3A : f32 to vector<10240x128xf32>
    %select_n3A = arith.select %lt3A_35, %max3A_33, %broadcast_in_dim3A : vector<10240x128xi1>, vector<10240x128xf32>
    %get3A_36 = arith.constant 0 : index
    %get3A_37 = arith.constant 0 : index
    %get3A_38 = vector.load %arg4[%get3A_36, %get3A_37] : memref<128x128xf32, #tpu.memory_space<vmem>>, vector<128x128xf32>
    %dot_general3A_39 = arith.constant dense<0.000000e+00> : vector<10240x128xf32>
    %dot_general3A_40 = tpu.matmul %select_n3A, %get3A_38, %dot_general3A_39 {dimension_numbers = #tpu.dot_dimension_numbers<[1], [0], [0], [1], [0, 0, 1, 1], [], []>, precision = #tpu.contract_precision<fp32>, transpose_lhs_hint = false} : vector<10240x128xf32>, vector<128x128xf32>, vector<10240x128xf32> -> vector<10240x128xf32>
    %swap3A = arith.constant 0 : index
    %swap3A_41 = arith.constant 0 : index
    %swap3A_42 = vector.load %arg7[%swap3A, %swap3A_41] : memref<10240x128xf32, #tpu.memory_space<vmem>>, vector<10240x128xf32>
    tpu.vector_store %arg7[%swap3A, %swap3A_41], %dot_general3A_40 {strides = array<i32>} : memref<10240x128xf32, #tpu.memory_space<vmem>>, vector<10240x128xf32>,
    %get3A_43 = arith.constant 0 : index
    %get3A_44 = arith.constant 0 : index
    %get3A_45 = vector.load %arg5[%get3A_43, %get3A_44] : memref<128x16xf32, #tpu.memory_space<vmem>>, vector<128x16xf32>
    %get3A_46 = arith.constant 0 : index
    %get3A_47 = arith.constant 0 : index
    %get3A_48 = vector.load %arg6[%get3A_46, %get3A_47] : memref<128x16xf32, #tpu.memory_space<vmem>>, vector<128x16xf32>
    %iota3A_49 = tpu.iota {dimensions = array<i32: 0>} : vector<10240x16xi32>
    %iota3A_50 = tpu.iota {dimensions = array<i32: 1>} : vector<10240x16xi32>
    %lt3A_51 = arith.constant 10000 : i32
    %lt3A_52 = vector.broadcast %lt3A_51 : i32 to vector<10240x16xi32>
    %lt3A_53 = arith.cmpi slt, %iota3A_49, %lt3A_52 : vector<10240x16xi32>
    %lt3A_54 = arith.constant 4 : i32
    %lt3A_55 = vector.broadcast %lt3A_54 : i32 to vector<10240x16xi32>
    %lt3A_56 = arith.cmpi slt, %iota3A_50, %lt3A_55 : vector<10240x16xi32>
    %and3A = arith.andi %lt3A_53, %lt3A_56 : vector<10240x16xi1>
    %dot_general3A_57 = arith.constant dense<0.000000e+00> : vector<10240x16xf32>
    %dot_general3A_58 = tpu.matmul %dot_general3A_40, %get3A_45, %dot_general3A_57 {dimension_numbers = #tpu.dot_dimension_numbers<[1], [0], [0], [1], [0, 0, 1, 1], [], []>, precision = #tpu.contract_precision<fp32>, transpose_lhs_hint = false} : vector<10240x128xf32>, vector<128x16xf32>, vector<10240x16xf32> -> vector<10240x16xf32>
    %jit3A_59 = arith.constant -1.000000e+30 : f32
    %broadcast_in_dim3A_60 = vector.broadcast %jit3A_59 : f32 to vector<10240x16xf32>
    %select_n3A_61 = arith.select %and3A, %dot_general3A_58, %broadcast_in_dim3A_60 : vector<10240x16xi1>, vector<10240x16xf32>
    %swap3A_62 = arith.constant 0 : index
    %swap3A_63 = arith.constant 0 : index
    %swap3A_64 = vector.load %arg8[%swap3A_62, %swap3A_63] : memref<10240x16xf32, #tpu.memory_space<vmem>>, vector<10240x16xf32>
    tpu.vector_store %arg8[%swap3A_62, %swap3A_63], %select_n3A_61 {strides = array<i32>} : memref<10240x16xf32, #tpu.memory_space<vmem>>, vector<10240x16xf32>,
    %dot_general3A_65 = arith.constant dense<0.000000e+00> : vector<10240x16xf32>
    %dot_general3A_66 = tpu.matmul %dot_general3A_40, %get3A_48, %dot_general3A_65 {dimension_numbers = #tpu.dot_dimension_numbers<[1], [0], [0], [1], [0, 0, 1, 1], [], []>, precision = #tpu.contract_precision<fp32>, transpose_lhs_hint = false} : vector<10240x128xf32>, vector<128x16xf32>, vector<10240x16xf32> -> vector<10240x16xf32>
    %jit3A_67 = arith.constant -1.000000e+30 : f32
    %broadcast_in_dim3A_68 = vector.broadcast %jit3A_67 : f32 to vector<10240x16xf32>
    %select_n3A_69 = arith.select %and3A, %dot_general3A_66, %broadcast_in_dim3A_68 : vector<10240x16xi1>, vector<10240x16xf32>
    %swap3A_70 = arith.constant 0 : index
    %swap3A_71 = arith.constant 0 : index
    %swap3A_72 = vector.load %arg9[%swap3A_70, %swap3A_71] : memref<10240x16xf32, #tpu.memory_space<vmem>>, vector<10240x16xf32>
    tpu.vector_store %arg9[%swap3A_70, %swap3A_71], %select_n3A_69 {strides = array<i32>} : memref<10240x16xf32, #tpu.memory_space<vmem>>, vector<10240x16xf32>,
    return
  }
}

module attributes {stable_mosaic.version = 14 : i64} {
  func.func @_final_body(%arg0: memref<2x10240x128xf32, #tpu.memory_space<vmem>>, %arg1: memref<2x10240x16xf32, #tpu.memory_space<vmem>>, %arg2: memref<1x128xf32, #tpu.memory_space<vmem>>, %arg3: memref<16x128xf32, #tpu.memory_space<vmem>>, %arg4: memref<10240x1xi32, #tpu.memory_space<vmem>>, %arg5: memref<128x128xf32, #tpu.memory_space<vmem>>, %arg6: memref<1x128xf32, #tpu.memory_space<vmem>>, %arg7: memref<64x128xf32, #tpu.memory_space<vmem>>, %arg8: memref<64x128xf32, #tpu.memory_space<vmem>>) attributes {dimension_semantics = [], scalar_prefetch = 0 : i64, scratch_operands = 0 : i64, tpu.core_type = #tpu.core_type<tc>} {
    %get3A = arith.constant 0 : index
    %get3A_0 = arith.constant 0 : index
    %get3A_1 = arith.constant 0 : index
    %get3A_2 = vector.load %arg0[%get3A, %get3A_0, %get3A_1] : memref<2x10240x128xf32, #tpu.memory_space<vmem>>, vector<1x10240x128xf32>
    %get3A_3 = vector.shape_cast %get3A_2 : vector<1x10240x128xf32> to vector<10240x128xf32>
    %get3A_4 = arith.constant 1 : index
    %get3A_5 = arith.constant 0 : index
    %get3A_6 = arith.constant 0 : index
    %get3A_7 = vector.load %arg0[%get3A_4, %get3A_5, %get3A_6] : memref<2x10240x128xf32, #tpu.memory_space<vmem>>, vector<1x10240x128xf32>
    %get3A_8 = vector.shape_cast %get3A_7 : vector<1x10240x128xf32> to vector<10240x128xf32>
    %add3A = arith.addf %get3A_3, %get3A_8 : vector<10240x128xf32>
    %get3A_9 = arith.constant 0 : index
    %get3A_10 = arith.constant 0 : index
    %get3A_11 = arith.constant 0 : index
    %get3A_12 = vector.load %arg1[%get3A_9, %get3A_10, %get3A_11] : memref<2x10240x16xf32, #tpu.memory_space<vmem>>, vector<1x10240x16xf32>
    %get3A_13 = vector.shape_cast %get3A_12 : vector<1x10240x16xf32> to vector<10240x16xf32>
    %get3A_14 = arith.constant 1 : index
    %get3A_15 = arith.constant 0 : index
    %get3A_16 = arith.constant 0 : index
    %get3A_17 = vector.load %arg1[%get3A_14, %get3A_15, %get3A_16] : memref<2x10240x16xf32, #tpu.memory_space<vmem>>, vector<1x10240x16xf32>
    %get3A_18 = vector.shape_cast %get3A_17 : vector<1x10240x16xf32> to vector<10240x16xf32>
    %add3A_19 = arith.addf %get3A_13, %get3A_18 : vector<10240x16xf32>
    %get3A_20 = arith.constant 0 : index
    %get3A_21 = arith.constant 0 : index
    %get3A_22 = vector.load %arg3[%get3A_20, %get3A_21] : memref<16x128xf32, #tpu.memory_space<vmem>>, vector<16x128xf32>
    %dot_general3A = arith.constant dense<0.000000e+00> : vector<10240x128xf32>
    %dot_general3A_23 = tpu.matmul %add3A_19, %get3A_22, %dot_general3A {dimension_numbers = #tpu.dot_dimension_numbers<[1], [0], [0], [1], [0, 0, 1, 1], [], []>, precision = #tpu.contract_precision<fp32>, transpose_lhs_hint = false} : vector<10240x16xf32>, vector<16x128xf32>, vector<10240x128xf32> -> vector<10240x128xf32>
    %add3A_24 = arith.constant 1.000000e-16 : f32
    %add3A_25 = vector.broadcast %add3A_24 : f32 to vector<10240x128xf32>
    %add3A_26 = arith.addf %dot_general3A_23, %add3A_25 : vector<10240x128xf32>
    %div3A = arith.divf %add3A, %add3A_26 : vector<10240x128xf32>
    %get3A_27 = arith.constant 0 : index
    %get3A_28 = arith.constant 0 : index
    %get3A_29 = vector.load %arg2[%get3A_27, %get3A_28] : memref<1x128xf32, #tpu.memory_space<vmem>>, vector<1x128xf32>
    %add3A_30 = vector.broadcast %get3A_29 : vector<1x128xf32> to vector<10240x128xf32>
    %add3A_31 = arith.addf %div3A, %add3A_30 : vector<10240x128xf32>
    %max3A = arith.constant 0.000000e+00 : f32
    %max3A_32 = vector.broadcast %max3A : f32 to vector<10240x128xf32>
    %max3A_33 = arith.maximumf %add3A_31, %max3A_32 : vector<10240x128xf32>
    %iota3A = tpu.iota {dimensions = array<i32: 0>} : vector<10240x128xi32>
    %lt3A = arith.constant 10000 : i32
    %lt3A_34 = vector.broadcast %lt3A : i32 to vector<10240x128xi32>
    %lt3A_35 = arith.cmpi slt, %iota3A, %lt3A_34 : vector<10240x128xi32>
    %jit3A = arith.constant 0.000000e+00 : f32
    %broadcast_in_dim3A = vector.broadcast %jit3A : f32 to vector<10240x128xf32>
    %select_n3A = arith.select %lt3A_35, %max3A_33, %broadcast_in_dim3A : vector<10240x128xi1>, vector<10240x128xf32>
    %iota3A_36 = tpu.iota {dimensions = array<i32: 1>} : vector<10240x64xi32>
    %get3A_37 = arith.constant 0 : index
    %get3A_38 = arith.constant 0 : index
    %get3A_39 = vector.load %arg4[%get3A_37, %get3A_38] : memref<10240x1xi32, #tpu.memory_space<vmem>>, vector<10240x1xi32>
    %eq3A = vector.broadcast %get3A_39 : vector<10240x1xi32> to vector<10240x64xi32>
    %eq3A_40 = arith.cmpi eq, %eq3A, %iota3A_36 : vector<10240x64xi32>
    %convert_element_type3A = arith.extui %eq3A_40 : vector<10240x64xi1> to vector<10240x64xi32>
    %convert_element_type3A_41 = arith.sitofp %convert_element_type3A : vector<10240x64xi32> to vector<10240x64xf32>
    %dot_general3A_42 = arith.constant dense<0.000000e+00> : vector<64x128xf32>
    %dot_general3A_43 = tpu.matmul %convert_element_type3A_41, %select_n3A, %dot_general3A_42 {dimension_numbers = #tpu.dot_dimension_numbers<[0], [0], [1], [1], [0, 1, 1, 1], [], []>, precision = #tpu.contract_precision<fp32>, transpose_lhs_hint = false} : vector<10240x64xf32>, vector<10240x128xf32>, vector<64x128xf32> -> vector<64x128xf32>
    %broadcast_in_dim3A_44 = arith.constant 1.000000e+00 : f32
    %broadcast_in_dim3A_45 = vector.broadcast %broadcast_in_dim3A_44 : f32 to vector<10240x128xf32>
    %dot_general3A_46 = arith.constant dense<0.000000e+00> : vector<64x128xf32>
    %dot_general3A_47 = tpu.matmul %convert_element_type3A_41, %broadcast_in_dim3A_45, %dot_general3A_46 {dimension_numbers = #tpu.dot_dimension_numbers<[0], [0], [1], [1], [0, 1, 1, 1], [], []>, precision = #tpu.contract_precision<fp32>, transpose_lhs_hint = false} : vector<10240x64xf32>, vector<10240x128xf32>, vector<64x128xf32> -> vector<64x128xf32>
    %jit3A_48 = arith.constant 1.000000e+00 : f32
    %max3A_49 = vector.broadcast %jit3A_48 : f32 to vector<64x128xf32>
    %max3A_50 = arith.maximumf %max3A_49, %dot_general3A_47 : vector<64x128xf32>
    %div3A_51 = arith.divf %dot_general3A_43, %max3A_50 : vector<64x128xf32>
    %swap3A = arith.constant 0 : index
    %swap3A_52 = arith.constant 0 : index
    %swap3A_53 = vector.load %arg8[%swap3A, %swap3A_52] : memref<64x128xf32, #tpu.memory_space<vmem>>, vector<64x128xf32>
    tpu.vector_store %arg8[%swap3A, %swap3A_52], %div3A_51 {strides = array<i32>} : memref<64x128xf32, #tpu.memory_space<vmem>>, vector<64x128xf32>,
    %get3A_54 = arith.constant 0 : index
    %get3A_55 = arith.constant 0 : index
    %get3A_56 = vector.load %arg5[%get3A_54, %get3A_55] : memref<128x128xf32, #tpu.memory_space<vmem>>, vector<128x128xf32>
    %dot_general3A_57 = arith.constant dense<0.000000e+00> : vector<64x128xf32>
    %dot_general3A_58 = tpu.matmul %div3A_51, %get3A_56, %dot_general3A_57 {dimension_numbers = #tpu.dot_dimension_numbers<[1], [0], [0], [1], [0, 0, 1, 1], [], []>, precision = #tpu.contract_precision<fp32>, transpose_lhs_hint = false} : vector<64x128xf32>, vector<128x128xf32>, vector<64x128xf32> -> vector<64x128xf32>
    %get3A_59 = arith.constant 0 : index
    %get3A_60 = arith.constant 0 : index
    %get3A_61 = vector.load %arg6[%get3A_59, %get3A_60] : memref<1x128xf32, #tpu.memory_space<vmem>>, vector<1x128xf32>
    %add3A_62 = vector.broadcast %get3A_61 : vector<1x128xf32> to vector<64x128xf32>
    %add3A_63 = arith.addf %dot_general3A_58, %add3A_62 : vector<64x128xf32>
    %swap3A_64 = arith.constant 0 : index
    %swap3A_65 = arith.constant 0 : index
    %swap3A_66 = vector.load %arg7[%swap3A_64, %swap3A_65] : memref<64x128xf32, #tpu.memory_space<vmem>>, vector<64x128xf32>
    tpu.vector_store %arg7[%swap3A_64, %swap3A_65], %add3A_63 {strides = array<i32>} : memref<64x128xf32, #tpu.memory_space<vmem>>, vector<64x128xf32>,
    return
  }
}

</mosaic_0001>

<sc_bundles>
// kernel: kernel.10.cloned.1.call-start
scs
__scs_entry_jumppad:
0x0: {  	(pc) =	sbr.rel $0x88, $3  }
0x1: {  	(tag) =	ssettag $0x0;
	lr =	simm.s32 $0x1  }
0x2: {  	[smem:$0x3F94] =	sst lr;
	_ =	strace $0xD0000000  }
0x3: {  	_ = 	snop  }
0x4: {  	_ = 	snop  }
0x5: {  	_ = 	snop  }
0x6: {  	_ = 	snop  }
0x7: {  	_ = 	snop  }
__scs_overlays_trampoline_lowered:
0x8: {  	[smem:$0x3FA3] =	sst s0  }
0x9: {  	[smem:$0x3FA4] =	sst s1  }
0xa: {  	[smem:$0x3FA5] =	sst s2  }
0xb: {  	[smem:$0x3FA6] =	sst s3  }
0xc: {  	[smem:$0x3FA7] =	sst s4  }
0xd: {  	[smem:$0x3FA8] =	sst s5  }
0xe: {  	[smem:$0x3FA9] =	sst s6  }
0xf: {  	[smem:$0x3FAA] =	sst s7  }
0x10: {  	[smem:$0x3FAB] =	sst s8  }
0x11: {  	[smem:$0x3FAC] =	sst s9;
	s0 =	simm.s32 @!p0 $0x0  }
0x12: {  	s1 =	sld [smem:$0x3F92];
	s0 =	simm.s32 @p0 $0x1  }
0x13: {  	[smem:$0x3FAD] =	sst s0;
	s0 =	simm.s32 @!p1 $0x0  }
0x14: {  	s2 =	sld [smem:$0x3F91];
	s0 =	simm.s32 @p1 $0x1  }
0x15: {  	[smem:$0x3FAE] =	sst s0;
	s0 =	simm.s32 @!p2 $0x0  }
0x16: {  	s3 =	sld [smem:$0x3FDB];
	s0 =	simm.s32 @p2 $0x1  }
0x17: {  	s4 =	simm.s32 $0x1BF5;
	[smem:$0x3FB0] =	sst s0  }
0x18: {  	s0 =	sld [smem:$0x3F93];
	_ =	swait.ge [sflag:s4], $0x0  }
0x19: {  	s7 =	sld [smem:$0x3F94]  }
0x1a: {  	s8 =	sadd.s32 $0xFFFFE003, lr  }
0x1b: {  	s9 =	sadd.s32 $0xFFFFFEF7, lr;
	s5 =	simm.s32 $0xFFFFFFFF;
	p2 =	slt.u32 s8, $0xFFFFF086  }
0x1c: {  	p1 =	slt.u32 s9, $0xF7A;
	s5 =	simm.s32 @!p2 $0x0  }
0x1d: {  	s5 =	simm.s32 @p1 $0x1;
	p0 =	seq.s32 s7, s2  }
0x1e: {  	s7 =	smul.u32 @!p0 $0xF7A, s2;
	p2 =	seq.s32 @!p0 s5, $0x0  }
0x1f: {  	s9 =	smul.u32 $0xF7A, s1;
	s8 =	simm.s32 @!p0 $0x1BF5;
	p2 =	por !p2, p0  }
0x20: {  	[sflag:s8] =	ssyncset.s32 @!p0 $0xFFFFF086;
	s6 =	sadd.s32 @!p0 s3, s7;
	s7 =	simm.s32 @!p0 $0x108  }
0x21: {  	s3 =	sadd.s32 s3, s9;
	s6 =	sadd.s32 @!p0 $0x88, s6;
	s7 =	simm.s32 @p2 $0x1082  }
0x22: {  	[simem:s7], [sflag:s8] =	dma.local @!p0 [hbm:s6], $0xF7A  }
0x23: {  	s9 =	sor.u32 $0xD0000000, s2;
	s6 =	simm.s32 $0x108;
	_ =	swait.ge @!p0 [sflag:s8], $0x0  }
0x24: {  	s3 =	sadd.s32 $0x88, s3;
	s6 =	simm.s32 @!p1 $0x1082;
	[sflag:s4] =	ssyncset.s32 $0xFFFFF086  }
0x25: {  	[simem:s6], [sflag:s4] =	dma.local [hbm:s3], $0xF7A  }
0x26: {  	[smem:$0x3F94] =	sst s1;
	(tag) =	ssettag s2;
	_ =	strace s9  }
0x27: {  	s1 =	sld [smem:$0x3FA4]  }
0x28: {  	s2 =	sld [smem:$0x3FA5]  }
0x29: {  	s4 =	sld [smem:$0x3FA7]  }
0x2a: {  	p0 =	seq.s32 s5, $0x0;
	s5 =	sld [smem:$0x3FA8]  }
0x2b: {  	s6 =	sld [smem:$0x3FA9]  }
0x2c: {  	s7 =	sld [smem:$0x3FAA]  }
0x2d: {  	s3 =	simm.s32 $0x108;
	s8 =	sld [smem:$0x3FAB]  }
0x2e: {  	s3 =	simm.s32 @!p0 $0x1082;
	s9 =	sld [smem:$0x3FAC]  }
0x2f: {  	lr =	sadd.s32 s0, s3;
	s0 =	sld [smem:$0x3FA3]  }
0x30: {  	s3 =	sld [smem:$0x3FA6]  }
0x31: {  	[smem:$0x3FAF] =	sst s10  }
0x32: {  	s10 =	sld [smem:$0x3FAD];
	_ =	sdelay $0x3  }
0x33: {  	p0 =	seq.s32 s10, $0x1;
	s10 =	sld [smem:$0x3FAF];
	_ =	sdelay $0x3  }
0x34: {  	[smem:$0x3FAF] =	sst s10  }
0x35: {  	s10 =	sld [smem:$0x3FAE];
	_ =	sdelay $0x3  }
0x36: {  	p1 =	seq.s32 s10, $0x1;
	s10 =	sld [smem:$0x3FAF];
	_ =	sdelay $0x3  }
0x37: {  	[smem:$0x3FAF] =	sst s10  }
0x38: {  	s10 =	sld [smem:$0x3FB0]  }
0x39: {  	_ = 	snop;
	(pc) =	sbr.ind lr, $3  }
0x3a: {  	_ = 	snop  }
0x3b: {  	_ = 	snop  }
0x3c: {  	p2 =	seq.s32 s10, $0x1;
	s10 =	sld [smem:$0x3FAF]  }
0x3d: {  	_ =	shalt  }
0x3e: {  	_ =	shalt  }
0x3f: {  	_ =	shalt  }
0x40: {  	_ =	shalt  }
0x41: {  	_ =	shalt  }
0x42: {  	_ =	shalt  }
0x43: {  	_ =	shalt  }
0x44: {  	_ =	shalt  }
0x45: {  	_ =	shalt  }
0x46: {  	_ =	shalt  }
0x47: {  	_ =	shalt  }
0x48: {  	_ =	shalt  }
0x49: {  	_ =	shalt  }
0x4a: {  	_ =	shalt  }
0x4b: {  	_ =	shalt  }
0x4c: {  	_ =	shalt  }
0x4d: {  	_ =	shalt  }
0x4e: {  	_ =	shalt  }
0x4f: {  	_ =	shalt  }
0x50: {  	_ =	shalt  }
0x51: {  	_ =	shalt  }
0x52: {  	_ =	shalt  }
0x53: {  	_ =	shalt  }
0x54: {  	_ =	shalt  }
0x55: {  	_ =	shalt  }
0x56: {  	_ =	shalt  }
0x57: {  	_ =	shalt  }
0x58: {  	_ =	shalt  }
0x59: {  	_ =	shalt  }
0x5a: {  	_ =	shalt  }
0x5b: {  	_ =	shalt  }
0x5c: {  	_ =	shalt  }
0x5d: {  	_ =	shalt  }
0x5e: {  	_ =	shalt  }
0x5f: {  	_ =	shalt  }
0x60: {  	_ =	shalt  }
0x61: {  	_ =	shalt  }
0x62: {  	_ =	shalt  }
0x63: {  	_ =	shalt  }
0x64: {  	_ =	shalt  }
0x65: {  	_ =	shalt  }
0x66: {  	_ =	shalt  }
0x67: {  	_ =	shalt  }
0x68: {  	_ =	shalt  }
0x69: {  	_ =	shalt  }
0x6a: {  	_ =	shalt  }
0x6b: {  	_ =	shalt  }
0x6c: {  	_ =	shalt  }
0x6d: {  	_ =	shalt  }
0x6e: {  	_ =	shalt  }
0x6f: {  	_ =	shalt  }
0x70: {  	_ =	shalt  }
0x71: {  	_ =	shalt  }
0x72: {  	_ =	shalt  }
0x73: {  	_ =	shalt  }
0x74: {  	_ =	shalt  }
0x75: {  	_ =	shalt  }
0x76: {  	_ =	shalt  }
0x77: {  	_ =	shalt  }
0x78: {  	_ =	shalt  }
0x79: {  	_ =	shalt  }
0x7a: {  	_ =	shalt  }
0x7b: {  	_ =	shalt  }
0x7c: {  	_ =	shalt  }
0x7d: {  	_ =	shalt  }
0x7e: {  	_ =	shalt  }
0x7f: {  	_ =	shalt  }
0x80: {  	_ =	shalt  }
0x81: {  	_ =	shalt  }
0x82: {  	_ =	shalt  }
0x83: {  	_ =	shalt  }
0x84: {  	_ =	shalt  }
0x85: {  	_ =	shalt  }
0x86: {  	_ =	shalt  }
0x87: {  	_ =	shalt  }
.Lfunc_end0:
.L_simem_size_0:
called_computation.1_lowered:
.L_overlay_start_0:
0x88: {  	s2 =	sld [smem:$0x3FD9]  }
0x89: {  	s3 =	sld [smem:$0x3FFE];
	_ =	sdelay $0x1  }
0x8a: {  	s1 =	srdreg.scid  }
0x8b: {  	s0 =	sand.u32 $0x1, s1  }
0x8c: {  	s16 =	sshll.u32 s0, $0xA;
	s2 =	sadd.s32 s3, s2  }
0x8d: {  	s2 =	sadd.s32 s2, s16  }
0x8e: {  	[smem:$0x3FBB] =	sst s2  }
0x8f: {  	_ = 	snop  }
0x90: {  	(tm) =	ssettm $0x1  }
0x91: {  	s17 =	sld [smem:$0x3FFB];
	_ =	sdelay $0x3  }
0x92: {  	_ =	strace s17  }
0x93: {  	s2 =	sld [smem:$0x3FFC];
	_ =	sdelay $0x3  }
0x94: {  	_ =	strace s2  }
0x95: {  	s2 =	sld [smem:$0x3FFD];
	_ =	sdelay $0x3  }
0x96: {  	_ =	strace s2  }
0x97: {  	_ =	strace $0x8FFFFFFF  }
0x98: {  	s18 =	sld [smem:$0x3FDB];
	_ =	sdelay $0x1  }
0x99: {  	s19 =	simm.s32 $_scs_section_size  }
0x9a: {  	s4 =	simm.s32 $_size__tile_overlayer_lowered;
	s5 =	simm.s32 $_tile_overlayer_lowered  }
0x9b: {  	s22 =	simm.s32 $0x1BFF;
	s21 =	sshll.u32 s5, $0x1;
	s2 =	sadd.s32 s19, s18  }
0x9c: {  	s6 =	simm.s32 $0x0;
	s20 =	sshll.u32 s4, $0x1;
	s4 =	sadd.s32 s21, s2  }
0x9d: {  	[timem:s6], [sflag:s22] =	dma.local [hbm:s4], s20  }
0x9e: {  	_ =	swait.ge [sflag:s22], s20  }
0x9f: {  	s3 =	ssub.s32 $0x0, s20;
	[sflag:s22] =	ssyncset.done $0x0  }
0xa0: {  	[sflag:s22] =	ssyncadd.s32 s3;
	_ =	sdelay $0x1  }
0xa1: {  	s23 =	simm.s32 $0x1B8B  }
0xa2: {  	_ =	swait.ge [sflag:s23], $0x1  }
0xa3: {  	[sflag:s23] =	ssyncset.done $0x0  }
0xa4: {  	s25 =	simm.s32 $0x1B8E;
	s24 =	sld [smem:$0x3FFE];
	[sflag:s23] =	ssyncadd.s32 $0xFFFFFFFF  }
0xa5: {  	s26 =	simm.s32 $execute0_lowered;
	[smem:$0x3FD2] =	sst s25  }
0xa6: {  	s4 =	sshll.u32 s26, $0x1;
	_ =	strace $0x80000049;
	[dreg:$0x1] =	wrdreg $0xFFFFFFFF  }
0xa7: {  	s28 =	simm.s32 $_size_execute0_lowered;
	s2 =	sadd.s32 s2, s4;
	[dreg:$0x0] =	wrdreg $0x0  }
0xa8: {  	s4 =	sshll.u32 s28, $0x1;
	[dreg:$0x2] =	wrdreg s2  }
0xa9: {  	[dreg:$0x3] =	wrdreg s4  }
0xaa: {  	[dreg:$0x4] =	wrdreg $0xC0  }
0xab: {  	_ =	task [dreg:s6], $0x5FFFF  }
0xac: {  	[dreg:$0x1] =	wrdreg $0xFFFFFFFF  }
0xad: {  	[dreg:$0x0] =	wrdreg $0x60  }
0xae: {  	[dreg:$0x2] =	wrdreg s24  }
0xaf: {  	[dreg:$0x3] =	wrdreg $0x59000  }
0xb0: {  	[dreg:$0x4] =	wrdreg $0x199000  }
0xb1: {  	[dreg:$0x5] =	wrdreg $0x9  }
0xb2: {  	_ =	task.clear_ibuf [dreg:s6], $0x6FFFF;
	_ =	strace $0x90000049  }
0xb3: {  	s29 =	simm.s32 $0x9;
	_ =	strace $0x8000004B  }
0xb4: {  	_ =	swait.ge [sflag:s29], $0x1  }
0xb5: {  	[sflag:s29] =	ssyncadd.s32 $0xFFFFFFFF  }
0xb6: {  	_ =	strace $0x9000004B  }
0xb7: {  	_ =	sfence  }
0xb8: {  	s30 =	sld [smem:$0x0];
	_ =	sdelay $0x2  }
0xb9: {  	s31 =	sshll.u32 s1, $0xD;
	s1 =	sshrl.u32 s1, $0x2  }
0xba: {  	s3 =	sand.u32 $0x4000, s31;
	s1 =	sadd.s32 s1, s30  }
0xbb: {  	s0 =	sor.u32 s3, s0;
	s1 =	sshll.u32 s1, $0x11  }
0xbc: {  	s0 =	sor.u32 s1, s0  }
0xbd: {  	s0 =	sadd.s32 $0x8F2B, s0  }
0xbe: {  	[sflag:s0] =	ssyncadd.remote.s32 $0x1  }
0xbf: {  	_ =	sfence.sel $0xFFFF  }
0xc0: {  	[dreg:$0x0] =	wrdreg $0xFFFFFFFF;
	(pc) =	sbr.abs _section_cstart, $3  }
0xc1: {  	[dreg:$0x1] =	wrdreg $0xFFFFFFFF  }
0xc2: {  	_ =	task.clear_ibuf [dreg:s6], $0x2FFFF;
	_ =	strace $0x9FFFFFFF  }
0xc3: {  	(tm) =	ssettm $0x7FFFFFFF  }
tec
execute0_lowered:
.L_overlay_start_1:
0x0: {  	(tag) =	ssettag $0x1  }
0x1: {  	s11 =	rddreg [dreg:$0x0]  }
0x2: {  	s1 =	rddreg [dreg:$0x1]  }
0x3: {  	s2 =	rddreg [dreg:$0x2]  }
0x4: {  	s0 =	rddreg [dreg:$0x3];
	s4 =	srdreg.scid  }
0x5: {  	s3 =	simm.s32 $0x0;
	s17 =	simm.s32 $0x80;
	s12 =	sand.u32 $0x1, s4  }
0x6: {  	s18 =	simm.s32 $0x100;
	[smem:$0x7FF] =	sst s3;
	s13 =	smul.u32 $0x28000, s12  }
0x7: {  	s19 =	simm.s32 $0x900;
	s4 =	stileid.u32;
	s14 =	smul.u32 $0x5000, s12  }
0x8: {  	s5 =	sadd.s32 $0x14C00, s11;
	s6 =	sadd.s32 $0xAA00, s11;
	s15 =	smul.u32 $0x14000, s4  }
0x9: {  	s7 =	sadd.s32 $0x5A00, s11;
	s9 =	sadd.s32 $0x11A200, s11;
	s16 =	smul.u32 $0x2800, s4  }
0xa: {  	_ =	strace $0x8000004A;
	s8 =	sshll.u32 s4, $0x1;
	s28 =	smul.u32 $0xA000, s4  }
0xb: {  	s29 =	smul.u32 $0x50000, s4;
	s10 =	sor.u32 s12, s8;
	s8 =	sadd.s32 $0xA00, s11  }
0xc: {  	s12 =	ssub.s32 $0x2, s12;
	s10 =	smul.u32 $0x51, s10;
	s13 =	sadd.s32 s13, s11  }
0xd: {  	s11 =	sadd.s32 s14, s11;
	s26 =	sshrl.u32 s12, $0x1;
	s21 =	sshrl.u32 s15, $0x3  }
0xe: {  	s22 =	sadd.s32 s15, s1;
	s24 =	sshrl.u32 s16, $0x3;
	s25 =	sadd.s32 s16, s2  }
0xf: {  	s30 =	sshrl.u32 s28, $0x2;
	s31 =	sshrl.u32 s29, $0x2;
	s14 =	simm.s32 $0x1900  }
0x10: {  	s15 =	simm.s32 $0x1;
	s16 =	simm.s32 $0x1100;
	s12 =	ssub.s32 s12, s26  }
0x11: {  	s20 =	sadd.s32 $0x28E00, s13;
	s23 =	sadd.s32 $0x1EE00, s11;
	s13 =	sadd.s32 s31, s1  }
0x12: {  	s11 =	smax.u32 s12, $0x1;
	s12 =	sadd.s32 s30, s2;
	s20 =	sadd.s32 s21, s20  }
0x13: {  	v0 =	vimm.f32 $0.0e+00;
	s21 =	sshrl.u32 s22, $0x3;
	s22 =	sadd.s32 s24, s23;
	s23 =	sshrl.u32 s25, $0x3  }
.LBB2_1:
0x14: {  	[tilespmem:$0x1100] =	vst v0  }
0x15: {  	[tilespmem:$0x1900] =	vst v0  }
0x16: {  	[tilespmem:$0x1910] =	vst v0  }
0x17: {  	[tilespmem:$0x1920] =	vst v0  }
0x18: {  	[tilespmem:$0x1930] =	vst v0  }
0x19: {  	[tilespmem:$0x1940] =	vst v0  }
0x1a: {  	[tilespmem:$0x1950] =	vst v0  }
0x1b: {  	[tilespmem:$0x1960] =	vst v0  }
0x1c: {  	[tilespmem:$0x1970] =	vst v0  }
0x1d: {  	[tilespmem:$0x1110] =	vst v0  }
0x1e: {  	[tilespmem:$0x1980] =	vst v0  }
0x1f: {  	[tilespmem:$0x1990] =	vst v0  }
0x20: {  	[tilespmem:$0x19A0] =	vst v0  }
0x21: {  	[tilespmem:$0x19B0] =	vst v0  }
0x22: {  	[tilespmem:$0x19C0] =	vst v0  }
0x23: {  	[tilespmem:$0x19D0] =	vst v0  }
0x24: {  	[tilespmem:$0x19E0] =	vst v0  }
0x25: {  	[tilespmem:$0x19F0] =	vst v0  }
0x26: {  	[tilespmem:$0x1120] =	vst v0  }
0x27: {  	[tilespmem:$0x1A00] =	vst v0  }
0x28: {  	[tilespmem:$0x1A10] =	vst v0  }
0x29: {  	[tilespmem:$0x1A20] =	vst v0  }
0x2a: {  	[tilespmem:$0x1A30] =	vst v0  }
0x2b: {  	[tilespmem:$0x1A40] =	vst v0  }
0x2c: {  	[tilespmem:$0x1A50] =	vst v0  }
0x2d: {  	[tilespmem:$0x1A60] =	vst v0  }
0x2e: {  	[tilespmem:$0x1A70] =	vst v0  }
0x2f: {  	[tilespmem:$0x1130] =	vst v0  }
0x30: {  	[tilespmem:$0x1A80] =	vst v0  }
0x31: {  	[tilespmem:$0x1A90] =	vst v0  }
0x32: {  	[tilespmem:$0x1AA0] =	vst v0  }
0x33: {  	[tilespmem:$0x1AB0] =	vst v0  }
0x34: {  	[tilespmem:$0x1AC0] =	vst v0  }
0x35: {  	[tilespmem:$0x1AD0] =	vst v0  }
0x36: {  	[tilespmem:$0x1AE0] =	vst v0  }
0x37: {  	[tilespmem:$0x1AF0] =	vst v0  }
0x38: {  	[tilespmem:$0x1140] =	vst v0  }
0x39: {  	[tilespmem:$0x1B00] =	vst v0  }
0x3a: {  	[tilespmem:$0x1B10] =	vst v0  }
0x3b: {  	[tilespmem:$0x1B20] =	vst v0  }
0x3c: {  	[tilespmem:$0x1B30] =	vst v0  }
0x3d: {  	[tilespmem:$0x1B40] =	vst v0  }
0x3e: {  	[tilespmem:$0x1B50] =	vst v0  }
0x3f: {  	[tilespmem:$0x1B60] =	vst v0  }
0x40: {  	[tilespmem:$0x1B70] =	vst v0  }
0x41: {  	[tilespmem:$0x1150] =	vst v0  }
0x42: {  	[tilespmem:$0x1B80] =	vst v0  }
0x43: {  	[tilespmem:$0x1B90] =	vst v0  }
0x44: {  	[tilespmem:$0x1BA0] =	vst v0  }
0x45: {  	[tilespmem:$0x1BB0] =	vst v0  }
0x46: {  	[tilespmem:$0x1BC0] =	vst v0  }
0x47: {  	[tilespmem:$0x1BD0] =	vst v0  }
0x48: {  	[tilespmem:$0x1BE0] =	vst v0  }
0x49: {  	[tilespmem:$0x1BF0] =	vst v0  }
0x4a: {  	[tilespmem:$0x1160] =	vst v0  }
0x4b: {  	[tilespmem:$0x1C00] =	vst v0  }
0x4c: {  	[tilespmem:$0x1C10] =	vst v0  }
0x4d: {  	[tilespmem:$0x1C20] =	vst v0  }
0x4e: {  	[tilespmem:$0x1C30] =	vst v0  }
0x4f: {  	[tilespmem:$0x1C40] =	vst v0  }
0x50: {  	[tilespmem:$0x1C50] =	vst v0  }
0x51: {  	[tilespmem:$0x1C60] =	vst v0  }
0x52: {  	[tilespmem:$0x1C70] =	vst v0  }
0x53: {  	[tilespmem:$0x1170] =	vst v0  }
0x54: {  	[tilespmem:$0x1C80] =	vst v0  }
0x55: {  	[tilespmem:$0x1C90] =	vst v0  }
0x56: {  	[tilespmem:$0x1CA0] =	vst v0  }
0x57: {  	[tilespmem:$0x1CB0] =	vst v0  }
0x58: {  	[tilespmem:$0x1CC0] =	vst v0  }
0x59: {  	[tilespmem:$0x1CD0] =	vst v0  }
0x5a: {  	[tilespmem:$0x1CE0] =	vst v0  }
0x5b: {  	[tilespmem:$0x1CF0] =	vst v0  }
0x5c: {  	[tilespmem:$0x1180] =	vst v0  }
0x5d: {  	[tilespmem:$0x1D00] =	vst v0  }
0x5e: {  	[tilespmem:$0x1D10] =	vst v0  }
0x5f: {  	[tilespmem:$0x1D20] =	vst v0  }
0x60: {  	[tilespmem:$0x1D30] =	vst v0  }
0x61: {  	[tilespmem:$0x1D40] =	vst v0  }
0x62: {  	[tilespmem:$0x1D50] =	vst v0  }
0x63: {  	[tilespmem:$0x1D60] =	vst v0  }
0x64: {  	[tilespmem:$0x1D70] =	vst v0  }
0x65: {  	[tilespmem:$0x1190] =	vst v0  }
0x66: {  	[tilespmem:$0x1D80] =	vst v0  }
0x67: {  	[tilespmem:$0x1D90] =	vst v0  }
0x68: {  	[tilespmem:$0x1DA0] =	vst v0  }
0x69: {  	[tilespmem:$0x1DB0] =	vst v0  }
0x6a: {  	[tilespmem:$0x1DC0] =	vst v0  }
0x6b: {  	[tilespmem:$0x1DD0] =	vst v0  }
0x6c: {  	[tilespmem:$0x1DE0] =	vst v0  }
0x6d: {  	[tilespmem:$0x1DF0] =	vst v0  }
0x6e: {  	[tilespmem:$0x11A0] =	vst v0  }
0x6f: {  	[tilespmem:$0x1E00] =	vst v0  }
0x70: {  	[tilespmem:$0x1E10] =	vst v0  }
0x71: {  	[tilespmem:$0x1E20] =	vst v0  }
0x72: {  	[tilespmem:$0x1E30] =	vst v0  }
0x73: {  	[tilespmem:$0x1E40] =	vst v0  }
0x74: {  	[tilespmem:$0x1E50] =	vst v0  }
0x75: {  	[tilespmem:$0x1E60] =	vst v0  }
0x76: {  	[tilespmem:$0x1E70] =	vst v0  }
0x77: {  	[tilespmem:$0x11B0] =	vst v0  }
0x78: {  	[tilespmem:$0x1E80] =	vst v0  }
0x79: {  	[tilespmem:$0x1E90] =	vst v0  }
0x7a: {  	[tilespmem:$0x1EA0] =	vst v0  }
0x7b: {  	[tilespmem:$0x1EB0] =	vst v0  }
0x7c: {  	[tilespmem:$0x1EC0] =	vst v0  }
0x7d: {  	[tilespmem:$0x1ED0] =	vst v0  }
0x7e: {  	[tilespmem:$0x1EE0] =	vst v0  }
0x7f: {  	[tilespmem:$0x1EF0] =	vst v0  }
0x80: {  	[tilespmem:$0x11C0] =	vst v0  }
0x81: {  	[tilespmem:$0x1F00] =	vst v0  }
0x82: {  	[tilespmem:$0x1F10] =	vst v0  }
0x83: {  	[tilespmem:$0x1F20] =	vst v0  }
0x84: {  	[tilespmem:$0x1F30] =	vst v0  }
0x85: {  	[tilespmem:$0x1F40] =	vst v0  }
0x86: {  	[tilespmem:$0x1F50] =	vst v0  }
0x87: {  	[tilespmem:$0x1F60] =	vst v0  }
0x88: {  	[tilespmem:$0x1F70] =	vst v0  }
0x89: {  	[tilespmem:$0x11D0] =	vst v0  }
0x8a: {  	[tilespmem:$0x1F80] =	vst v0  }
0x8b: {  	[tilespmem:$0x1F90] =	vst v0  }
0x8c: {  	[tilespmem:$0x1FA0] =	vst v0  }
0x8d: {  	[tilespmem:$0x1FB0] =	vst v0  }
0x8e: {  	[tilespmem:$0x1FC0] =	vst v0  }
0x8f: {  	[tilespmem:$0x1FD0] =	vst v0  }
0x90: {  	[tilespmem:$0x1FE0] =	vst v0  }
0x91: {  	[tilespmem:$0x1FF0] =	vst v0  }
0x92: {  	[tilespmem:$0x11E0] =	vst v0  }
0x93: {  	[tilespmem:$0x2000] =	vst v0  }
0x94: {  	[tilespmem:$0x2010] =	vst v0  }
0x95: {  	[tilespmem:$0x2020] =	vst v0  }
0x96: {  	[tilespmem:$0x2030] =	vst v0  }
0x97: {  	[tilespmem:$0x2040] =	vst v0  }
0x98: {  	[tilespmem:$0x2050] =	vst v0  }
0x99: {  	[tilespmem:$0x2060] =	vst v0  }
0x9a: {  	[tilespmem:$0x2070] =	vst v0  }
0x9b: {  	[tilespmem:$0x11F0] =	vst v0  }
0x9c: {  	[tilespmem:$0x2080] =	vst v0  }
0x9d: {  	[tilespmem:$0x2090] =	vst v0  }
0x9e: {  	[tilespmem:$0x20A0] =	vst v0  }
0x9f: {  	[tilespmem:$0x20B0] =	vst v0  }
0xa0: {  	[tilespmem:$0x20C0] =	vst v0  }
0xa1: {  	[tilespmem:$0x20D0] =	vst v0  }
0xa2: {  	[tilespmem:$0x20E0] =	vst v0  }
0xa3: {  	[tilespmem:$0x20F0] =	vst v0  }
0xa4: {  	[spmem:s13] =	stream.linear.scatter [tilespmem:s14], [sflag:$0x1], $0x800, $0x38;
	[tilespmem:$0x1C100] =	vst v63  }
0xa5: {  	_ =	swait.ge [sflag:s15], $0x800  }
0xa6: {  	[sflag:s15] =	ssyncset.done $0x0  }
0xa7: {  	s24 =	sadd.s32 $0x0, s12;
	[sflag:s15] =	ssyncadd.s32 $0xFFFFF800  }
0xa8: {  	[spmem:s24] =	stream.linear.scatter [tilespmem:s16], [sflag:$0x1], $0x100, $0x38;
	[tilespmem:$0x1C100] =	vst v63  }
0xa9: {  	_ =	swait.ge [sflag:s15], $0x100  }
0xaa: {  	s25 =	smov.u32 s13;
	s24 =	simm.s32 $0x400;
	[sflag:s15] =	ssyncset.done $0x0  }
.LBB2_2:
0xab: {  	p0 =	sne.s32 s24, $0x9C00;
	[sflag:s15] =	ssyncadd.s32 $0xFFFFFF00;
	s25 =	sadd.s32 $0x800, s25  }
0xac: {  	[spmem:s25] =	stream.linear.scatter [tilespmem:s14], [sflag:$0x1], $0x800, $0x38;
	[tilespmem:$0x1C100] =	vst v63  }
0xad: {  	s26 =	smov.u32 s24;
	s24 =	sadd.s32 $0x400, s24;
	_ =	swait.ge [sflag:s15], $0x800  }
.Ltmp0:
0xae: {  	s26 =	sshra.s32 s26, $0x2;
	[sflag:s15] =	ssyncset.done $0x0;
	(pc) =	sbr.rel @p0 .LBB2_2-.Ltmp0, $4  }
0xaf: {  	s26 =	sadd.s32 s26, s12;
	[sflag:s15] =	ssyncadd.s32 $0xFFFFF800  }
0xb0: {  	[spmem:s26] =	stream.linear.scatter [tilespmem:s16], [sflag:$0x1], $0x100, $0x38;
	[tilespmem:$0x1C100] =	vst v63  }
0xb1: {  	_ =	swait.ge [sflag:s15], $0x100  }
0xb2: {  	[sflag:s15] =	ssyncset.done $0x0  }
0xb3: {  	[sflag:s15] =	ssyncadd.s32 $0xFFFFFF00  }
0xb4: {  	s24 =	simm.s32 $0x0;
	s25 =	simm.s32 $0x0;
	[bflag:$0x0] =	sbarrier.arrive $0xFFFF  }
.LBB2_4:
0xb5: {  	s26 =	sadd.s32 s10, s25  }
0xb6: {  	s26 =	sshll.u32 s26, $0x4  }
0xb7: {  	s28 =	sadd.s32 s5, s26  }
0xb8: {  	[tilespmem:s24], [sflag:$0x1] =	stream.linear.gather [hbm4b:s28+s24], $0x80, $0x38;
	[tilespmem:$0x1C100] =	vst v63  }
0xb9: {  	_ =	swait.ge [sflag:s15], $0x80  }
0xba: {  	[sflag:s15] =	ssyncset.done $0x0  }
0xbb: {  	s26 =	sadd.s32 s6, s26;
	[sflag:s15] =	ssyncadd.s32 $0xFFFFFF80  }
0xbc: {  	[tilespmem:s17], [sflag:$0x1] =	stream.linear.gather [hbm4b:s26+s24], $0x80, $0x38;
	[tilespmem:$0x1C100] =	vst v63  }
0xbd: {  	_ =	swait.ge [sflag:s15], $0x80  }
0xbe: {  	[sflag:s15] =	ssyncset.done $0x0  }
0xbf: {  	[sflag:s15] =	ssyncadd.s32 $0xFFFFFF80  }
0xc0: {  	[tilespmem:s18], [sflag:$0x1] =	stream.indirect.gather [hbm4b:s7+s17], $0x10, s24, s17, $0xb8;
	[tilespmem:$0x1C100] =	vst v63  }
0xc1: {  	_ =	swait.ge [sflag:s15], $0x800  }
0xc2: {  	[sflag:s15] =	ssyncset.done $0x0  }
0xc3: {  	[sflag:s15] =	ssyncadd.s32 $0xFFFFF800  }
0xc4: {  	[tilespmem:s19], [sflag:$0x1] =	stream.indirect.gather [hbm4b:s8+s17], $0x10, s17, s17, $0xb8;
	[tilespmem:$0x1C100] =	vst v63  }
0xc5: {  	_ =	swait.ge [sflag:s15], $0x800  }
0xc6: {  	[sflag:s15] =	ssyncset.done $0x0  }
0xc7: {  	[sflag:s15] =	ssyncadd.s32 $0xFFFFF800  }
0xc8: {  	[tilespmem:s14], [sflag:$0x1] =	stream.indirect.gather [hbm4b:s9+s17], $0x80, s24, s17, $0xb8;
	[tilespmem:$0x1C100] =	vst v63  }
0xc9: {  	_ =	swait.ge [sflag:s15], $0x4000  }
0xca: {  	[sflag:s15] =	ssyncset.done $0x0  }
0xcb: {  	s28 =	simm.s32 $0x0;
	[sflag:s15] =	ssyncadd.s32 $0xFFFFC000  }
0xcc: {  	v1 =	vld [tilespmem:s28+$0x100]  }
0xcd: {  	v2 =	vld [tilespmem:s28+$0x900];
	_ =	sdelay $0x4  }
0xce: {  	v1 =	vadd.f32 v2, v1;
	_ =	sdelay $0x1  }
0xcf: {  	v2 =	vmul.f32 $2.000000030e-01, v1  }
0xd0: {  	vm0 =	vge.f32 v1, $0.0e+00  }
0xd1: {  	v1 =	vsel vm0, v1, v2  }
0xd2: {  	v1 =	vmul.f32 $1.442695020e+00, v1;
	_ =	sdelay $0x1  }
0xd3: {  	(erf) = vpow2.f32 v1;
	_ =	sdelay $0x8  }
0xd4: {  	v2 =	vpop (erf)  }
0xd5: {  	s26 =	simm.s32 $0x1940;
	[tilespmem:s28+$0x1100] =	vst v2  }
0xd6: {  	v10 =	vld [tilespmem:s26+$0x30]  }
0xd7: {  	v9 =	vld [tilespmem:s26+$0xFFFFFFE0]  }
0xd8: {  	v7 =	vld [tilespmem:s26+$0x10]  }
0xd9: {  	v4 =	vbroadcast v2, $0x3;
	v3 =	vld [tilespmem:s26+$0x20]  }
0xda: {  	v1 =	vbroadcast v2, $0x1;
	v5 =	vld [tilespmem:s26+$0xFFFFFFD0]  }
0xdb: {  	s29 =	simm.s32 $0x1940;
	s28 =	simm.s32 $0x40;
	v8 =	vbroadcast v2, $0x2;
	v6 =	vld [tilespmem:s26+$0x0];
	v10 =	vmul.f32 v10, v4  }
.LBB2_5:
0xdc: {  	p0 =	sne.s32 s28, $0x1FC0  }
0xdd: {  	v9 =	vmul.f32 v1, v9;
	v11 =	vld [tilespmem:s26+$0xFFFFFFF0];
	s29 =	sadd.s32 $0x80, s29;
	s30 =	smov.u32 s28;
	s28 =	sadd.s32 $0x40, s28  }
0xde: {  	v2 =	vbroadcast v2, $0x0;
	v12 =	vld [tilespmem:s26+$0xFFFFFFC0];
	v7 =	vmul.f32 v7, v8;
	[tilespmem:s26+$0x30] =	vst v10  }
0xdf: {  	[tilespmem:s26+$0xFFFFFFE0] =	vst v9;
	v3 =	vmul.f32 v3, v4  }
0xe0: {  	v4 =	vmul.f32 v2, v5;
	[tilespmem:s26+$0x10] =	vst v7  }
0xe1: {  	v5 =	vmul.f32 v6, v8;
	[tilespmem:s26+$0x20] =	vst v3  }
0xe2: {  	[tilespmem:s26+$0xFFFFFFD0] =	vst v4;
	v1 =	vmul.f32 v11, v1  }
0xe3: {  	v2 =	vmul.f32 v2, v12;
	[tilespmem:s26+$0x0] =	vst v5  }
0xe4: {  	[tilespmem:s26+$0xFFFFFFF0] =	vst v1  }
0xe5: {  	s30 =	sshra.s32 s30, $0x2;
	[tilespmem:s26+$0xFFFFFFC0] =	vst v2;
	s26 =	smov.u32 s29  }
0xe6: {  	v1 =	vld [tilespmem:s30+$0x100]  }
0xe7: {  	v2 =	vld [tilespmem:s30+$0x900];
	_ =	sdelay $0x4  }
0xe8: {  	v1 =	vadd.f32 v2, v1;
	_ =	sdelay $0x1  }
0xe9: {  	vm0 =	vge.f32 v1, $0.0e+00;
	v2 =	vmul.f32 $2.000000030e-01, v1;
	_ =	sdelay $0x1  }
0xea: {  	v1 =	vsel vm0, v1, v2  }
0xeb: {  	v1 =	vmul.f32 $1.442695020e+00, v1;
	_ =	sdelay $0x1  }
0xec: {  	(erf) = vpow2.f32 v1;
	_ =	sdelay $0x8  }
0xed: {  	v2 =	vpop (erf)  }
0xee: {  	[tilespmem:s30+$0x1100] =	vst v2  }
0xef: {  	v10 =	vld [tilespmem:s29+$0x30]  }
.Ltmp1:
0xf0: {  	v9 =	vld [tilespmem:s29+$0xFFFFFFE0];
	(pc) =	sbr.rel @p0 .LBB2_5-.Ltmp1, $4  }
0xf1: {  	v7 =	vld [tilespmem:s29+$0x10]  }
0xf2: {  	v4 =	vbroadcast v2, $0x3;
	v3 =	vld [tilespmem:s29+$0x20]  }
0xf3: {  	v1 =	vbroadcast v2, $0x1;
	v5 =	vld [tilespmem:s29+$0xFFFFFFD0]  }
0xf4: {  	v8 =	vbroadcast v2, $0x2;
	v6 =	vld [tilespmem:s29+$0x0];
	v10 =	vmul.f32 v10, v4  }
0xf5: {  	v9 =	vmul.f32 v1, v9;
	v11 =	vld [tilespmem:s26+$0xFFFFFFF0]  }
0xf6: {  	v12 =	vld [tilespmem:s26+$0xFFFFFFC0];
	v2 =	vbroadcast v2, $0x0;
	v7 =	vmul.f32 v7, v8;
	[tilespmem:s26+$0x30] =	vst v10  }
0xf7: {  	[tilespmem:s26+$0xFFFFFFE0] =	vst v9;
	v3 =	vmul.f32 v3, v4  }
0xf8: {  	v62 =	vmul.f32 v2, v5;
	[tilespmem:s26+$0x10] =	vst v7  }
0xf9: {  	v63 =	vmul.f32 v6, v8;
	[tilespmem:s26+$0x20] =	vst v3  }
0xfa: {  	[tilespmem:s26+$0xFFFFFFD0] =	vst v62;
	v1 =	vmul.f32 v11, v1  }
0xfb: {  	v2 =	vmul.f32 v2, v12;
	[tilespmem:s26+$0x0] =	vst v63  }
0xfc: {  	[tilespmem:s26+$0xFFFFFFF0] =	vst v1  }
0xfd: {  	[tilespmem:s26+$0xFFFFFFC0] =	vst v2  }
0xfe: {  	[spmem:s2] =	stream.indirect.scatter.add.f32 [tilespmem:s16], [sflag:$0x1], $0x10, s17, s17, $0xb8;
	[tilespmem:$0x1C100] =	vst v63  }
0xff: {  	s25 =	sadd.s32 $0x1, s25;
	_ =	swait.ge [sflag:s15], $0x800  }
0x100: {  	p0 =	sne.s32 s25, $0x51;
	[sflag:s15] =	ssyncset.done $0x0  }
.Ltmp2:
0x101: {  	[sflag:s15] =	ssyncadd.s32 $0xFFFFF800;
	(pc) =	sbr.rel @p0 .LBB2_4-.Ltmp2, $4  }
0x102: {  	[spmem:s1] =	stream.indirect.scatter.add.f32 [tilespmem:s14], [sflag:$0x1], $0x80, s17, s17, $0xb8;
	[tilespmem:$0x1C100] =	vst v63  }
0x103: {  	_ =	swait.ge [sflag:s15], $0x4000  }
0x104: {  	[sflag:s15] =	ssyncset.done $0x0  }
0x105: {  	[sflag:s15] =	ssyncadd.s32 $0xFFFFC000  }
0x106: {  	s24 =	sshll.u32 s4, $0x6  }
0x107: {  	[bflag:$0x0] =	sbarrier.arrive $0xFFFF;
	s24 =	sor.u32 $0x1C01, s24  }
0x108: {  	[hbm:s20], [sflag:s24] =	dma.local [spmem:s21], $0x2800  }
0x109: {  	s3 =	sadd.s32 $0x1, s3;
	_ =	swait.ge [sflag:s15], $0x2800  }
0x10a: {  	p0 =	sne.s32 s3, s11;
	[sflag:s15] =	ssyncset.done $0x0  }
.Ltmp3:
0x10b: {  	[sflag:s15] =	ssyncadd.s32 $0xFFFFD800;
	(pc) =	sbr.rel @p0 .LBB2_1-.Ltmp3, $4  }
0x10c: {  	[hbm:s22], [sflag:s24] =	dma.local [spmem:s23], $0x500  }
0x10d: {  	_ =	swait.ge [sflag:s15], $0x500  }
0x10e: {  	[sflag:s15] =	ssyncset.done $0x0  }
0x10f: {  	[sflag:s15] =	ssyncadd.s32 $0xFFFFFB00  }
0x110: {  	_ =	sfence.sel $0x180000  }
0x111: {  	[bflag:$0x0] =	sbarrier.arrive $0xFFFF  }
0x112: {  	p0 =	sne.s32 s4, $0x0;
	_ =	strace $0x9000004A  }
0x113: {  	s0 =	sadd.s32 @!p0 $0x100000, s0;
	[bflag:$0x2] =	sbarrier.arrive $0xFFFF  }
0x114: {  	[sflag:s0] =	ssyncadd.tile.s32 @!p0 $0x1;
	_ =	shalt  }
.Lfunc_end2:
_tile_overlayer_lowered:
.L_overlay_start_2:
0x115: {  	(tag) =	ssettag $0x2  }
0x116: {  	s0 =	rddreg [dreg:$0x0];
	s2 =	stileid.u32  }
0x117: {  	s1 =	rddreg [dreg:$0x1];
	p0 =	sne.s32 s2, $0x0  }
0x118: {  	s3 =	rddreg [dreg:$0x2];
	[bflag:$0x3] =	sbarrier.arrive $0xFFFF;
	s2 =	simm.s32 @!p0 $0x1C01  }
0x119: {  	[timem:s3], [sflag:s2] =	dma.local @!p0 [hbm:s0], s1  }
0x11a: {  	s0 =	simm.s32 @!p0 $0x1  }
0x11b: {  	_ =	swait.ge @!p0 [sflag:s0], s1  }
0x11c: {  	s1 =	ssub.s32 @!p0 $0x0, s1;
	[sflag:s0] =	ssyncset.done @!p0 $0x0  }
0x11d: {  	[sflag:s0] =	ssyncadd.s32 @!p0 s1  }
0x11e: {  	[bflag:$0x3] =	sbarrier.arrive $0xFFFF  }
0x11f: {  	_ =	shalt  }

// kernel: kernel.7.cloned.1.call-start
scs
__scs_entry_jumppad:
0x0: {  	(pc) =	sbr.rel $0x88, $3  }
0x1: {  	(tag) =	ssettag $0x0;
	lr =	simm.s32 $0x1  }
0x2: {  	[smem:$0x3F94] =	sst lr;
	_ =	strace $0xD0000000  }
0x3: {  	_ = 	snop  }
0x4: {  	_ = 	snop  }
0x5: {  	_ = 	snop  }
0x6: {  	_ = 	snop  }
0x7: {  	_ = 	snop  }
__scs_overlays_trampoline_lowered:
0x8: {  	[smem:$0x3FA3] =	sst s0  }
0x9: {  	[smem:$0x3FA4] =	sst s1  }
0xa: {  	[smem:$0x3FA5] =	sst s2  }
0xb: {  	[smem:$0x3FA6] =	sst s3  }
0xc: {  	[smem:$0x3FA7] =	sst s4  }
0xd: {  	[smem:$0x3FA8] =	sst s5  }
0xe: {  	[smem:$0x3FA9] =	sst s6  }
0xf: {  	[smem:$0x3FAA] =	sst s7  }
0x10: {  	[smem:$0x3FAB] =	sst s8  }
0x11: {  	[smem:$0x3FAC] =	sst s9;
	s0 =	simm.s32 @!p0 $0x0  }
0x12: {  	s1 =	sld [smem:$0x3F92];
	s0 =	simm.s32 @p0 $0x1  }
0x13: {  	[smem:$0x3FAD] =	sst s0;
	s0 =	simm.s32 @!p1 $0x0  }
0x14: {  	s2 =	sld [smem:$0x3F91];
	s0 =	simm.s32 @p1 $0x1  }
0x15: {  	[smem:$0x3FAE] =	sst s0;
	s0 =	simm.s32 @!p2 $0x0  }
0x16: {  	s3 =	sld [smem:$0x3FDB];
	s0 =	simm.s32 @p2 $0x1  }
0x17: {  	s4 =	simm.s32 $0x1BF5;
	[smem:$0x3FB0] =	sst s0  }
0x18: {  	s0 =	sld [smem:$0x3F93];
	_ =	swait.ge [sflag:s4], $0x0  }
0x19: {  	s7 =	sld [smem:$0x3F94]  }
0x1a: {  	s8 =	sadd.s32 $0xFFFFE003, lr  }
0x1b: {  	s9 =	sadd.s32 $0xFFFFFEF7, lr;
	s5 =	simm.s32 $0xFFFFFFFF;
	p2 =	slt.u32 s8, $0xFFFFF086  }
0x1c: {  	p1 =	slt.u32 s9, $0xF7A;
	s5 =	simm.s32 @!p2 $0x0  }
0x1d: {  	s5 =	simm.s32 @p1 $0x1;
	p0 =	seq.s32 s7, s2  }
0x1e: {  	s7 =	smul.u32 @!p0 $0xF7A, s2;
	p2 =	seq.s32 @!p0 s5, $0x0  }
0x1f: {  	s9 =	smul.u32 $0xF7A, s1;
	s8 =	simm.s32 @!p0 $0x1BF5;
	p2 =	por !p2, p0  }
0x20: {  	[sflag:s8] =	ssyncset.s32 @!p0 $0xFFFFF086;
	s6 =	sadd.s32 @!p0 s3, s7;
	s7 =	simm.s32 @!p0 $0x108  }
0x21: {  	s3 =	sadd.s32 s3, s9;
	s6 =	sadd.s32 @!p0 $0x88, s6;
	s7 =	simm.s32 @p2 $0x1082  }
0x22: {  	[simem:s7], [sflag:s8] =	dma.local @!p0 [hbm:s6], $0xF7A  }
0x23: {  	s9 =	sor.u32 $0xD0000000, s2;
	s6 =	simm.s32 $0x108;
	_ =	swait.ge @!p0 [sflag:s8], $0x0  }
0x24: {  	s3 =	sadd.s32 $0x88, s3;
	s6 =	simm.s32 @!p1 $0x1082;
	[sflag:s4] =	ssyncset.s32 $0xFFFFF086  }
0x25: {  	[simem:s6], [sflag:s4] =	dma.local [hbm:s3], $0xF7A  }
0x26: {  	[smem:$0x3F94] =	sst s1;
	(tag) =	ssettag s2;
	_ =	strace s9  }
0x27: {  	s1 =	sld [smem:$0x3FA4]  }
0x28: {  	s2 =	sld [smem:$0x3FA5]  }
0x29: {  	s4 =	sld [smem:$0x3FA7]  }
0x2a: {  	p0 =	seq.s32 s5, $0x0;
	s5 =	sld [smem:$0x3FA8]  }
0x2b: {  	s6 =	sld [smem:$0x3FA9]  }
0x2c: {  	s7 =	sld [smem:$0x3FAA]  }
0x2d: {  	s3 =	simm.s32 $0x108;
	s8 =	sld [smem:$0x3FAB]  }
0x2e: {  	s3 =	simm.s32 @!p0 $0x1082;
	s9 =	sld [smem:$0x3FAC]  }
0x2f: {  	lr =	sadd.s32 s0, s3;
	s0 =	sld [smem:$0x3FA3]  }
0x30: {  	s3 =	sld [smem:$0x3FA6]  }
0x31: {  	[smem:$0x3FAF] =	sst s10  }
0x32: {  	s10 =	sld [smem:$0x3FAD];
	_ =	sdelay $0x3  }
0x33: {  	p0 =	seq.s32 s10, $0x1;
	s10 =	sld [smem:$0x3FAF];
	_ =	sdelay $0x3  }
0x34: {  	[smem:$0x3FAF] =	sst s10  }
0x35: {  	s10 =	sld [smem:$0x3FAE];
	_ =	sdelay $0x3  }
0x36: {  	p1 =	seq.s32 s10, $0x1;
	s10 =	sld [smem:$0x3FAF];
	_ =	sdelay $0x3  }
0x37: {  	[smem:$0x3FAF] =	sst s10  }
0x38: {  	s10 =	sld [smem:$0x3FB0]  }
0x39: {  	_ = 	snop;
	(pc) =	sbr.ind lr, $3  }
0x3a: {  	_ = 	snop  }
0x3b: {  	_ = 	snop  }
0x3c: {  	p2 =	seq.s32 s10, $0x1;
	s10 =	sld [smem:$0x3FAF]  }
0x3d: {  	_ =	shalt  }
0x3e: {  	_ =	shalt  }
0x3f: {  	_ =	shalt  }
0x40: {  	_ =	shalt  }
0x41: {  	_ =	shalt  }
0x42: {  	_ =	shalt  }
0x43: {  	_ =	shalt  }
0x44: {  	_ =	shalt  }
0x45: {  	_ =	shalt  }
0x46: {  	_ =	shalt  }
0x47: {  	_ =	shalt  }
0x48: {  	_ =	shalt  }
0x49: {  	_ =	shalt  }
0x4a: {  	_ =	shalt  }
0x4b: {  	_ =	shalt  }
0x4c: {  	_ =	shalt  }
0x4d: {  	_ =	shalt  }
0x4e: {  	_ =	shalt  }
0x4f: {  	_ =	shalt  }
0x50: {  	_ =	shalt  }
0x51: {  	_ =	shalt  }
0x52: {  	_ =	shalt  }
0x53: {  	_ =	shalt  }
0x54: {  	_ =	shalt  }
0x55: {  	_ =	shalt  }
0x56: {  	_ =	shalt  }
0x57: {  	_ =	shalt  }
0x58: {  	_ =	shalt  }
0x59: {  	_ =	shalt  }
0x5a: {  	_ =	shalt  }
0x5b: {  	_ =	shalt  }
0x5c: {  	_ =	shalt  }
0x5d: {  	_ =	shalt  }
0x5e: {  	_ =	shalt  }
0x5f: {  	_ =	shalt  }
0x60: {  	_ =	shalt  }
0x61: {  	_ =	shalt  }
0x62: {  	_ =	shalt  }
0x63: {  	_ =	shalt  }
0x64: {  	_ =	shalt  }
0x65: {  	_ =	shalt  }
0x66: {  	_ =	shalt  }
0x67: {  	_ =	shalt  }
0x68: {  	_ =	shalt  }
0x69: {  	_ =	shalt  }
0x6a: {  	_ =	shalt  }
0x6b: {  	_ =	shalt  }
0x6c: {  	_ =	shalt  }
0x6d: {  	_ =	shalt  }
0x6e: {  	_ =	shalt  }
0x6f: {  	_ =	shalt  }
0x70: {  	_ =	shalt  }
0x71: {  	_ =	shalt  }
0x72: {  	_ =	shalt  }
0x73: {  	_ =	shalt  }
0x74: {  	_ =	shalt  }
0x75: {  	_ =	shalt  }
0x76: {  	_ =	shalt  }
0x77: {  	_ =	shalt  }
0x78: {  	_ =	shalt  }
0x79: {  	_ =	shalt  }
0x7a: {  	_ =	shalt  }
0x7b: {  	_ =	shalt  }
0x7c: {  	_ =	shalt  }
0x7d: {  	_ =	shalt  }
0x7e: {  	_ =	shalt  }
0x7f: {  	_ =	shalt  }
0x80: {  	_ =	shalt  }
0x81: {  	_ =	shalt  }
0x82: {  	_ =	shalt  }
0x83: {  	_ =	shalt  }
0x84: {  	_ =	shalt  }
0x85: {  	_ =	shalt  }
0x86: {  	_ =	shalt  }
0x87: {  	_ =	shalt  }
.Lfunc_end0:
.L_simem_size_0:
called_computation_lowered:
.L_overlay_start_0:
0x88: {  	s2 =	sld [smem:$0x3FD9]  }
0x89: {  	s3 =	sld [smem:$0x3FFE];
	_ =	sdelay $0x1  }
0x8a: {  	s1 =	srdreg.scid  }
0x8b: {  	s0 =	sand.u32 $0x1, s1  }
0x8c: {  	s16 =	sshll.u32 s0, $0xA;
	s2 =	sadd.s32 s3, s2  }
0x8d: {  	s2 =	sadd.s32 s2, s16  }
0x8e: {  	[smem:$0x3FBB] =	sst s2  }
0x8f: {  	_ = 	snop  }
0x90: {  	(tm) =	ssettm $0x1  }
0x91: {  	s17 =	sld [smem:$0x3FFB];
	_ =	sdelay $0x3  }
0x92: {  	_ =	strace s17  }
0x93: {  	s2 =	sld [smem:$0x3FFC];
	_ =	sdelay $0x3  }
0x94: {  	_ =	strace s2  }
0x95: {  	s2 =	sld [smem:$0x3FFD];
	_ =	sdelay $0x3  }
0x96: {  	_ =	strace s2  }
0x97: {  	_ =	strace $0x8FFFFFFF  }
0x98: {  	s18 =	sld [smem:$0x3FDB];
	_ =	sdelay $0x1  }
0x99: {  	s19 =	simm.s32 $_scs_section_size  }
0x9a: {  	s4 =	simm.s32 $_size__tile_overlayer_lowered;
	s5 =	simm.s32 $_tile_overlayer_lowered  }
0x9b: {  	s22 =	simm.s32 $0x1BFF;
	s21 =	sshll.u32 s5, $0x1;
	s2 =	sadd.s32 s19, s18  }
0x9c: {  	s6 =	simm.s32 $0x0;
	s20 =	sshll.u32 s4, $0x1;
	s4 =	sadd.s32 s21, s2  }
0x9d: {  	[timem:s6], [sflag:s22] =	dma.local [hbm:s4], s20  }
0x9e: {  	_ =	swait.ge [sflag:s22], s20  }
0x9f: {  	s3 =	ssub.s32 $0x0, s20;
	[sflag:s22] =	ssyncset.done $0x0  }
0xa0: {  	[sflag:s22] =	ssyncadd.s32 s3;
	_ =	sdelay $0x1  }
0xa1: {  	s23 =	simm.s32 $0x1B8B  }
0xa2: {  	_ =	swait.ge [sflag:s23], $0x1  }
0xa3: {  	[sflag:s23] =	ssyncset.done $0x0  }
0xa4: {  	s25 =	simm.s32 $0x1B8E;
	s24 =	sld [smem:$0x3FFE];
	[sflag:s23] =	ssyncadd.s32 $0xFFFFFFFF  }
0xa5: {  	s26 =	simm.s32 $execute0_lowered;
	[smem:$0x3FD2] =	sst s25  }
0xa6: {  	s4 =	sshll.u32 s26, $0x1;
	_ =	strace $0x80000046;
	[dreg:$0x1] =	wrdreg $0xFFFFFFFF  }
0xa7: {  	s28 =	simm.s32 $_size_execute0_lowered;
	s2 =	sadd.s32 s2, s4;
	[dreg:$0x0] =	wrdreg $0x0  }
0xa8: {  	s4 =	sshll.u32 s28, $0x1;
	[dreg:$0x2] =	wrdreg s2  }
0xa9: {  	[dreg:$0x3] =	wrdreg s4  }
0xaa: {  	[dreg:$0x4] =	wrdreg $0xC0  }
0xab: {  	_ =	task [dreg:s6], $0x5FFFF  }
0xac: {  	[dreg:$0x1] =	wrdreg $0xFFFFFFFF  }
0xad: {  	[dreg:$0x0] =	wrdreg $0x60  }
0xae: {  	[dreg:$0x2] =	wrdreg s24  }
0xaf: {  	[dreg:$0x3] =	wrdreg $0x59000  }
0xb0: {  	[dreg:$0x4] =	wrdreg $0x199000  }
0xb1: {  	[dreg:$0x5] =	wrdreg $0x9  }
0xb2: {  	_ =	task.clear_ibuf [dreg:s6], $0x6FFFF;
	_ =	strace $0x90000046  }
0xb3: {  	s29 =	simm.s32 $0x9;
	_ =	strace $0x80000048  }
0xb4: {  	_ =	swait.ge [sflag:s29], $0x1  }
0xb5: {  	[sflag:s29] =	ssyncadd.s32 $0xFFFFFFFF  }
0xb6: {  	_ =	strace $0x90000048  }
0xb7: {  	_ =	sfence  }
0xb8: {  	s30 =	sld [smem:$0x0];
	_ =	sdelay $0x2  }
0xb9: {  	s31 =	sshll.u32 s1, $0xD;
	s1 =	sshrl.u32 s1, $0x2  }
0xba: {  	s3 =	sand.u32 $0x4000, s31;
	s1 =	sadd.s32 s1, s30  }
0xbb: {  	s0 =	sor.u32 s3, s0;
	s1 =	sshll.u32 s1, $0x11  }
0xbc: {  	s0 =	sor.u32 s1, s0  }
0xbd: {  	s0 =	sadd.s32 $0x8F2B, s0  }
0xbe: {  	[sflag:s0] =	ssyncadd.remote.s32 $0x1  }
0xbf: {  	_ =	sfence.sel $0xFFFF  }
0xc0: {  	[dreg:$0x0] =	wrdreg $0xFFFFFFFF;
	(pc) =	sbr.abs _section_cstart, $3  }
0xc1: {  	[dreg:$0x1] =	wrdreg $0xFFFFFFFF  }
0xc2: {  	_ =	task.clear_ibuf [dreg:s6], $0x2FFFF;
	_ =	strace $0x9FFFFFFF  }
0xc3: {  	(tm) =	ssettm $0x7FFFFFFF  }
tec
execute0_lowered:
.L_overlay_start_1:
0x0: {  	(tag) =	ssettag $0x1  }
0x1: {  	s11 =	rddreg [dreg:$0x0]  }
0x2: {  	s1 =	rddreg [dreg:$0x1]  }
0x3: {  	s2 =	rddreg [dreg:$0x2]  }
0x4: {  	s0 =	rddreg [dreg:$0x3];
	s4 =	srdreg.scid  }
0x5: {  	s3 =	simm.s32 $0x0;
	s17 =	simm.s32 $0x80;
	s12 =	sand.u32 $0x1, s4  }
0x6: {  	s18 =	simm.s32 $0x100;
	[smem:$0x7FF] =	sst s3;
	s13 =	smul.u32 $0x28000, s12  }
0x7: {  	s19 =	simm.s32 $0x900;
	s4 =	stileid.u32;
	s14 =	smul.u32 $0x5000, s12  }
0x8: {  	s5 =	sadd.s32 $0x14C00, s11;
	s6 =	sadd.s32 $0xAA00, s11;
	s15 =	smul.u32 $0x14000, s4  }
0x9: {  	s7 =	sadd.s32 $0x5A00, s11;
	s9 =	sadd.s32 $0x79A00, s11;
	s16 =	smul.u32 $0x2800, s4  }
0xa: {  	_ =	strace $0x80000047;
	s8 =	sshll.u32 s4, $0x1;
	s28 =	smul.u32 $0xA000, s4  }
0xb: {  	s29 =	smul.u32 $0x50000, s4;
	s10 =	sor.u32 s12, s8;
	s8 =	sadd.s32 $0xA00, s11  }
0xc: {  	s12 =	ssub.s32 $0x2, s12;
	s10 =	smul.u32 $0x51, s10;
	s13 =	sadd.s32 s13, s11  }
0xd: {  	s11 =	sadd.s32 s14, s11;
	s26 =	sshrl.u32 s12, $0x1;
	s21 =	sshrl.u32 s15, $0x3  }
0xe: {  	s22 =	sadd.s32 s15, s1;
	s24 =	sshrl.u32 s16, $0x3;
	s25 =	sadd.s32 s16, s2  }
0xf: {  	s30 =	sshrl.u32 s28, $0x2;
	s31 =	sshrl.u32 s29, $0x2;
	s14 =	simm.s32 $0x1900  }
0x10: {  	s15 =	simm.s32 $0x1;
	s16 =	simm.s32 $0x1100;
	s12 =	ssub.s32 s12, s26  }
0x11: {  	s20 =	sadd.s32 $0x28E00, s13;
	s23 =	sadd.s32 $0x1EE00, s11;
	s13 =	sadd.s32 s31, s1  }
0x12: {  	s11 =	smax.u32 s12, $0x1;
	s12 =	sadd.s32 s30, s2;
	s20 =	sadd.s32 s21, s20  }
0x13: {  	v0 =	vimm.f32 $0.0e+00;
	s21 =	sshrl.u32 s22, $0x3;
	s22 =	sadd.s32 s24, s23;
	s23 =	sshrl.u32 s25, $0x3  }
.LBB2_1:
0x14: {  	[tilespmem:$0x1100] =	vst v0  }
0x15: {  	[tilespmem:$0x1900] =	vst v0  }
0x16: {  	[tilespmem:$0x1910] =	vst v0  }
0x17: {  	[tilespmem:$0x1920] =	vst v0  }
0x18: {  	[tilespmem:$0x1930] =	vst v0  }
0x19: {  	[tilespmem:$0x1940] =	vst v0  }
0x1a: {  	[tilespmem:$0x1950] =	vst v0  }
0x1b: {  	[tilespmem:$0x1960] =	vst v0  }
0x1c: {  	[tilespmem:$0x1970] =	vst v0  }
0x1d: {  	[tilespmem:$0x1110] =	vst v0  }
0x1e: {  	[tilespmem:$0x1980] =	vst v0  }
0x1f: {  	[tilespmem:$0x1990] =	vst v0  }
0x20: {  	[tilespmem:$0x19A0] =	vst v0  }
0x21: {  	[tilespmem:$0x19B0] =	vst v0  }
0x22: {  	[tilespmem:$0x19C0] =	vst v0  }
0x23: {  	[tilespmem:$0x19D0] =	vst v0  }
0x24: {  	[tilespmem:$0x19E0] =	vst v0  }
0x25: {  	[tilespmem:$0x19F0] =	vst v0  }
0x26: {  	[tilespmem:$0x1120] =	vst v0  }
0x27: {  	[tilespmem:$0x1A00] =	vst v0  }
0x28: {  	[tilespmem:$0x1A10] =	vst v0  }
0x29: {  	[tilespmem:$0x1A20] =	vst v0  }
0x2a: {  	[tilespmem:$0x1A30] =	vst v0  }
0x2b: {  	[tilespmem:$0x1A40] =	vst v0  }
0x2c: {  	[tilespmem:$0x1A50] =	vst v0  }
0x2d: {  	[tilespmem:$0x1A60] =	vst v0  }
0x2e: {  	[tilespmem:$0x1A70] =	vst v0  }
0x2f: {  	[tilespmem:$0x1130] =	vst v0  }
0x30: {  	[tilespmem:$0x1A80] =	vst v0  }
0x31: {  	[tilespmem:$0x1A90] =	vst v0  }
0x32: {  	[tilespmem:$0x1AA0] =	vst v0  }
0x33: {  	[tilespmem:$0x1AB0] =	vst v0  }
0x34: {  	[tilespmem:$0x1AC0] =	vst v0  }
0x35: {  	[tilespmem:$0x1AD0] =	vst v0  }
0x36: {  	[tilespmem:$0x1AE0] =	vst v0  }
0x37: {  	[tilespmem:$0x1AF0] =	vst v0  }
0x38: {  	[tilespmem:$0x1140] =	vst v0  }
0x39: {  	[tilespmem:$0x1B00] =	vst v0  }
0x3a: {  	[tilespmem:$0x1B10] =	vst v0  }
0x3b: {  	[tilespmem:$0x1B20] =	vst v0  }
0x3c: {  	[tilespmem:$0x1B30] =	vst v0  }
0x3d: {  	[tilespmem:$0x1B40] =	vst v0  }
0x3e: {  	[tilespmem:$0x1B50] =	vst v0  }
0x3f: {  	[tilespmem:$0x1B60] =	vst v0  }
0x40: {  	[tilespmem:$0x1B70] =	vst v0  }
0x41: {  	[tilespmem:$0x1150] =	vst v0  }
0x42: {  	[tilespmem:$0x1B80] =	vst v0  }
0x43: {  	[tilespmem:$0x1B90] =	vst v0  }
0x44: {  	[tilespmem:$0x1BA0] =	vst v0  }
0x45: {  	[tilespmem:$0x1BB0] =	vst v0  }
0x46: {  	[tilespmem:$0x1BC0] =	vst v0  }
0x47: {  	[tilespmem:$0x1BD0] =	vst v0  }
0x48: {  	[tilespmem:$0x1BE0] =	vst v0  }
0x49: {  	[tilespmem:$0x1BF0] =	vst v0  }
0x4a: {  	[tilespmem:$0x1160] =	vst v0  }
0x4b: {  	[tilespmem:$0x1C00] =	vst v0  }
0x4c: {  	[tilespmem:$0x1C10] =	vst v0  }
0x4d: {  	[tilespmem:$0x1C20] =	vst v0  }
0x4e: {  	[tilespmem:$0x1C30] =	vst v0  }
0x4f: {  	[tilespmem:$0x1C40] =	vst v0  }
0x50: {  	[tilespmem:$0x1C50] =	vst v0  }
0x51: {  	[tilespmem:$0x1C60] =	vst v0  }
0x52: {  	[tilespmem:$0x1C70] =	vst v0  }
0x53: {  	[tilespmem:$0x1170] =	vst v0  }
0x54: {  	[tilespmem:$0x1C80] =	vst v0  }
0x55: {  	[tilespmem:$0x1C90] =	vst v0  }
0x56: {  	[tilespmem:$0x1CA0] =	vst v0  }
0x57: {  	[tilespmem:$0x1CB0] =	vst v0  }
0x58: {  	[tilespmem:$0x1CC0] =	vst v0  }
0x59: {  	[tilespmem:$0x1CD0] =	vst v0  }
0x5a: {  	[tilespmem:$0x1CE0] =	vst v0  }
0x5b: {  	[tilespmem:$0x1CF0] =	vst v0  }
0x5c: {  	[tilespmem:$0x1180] =	vst v0  }
0x5d: {  	[tilespmem:$0x1D00] =	vst v0  }
0x5e: {  	[tilespmem:$0x1D10] =	vst v0  }
0x5f: {  	[tilespmem:$0x1D20] =	vst v0  }
0x60: {  	[tilespmem:$0x1D30] =	vst v0  }
0x61: {  	[tilespmem:$0x1D40] =	vst v0  }
0x62: {  	[tilespmem:$0x1D50] =	vst v0  }
0x63: {  	[tilespmem:$0x1D60] =	vst v0  }
0x64: {  	[tilespmem:$0x1D70] =	vst v0  }
0x65: {  	[tilespmem:$0x1190] =	vst v0  }
0x66: {  	[tilespmem:$0x1D80] =	vst v0  }
0x67: {  	[tilespmem:$0x1D90] =	vst v0  }
0x68: {  	[tilespmem:$0x1DA0] =	vst v0  }
0x69: {  	[tilespmem:$0x1DB0] =	vst v0  }
0x6a: {  	[tilespmem:$0x1DC0] =	vst v0  }
0x6b: {  	[tilespmem:$0x1DD0] =	vst v0  }
0x6c: {  	[tilespmem:$0x1DE0] =	vst v0  }
0x6d: {  	[tilespmem:$0x1DF0] =	vst v0  }
0x6e: {  	[tilespmem:$0x11A0] =	vst v0  }
0x6f: {  	[tilespmem:$0x1E00] =	vst v0  }
0x70: {  	[tilespmem:$0x1E10] =	vst v0  }
0x71: {  	[tilespmem:$0x1E20] =	vst v0  }
0x72: {  	[tilespmem:$0x1E30] =	vst v0  }
0x73: {  	[tilespmem:$0x1E40] =	vst v0  }
0x74: {  	[tilespmem:$0x1E50] =	vst v0  }
0x75: {  	[tilespmem:$0x1E60] =	vst v0  }
0x76: {  	[tilespmem:$0x1E70] =	vst v0  }
0x77: {  	[tilespmem:$0x11B0] =	vst v0  }
0x78: {  	[tilespmem:$0x1E80] =	vst v0  }
0x79: {  	[tilespmem:$0x1E90] =	vst v0  }
0x7a: {  	[tilespmem:$0x1EA0] =	vst v0  }
0x7b: {  	[tilespmem:$0x1EB0] =	vst v0  }
0x7c: {  	[tilespmem:$0x1EC0] =	vst v0  }
0x7d: {  	[tilespmem:$0x1ED0] =	vst v0  }
0x7e: {  	[tilespmem:$0x1EE0] =	vst v0  }
0x7f: {  	[tilespmem:$0x1EF0] =	vst v0  }
0x80: {  	[tilespmem:$0x11C0] =	vst v0  }
0x81: {  	[tilespmem:$0x1F00] =	vst v0  }
0x82: {  	[tilespmem:$0x1F10] =	vst v0  }
0x83: {  	[tilespmem:$0x1F20] =	vst v0  }
0x84: {  	[tilespmem:$0x1F30] =	vst v0  }
0x85: {  	[tilespmem:$0x1F40] =	vst v0  }
0x86: {  	[tilespmem:$0x1F50] =	vst v0  }
0x87: {  	[tilespmem:$0x1F60] =	vst v0  }
0x88: {  	[tilespmem:$0x1F70] =	vst v0  }
0x89: {  	[tilespmem:$0x11D0] =	vst v0  }
0x8a: {  	[tilespmem:$0x1F80] =	vst v0  }
0x8b: {  	[tilespmem:$0x1F90] =	vst v0  }
0x8c: {  	[tilespmem:$0x1FA0] =	vst v0  }
0x8d: {  	[tilespmem:$0x1FB0] =	vst v0  }
0x8e: {  	[tilespmem:$0x1FC0] =	vst v0  }
0x8f: {  	[tilespmem:$0x1FD0] =	vst v0  }
0x90: {  	[tilespmem:$0x1FE0] =	vst v0  }
0x91: {  	[tilespmem:$0x1FF0] =	vst v0  }
0x92: {  	[tilespmem:$0x11E0] =	vst v0  }
0x93: {  	[tilespmem:$0x2000] =	vst v0  }
0x94: {  	[tilespmem:$0x2010] =	vst v0  }
0x95: {  	[tilespmem:$0x2020] =	vst v0  }
0x96: {  	[tilespmem:$0x2030] =	vst v0  }
0x97: {  	[tilespmem:$0x2040] =	vst v0  }
0x98: {  	[tilespmem:$0x2050] =	vst v0  }
0x99: {  	[tilespmem:$0x2060] =	vst v0  }
0x9a: {  	[tilespmem:$0x2070] =	vst v0  }
0x9b: {  	[tilespmem:$0x11F0] =	vst v0  }
0x9c: {  	[tilespmem:$0x2080] =	vst v0  }
0x9d: {  	[tilespmem:$0x2090] =	vst v0  }
0x9e: {  	[tilespmem:$0x20A0] =	vst v0  }
0x9f: {  	[tilespmem:$0x20B0] =	vst v0  }
0xa0: {  	[tilespmem:$0x20C0] =	vst v0  }
0xa1: {  	[tilespmem:$0x20D0] =	vst v0  }
0xa2: {  	[tilespmem:$0x20E0] =	vst v0  }
0xa3: {  	[tilespmem:$0x20F0] =	vst v0  }
0xa4: {  	[spmem:s13] =	stream.linear.scatter [tilespmem:s14], [sflag:$0x1], $0x800, $0x38;
	[tilespmem:$0x1C100] =	vst v63  }
0xa5: {  	_ =	swait.ge [sflag:s15], $0x800  }
0xa6: {  	[sflag:s15] =	ssyncset.done $0x0  }
0xa7: {  	s24 =	sadd.s32 $0x0, s12;
	[sflag:s15] =	ssyncadd.s32 $0xFFFFF800  }
0xa8: {  	[spmem:s24] =	stream.linear.scatter [tilespmem:s16], [sflag:$0x1], $0x100, $0x38;
	[tilespmem:$0x1C100] =	vst v63  }
0xa9: {  	_ =	swait.ge [sflag:s15], $0x100  }
0xaa: {  	s25 =	smov.u32 s13;
	s24 =	simm.s32 $0x400;
	[sflag:s15] =	ssyncset.done $0x0  }
.LBB2_2:
0xab: {  	p0 =	sne.s32 s24, $0x9C00;
	[sflag:s15] =	ssyncadd.s32 $0xFFFFFF00;
	s25 =	sadd.s32 $0x800, s25  }
0xac: {  	[spmem:s25] =	stream.linear.scatter [tilespmem:s14], [sflag:$0x1], $0x800, $0x38;
	[tilespmem:$0x1C100] =	vst v63  }
0xad: {  	s26 =	smov.u32 s24;
	s24 =	sadd.s32 $0x400, s24;
	_ =	swait.ge [sflag:s15], $0x800  }
.Ltmp0:
0xae: {  	s26 =	sshra.s32 s26, $0x2;
	[sflag:s15] =	ssyncset.done $0x0;
	(pc) =	sbr.rel @p0 .LBB2_2-.Ltmp0, $4  }
0xaf: {  	s26 =	sadd.s32 s26, s12;
	[sflag:s15] =	ssyncadd.s32 $0xFFFFF800  }
0xb0: {  	[spmem:s26] =	stream.linear.scatter [tilespmem:s16], [sflag:$0x1], $0x100, $0x38;
	[tilespmem:$0x1C100] =	vst v63  }
0xb1: {  	_ =	swait.ge [sflag:s15], $0x100  }
0xb2: {  	[sflag:s15] =	ssyncset.done $0x0  }
0xb3: {  	[sflag:s15] =	ssyncadd.s32 $0xFFFFFF00  }
0xb4: {  	s24 =	simm.s32 $0x0;
	s25 =	simm.s32 $0x0;
	[bflag:$0x0] =	sbarrier.arrive $0xFFFF  }
.LBB2_4:
0xb5: {  	s26 =	sadd.s32 s10, s25  }
0xb6: {  	s26 =	sshll.u32 s26, $0x4  }
0xb7: {  	s28 =	sadd.s32 s5, s26  }
0xb8: {  	[tilespmem:s24], [sflag:$0x1] =	stream.linear.gather [hbm4b:s28+s24], $0x80, $0x38;
	[tilespmem:$0x1C100] =	vst v63  }
0xb9: {  	_ =	swait.ge [sflag:s15], $0x80  }
0xba: {  	[sflag:s15] =	ssyncset.done $0x0  }
0xbb: {  	s26 =	sadd.s32 s6, s26;
	[sflag:s15] =	ssyncadd.s32 $0xFFFFFF80  }
0xbc: {  	[tilespmem:s17], [sflag:$0x1] =	stream.linear.gather [hbm4b:s26+s24], $0x80, $0x38;
	[tilespmem:$0x1C100] =	vst v63  }
0xbd: {  	_ =	swait.ge [sflag:s15], $0x80  }
0xbe: {  	[sflag:s15] =	ssyncset.done $0x0  }
0xbf: {  	[sflag:s15] =	ssyncadd.s32 $0xFFFFFF80  }
0xc0: {  	[tilespmem:s18], [sflag:$0x1] =	stream.indirect.gather [hbm4b:s7+s17], $0x10, s24, s17, $0xb8;
	[tilespmem:$0x1C100] =	vst v63  }
0xc1: {  	_ =	swait.ge [sflag:s15], $0x800  }
0xc2: {  	[sflag:s15] =	ssyncset.done $0x0  }
0xc3: {  	[sflag:s15] =	ssyncadd.s32 $0xFFFFF800  }
0xc4: {  	[tilespmem:s19], [sflag:$0x1] =	stream.indirect.gather [hbm4b:s8+s17], $0x10, s17, s17, $0xb8;
	[tilespmem:$0x1C100] =	vst v63  }
0xc5: {  	_ =	swait.ge [sflag:s15], $0x800  }
0xc6: {  	[sflag:s15] =	ssyncset.done $0x0  }
0xc7: {  	[sflag:s15] =	ssyncadd.s32 $0xFFFFF800  }
0xc8: {  	[tilespmem:s14], [sflag:$0x1] =	stream.indirect.gather [hbm4b:s9+s17], $0x80, s24, s17, $0xb8;
	[tilespmem:$0x1C100] =	vst v63  }
0xc9: {  	_ =	swait.ge [sflag:s15], $0x4000  }
0xca: {  	[sflag:s15] =	ssyncset.done $0x0  }
0xcb: {  	s28 =	simm.s32 $0x0;
	[sflag:s15] =	ssyncadd.s32 $0xFFFFC000  }
0xcc: {  	v1 =	vld [tilespmem:s28+$0x100]  }
0xcd: {  	v2 =	vld [tilespmem:s28+$0x900];
	_ =	sdelay $0x4  }
0xce: {  	v1 =	vadd.f32 v2, v1;
	_ =	sdelay $0x1  }
0xcf: {  	v2 =	vmul.f32 $2.000000030e-01, v1  }
0xd0: {  	vm0 =	vge.f32 v1, $0.0e+00  }
0xd1: {  	v1 =	vsel vm0, v1, v2  }
0xd2: {  	v1 =	vmul.f32 $1.442695020e+00, v1;
	_ =	sdelay $0x1  }
0xd3: {  	(erf) = vpow2.f32 v1;
	_ =	sdelay $0x8  }
0xd4: {  	v2 =	vpop (erf)  }
0xd5: {  	s26 =	simm.s32 $0x1940;
	[tilespmem:s28+$0x1100] =	vst v2  }
0xd6: {  	v10 =	vld [tilespmem:s26+$0x30]  }
0xd7: {  	v9 =	vld [tilespmem:s26+$0xFFFFFFE0]  }
0xd8: {  	v7 =	vld [tilespmem:s26+$0x10]  }
0xd9: {  	v4 =	vbroadcast v2, $0x3;
	v3 =	vld [tilespmem:s26+$0x20]  }
0xda: {  	v1 =	vbroadcast v2, $0x1;
	v5 =	vld [tilespmem:s26+$0xFFFFFFD0]  }
0xdb: {  	s29 =	simm.s32 $0x1940;
	s28 =	simm.s32 $0x40;
	v8 =	vbroadcast v2, $0x2;
	v6 =	vld [tilespmem:s26+$0x0];
	v10 =	vmul.f32 v10, v4  }
.LBB2_5:
0xdc: {  	p0 =	sne.s32 s28, $0x1FC0  }
0xdd: {  	v9 =	vmul.f32 v1, v9;
	v11 =	vld [tilespmem:s26+$0xFFFFFFF0];
	s29 =	sadd.s32 $0x80, s29;
	s30 =	smov.u32 s28;
	s28 =	sadd.s32 $0x40, s28  }
0xde: {  	v2 =	vbroadcast v2, $0x0;
	v12 =	vld [tilespmem:s26+$0xFFFFFFC0];
	v7 =	vmul.f32 v7, v8;
	[tilespmem:s26+$0x30] =	vst v10  }
0xdf: {  	[tilespmem:s26+$0xFFFFFFE0] =	vst v9;
	v3 =	vmul.f32 v3, v4  }
0xe0: {  	v4 =	vmul.f32 v2, v5;
	[tilespmem:s26+$0x10] =	vst v7  }
0xe1: {  	v5 =	vmul.f32 v6, v8;
	[tilespmem:s26+$0x20] =	vst v3  }
0xe2: {  	[tilespmem:s26+$0xFFFFFFD0] =	vst v4;
	v1 =	vmul.f32 v11, v1  }
0xe3: {  	v2 =	vmul.f32 v2, v12;
	[tilespmem:s26+$0x0] =	vst v5  }
0xe4: {  	[tilespmem:s26+$0xFFFFFFF0] =	vst v1  }
0xe5: {  	s30 =	sshra.s32 s30, $0x2;
	[tilespmem:s26+$0xFFFFFFC0] =	vst v2;
	s26 =	smov.u32 s29  }
0xe6: {  	v1 =	vld [tilespmem:s30+$0x100]  }
0xe7: {  	v2 =	vld [tilespmem:s30+$0x900];
	_ =	sdelay $0x4  }
0xe8: {  	v1 =	vadd.f32 v2, v1;
	_ =	sdelay $0x1  }
0xe9: {  	vm0 =	vge.f32 v1, $0.0e+00;
	v2 =	vmul.f32 $2.000000030e-01, v1;
	_ =	sdelay $0x1  }
0xea: {  	v1 =	vsel vm0, v1, v2  }
0xeb: {  	v1 =	vmul.f32 $1.442695020e+00, v1;
	_ =	sdelay $0x1  }
0xec: {  	(erf) = vpow2.f32 v1;
	_ =	sdelay $0x8  }
0xed: {  	v2 =	vpop (erf)  }
0xee: {  	[tilespmem:s30+$0x1100] =	vst v2  }
0xef: {  	v10 =	vld [tilespmem:s29+$0x30]  }
.Ltmp1:
0xf0: {  	v9 =	vld [tilespmem:s29+$0xFFFFFFE0];
	(pc) =	sbr.rel @p0 .LBB2_5-.Ltmp1, $4  }
0xf1: {  	v7 =	vld [tilespmem:s29+$0x10]  }
0xf2: {  	v4 =	vbroadcast v2, $0x3;
	v3 =	vld [tilespmem:s29+$0x20]  }
0xf3: {  	v1 =	vbroadcast v2, $0x1;
	v5 =	vld [tilespmem:s29+$0xFFFFFFD0]  }
0xf4: {  	v8 =	vbroadcast v2, $0x2;
	v6 =	vld [tilespmem:s29+$0x0];
	v10 =	vmul.f32 v10, v4  }
0xf5: {  	v9 =	vmul.f32 v1, v9;
	v11 =	vld [tilespmem:s26+$0xFFFFFFF0]  }
0xf6: {  	v12 =	vld [tilespmem:s26+$0xFFFFFFC0];
	v2 =	vbroadcast v2, $0x0;
	v7 =	vmul.f32 v7, v8;
	[tilespmem:s26+$0x30] =	vst v10  }
0xf7: {  	[tilespmem:s26+$0xFFFFFFE0] =	vst v9;
	v3 =	vmul.f32 v3, v4  }
0xf8: {  	v62 =	vmul.f32 v2, v5;
	[tilespmem:s26+$0x10] =	vst v7  }
0xf9: {  	v63 =	vmul.f32 v6, v8;
	[tilespmem:s26+$0x20] =	vst v3  }
0xfa: {  	[tilespmem:s26+$0xFFFFFFD0] =	vst v62;
	v1 =	vmul.f32 v11, v1  }
0xfb: {  	v2 =	vmul.f32 v2, v12;
	[tilespmem:s26+$0x0] =	vst v63  }
0xfc: {  	[tilespmem:s26+$0xFFFFFFF0] =	vst v1  }
0xfd: {  	[tilespmem:s26+$0xFFFFFFC0] =	vst v2  }
0xfe: {  	[spmem:s2] =	stream.indirect.scatter.add.f32 [tilespmem:s16], [sflag:$0x1], $0x10, s17, s17, $0xb8;
	[tilespmem:$0x1C100] =	vst v63  }
0xff: {  	s25 =	sadd.s32 $0x1, s25;
	_ =	swait.ge [sflag:s15], $0x800  }
0x100: {  	p0 =	sne.s32 s25, $0x51;
	[sflag:s15] =	ssyncset.done $0x0  }
.Ltmp2:
0x101: {  	[sflag:s15] =	ssyncadd.s32 $0xFFFFF800;
	(pc) =	sbr.rel @p0 .LBB2_4-.Ltmp2, $4  }
0x102: {  	[spmem:s1] =	stream.indirect.scatter.add.f32 [tilespmem:s14], [sflag:$0x1], $0x80, s17, s17, $0xb8;
	[tilespmem:$0x1C100] =	vst v63  }
0x103: {  	_ =	swait.ge [sflag:s15], $0x4000  }
0x104: {  	[sflag:s15] =	ssyncset.done $0x0  }
0x105: {  	[sflag:s15] =	ssyncadd.s32 $0xFFFFC000  }
0x106: {  	s24 =	sshll.u32 s4, $0x6  }
0x107: {  	[bflag:$0x0] =	sbarrier.arrive $0xFFFF;
	s24 =	sor.u32 $0x1C01, s24  }
0x108: {  	[hbm:s20], [sflag:s24] =	dma.local [spmem:s21], $0x2800  }
0x109: {  	s3 =	sadd.s32 $0x1, s3;
	_ =	swait.ge [sflag:s15], $0x2800  }
0x10a: {  	p0 =	sne.s32 s3, s11;
	[sflag:s15] =	ssyncset.done $0x0  }
.Ltmp3:
0x10b: {  	[sflag:s15] =	ssyncadd.s32 $0xFFFFD800;
	(pc) =	sbr.rel @p0 .LBB2_1-.Ltmp3, $4  }
0x10c: {  	[hbm:s22], [sflag:s24] =	dma.local [spmem:s23], $0x500  }
0x10d: {  	_ =	swait.ge [sflag:s15], $0x500  }
0x10e: {  	[sflag:s15] =	ssyncset.done $0x0  }
0x10f: {  	[sflag:s15] =	ssyncadd.s32 $0xFFFFFB00  }
0x110: {  	_ =	sfence.sel $0x180000  }
0x111: {  	[bflag:$0x0] =	sbarrier.arrive $0xFFFF  }
0x112: {  	p0 =	sne.s32 s4, $0x0;
	_ =	strace $0x90000047  }
0x113: {  	s0 =	sadd.s32 @!p0 $0x100000, s0;
	[bflag:$0x2] =	sbarrier.arrive $0xFFFF  }
0x114: {  	[sflag:s0] =	ssyncadd.tile.s32 @!p0 $0x1;
	_ =	shalt  }
.Lfunc_end2:
_tile_overlayer_lowered:
.L_overlay_start_2:
0x115: {  	(tag) =	ssettag $0x2  }
0x116: {  	s0 =	rddreg [dreg:$0x0];
	s2 =	stileid.u32  }
0x117: {  	s1 =	rddreg [dreg:$0x1];
	p0 =	sne.s32 s2, $0x0  }
0x118: {  	s3 =	rddreg [dreg:$0x2];
	[bflag:$0x3] =	sbarrier.arrive $0xFFFF;
	s2 =	simm.s32 @!p0 $0x1C01  }
0x119: {  	[timem:s3], [sflag:s2] =	dma.local @!p0 [hbm:s0], s1  }
0x11a: {  	s0 =	simm.s32 @!p0 $0x1  }
0x11b: {  	_ =	swait.ge @!p0 [sflag:s0], s1  }
0x11c: {  	s1 =	ssub.s32 @!p0 $0x0, s1;
	[sflag:s0] =	ssyncset.done @!p0 $0x0  }
0x11d: {  	[sflag:s0] =	ssyncadd.s32 @!p0 s1  }
0x11e: {  	[bflag:$0x3] =	sbarrier.arrive $0xFFFF  }
0x11f: {  	_ =	shalt  }

</sc_bundles>
